<compile_context>
chip_gen: v7x
topology: tpu7x:2x2x1
jax: 0.10.2.dev20260603
libtpu: 0.0.44.dev20260713+nightly
codegen_flags: <defaults>
</compile_context>

<pallas_src>
import functools

import jax
import jax.numpy as jnp
from jax import lax
from jax.experimental import pallas as pl
from jax.experimental.pallas import tpu as pltpu
from jax.experimental.pallas import tpu_sc as plsc

N_NODES = 10000
N_EDGES = 320000
D_FEAT = 128
D_EDGE = 16
D_RADIAL = 8
D_HIDDEN = 64
INV_AVG = 1.0 / 32.0

_NC = 2
_NS = 16
_NW = _NC * _NS
_C = 40
_N_PAD = 10240
_ROWS_PER_TILE = _N_PAD // _NS
_LANES = D_FEAT // 16
_EB = 6400

_E_A = 96000
_E_B = N_EDGES - _E_A

_NB = 4



def _pack_bf16(lo, hi):
    li = lax.bitcast_convert_type(lo, jnp.int32) + jnp.int32(0x8000)
    hi_i = lax.bitcast_convert_type(hi, jnp.int32) + jnp.int32(0x8000)
    return lax.bitwise_or(lax.shift_right_logical(li, 16),
                          lax.bitwise_and(hi_i, jnp.int32(-65536)))


def _xup_body(node_ref, wup_ref, out_ref):
    out_ref[...] = jnp.dot(node_ref[...], wup_ref[...],
                           preferred_element_type=jnp.float32)


_DN0 = (((0,), (0,)), ((), ()))


def _edge_body(eft_ref, radt_ref, w1_ref, w2_ref, wtp_ref, out_ref):
    h_t = lax.dot_general(w1_ref[...], radt_ref[...], _DN0,
                          preferred_element_type=jnp.float32)
    h_t = h_t * jax.nn.sigmoid(h_t)
    tpw_t = lax.dot_general(w2_ref[...], h_t, _DN0,
                            preferred_element_type=jnp.float32)
    u_t = eft_ref[...] * tpw_t
    m = lax.dot_general(u_t, wtp_ref[...], _DN0,
                        preferred_element_type=jnp.float32)
    out_ref[...] = _pack_bf16(m[:, :64], m[:, 64:])


def _down_body(p_ref, q_ref, wd_ref, out_ref):
    p = p_ref[...]
    q = q_ref[...]
    agg = ((p[0] + p[1]) + (q[0] + q[1])) * INV_AVG
    out_ref[...] = jnp.dot(agg, wd_ref[...], preferred_element_type=jnp.float32)



def _make_sc_body(base_e, ew):
    nchunk = ew // _C

    def _sc_body(x_hbm, mix_hbm, send_hbm, recv_hbm, out_hbm, acc, *scratch):
        sidx = scratch[0:_NB]
        ridx = scratch[_NB:2 * _NB]
        rows = scratch[2 * _NB:3 * _NB]
        mixv = scratch[3 * _NB:4 * _NB]
        sem_si = scratch[4 * _NB:5 * _NB]
        sem_ri = scratch[5 * _NB:6 * _NB]
        sem_mx = scratch[6 * _NB:7 * _NB]
        sem_g = scratch[7 * _NB:8 * _NB]
        sem_sc = scratch[8 * _NB:9 * _NB]

        c = lax.axis_index("c")
        s = lax.axis_index("s")
        wid = c * _NS + s
        mbase0 = wid * ew
        ebase0 = base_e + mbase0

        def _zero_row(r, carry):
            for j in range(_LANES):
                rows[0][r, pl.ds(j * 16, 16)] = jnp.zeros((16,), jnp.float32)
            return carry
        lax.fori_loop(0, _C, _zero_row, None)
        my_row0 = s * _ROWS_PER_TILE
        for t in range(_ROWS_PER_TILE // _C):
            pltpu.async_copy(rows[0], acc.at[pl.ds(my_row0 + t * _C, _C)], sem_g[0])
        for t in range(_ROWS_PER_TILE // _C):
            pltpu.make_async_copy(rows[0], acc.at[pl.ds(my_row0, _C)], sem_g[0]).wait()
        plsc.subcore_barrier()

        def _start_in(j, b):
            eb_ = pl.multiple_of(ebase0 + j * _C, 8)
            mb_ = pl.multiple_of(mbase0 + j * _C, 8)
            pltpu.async_copy(send_hbm.at[pl.ds(eb_, _C)], sidx[b], sem_si[b])
            pltpu.async_copy(recv_hbm.at[pl.ds(eb_, _C)], ridx[b], sem_ri[b])
            pltpu.async_copy(mix_hbm.at[pl.ds(mb_, _C)], mixv[b], sem_mx[b])

        def _start_gather(b):
            pltpu.make_async_copy(send_hbm.at[pl.ds(0, _C)], sidx[b], sem_si[b]).wait()
            pltpu.async_copy(x_hbm.at[sidx[b]], rows[b], sem_g[b])

        def _drain_scatter(b):
            pltpu.make_async_copy(rows[b], acc.at[ridx[b]], sem_sc[b]).wait()

        _start_in(0, 0)
        _start_in(1, 1)
        _start_gather(0)

        def _group(i, carry):
            k0 = i * _NB
            for b in range(_NB):
                k = k0 + b

                b2 = (b + 2) % _NB
                @pl.when(k + 2 <= nchunk - 1)
                def _():
                    @pl.when(k - 2 >= 0)
                    def _():
                        _drain_scatter(b2)
                    _start_in(k + 2, b2)

                b1 = (b + 1) % _NB
                @pl.when(k + 1 <= nchunk - 1)
                def _():
                    _start_gather(b1)

                @pl.when(k <= nchunk - 1)
                def _():
                    pltpu.make_async_copy(
                        mix_hbm.at[pl.ds(0, _C)], mixv[b], sem_mx[b]).wait()
                    pltpu.make_async_copy(x_hbm.at[sidx[b]], rows[b], sem_g[b]).wait()

                    mask = jnp.int32(-65536)
                    bcc = lax.bitcast_convert_type

                    def _mul_row(r, carry2):
                        for j in range(4):
                            sl = pl.ds(j * 16, 16)
                            sh = pl.ds(64 + j * 16, 16)
                            wm = mixv[b][r, sl]
                            lo_m = bcc(lax.shift_left(wm, 16), jnp.float32)
                            hi_m = bcc(lax.bitwise_and(wm, mask), jnp.float32)
                            rows[b][r, sl] = rows[b][r, sl] * lo_m
                            rows[b][r, sh] = rows[b][r, sh] * hi_m
                        return carry2
                    lax.fori_loop(0, _C, _mul_row, None)

                    pltpu.make_async_copy(
                        recv_hbm.at[pl.ds(0, _C)], ridx[b], sem_ri[b]).wait()
                    pltpu.async_copy(rows[b], acc.at[ridx[b]], sem_sc[b], add=True)
            return carry
        n_groups = (nchunk + _NB - 1) // _NB
        lax.fori_loop(0, n_groups, _group, None)

        for b in range(_NB):
            _drain_scatter(b)

        plsc.subcore_barrier()
        for t in range(_ROWS_PER_TILE // _C):
            b = t % 2
            r0 = my_row0 + t * _C
            if t >= 2:
                pltpu.make_async_copy(
                    rows[b], out_hbm.at[c, pl.ds(my_row0, _C)], sem_sc[b]).wait()
            pltpu.sync_copy(acc.at[pl.ds(r0, _C)], rows[b])
            pltpu.async_copy(rows[b], out_hbm.at[c, pl.ds(r0, _C)], sem_sc[b])
        for b in range(2):
            pltpu.make_async_copy(
                rows[b], out_hbm.at[c, pl.ds(my_row0, _C)], sem_sc[b]).wait()

    return _sc_body


@functools.lru_cache(maxsize=None)
def _sc_call(base_e, ew):
    return pl.kernel(
        _make_sc_body(base_e, ew),
        out_type=jax.ShapeDtypeStruct((_NC, _N_PAD, D_FEAT), jnp.float32),
        mesh=plsc.VectorSubcoreMesh(core_axis_name="c", subcore_axis_name="s"),
        scratch_types=(
            [pltpu.VMEM_SHARED((_N_PAD, D_FEAT), jnp.float32)]
            + [pltpu.VMEM((_C,), jnp.int32)] * _NB
            + [pltpu.VMEM((_C,), jnp.int32)] * _NB
            + [pltpu.VMEM((_C, D_FEAT), jnp.float32)] * _NB
            + [pltpu.VMEM((_C, 64), jnp.int32)] * _NB
            + [pltpu.SemaphoreType.DMA] * (5 * _NB)
        ),
    )



def kernel(node_features, edge_features, radial_embedding, senders, receivers,
           W_up, W_mlp1, W_mlp2, W_tp, W_down):
    f32 = jnp.float32
    nb = 1000

    x = pl.pallas_call(
        _xup_body,
        grid=(N_NODES // nb,),
        in_specs=[
            pl.BlockSpec((nb, D_FEAT), lambda i: (i, 0)),
            pl.BlockSpec((D_FEAT, D_FEAT), lambda i: (0, 0)),
        ],
        out_specs=pl.BlockSpec((nb, D_FEAT), lambda i: (i, 0)),
        out_shape=jax.ShapeDtypeStruct((N_NODES, D_FEAT), f32),
    )(node_features, W_up)

    eft = edge_features.T
    radt = radial_embedding.T

    def mix_slice(base_e, n_e, wtp):
        off = base_e // _EB
        return pl.pallas_call(
            _edge_body,
            grid=(n_e // _EB,),
            in_specs=[
                pl.BlockSpec((D_EDGE, _EB), lambda i: (0, i + off)),
                pl.BlockSpec((D_RADIAL, _EB), lambda i: (0, i + off)),
                pl.BlockSpec((D_RADIAL, D_HIDDEN), lambda i: (0, 0)),
                pl.BlockSpec((D_HIDDEN, D_EDGE), lambda i: (0, 0)),
                pl.BlockSpec((D_EDGE, D_FEAT), lambda i: (0, 0)),
            ],
            out_specs=pl.BlockSpec((_EB, 64), lambda i: (i, 0)),
            out_shape=jax.ShapeDtypeStruct((n_e, 64), jnp.int32),
        )(eft, radt, W_mlp1, W_mlp2, wtp)

    mix_a = mix_slice(0, _E_A, W_tp)
    dep = mix_a[0, 0].astype(f32) * 0.0
    mix_b = mix_slice(_E_A, _E_B, W_tp + dep)
    partials_a = _sc_call(0, _E_A // _NW)(x, mix_a, senders, receivers)
    partials_b = _sc_call(_E_A, _E_B // _NW)(x, mix_b, senders, receivers)

    out = pl.pallas_call(
        _down_body,
        grid=(N_NODES // nb,),
        in_specs=[
            pl.BlockSpec((_NC, nb, D_FEAT), lambda i: (0, i, 0)),
            pl.BlockSpec((_NC, nb, D_FEAT), lambda i: (0, i, 0)),
            pl.BlockSpec((D_FEAT, D_FEAT), lambda i: (0, 0)),
        ],
        out_specs=pl.BlockSpec((nb, D_FEAT), lambda i: (i, 0)),
        out_shape=jax.ShapeDtypeStruct((N_NODES, D_FEAT), f32),
    )(partials_a, partials_b, W_down)
    return out

# --- scband reference (transcript-rebuilt; emitter-appended) ---
"""Pipeline reference for scband-interaction-block-54382875902596 (READ-ONLY COPY).

The authoritative reference and input builder live on the scoring server;
editing this copy changes nothing except your own understanding.
"""

import jax, jax.numpy as jnp
import numpy as np

N_NODES = 10000
N_EDGES = 320000
D_FEAT = 128
D_EDGE = 16
D_RADIAL = 8
D_HIDDEN = 64
AVG_NEIGH = 32.0


def swish(x):
    return x * jax.nn.sigmoid(x)


def setup_inputs(seed: int = 0) -> dict:
    key = jax.random.key(seed)
    ks = jax.random.split(key, 12)
    node_features = jax.random.normal(ks[0], (N_NODES, D_FEAT), dtype=jnp.float32)
    edge_features = jax.random.normal(ks[1], (N_EDGES, D_EDGE), dtype=jnp.float32)
    radial_embedding = jax.random.normal(ks[2], (N_EDGES, D_RADIAL), dtype=jnp.float32)
    senders = jax.random.randint(ks[3], (N_EDGES,), 0, N_NODES, dtype=jnp.int32)
    receivers = jax.random.randint(ks[4], (N_EDGES,), 0, N_NODES, dtype=jnp.int32)
    # learned parameters (linear_up, radial MLP, tensor-product mixing, linear_down)
    W_up = jax.random.normal(ks[5], (D_FEAT, D_FEAT), dtype=jnp.float32) / np.sqrt(D_FEAT)
    W_mlp1 = jax.random.normal(ks[6], (D_RADIAL, D_HIDDEN), dtype=jnp.float32) / np.sqrt(D_RADIAL)
    W_mlp2 = jax.random.normal(ks[7], (D_HIDDEN, D_EDGE), dtype=jnp.float32) / np.sqrt(D_HIDDEN)
    W_tp = jax.random.normal(ks[8], (D_EDGE, D_FEAT), dtype=jnp.float32) / np.sqrt(D_EDGE)
    W_down = jax.random.normal(ks[9], (D_FEAT, D_FEAT), dtype=jnp.float32) / np.sqrt(D_FEAT)
    return {
        "node_features": node_features,
        "edge_features": edge_features,
        "radial_embedding": radial_embedding,
        "senders": senders,
        "receivers": receivers,
        "W_up": W_up,
        "W_mlp1": W_mlp1,
        "W_mlp2": W_mlp2,
        "W_tp": W_tp,
        "W_down": W_down,
    }


def reference(node_features, edge_features, radial_embedding, senders, receivers,
              W_up, W_mlp1, W_mlp2, W_tp, W_down):
    # linear_up on node features
    x = node_features @ W_up  # [N, d]
    # message passing convolution:
    # gather node features at senders
    x_s = jnp.take(x, senders, axis=0)  # [E, d]
    # radial MLP with swish activation -> per-edge tensor-product weights
    h = swish(radial_embedding @ W_mlp1)  # [E, hidden]
    tp_w = h @ W_mlp2  # [E, d_edge]
    # weighted tensor product of sender features with edge (spherical-harmonic) features
    edge_mix = (edge_features * tp_w) @ W_tp  # [E, d]
    messages = x_s * edge_mix  # [E, d]
    # scatter-add to receivers, normalize by average number of neighbours
    agg = jnp.zeros_like(x).at[receivers].add(messages) / AVG_NEIGH  # [N, d]
    # linear_down
    out = agg @ W_down  # [N, d]
    return out

if __name__ == "__main__":
    import jax
    _d = setup_inputs()
    print(jax.jit(kernel)(*tuple(_d.values())))

</pallas_src>

<mosaic_0001>
#map = affine_map<(d0, d1) -> (0, 0)>
#map1 = affine_map<(d0, d1) -> (0)>
#map2 = affine_map<(d0, d1) -> (0, 0, 0)>
module attributes {stable_mosaic.version = 14 : i64} {
  func.func @_sc_body(%arg0: i32, %arg1: i32, %arg2: memref<10000x128xf32, #tpu.memory_space<hbm>>, %arg3: memref<96000x64xi32, #tpu.memory_space<hbm>>, %arg4: memref<320000xi32, #tpu.memory_space<hbm>>, %arg5: memref<320000xi32, #tpu.memory_space<hbm>>, %arg6: memref<2x10240x128xf32, #tpu.memory_space<hbm>>, %arg7: memref<10240x128xf32, #tpu.memory_space<vmem_shared>>, %arg8: memref<40xi32, #tpu.memory_space<vmem>>, %arg9: memref<40xi32, #tpu.memory_space<vmem>>, %arg10: memref<40xi32, #tpu.memory_space<vmem>>, %arg11: memref<40xi32, #tpu.memory_space<vmem>>, %arg12: memref<40xi32, #tpu.memory_space<vmem>>, %arg13: memref<40xi32, #tpu.memory_space<vmem>>, %arg14: memref<40xi32, #tpu.memory_space<vmem>>, %arg15: memref<40xi32, #tpu.memory_space<vmem>>, %arg16: memref<40x128xf32, #tpu.memory_space<vmem>>, %arg17: memref<40x128xf32, #tpu.memory_space<vmem>>, %arg18: memref<40x128xf32, #tpu.memory_space<vmem>>, %arg19: memref<40x128xf32, #tpu.memory_space<vmem>>, %arg20: memref<40x64xi32, #tpu.memory_space<vmem>>, %arg21: memref<40x64xi32, #tpu.memory_space<vmem>>, %arg22: memref<40x64xi32, #tpu.memory_space<vmem>>, %arg23: memref<40x64xi32, #tpu.memory_space<vmem>>, %arg24: memref<!tpu.dma_semaphore, #tpu.memory_space<semaphore_mem>>, %arg25: memref<!tpu.dma_semaphore, #tpu.memory_space<semaphore_mem>>, %arg26: memref<!tpu.dma_semaphore, #tpu.memory_space<semaphore_mem>>, %arg27: memref<!tpu.dma_semaphore, #tpu.memory_space<semaphore_mem>>, %arg28: memref<!tpu.dma_semaphore, #tpu.memory_space<semaphore_mem>>, %arg29: memref<!tpu.dma_semaphore, #tpu.memory_space<semaphore_mem>>, %arg30: memref<!tpu.dma_semaphore, #tpu.memory_space<semaphore_mem>>, %arg31: memref<!tpu.dma_semaphore, #tpu.memory_space<semaphore_mem>>, %arg32: memref<!tpu.dma_semaphore, #tpu.memory_space<semaphore_mem>>, %arg33: memref<!tpu.dma_semaphore, #tpu.memory_space<semaphore_mem>>, %arg34: memref<!tpu.dma_semaphore, #tpu.memory_space<semaphore_mem>>, %arg35: memref<!tpu.dma_semaphore, #tpu.memory_space<semaphore_mem>>, %arg36: memref<!tpu.dma_semaphore, #tpu.memory_space<semaphore_mem>>, %arg37: memref<!tpu.dma_semaphore, #tpu.memory_space<semaphore_mem>>, %arg38: memref<!tpu.dma_semaphore, #tpu.memory_space<semaphore_mem>>, %arg39: memref<!tpu.dma_semaphore, #tpu.memory_space<semaphore_mem>>, %arg40: memref<!tpu.dma_semaphore, #tpu.memory_space<semaphore_mem>>, %arg41: memref<!tpu.dma_semaphore, #tpu.memory_space<semaphore_mem>>, %arg42: memref<!tpu.dma_semaphore, #tpu.memory_space<semaphore_mem>>, %arg43: memref<!tpu.dma_semaphore, #tpu.memory_space<semaphore_mem>>) attributes {dimension_semantics = [#tpu.dimension_semantics<core_parallel>, #tpu.dimension_semantics<subcore_parallel>], iteration_bounds = array<i64: 2, 16>, scalar_prefetch = 0 : i64, scratch_operands = 37 : i64, tpu.core_type = #tpu.core_type<sc_vector_subcore>, window_params = [{transform_indices = #map}, {transform_indices = #map}, {transform_indices = #map1}, {transform_indices = #map1}, {transform_indices = #map2}]} {
    %mul3A = arith.constant 16 : i32
    %mul3A_0 = arith.muli %arg0, %mul3A : i32
    %add3A = arith.addi %mul3A_0, %arg1 : i32
    %mul3A_1 = arith.constant 3000 : i32
    %mul3A_2 = arith.muli %add3A, %mul3A_1 : i32
    %add3A_3 = arith.constant 0 : i32
    %add3A_4 = arith.addi %add3A_3, %mul3A_2 : i32
    %scan3A = arith.constant 0 : i32
    %scan3A_5 = arith.constant 40 : i32
    %scan3A_6 = arith.addi %scan3A, %scan3A_5 : i32
    %scan3A_7 = arith.constant 1 : i32
    scf.for %scan3A_445 = %scan3A to %scan3A_6 step %scan3A_7  : i32 {
      %broadcast_in_dim3A = arith.constant 0.000000e+00 : f32
      %broadcast_in_dim3A_446 = vector.broadcast %broadcast_in_dim3A : f32 to vector<16xf32>
      %swap3A = arith.index_cast %scan3A_445 : i32 to index
      %swap3A_447 = arith.constant 0 : index
      %swap3A_448 = tpu.vector_load %arg16[%swap3A, %swap3A_447] {strides = array<i32>} : memref<40x128xf32, #tpu.memory_space<vmem>>, vector<1x16xf32>,
      %swap3A_449 = vector.shape_cast %swap3A_448 : vector<1x16xf32> to vector<16xf32>
      %swap3A_450 = vector.shape_cast %broadcast_in_dim3A_446 : vector<16xf32> to vector<1x16xf32>
      tpu.vector_store %arg16[%swap3A, %swap3A_447], %swap3A_450 {strides = array<i32>} : memref<40x128xf32, #tpu.memory_space<vmem>>, vector<1x16xf32>,
      %broadcast_in_dim3A_451 = arith.constant 0.000000e+00 : f32
      %broadcast_in_dim3A_452 = vector.broadcast %broadcast_in_dim3A_451 : f32 to vector<16xf32>
      %swap3A_453 = arith.index_cast %scan3A_445 : i32 to index
      %swap3A_454 = arith.constant 16 : index
      %swap3A_455 = tpu.vector_load %arg16[%swap3A_453, %swap3A_454] {strides = array<i32>} : memref<40x128xf32, #tpu.memory_space<vmem>>, vector<1x16xf32>,
      %swap3A_456 = vector.shape_cast %swap3A_455 : vector<1x16xf32> to vector<16xf32>
      %swap3A_457 = vector.shape_cast %broadcast_in_dim3A_452 : vector<16xf32> to vector<1x16xf32>
      tpu.vector_store %arg16[%swap3A_453, %swap3A_454], %swap3A_457 {strides = array<i32>} : memref<40x128xf32, #tpu.memory_space<vmem>>, vector<1x16xf32>,
      %broadcast_in_dim3A_458 = arith.constant 0.000000e+00 : f32
      %broadcast_in_dim3A_459 = vector.broadcast %broadcast_in_dim3A_458 : f32 to vector<16xf32>
      %swap3A_460 = arith.index_cast %scan3A_445 : i32 to index
      %swap3A_461 = arith.constant 32 : index
      %swap3A_462 = tpu.vector_load %arg16[%swap3A_460, %swap3A_461] {strides = array<i32>} : memref<40x128xf32, #tpu.memory_space<vmem>>, vector<1x16xf32>,
      %swap3A_463 = vector.shape_cast %swap3A_462 : vector<1x16xf32> to vector<16xf32>
      %swap3A_464 = vector.shape_cast %broadcast_in_dim3A_459 : vector<16xf32> to vector<1x16xf32>
      tpu.vector_store %arg16[%swap3A_460, %swap3A_461], %swap3A_464 {strides = array<i32>} : memref<40x128xf32, #tpu.memory_space<vmem>>, vector<1x16xf32>,
      %broadcast_in_dim3A_465 = arith.constant 0.000000e+00 : f32
      %broadcast_in_dim3A_466 = vector.broadcast %broadcast_in_dim3A_465 : f32 to vector<16xf32>
      %swap3A_467 = arith.index_cast %scan3A_445 : i32 to index
      %swap3A_468 = arith.constant 48 : index
      %swap3A_469 = tpu.vector_load %arg16[%swap3A_467, %swap3A_468] {strides = array<i32>} : memref<40x128xf32, #tpu.memory_space<vmem>>, vector<1x16xf32>,
      %swap3A_470 = vector.shape_cast %swap3A_469 : vector<1x16xf32> to vector<16xf32>
      %swap3A_471 = vector.shape_cast %broadcast_in_dim3A_466 : vector<16xf32> to vector<1x16xf32>
      tpu.vector_store %arg16[%swap3A_467, %swap3A_468], %swap3A_471 {strides = array<i32>} : memref<40x128xf32, #tpu.memory_space<vmem>>, vector<1x16xf32>,
      %broadcast_in_dim3A_472 = arith.constant 0.000000e+00 : f32
      %broadcast_in_dim3A_473 = vector.broadcast %broadcast_in_dim3A_472 : f32 to vector<16xf32>
      %swap3A_474 = arith.index_cast %scan3A_445 : i32 to index
      %swap3A_475 = arith.constant 64 : index
      %swap3A_476 = tpu.vector_load %arg16[%swap3A_474, %swap3A_475] {strides = array<i32>} : memref<40x128xf32, #tpu.memory_space<vmem>>, vector<1x16xf32>,
      %swap3A_477 = vector.shape_cast %swap3A_476 : vector<1x16xf32> to vector<16xf32>
      %swap3A_478 = vector.shape_cast %broadcast_in_dim3A_473 : vector<16xf32> to vector<1x16xf32>
      tpu.vector_store %arg16[%swap3A_474, %swap3A_475], %swap3A_478 {strides = array<i32>} : memref<40x128xf32, #tpu.memory_space<vmem>>, vector<1x16xf32>,
      %broadcast_in_dim3A_479 = arith.constant 0.000000e+00 : f32
      %broadcast_in_dim3A_480 = vector.broadcast %broadcast_in_dim3A_479 : f32 to vector<16xf32>
      %swap3A_481 = arith.index_cast %scan3A_445 : i32 to index
      %swap3A_482 = arith.constant 80 : index
      %swap3A_483 = tpu.vector_load %arg16[%swap3A_481, %swap3A_482] {strides = array<i32>} : memref<40x128xf32, #tpu.memory_space<vmem>>, vector<1x16xf32>,
      %swap3A_484 = vector.shape_cast %swap3A_483 : vector<1x16xf32> to vector<16xf32>
      %swap3A_485 = vector.shape_cast %broadcast_in_dim3A_480 : vector<16xf32> to vector<1x16xf32>
      tpu.vector_store %arg16[%swap3A_481, %swap3A_482], %swap3A_485 {strides = array<i32>} : memref<40x128xf32, #tpu.memory_space<vmem>>, vector<1x16xf32>,
      %broadcast_in_dim3A_486 = arith.constant 0.000000e+00 : f32
      %broadcast_in_dim3A_487 = vector.broadcast %broadcast_in_dim3A_486 : f32 to vector<16xf32>
      %swap3A_488 = arith.index_cast %scan3A_445 : i32 to index
      %swap3A_489 = arith.constant 96 : index
      %swap3A_490 = tpu.vector_load %arg16[%swap3A_488, %swap3A_489] {strides = array<i32>} : memref<40x128xf32, #tpu.memory_space<vmem>>, vector<1x16xf32>,
      %swap3A_491 = vector.shape_cast %swap3A_490 : vector<1x16xf32> to vector<16xf32>
      %swap3A_492 = vector.shape_cast %broadcast_in_dim3A_487 : vector<16xf32> to vector<1x16xf32>
      tpu.vector_store %arg16[%swap3A_488, %swap3A_489], %swap3A_492 {strides = array<i32>} : memref<40x128xf32, #tpu.memory_space<vmem>>, vector<1x16xf32>,
      %broadcast_in_dim3A_493 = arith.constant 0.000000e+00 : f32
      %broadcast_in_dim3A_494 = vector.broadcast %broadcast_in_dim3A_493 : f32 to vector<16xf32>
      %swap3A_495 = arith.index_cast %scan3A_445 : i32 to index
      %swap3A_496 = arith.constant 112 : index
      %swap3A_497 = tpu.vector_load %arg16[%swap3A_495, %swap3A_496] {strides = array<i32>} : memref<40x128xf32, #tpu.memory_space<vmem>>, vector<1x16xf32>,
      %swap3A_498 = vector.shape_cast %swap3A_497 : vector<1x16xf32> to vector<16xf32>
      %swap3A_499 = vector.shape_cast %broadcast_in_dim3A_494 : vector<16xf32> to vector<1x16xf32>
      tpu.vector_store %arg16[%swap3A_495, %swap3A_496], %swap3A_499 {strides = array<i32>} : memref<40x128xf32, #tpu.memory_space<vmem>>, vector<1x16xf32>,
    }
    %scan3A_8 = arith.constant 40 : i32
    %mul3A_9 = arith.constant 640 : i32
    %mul3A_10 = arith.muli %arg1, %mul3A_9 : i32
    %add3A_11 = arith.constant 0 : i32
    %add3A_12 = arith.addi %mul3A_10, %add3A_11 : i32
    %dma_start3A = arith.constant 0 : i32
    %dma_start3A_13 = tpu.memref_slice %arg7[%add3A_12, %dma_start3A] : memref<10240x128xf32, #tpu.memory_space<vmem_shared>> -> memref<40x128xf32, #tpu.memory_space<vmem_shared>>
    %dma_start3A_14 = arith.constant 0 : i32
    %dma_start3A_15 = tpu.memref_slice %arg7[%add3A_12, %dma_start3A_14] : memref<10240x128xf32, #tpu.memory_space<vmem_shared>> -> memref<40x128xf32, #tpu.memory_space<vmem_shared>>
    tpu.enqueue_dma source(%arg16 : memref<40x128xf32, #tpu.memory_space<vmem>>) target(%dma_start3A_15 : memref<40x128xf32, #tpu.memory_space<vmem_shared>>) target_semaphore(%arg36 : memref<!tpu.dma_semaphore, #tpu.memory_space<semaphore_mem>>)
    %add3A_16 = arith.constant 40 : i32
    %add3A_17 = arith.addi %mul3A_10, %add3A_16 : i32
    %dma_start3A_18 = arith.constant 0 : i32
    %dma_start3A_19 = tpu.memref_slice %arg7[%add3A_17, %dma_start3A_18] : memref<10240x128xf32, #tpu.memory_space<vmem_shared>> -> memref<40x128xf32, #tpu.memory_space<vmem_shared>>
    %dma_start3A_20 = arith.constant 0 : i32
    %dma_start3A_21 = tpu.memref_slice %arg7[%add3A_17, %dma_start3A_20] : memref<10240x128xf32, #tpu.memory_space<vmem_shared>> -> memref<40x128xf32, #tpu.memory_space<vmem_shared>>
    tpu.enqueue_dma source(%arg16 : memref<40x128xf32, #tpu.memory_space<vmem>>) target(%dma_start3A_21 : memref<40x128xf32, #tpu.memory_space<vmem_shared>>) target_semaphore(%arg36 : memref<!tpu.dma_semaphore, #tpu.memory_space<semaphore_mem>>)
    %add3A_22 = arith.constant 80 : i32
    %add3A_23 = arith.addi %mul3A_10, %add3A_22 : i32
    %dma_start3A_24 = arith.constant 0 : i32
    %dma_start3A_25 = tpu.memref_slice %arg7[%add3A_23, %dma_start3A_24] : memref<10240x128xf32, #tpu.memory_space<vmem_shared>> -> memref<40x128xf32, #tpu.memory_space<vmem_shared>>
    %dma_start3A_26 = arith.constant 0 : i32
    %dma_start3A_27 = tpu.memref_slice %arg7[%add3A_23, %dma_start3A_26] : memref<10240x128xf32, #tpu.memory_space<vmem_shared>> -> memref<40x128xf32, #tpu.memory_space<vmem_shared>>
    tpu.enqueue_dma source(%arg16 : memref<40x128xf32, #tpu.memory_space<vmem>>) target(%dma_start3A_27 : memref<40x128xf32, #tpu.memory_space<vmem_shared>>) target_semaphore(%arg36 : memref<!tpu.dma_semaphore, #tpu.memory_space<semaphore_mem>>)
    %add3A_28 = arith.constant 120 : i32
    %add3A_29 = arith.addi %mul3A_10, %add3A_28 : i32
    %dma_start3A_30 = arith.constant 0 : i32
    %dma_start3A_31 = tpu.memref_slice %arg7[%add3A_29, %dma_start3A_30] : memref<10240x128xf32, #tpu.memory_space<vmem_shared>> -> memref<40x128xf32, #tpu.memory_space<vmem_shared>>
    %dma_start3A_32 = arith.constant 0 : i32
    %dma_start3A_33 = tpu.memref_slice %arg7[%add3A_29, %dma_start3A_32] : memref<10240x128xf32, #tpu.memory_space<vmem_shared>> -> memref<40x128xf32, #tpu.memory_space<vmem_shared>>
    tpu.enqueue_dma source(%arg16 : memref<40x128xf32, #tpu.memory_space<vmem>>) target(%dma_start3A_33 : memref<40x128xf32, #tpu.memory_space<vmem_shared>>) target_semaphore(%arg36 : memref<!tpu.dma_semaphore, #tpu.memory_space<semaphore_mem>>)
    %add3A_34 = arith.constant 160 : i32
    %add3A_35 = arith.addi %mul3A_10, %add3A_34 : i32
    %dma_start3A_36 = arith.constant 0 : i32
    %dma_start3A_37 = tpu.memref_slice %arg7[%add3A_35, %dma_start3A_36] : memref<10240x128xf32, #tpu.memory_space<vmem_shared>> -> memref<40x128xf32, #tpu.memory_space<vmem_shared>>
    %dma_start3A_38 = arith.constant 0 : i32
    %dma_start3A_39 = tpu.memref_slice %arg7[%add3A_35, %dma_start3A_38] : memref<10240x128xf32, #tpu.memory_space<vmem_shared>> -> memref<40x128xf32, #tpu.memory_space<vmem_shared>>
    tpu.enqueue_dma source(%arg16 : memref<40x128xf32, #tpu.memory_space<vmem>>) target(%dma_start3A_39 : memref<40x128xf32, #tpu.memory_space<vmem_shared>>) target_semaphore(%arg36 : memref<!tpu.dma_semaphore, #tpu.memory_space<semaphore_mem>>)
    %add3A_40 = arith.constant 200 : i32
    %add3A_41 = arith.addi %mul3A_10, %add3A_40 : i32
    %dma_start3A_42 = arith.constant 0 : i32
    %dma_start3A_43 = tpu.memref_slice %arg7[%add3A_41, %dma_start3A_42] : memref<10240x128xf32, #tpu.memory_space<vmem_shared>> -> memref<40x128xf32, #tpu.memory_space<vmem_shared>>
    %dma_start3A_44 = arith.constant 0 : i32
    %dma_start3A_45 = tpu.memref_slice %arg7[%add3A_41, %dma_start3A_44] : memref<10240x128xf32, #tpu.memory_space<vmem_shared>> -> memref<40x128xf32, #tpu.memory_space<vmem_shared>>
    tpu.enqueue_dma source(%arg16 : memref<40x128xf32, #tpu.memory_space<vmem>>) target(%dma_start3A_45 : memref<40x128xf32, #tpu.memory_space<vmem_shared>>) target_semaphore(%arg36 : memref<!tpu.dma_semaphore, #tpu.memory_space<semaphore_mem>>)
    %add3A_46 = arith.constant 240 : i32
    %add3A_47 = arith.addi %mul3A_10, %add3A_46 : i32
    %dma_start3A_48 = arith.constant 0 : i32
    %dma_start3A_49 = tpu.memref_slice %arg7[%add3A_47, %dma_start3A_48] : memref<10240x128xf32, #tpu.memory_space<vmem_shared>> -> memref<40x128xf32, #tpu.memory_space<vmem_shared>>
    %dma_start3A_50 = arith.constant 0 : i32
    %dma_start3A_51 = tpu.memref_slice %arg7[%add3A_47, %dma_start3A_50] : memref<10240x128xf32, #tpu.memory_space<vmem_shared>> -> memref<40x128xf32, #tpu.memory_space<vmem_shared>>
    tpu.enqueue_dma source(%arg16 : memref<40x128xf32, #tpu.memory_space<vmem>>) target(%dma_start3A_51 : memref<40x128xf32, #tpu.memory_space<vmem_shared>>) target_semaphore(%arg36 : memref<!tpu.dma_semaphore, #tpu.memory_space<semaphore_mem>>)
    %add3A_52 = arith.constant 280 : i32
    %add3A_53 = arith.addi %mul3A_10, %add3A_52 : i32
    %dma_start3A_54 = arith.constant 0 : i32
    %dma_start3A_55 = tpu.memref_slice %arg7[%add3A_53, %dma_start3A_54] : memref<10240x128xf32, #tpu.memory_space<vmem_shared>> -> memref<40x128xf32, #tpu.memory_space<vmem_shared>>
    %dma_start3A_56 = arith.constant 0 : i32
    %dma_start3A_57 = tpu.memref_slice %arg7[%add3A_53, %dma_start3A_56] : memref<10240x128xf32, #tpu.memory_space<vmem_shared>> -> memref<40x128xf32, #tpu.memory_space<vmem_shared>>
    tpu.enqueue_dma source(%arg16 : memref<40x128xf32, #tpu.memory_space<vmem>>) target(%dma_start3A_57 : memref<40x128xf32, #tpu.memory_space<vmem_shared>>) target_semaphore(%arg36 : memref<!tpu.dma_semaphore, #tpu.memory_space<semaphore_mem>>)
    %add3A_58 = arith.constant 320 : i32
    %add3A_59 = arith.addi %mul3A_10, %add3A_58 : i32
    %dma_start3A_60 = arith.constant 0 : i32
    %dma_start3A_61 = tpu.memref_slice %arg7[%add3A_59, %dma_start3A_60] : memref<10240x128xf32, #tpu.memory_space<vmem_shared>> -> memref<40x128xf32, #tpu.memory_space<vmem_shared>>
    %dma_start3A_62 = arith.constant 0 : i32
    %dma_start3A_63 = tpu.memref_slice %arg7[%add3A_59, %dma_start3A_62] : memref<10240x128xf32, #tpu.memory_space<vmem_shared>> -> memref<40x128xf32, #tpu.memory_space<vmem_shared>>
    tpu.enqueue_dma source(%arg16 : memref<40x128xf32, #tpu.memory_space<vmem>>) target(%dma_start3A_63 : memref<40x128xf32, #tpu.memory_space<vmem_shared>>) target_semaphore(%arg36 : memref<!tpu.dma_semaphore, #tpu.memory_space<semaphore_mem>>)
    %add3A_64 = arith.constant 360 : i32
    %add3A_65 = arith.addi %mul3A_10, %add3A_64 : i32
    %dma_start3A_66 = arith.constant 0 : i32
    %dma_start3A_67 = tpu.memref_slice %arg7[%add3A_65, %dma_start3A_66] : memref<10240x128xf32, #tpu.memory_space<vmem_shared>> -> memref<40x128xf32, #tpu.memory_space<vmem_shared>>
    %dma_start3A_68 = arith.constant 0 : i32
    %dma_start3A_69 = tpu.memref_slice %arg7[%add3A_65, %dma_start3A_68] : memref<10240x128xf32, #tpu.memory_space<vmem_shared>> -> memref<40x128xf32, #tpu.memory_space<vmem_shared>>
    tpu.enqueue_dma source(%arg16 : memref<40x128xf32, #tpu.memory_space<vmem>>) target(%dma_start3A_69 : memref<40x128xf32, #tpu.memory_space<vmem_shared>>) target_semaphore(%arg36 : memref<!tpu.dma_semaphore, #tpu.memory_space<semaphore_mem>>)
    %add3A_70 = arith.constant 400 : i32
    %add3A_71 = arith.addi %mul3A_10, %add3A_70 : i32
    %dma_start3A_72 = arith.constant 0 : i32
    %dma_start3A_73 = tpu.memref_slice %arg7[%add3A_71, %dma_start3A_72] : memref<10240x128xf32, #tpu.memory_space<vmem_shared>> -> memref<40x128xf32, #tpu.memory_space<vmem_shared>>
    %dma_start3A_74 = arith.constant 0 : i32
    %dma_start3A_75 = tpu.memref_slice %arg7[%add3A_71, %dma_start3A_74] : memref<10240x128xf32, #tpu.memory_space<vmem_shared>> -> memref<40x128xf32, #tpu.memory_space<vmem_shared>>
    tpu.enqueue_dma source(%arg16 : memref<40x128xf32, #tpu.memory_space<vmem>>) target(%dma_start3A_75 : memref<40x128xf32, #tpu.memory_space<vmem_shared>>) target_semaphore(%arg36 : memref<!tpu.dma_semaphore, #tpu.memory_space<semaphore_mem>>)
    %add3A_76 = arith.constant 440 : i32
    %add3A_77 = arith.addi %mul3A_10, %add3A_76 : i32
    %dma_start3A_78 = arith.constant 0 : i32
    %dma_start3A_79 = tpu.memref_slice %arg7[%add3A_77, %dma_start3A_78] : memref<10240x128xf32, #tpu.memory_space<vmem_shared>> -> memref<40x128xf32, #tpu.memory_space<vmem_shared>>
    %dma_start3A_80 = arith.constant 0 : i32
    %dma_start3A_81 = tpu.memref_slice %arg7[%add3A_77, %dma_start3A_80] : memref<10240x128xf32, #tpu.memory_space<vmem_shared>> -> memref<40x128xf32, #tpu.memory_space<vmem_shared>>
    tpu.enqueue_dma source(%arg16 : memref<40x128xf32, #tpu.memory_space<vmem>>) target(%dma_start3A_81 : memref<40x128xf32, #tpu.memory_space<vmem_shared>>) target_semaphore(%arg36 : memref<!tpu.dma_semaphore, #tpu.memory_space<semaphore_mem>>)
    %add3A_82 = arith.constant 480 : i32
    %add3A_83 = arith.addi %mul3A_10, %add3A_82 : i32
    %dma_start3A_84 = arith.constant 0 : i32
    %dma_start3A_85 = tpu.memref_slice %arg7[%add3A_83, %dma_start3A_84] : memref<10240x128xf32, #tpu.memory_space<vmem_shared>> -> memref<40x128xf32, #tpu.memory_space<vmem_shared>>
    %dma_start3A_86 = arith.constant 0 : i32
    %dma_start3A_87 = tpu.memref_slice %arg7[%add3A_83, %dma_start3A_86] : memref<10240x128xf32, #tpu.memory_space<vmem_shared>> -> memref<40x128xf32, #tpu.memory_space<vmem_shared>>
    tpu.enqueue_dma source(%arg16 : memref<40x128xf32, #tpu.memory_space<vmem>>) target(%dma_start3A_87 : memref<40x128xf32, #tpu.memory_space<vmem_shared>>) target_semaphore(%arg36 : memref<!tpu.dma_semaphore, #tpu.memory_space<semaphore_mem>>)
    %add3A_88 = arith.constant 520 : i32
    %add3A_89 = arith.addi %mul3A_10, %add3A_88 : i32
    %dma_start3A_90 = arith.constant 0 : i32
    %dma_start3A_91 = tpu.memref_slice %arg7[%add3A_89, %dma_start3A_90] : memref<10240x128xf32, #tpu.memory_space<vmem_shared>> -> memref<40x128xf32, #tpu.memory_space<vmem_shared>>
    %dma_start3A_92 = arith.constant 0 : i32
    %dma_start3A_93 = tpu.memref_slice %arg7[%add3A_89, %dma_start3A_92] : memref<10240x128xf32, #tpu.memory_space<vmem_shared>> -> memref<40x128xf32, #tpu.memory_space<vmem_shared>>
    tpu.enqueue_dma source(%arg16 : memref<40x128xf32, #tpu.memory_space<vmem>>) target(%dma_start3A_93 : memref<40x128xf32, #tpu.memory_space<vmem_shared>>) target_semaphore(%arg36 : memref<!tpu.dma_semaphore, #tpu.memory_space<semaphore_mem>>)
    %add3A_94 = arith.constant 560 : i32
    %add3A_95 = arith.addi %mul3A_10, %add3A_94 : i32
    %dma_start3A_96 = arith.constant 0 : i32
    %dma_start3A_97 = tpu.memref_slice %arg7[%add3A_95, %dma_start3A_96] : memref<10240x128xf32, #tpu.memory_space<vmem_shared>> -> memref<40x128xf32, #tpu.memory_space<vmem_shared>>
    %dma_start3A_98 = arith.constant 0 : i32
    %dma_start3A_99 = tpu.memref_slice %arg7[%add3A_95, %dma_start3A_98] : memref<10240x128xf32, #tpu.memory_space<vmem_shared>> -> memref<40x128xf32, #tpu.memory_space<vmem_shared>>
    tpu.enqueue_dma source(%arg16 : memref<40x128xf32, #tpu.memory_space<vmem>>) target(%dma_start3A_99 : memref<40x128xf32, #tpu.memory_space<vmem_shared>>) target_semaphore(%arg36 : memref<!tpu.dma_semaphore, #tpu.memory_space<semaphore_mem>>)
    %add3A_100 = arith.constant 600 : i32
    %add3A_101 = arith.addi %mul3A_10, %add3A_100 : i32
    %dma_start3A_102 = arith.constant 0 : i32
    %dma_start3A_103 = tpu.memref_slice %arg7[%add3A_101, %dma_start3A_102] : memref<10240x128xf32, #tpu.memory_space<vmem_shared>> -> memref<40x128xf32, #tpu.memory_space<vmem_shared>>
    %dma_start3A_104 = arith.constant 0 : i32
    %dma_start3A_105 = tpu.memref_slice %arg7[%add3A_101, %dma_start3A_104] : memref<10240x128xf32, #tpu.memory_space<vmem_shared>> -> memref<40x128xf32, #tpu.memory_space<vmem_shared>>
    tpu.enqueue_dma source(%arg16 : memref<40x128xf32, #tpu.memory_space<vmem>>) target(%dma_start3A_105 : memref<40x128xf32, #tpu.memory_space<vmem_shared>>) target_semaphore(%arg36 : memref<!tpu.dma_semaphore, #tpu.memory_space<semaphore_mem>>)
    %dma_wait3A = arith.constant 0 : i32
    %dma_wait3A_106 = tpu.memref_slice %arg7[%mul3A_10, %dma_wait3A] : memref<10240x128xf32, #tpu.memory_space<vmem_shared>> -> memref<40x128xf32, #tpu.memory_space<vmem_shared>>
    %dma_wait3A_107 = arith.constant 0 : i32
    %dma_wait3A_108 = tpu.memref_slice %arg7[%mul3A_10, %dma_wait3A_107] : memref<10240x128xf32, #tpu.memory_space<vmem_shared>> -> memref<40x128xf32, #tpu.memory_space<vmem_shared>>
    tpu.wait_dma2 semaphore(%arg36 : memref<!tpu.dma_semaphore, #tpu.memory_space<semaphore_mem>>) src(%arg16 : memref<40x128xf32, #tpu.memory_space<vmem>>) dst(%dma_wait3A_108 : memref<40x128xf32, #tpu.memory_space<vmem_shared>>)
    %dma_wait3A_109 = arith.constant 0 : i32
    %dma_wait3A_110 = tpu.memref_slice %arg7[%mul3A_10, %dma_wait3A_109] : memref<10240x128xf32, #tpu.memory_space<vmem_shared>> -> memref<40x128xf32, #tpu.memory_space<vmem_shared>>
    %dma_wait3A_111 = arith.constant 0 : i32
    %dma_wait3A_112 = tpu.memref_slice %arg7[%mul3A_10, %dma_wait3A_111] : memref<10240x128xf32, #tpu.memory_space<vmem_shared>> -> memref<40x128xf32, #tpu.memory_space<vmem_shared>>
    tpu.wait_dma2 semaphore(%arg36 : memref<!tpu.dma_semaphore, #tpu.memory_space<semaphore_mem>>) src(%arg16 : memref<40x128xf32, #tpu.memory_space<vmem>>) dst(%dma_wait3A_112 : memref<40x128xf32, #tpu.memory_space<vmem_shared>>)
    %dma_wait3A_113 = arith.constant 0 : i32
    %dma_wait3A_114 = tpu.memref_slice %arg7[%mul3A_10, %dma_wait3A_113] : memref<10240x128xf32, #tpu.memory_space<vmem_shared>> -> memref<40x128xf32, #tpu.memory_space<vmem_shared>>
    %dma_wait3A_115 = arith.constant 0 : i32
    %dma_wait3A_116 = tpu.memref_slice %arg7[%mul3A_10, %dma_wait3A_115] : memref<10240x128xf32, #tpu.memory_space<vmem_shared>> -> memref<40x128xf32, #tpu.memory_space<vmem_shared>>
    tpu.wait_dma2 semaphore(%arg36 : memref<!tpu.dma_semaphore, #tpu.memory_space<semaphore_mem>>) src(%arg16 : memref<40x128xf32, #tpu.memory_space<vmem>>) dst(%dma_wait3A_116 : memref<40x128xf32, #tpu.memory_space<vmem_shared>>)
    %dma_wait3A_117 = arith.constant 0 : i32
    %dma_wait3A_118 = tpu.memref_slice %arg7[%mul3A_10, %dma_wait3A_117] : memref<10240x128xf32, #tpu.memory_space<vmem_shared>> -> memref<40x128xf32, #tpu.memory_space<vmem_shared>>
    %dma_wait3A_119 = arith.constant 0 : i32
    %dma_wait3A_120 = tpu.memref_slice %arg7[%mul3A_10, %dma_wait3A_119] : memref<10240x128xf32, #tpu.memory_space<vmem_shared>> -> memref<40x128xf32, #tpu.memory_space<vmem_shared>>
    tpu.wait_dma2 semaphore(%arg36 : memref<!tpu.dma_semaphore, #tpu.memory_space<semaphore_mem>>) src(%arg16 : memref<40x128xf32, #tpu.memory_space<vmem>>) dst(%dma_wait3A_120 : memref<40x128xf32, #tpu.memory_space<vmem_shared>>)
    %dma_wait3A_121 = arith.constant 0 : i32
    %dma_wait3A_122 = tpu.memref_slice %arg7[%mul3A_10, %dma_wait3A_121] : memref<10240x128xf32, #tpu.memory_space<vmem_shared>> -> memref<40x128xf32, #tpu.memory_space<vmem_shared>>
    %dma_wait3A_123 = arith.constant 0 : i32
    %dma_wait3A_124 = tpu.memref_slice %arg7[%mul3A_10, %dma_wait3A_123] : memref<10240x128xf32, #tpu.memory_space<vmem_shared>> -> memref<40x128xf32, #tpu.memory_space<vmem_shared>>
    tpu.wait_dma2 semaphore(%arg36 : memref<!tpu.dma_semaphore, #tpu.memory_space<semaphore_mem>>) src(%arg16 : memref<40x128xf32, #tpu.memory_space<vmem>>) dst(%dma_wait3A_124 : memref<40x128xf32, #tpu.memory_space<vmem_shared>>)
    %dma_wait3A_125 = arith.constant 0 : i32
    %dma_wait3A_126 = tpu.memref_slice %arg7[%mul3A_10, %dma_wait3A_125] : memref<10240x128xf32, #tpu.memory_space<vmem_shared>> -> memref<40x128xf32, #tpu.memory_space<vmem_shared>>
    %dma_wait3A_127 = arith.constant 0 : i32
    %dma_wait3A_128 = tpu.memref_slice %arg7[%mul3A_10, %dma_wait3A_127] : memref<10240x128xf32, #tpu.memory_space<vmem_shared>> -> memref<40x128xf32, #tpu.memory_space<vmem_shared>>
    tpu.wait_dma2 semaphore(%arg36 : memref<!tpu.dma_semaphore, #tpu.memory_space<semaphore_mem>>) src(%arg16 : memref<40x128xf32, #tpu.memory_space<vmem>>) dst(%dma_wait3A_128 : memref<40x128xf32, #tpu.memory_space<vmem_shared>>)
    %dma_wait3A_129 = arith.constant 0 : i32
    %dma_wait3A_130 = tpu.memref_slice %arg7[%mul3A_10, %dma_wait3A_129] : memref<10240x128xf32, #tpu.memory_space<vmem_shared>> -> memref<40x128xf32, #tpu.memory_space<vmem_shared>>
    %dma_wait3A_131 = arith.constant 0 : i32
    %dma_wait3A_132 = tpu.memref_slice %arg7[%mul3A_10, %dma_wait3A_131] : memref<10240x128xf32, #tpu.memory_space<vmem_shared>> -> memref<40x128xf32, #tpu.memory_space<vmem_shared>>
    tpu.wait_dma2 semaphore(%arg36 : memref<!tpu.dma_semaphore, #tpu.memory_space<semaphore_mem>>) src(%arg16 : memref<40x128xf32, #tpu.memory_space<vmem>>) dst(%dma_wait3A_132 : memref<40x128xf32, #tpu.memory_space<vmem_shared>>)
    %dma_wait3A_133 = arith.constant 0 : i32
    %dma_wait3A_134 = tpu.memref_slice %arg7[%mul3A_10, %dma_wait3A_133] : memref<10240x128xf32, #tpu.memory_space<vmem_shared>> -> memref<40x128xf32, #tpu.memory_space<vmem_shared>>
    %dma_wait3A_135 = arith.constant 0 : i32
    %dma_wait3A_136 = tpu.memref_slice %arg7[%mul3A_10, %dma_wait3A_135] : memref<10240x128xf32, #tpu.memory_space<vmem_shared>> -> memref<40x128xf32, #tpu.memory_space<vmem_shared>>
    tpu.wait_dma2 semaphore(%arg36 : memref<!tpu.dma_semaphore, #tpu.memory_space<semaphore_mem>>) src(%arg16 : memref<40x128xf32, #tpu.memory_space<vmem>>) dst(%dma_wait3A_136 : memref<40x128xf32, #tpu.memory_space<vmem_shared>>)
    %dma_wait3A_137 = arith.constant 0 : i32
    %dma_wait3A_138 = tpu.memref_slice %arg7[%mul3A_10, %dma_wait3A_137] : memref<10240x128xf32, #tpu.memory_space<vmem_shared>> -> memref<40x128xf32, #tpu.memory_space<vmem_shared>>
    %dma_wait3A_139 = arith.constant 0 : i32
    %dma_wait3A_140 = tpu.memref_slice %arg7[%mul3A_10, %dma_wait3A_139] : memref<10240x128xf32, #tpu.memory_space<vmem_shared>> -> memref<40x128xf32, #tpu.memory_space<vmem_shared>>
    tpu.wait_dma2 semaphore(%arg36 : memref<!tpu.dma_semaphore, #tpu.memory_space<semaphore_mem>>) src(%arg16 : memref<40x128xf32, #tpu.memory_space<vmem>>) dst(%dma_wait3A_140 : memref<40x128xf32, #tpu.memory_space<vmem_shared>>)
    %dma_wait3A_141 = arith.constant 0 : i32
    %dma_wait3A_142 = tpu.memref_slice %arg7[%mul3A_10, %dma_wait3A_141] : memref<10240x128xf32, #tpu.memory_space<vmem_shared>> -> memref<40x128xf32, #tpu.memory_space<vmem_shared>>
    %dma_wait3A_143 = arith.constant 0 : i32
    %dma_wait3A_144 = tpu.memref_slice %arg7[%mul3A_10, %dma_wait3A_143] : memref<10240x128xf32, #tpu.memory_space<vmem_shared>> -> memref<40x128xf32, #tpu.memory_space<vmem_shared>>
    tpu.wait_dma2 semaphore(%arg36 : memref<!tpu.dma_semaphore, #tpu.memory_space<semaphore_mem>>) src(%arg16 : memref<40x128xf32, #tpu.memory_space<vmem>>) dst(%dma_wait3A_144 : memref<40x128xf32, #tpu.memory_space<vmem_shared>>)
    %dma_wait3A_145 = arith.constant 0 : i32
    %dma_wait3A_146 = tpu.memref_slice %arg7[%mul3A_10, %dma_wait3A_145] : memref<10240x128xf32, #tpu.memory_space<vmem_shared>> -> memref<40x128xf32, #tpu.memory_space<vmem_shared>>
    %dma_wait3A_147 = arith.constant 0 : i32
    %dma_wait3A_148 = tpu.memref_slice %arg7[%mul3A_10, %dma_wait3A_147] : memref<10240x128xf32, #tpu.memory_space<vmem_shared>> -> memref<40x128xf32, #tpu.memory_space<vmem_shared>>
    tpu.wait_dma2 semaphore(%arg36 : memref<!tpu.dma_semaphore, #tpu.memory_space<semaphore_mem>>) src(%arg16 : memref<40x128xf32, #tpu.memory_space<vmem>>) dst(%dma_wait3A_148 : memref<40x128xf32, #tpu.memory_space<vmem_shared>>)
    %dma_wait3A_149 = arith.constant 0 : i32
    %dma_wait3A_150 = tpu.memref_slice %arg7[%mul3A_10, %dma_wait3A_149] : memref<10240x128xf32, #tpu.memory_space<vmem_shared>> -> memref<40x128xf32, #tpu.memory_space<vmem_shared>>
    %dma_wait3A_151 = arith.constant 0 : i32
    %dma_wait3A_152 = tpu.memref_slice %arg7[%mul3A_10, %dma_wait3A_151] : memref<10240x128xf32, #tpu.memory_space<vmem_shared>> -> memref<40x128xf32, #tpu.memory_space<vmem_shared>>
    tpu.wait_dma2 semaphore(%arg36 : memref<!tpu.dma_semaphore, #tpu.memory_space<semaphore_mem>>) src(%arg16 : memref<40x128xf32, #tpu.memory_space<vmem>>) dst(%dma_wait3A_152 : memref<40x128xf32, #tpu.memory_space<vmem_shared>>)
    %dma_wait3A_153 = arith.constant 0 : i32
    %dma_wait3A_154 = tpu.memref_slice %arg7[%mul3A_10, %dma_wait3A_153] : memref<10240x128xf32, #tpu.memory_space<vmem_shared>> -> memref<40x128xf32, #tpu.memory_space<vmem_shared>>
    %dma_wait3A_155 = arith.constant 0 : i32
    %dma_wait3A_156 = tpu.memref_slice %arg7[%mul3A_10, %dma_wait3A_155] : memref<10240x128xf32, #tpu.memory_space<vmem_shared>> -> memref<40x128xf32, #tpu.memory_space<vmem_shared>>
    tpu.wait_dma2 semaphore(%arg36 : memref<!tpu.dma_semaphore, #tpu.memory_space<semaphore_mem>>) src(%arg16 : memref<40x128xf32, #tpu.memory_space<vmem>>) dst(%dma_wait3A_156 : memref<40x128xf32, #tpu.memory_space<vmem_shared>>)
    %dma_wait3A_157 = arith.constant 0 : i32
    %dma_wait3A_158 = tpu.memref_slice %arg7[%mul3A_10, %dma_wait3A_157] : memref<10240x128xf32, #tpu.memory_space<vmem_shared>> -> memref<40x128xf32, #tpu.memory_space<vmem_shared>>
    %dma_wait3A_159 = arith.constant 0 : i32
    %dma_wait3A_160 = tpu.memref_slice %arg7[%mul3A_10, %dma_wait3A_159] : memref<10240x128xf32, #tpu.memory_space<vmem_shared>> -> memref<40x128xf32, #tpu.memory_space<vmem_shared>>
    tpu.wait_dma2 semaphore(%arg36 : memref<!tpu.dma_semaphore, #tpu.memory_space<semaphore_mem>>) src(%arg16 : memref<40x128xf32, #tpu.memory_space<vmem>>) dst(%dma_wait3A_160 : memref<40x128xf32, #tpu.memory_space<vmem_shared>>)
    %dma_wait3A_161 = arith.constant 0 : i32
    %dma_wait3A_162 = tpu.memref_slice %arg7[%mul3A_10, %dma_wait3A_161] : memref<10240x128xf32, #tpu.memory_space<vmem_shared>> -> memref<40x128xf32, #tpu.memory_space<vmem_shared>>
    %dma_wait3A_163 = arith.constant 0 : i32
    %dma_wait3A_164 = tpu.memref_slice %arg7[%mul3A_10, %dma_wait3A_163] : memref<10240x128xf32, #tpu.memory_space<vmem_shared>> -> memref<40x128xf32, #tpu.memory_space<vmem_shared>>
    tpu.wait_dma2 semaphore(%arg36 : memref<!tpu.dma_semaphore, #tpu.memory_space<semaphore_mem>>) src(%arg16 : memref<40x128xf32, #tpu.memory_space<vmem>>) dst(%dma_wait3A_164 : memref<40x128xf32, #tpu.memory_space<vmem_shared>>)
    %dma_wait3A_165 = arith.constant 0 : i32
    %dma_wait3A_166 = tpu.memref_slice %arg7[%mul3A_10, %dma_wait3A_165] : memref<10240x128xf32, #tpu.memory_space<vmem_shared>> -> memref<40x128xf32, #tpu.memory_space<vmem_shared>>
    %dma_wait3A_167 = arith.constant 0 : i32
    %dma_wait3A_168 = tpu.memref_slice %arg7[%mul3A_10, %dma_wait3A_167] : memref<10240x128xf32, #tpu.memory_space<vmem_shared>> -> memref<40x128xf32, #tpu.memory_space<vmem_shared>>
    tpu.wait_dma2 semaphore(%arg36 : memref<!tpu.dma_semaphore, #tpu.memory_space<semaphore_mem>>) src(%arg16 : memref<40x128xf32, #tpu.memory_space<vmem>>) dst(%dma_wait3A_168 : memref<40x128xf32, #tpu.memory_space<vmem_shared>>)
    %barrier3A = arith.constant 0 : index
    tpu.barrier barrier_id(%barrier3A)
    %add3A_169 = arith.constant 0 : i32
    %add3A_170 = arith.addi %add3A_4, %add3A_169 : i32
    %multiple_of3A = tpu.assume_multiple %add3A_170, 8 : i32
    %add3A_171 = arith.constant 0 : i32
    %add3A_172 = arith.addi %mul3A_2, %add3A_171 : i32
    %multiple_of3A_173 = tpu.assume_multiple %add3A_172, 8 : i32
    %dma_start3A_174 = tpu.memref_slice %arg4[%multiple_of3A] : memref<320000xi32, #tpu.memory_space<hbm>> -> memref<40xi32, #tpu.memory_space<hbm>>
    %dma_start3A_175 = tpu.memref_slice %arg4[%multiple_of3A] : memref<320000xi32, #tpu.memory_space<hbm>> -> memref<40xi32, #tpu.memory_space<hbm>>
    tpu.enqueue_dma source(%dma_start3A_175 : memref<40xi32, #tpu.memory_space<hbm>>) target(%arg8 : memref<40xi32, #tpu.memory_space<vmem>>) target_semaphore(%arg24 : memref<!tpu.dma_semaphore, #tpu.memory_space<semaphore_mem>>)
    %dma_start3A_176 = tpu.memref_slice %arg5[%multiple_of3A] : memref<320000xi32, #tpu.memory_space<hbm>> -> memref<40xi32, #tpu.memory_space<hbm>>
    %dma_start3A_177 = tpu.memref_slice %arg5[%multiple_of3A] : memref<320000xi32, #tpu.memory_space<hbm>> -> memref<40xi32, #tpu.memory_space<hbm>>
    tpu.enqueue_dma source(%dma_start3A_177 : memref<40xi32, #tpu.memory_space<hbm>>) target(%arg12 : memref<40xi32, #tpu.memory_space<vmem>>) target_semaphore(%arg28 : memref<!tpu.dma_semaphore, #tpu.memory_space<semaphore_mem>>)
    %dma_start3A_178 = arith.constant 0 : i32
    %dma_start3A_179 = tpu.memref_slice %arg3[%multiple_of3A_173, %dma_start3A_178] : memref<96000x64xi32, #tpu.memory_space<hbm>> -> memref<40x64xi32, #tpu.memory_space<hbm>>
    %dma_start3A_180 = arith.constant 0 : i32
    %dma_start3A_181 = tpu.memref_slice %arg3[%multiple_of3A_173, %dma_start3A_180] : memref<96000x64xi32, #tpu.memory_space<hbm>> -> memref<40x64xi32, #tpu.memory_space<hbm>>
    tpu.enqueue_dma source(%dma_start3A_181 : memref<40x64xi32, #tpu.memory_space<hbm>>) target(%arg20 : memref<40x64xi32, #tpu.memory_space<vmem>>) target_semaphore(%arg32 : memref<!tpu.dma_semaphore, #tpu.memory_space<semaphore_mem>>)
    %add3A_182 = arith.constant 40 : i32
    %add3A_183 = arith.addi %add3A_4, %add3A_182 : i32
    %multiple_of3A_184 = tpu.assume_multiple %add3A_183, 8 : i32
    %add3A_185 = arith.constant 40 : i32
    %add3A_186 = arith.addi %mul3A_2, %add3A_185 : i32
    %multiple_of3A_187 = tpu.assume_multiple %add3A_186, 8 : i32
    %dma_start3A_188 = tpu.memref_slice %arg4[%multiple_of3A_184] : memref<320000xi32, #tpu.memory_space<hbm>> -> memref<40xi32, #tpu.memory_space<hbm>>
    %dma_start3A_189 = tpu.memref_slice %arg4[%multiple_of3A_184] : memref<320000xi32, #tpu.memory_space<hbm>> -> memref<40xi32, #tpu.memory_space<hbm>>
    tpu.enqueue_dma source(%dma_start3A_189 : memref<40xi32, #tpu.memory_space<hbm>>) target(%arg9 : memref<40xi32, #tpu.memory_space<vmem>>) target_semaphore(%arg25 : memref<!tpu.dma_semaphore, #tpu.memory_space<semaphore_mem>>)
    %dma_start3A_190 = tpu.memref_slice %arg5[%multiple_of3A_184] : memref<320000xi32, #tpu.memory_space<hbm>> -> memref<40xi32, #tpu.memory_space<hbm>>
    %dma_start3A_191 = tpu.memref_slice %arg5[%multiple_of3A_184] : memref<320000xi32, #tpu.memory_space<hbm>> -> memref<40xi32, #tpu.memory_space<hbm>>
    tpu.enqueue_dma source(%dma_start3A_191 : memref<40xi32, #tpu.memory_space<hbm>>) target(%arg13 : memref<40xi32, #tpu.memory_space<vmem>>) target_semaphore(%arg29 : memref<!tpu.dma_semaphore, #tpu.memory_space<semaphore_mem>>)
    %dma_start3A_192 = arith.constant 0 : i32
    %dma_start3A_193 = tpu.memref_slice %arg3[%multiple_of3A_187, %dma_start3A_192] : memref<96000x64xi32, #tpu.memory_space<hbm>> -> memref<40x64xi32, #tpu.memory_space<hbm>>
    %dma_start3A_194 = arith.constant 0 : i32
    %dma_start3A_195 = tpu.memref_slice %arg3[%multiple_of3A_187, %dma_start3A_194] : memref<96000x64xi32, #tpu.memory_space<hbm>> -> memref<40x64xi32, #tpu.memory_space<hbm>>
    tpu.enqueue_dma source(%dma_start3A_195 : memref<40x64xi32, #tpu.memory_space<hbm>>) target(%arg21 : memref<40x64xi32, #tpu.memory_space<vmem>>) target_semaphore(%arg33 : memref<!tpu.dma_semaphore, #tpu.memory_space<semaphore_mem>>)
    %dma_wait3A_196 = arith.constant 0 : i32
    %dma_wait3A_197 = tpu.memref_slice %arg4[%dma_wait3A_196] : memref<320000xi32, #tpu.memory_space<hbm>> -> memref<40xi32, #tpu.memory_space<hbm>>
    %dma_wait3A_198 = arith.constant 0 : i32
    %dma_wait3A_199 = tpu.memref_slice %arg4[%dma_wait3A_198] : memref<320000xi32, #tpu.memory_space<hbm>> -> memref<40xi32, #tpu.memory_space<hbm>>
    tpu.wait_dma2 semaphore(%arg24 : memref<!tpu.dma_semaphore, #tpu.memory_space<semaphore_mem>>) src(%dma_wait3A_199 : memref<40xi32, #tpu.memory_space<hbm>>) dst(%arg8 : memref<40xi32, #tpu.memory_space<vmem>>)
    %dma_start3A_200 = arith.constant 0 : i32
    %dma_start3A_201 = arith.constant 0 : i32
    %dma_start3A_202 = tpu.memref_slice %arg2[%dma_start3A_200, %dma_start3A_201] : memref<10000x128xf32, #tpu.memory_space<hbm>> -> memref<10000x128xf32, #tpu.memory_space<hbm>>
    tpu.enqueue_indirect_dma source(%dma_start3A_202 : memref<10000x128xf32, #tpu.memory_space<hbm>>) target(%arg16 : memref<40x128xf32, #tpu.memory_space<vmem>>) offsets(%arg8 : memref<40xi32, #tpu.memory_space<vmem>>) semaphore(%arg36 : memref<!tpu.dma_semaphore, #tpu.memory_space<semaphore_mem>>)
    %scan3A_203 = arith.constant 0 : i32
    %scan3A_204 = arith.constant 19 : i32
    %scan3A_205 = arith.addi %scan3A_203, %scan3A_204 : i32
    %scan3A_206 = arith.constant 1 : i32
    scf.for %scan3A_445 = %scan3A_203 to %scan3A_205 step %scan3A_206  : i32 {
      %mul3A_446 = arith.constant 4 : i32
      %mul3A_447 = arith.muli %scan3A_445, %mul3A_446 : i32
      %add3A_448 = arith.constant 0 : i32
      %add3A_449 = arith.addi %mul3A_447, %add3A_448 : i32
      %add3A_450 = arith.constant 2 : i32
      %add3A_451 = arith.addi %add3A_449, %add3A_450 : i32
      %le3A = arith.constant 74 : i32
      %le3A_452 = arith.cmpi sle, %add3A_451, %le3A : i32
      %convert_element_type3A = arith.extui %le3A_452 : i1 to i32
      %cond3A = arith.constant 0 : i32
      %cond3A_453 = arith.cmpi ne, %convert_element_type3A, %cond3A : i32
      scf.if %cond3A_453 {
        %sub3A = arith.constant 2 : i32
        %sub3A_529 = arith.subi %add3A_449, %sub3A : i32
        %ge3A = arith.constant 0 : i32
        %ge3A_530 = arith.cmpi sge, %sub3A_529, %ge3A : i32
        %convert_element_type3A_531 = arith.extui %ge3A_530 : i1 to i32
        %cond3A_532 = arith.constant 0 : i32
        %cond3A_533 = arith.cmpi ne, %convert_element_type3A_531, %cond3A_532 : i32
        scf.if %cond3A_533 {
          %dma_wait3A_552 = arith.constant 0 : i32
          %dma_wait3A_553 = arith.constant 0 : i32
          %dma_wait3A_554 = tpu.memref_slice %arg7[%dma_wait3A_552, %dma_wait3A_553] : memref<10240x128xf32, #tpu.memory_space<vmem_shared>> -> memref<10240x128xf32, #tpu.memory_space<vmem_shared>>
          tpu.wait_indirect_dma semaphore(%arg42 : memref<!tpu.dma_semaphore, #tpu.memory_space<semaphore_mem>>) src(%arg18 : memref<40x128xf32, #tpu.memory_space<vmem>>) dst(%dma_wait3A_554 : memref<10240x128xf32, #tpu.memory_space<vmem_shared>>)
        } else {
        }
        %add3A_534 = arith.constant 2 : i32
        %add3A_535 = arith.addi %add3A_449, %add3A_534 : i32
        %mul3A_536 = arith.constant 40 : i32
        %mul3A_537 = arith.muli %add3A_535, %mul3A_536 : i32
        %add3A_538 = arith.addi %add3A_4, %mul3A_537 : i32
        %multiple_of3A_539 = tpu.assume_multiple %add3A_538, 8 : i32
        %mul3A_540 = arith.constant 40 : i32
        %mul3A_541 = arith.muli %add3A_535, %mul3A_540 : i32
        %add3A_542 = arith.addi %mul3A_2, %mul3A_541 : i32
        %multiple_of3A_543 = tpu.assume_multiple %add3A_542, 8 : i32
        %dma_start3A_544 = tpu.memref_slice %arg4[%multiple_of3A_539] : memref<320000xi32, #tpu.memory_space<hbm>> -> memref<40xi32, #tpu.memory_space<hbm>>
        %dma_start3A_545 = tpu.memref_slice %arg4[%multiple_of3A_539] : memref<320000xi32, #tpu.memory_space<hbm>> -> memref<40xi32, #tpu.memory_space<hbm>>
        tpu.enqueue_dma source(%dma_start3A_545 : memref<40xi32, #tpu.memory_space<hbm>>) target(%arg10 : memref<40xi32, #tpu.memory_space<vmem>>) target_semaphore(%arg26 : memref<!tpu.dma_semaphore, #tpu.memory_space<semaphore_mem>>)
        %dma_start3A_546 = tpu.memref_slice %arg5[%multiple_of3A_539] : memref<320000xi32, #tpu.memory_space<hbm>> -> memref<40xi32, #tpu.memory_space<hbm>>
        %dma_start3A_547 = tpu.memref_slice %arg5[%multiple_of3A_539] : memref<320000xi32, #tpu.memory_space<hbm>> -> memref<40xi32, #tpu.memory_space<hbm>>
        tpu.enqueue_dma source(%dma_start3A_547 : memref<40xi32, #tpu.memory_space<hbm>>) target(%arg14 : memref<40xi32, #tpu.memory_space<vmem>>) target_semaphore(%arg30 : memref<!tpu.dma_semaphore, #tpu.memory_space<semaphore_mem>>)
        %dma_start3A_548 = arith.constant 0 : i32
        %dma_start3A_549 = tpu.memref_slice %arg3[%multiple_of3A_543, %dma_start3A_548] : memref<96000x64xi32, #tpu.memory_space<hbm>> -> memref<40x64xi32, #tpu.memory_space<hbm>>
        %dma_start3A_550 = arith.constant 0 : i32
        %dma_start3A_551 = tpu.memref_slice %arg3[%multiple_of3A_543, %dma_start3A_550] : memref<96000x64xi32, #tpu.memory_space<hbm>> -> memref<40x64xi32, #tpu.memory_space<hbm>>
        tpu.enqueue_dma source(%dma_start3A_551 : memref<40x64xi32, #tpu.memory_space<hbm>>) target(%arg22 : memref<40x64xi32, #tpu.memory_space<vmem>>) target_semaphore(%arg34 : memref<!tpu.dma_semaphore, #tpu.memory_space<semaphore_mem>>)
      } else {
      }
      %add3A_454 = arith.constant 1 : i32
      %add3A_455 = arith.addi %add3A_449, %add3A_454 : i32
      %le3A_456 = arith.constant 74 : i32
      %le3A_457 = arith.cmpi sle, %add3A_455, %le3A_456 : i32
      %convert_element_type3A_458 = arith.extui %le3A_457 : i1 to i32
      %cond3A_459 = arith.constant 0 : i32
      %cond3A_460 = arith.cmpi ne, %convert_element_type3A_458, %cond3A_459 : i32
      scf.if %cond3A_460 {
        %dma_wait3A_529 = arith.constant 0 : i32
        %dma_wait3A_530 = tpu.memref_slice %arg4[%dma_wait3A_529] : memref<320000xi32, #tpu.memory_space<hbm>> -> memref<40xi32, #tpu.memory_space<hbm>>
        %dma_wait3A_531 = arith.constant 0 : i32
        %dma_wait3A_532 = tpu.memref_slice %arg4[%dma_wait3A_531] : memref<320000xi32, #tpu.memory_space<hbm>> -> memref<40xi32, #tpu.memory_space<hbm>>
        tpu.wait_dma2 semaphore(%arg25 : memref<!tpu.dma_semaphore, #tpu.memory_space<semaphore_mem>>) src(%dma_wait3A_532 : memref<40xi32, #tpu.memory_space<hbm>>) dst(%arg9 : memref<40xi32, #tpu.memory_space<vmem>>)
        %dma_start3A_533 = arith.constant 0 : i32
        %dma_start3A_534 = arith.constant 0 : i32
        %dma_start3A_535 = tpu.memref_slice %arg2[%dma_start3A_533, %dma_start3A_534] : memref<10000x128xf32, #tpu.memory_space<hbm>> -> memref<10000x128xf32, #tpu.memory_space<hbm>>
        tpu.enqueue_indirect_dma source(%dma_start3A_535 : memref<10000x128xf32, #tpu.memory_space<hbm>>) target(%arg17 : memref<40x128xf32, #tpu.memory_space<vmem>>) offsets(%arg9 : memref<40xi32, #tpu.memory_space<vmem>>) semaphore(%arg37 : memref<!tpu.dma_semaphore, #tpu.memory_space<semaphore_mem>>)
      } else {
      }
      %le3A_461 = arith.constant 74 : i32
      %le3A_462 = arith.cmpi sle, %add3A_449, %le3A_461 : i32
      %convert_element_type3A_463 = arith.extui %le3A_462 : i1 to i32
      %cond3A_464 = arith.constant 0 : i32
      %cond3A_465 = arith.cmpi ne, %convert_element_type3A_463, %cond3A_464 : i32
      scf.if %cond3A_465 {
        %dma_wait3A_529 = arith.constant 0 : i32
        %dma_wait3A_530 = arith.constant 0 : i32
        %dma_wait3A_531 = tpu.memref_slice %arg3[%dma_wait3A_529, %dma_wait3A_530] : memref<96000x64xi32, #tpu.memory_space<hbm>> -> memref<40x64xi32, #tpu.memory_space<hbm>>
        %dma_wait3A_532 = arith.constant 0 : i32
        %dma_wait3A_533 = arith.constant 0 : i32
        %dma_wait3A_534 = tpu.memref_slice %arg3[%dma_wait3A_532, %dma_wait3A_533] : memref<96000x64xi32, #tpu.memory_space<hbm>> -> memref<40x64xi32, #tpu.memory_space<hbm>>
        tpu.wait_dma2 semaphore(%arg32 : memref<!tpu.dma_semaphore, #tpu.memory_space<semaphore_mem>>) src(%dma_wait3A_534 : memref<40x64xi32, #tpu.memory_space<hbm>>) dst(%arg20 : memref<40x64xi32, #tpu.memory_space<vmem>>)
        %dma_wait3A_535 = arith.constant 0 : i32
        %dma_wait3A_536 = arith.constant 0 : i32
        %dma_wait3A_537 = tpu.memref_slice %arg2[%dma_wait3A_535, %dma_wait3A_536] : memref<10000x128xf32, #tpu.memory_space<hbm>> -> memref<10000x128xf32, #tpu.memory_space<hbm>>
        tpu.wait_indirect_dma semaphore(%arg36 : memref<!tpu.dma_semaphore, #tpu.memory_space<semaphore_mem>>) src(%dma_wait3A_537 : memref<10000x128xf32, #tpu.memory_space<hbm>>) dst(%arg16 : memref<40x128xf32, #tpu.memory_space<vmem>>)
        %scan3A_538 = arith.constant -65536 : i32
        %scan3A_539 = arith.constant 0 : i32
        %scan3A_540 = arith.constant 40 : i32
        %scan3A_541 = arith.addi %scan3A_539, %scan3A_540 : i32
        %scan3A_542 = arith.constant 1 : i32
        scf.for %scan3A_551 = %scan3A_539 to %scan3A_541 step %scan3A_542  : i32 {
          %get3A = arith.index_cast %scan3A_551 : i32 to index
          %get3A_552 = arith.constant 0 : index
          %get3A_553 = tpu.vector_load %arg20[%get3A, %get3A_552] {strides = array<i32>} : memref<40x64xi32, #tpu.memory_space<vmem>>, vector<1x16xi32>,
          %get3A_554 = vector.shape_cast %get3A_553 : vector<1x16xi32> to vector<16xi32>
          %shift_left3A = arith.constant 16 : i32
          %shift_left3A_555 = vector.broadcast %shift_left3A : i32 to vector<16xi32>
          %shift_left3A_556 = arith.shli %get3A_554, %shift_left3A_555 : vector<16xi32>
          %bitcast_convert_type3A = tpu.bitcast %shift_left3A_556 : vector<16xi32> -> vector<16xf32>
          %and3A = vector.broadcast %scan3A_538 : i32 to vector<16xi32>
          %and3A_557 = arith.andi %get3A_554, %and3A : vector<16xi32>
          %bitcast_convert_type3A_558 = tpu.bitcast %and3A_557 : vector<16xi32> -> vector<16xf32>
          %get3A_559 = arith.index_cast %scan3A_551 : i32 to index
          %get3A_560 = arith.constant 0 : index
          %get3A_561 = tpu.vector_load %arg16[%get3A_559, %get3A_560] {strides = array<i32>} : memref<40x128xf32, #tpu.memory_space<vmem>>, vector<1x16xf32>,
          %get3A_562 = vector.shape_cast %get3A_561 : vector<1x16xf32> to vector<16xf32>
          %mul3A_563 = arith.mulf %get3A_562, %bitcast_convert_type3A : vector<16xf32>
          %swap3A = arith.index_cast %scan3A_551 : i32 to index
          %swap3A_564 = arith.constant 0 : index
          %swap3A_565 = tpu.vector_load %arg16[%swap3A, %swap3A_564] {strides = array<i32>} : memref<40x128xf32, #tpu.memory_space<vmem>>, vector<1x16xf32>,
          %swap3A_566 = vector.shape_cast %swap3A_565 : vector<1x16xf32> to vector<16xf32>
          %swap3A_567 = vector.shape_cast %mul3A_563 : vector<16xf32> to vector<1x16xf32>
          tpu.vector_store %arg16[%swap3A, %swap3A_564], %swap3A_567 {strides = array<i32>} : memref<40x128xf32, #tpu.memory_space<vmem>>, vector<1x16xf32>,
          %get3A_568 = arith.index_cast %scan3A_551 : i32 to index
          %get3A_569 = arith.constant 64 : index
          %get3A_570 = tpu.vector_load %arg16[%get3A_568, %get3A_569] {strides = array<i32>} : memref<40x128xf32, #tpu.memory_space<vmem>>, vector<1x16xf32>,
          %get3A_571 = vector.shape_cast %get3A_570 : vector<1x16xf32> to vector<16xf32>
          %mul3A_572 = arith.mulf %get3A_571, %bitcast_convert_type3A_558 : vector<16xf32>
          %swap3A_573 = arith.index_cast %scan3A_551 : i32 to index
          %swap3A_574 = arith.constant 64 : index
          %swap3A_575 = tpu.vector_load %arg16[%swap3A_573, %swap3A_574] {strides = array<i32>} : memref<40x128xf32, #tpu.memory_space<vmem>>, vector<1x16xf32>,
          %swap3A_576 = vector.shape_cast %swap3A_575 : vector<1x16xf32> to vector<16xf32>
          %swap3A_577 = vector.shape_cast %mul3A_572 : vector<16xf32> to vector<1x16xf32>
          tpu.vector_store %arg16[%swap3A_573, %swap3A_574], %swap3A_577 {strides = array<i32>} : memref<40x128xf32, #tpu.memory_space<vmem>>, vector<1x16xf32>,
          %get3A_578 = arith.index_cast %scan3A_551 : i32 to index
          %get3A_579 = arith.constant 16 : index
          %get3A_580 = tpu.vector_load %arg20[%get3A_578, %get3A_579] {strides = array<i32>} : memref<40x64xi32, #tpu.memory_space<vmem>>, vector<1x16xi32>,
          %get3A_581 = vector.shape_cast %get3A_580 : vector<1x16xi32> to vector<16xi32>
          %shift_left3A_582 = arith.constant 16 : i32
          %shift_left3A_583 = vector.broadcast %shift_left3A_582 : i32 to vector<16xi32>
          %shift_left3A_584 = arith.shli %get3A_581, %shift_left3A_583 : vector<16xi32>
          %bitcast_convert_type3A_585 = tpu.bitcast %shift_left3A_584 : vector<16xi32> -> vector<16xf32>
          %and3A_586 = vector.broadcast %scan3A_538 : i32 to vector<16xi32>
          %and3A_587 = arith.andi %get3A_581, %and3A_586 : vector<16xi32>
          %bitcast_convert_type3A_588 = tpu.bitcast %and3A_587 : vector<16xi32> -> vector<16xf32>
          %get3A_589 = arith.index_cast %scan3A_551 : i32 to index
          %get3A_590 = arith.constant 16 : index
          %get3A_591 = tpu.vector_load %arg16[%get3A_589, %get3A_590] {strides = array<i32>} : memref<40x128xf32, #tpu.memory_space<vmem>>, vector<1x16xf32>,
          %get3A_592 = vector.shape_cast %get3A_591 : vector<1x16xf32> to vector<16xf32>
          %mul3A_593 = arith.mulf %get3A_592, %bitcast_convert_type3A_585 : vector<16xf32>
          %swap3A_594 = arith.index_cast %scan3A_551 : i32 to index
          %swap3A_595 = arith.constant 16 : index
          %swap3A_596 = tpu.vector_load %arg16[%swap3A_594, %swap3A_595] {strides = array<i32>} : memref<40x128xf32, #tpu.memory_space<vmem>>, vector<1x16xf32>,
          %swap3A_597 = vector.shape_cast %swap3A_596 : vector<1x16xf32> to vector<16xf32>
          %swap3A_598 = vector.shape_cast %mul3A_593 : vector<16xf32> to vector<1x16xf32>
          tpu.vector_store %arg16[%swap3A_594, %swap3A_595], %swap3A_598 {strides = array<i32>} : memref<40x128xf32, #tpu.memory_space<vmem>>, vector<1x16xf32>,
          %get3A_599 = arith.index_cast %scan3A_551 : i32 to index
          %get3A_600 = arith.constant 80 : index
          %get3A_601 = tpu.vector_load %arg16[%get3A_599, %get3A_600] {strides = array<i32>} : memref<40x128xf32, #tpu.memory_space<vmem>>, vector<1x16xf32>,
          %get3A_602 = vector.shape_cast %get3A_601 : vector<1x16xf32> to vector<16xf32>
          %mul3A_603 = arith.mulf %get3A_602, %bitcast_convert_type3A_588 : vector<16xf32>
          %swap3A_604 = arith.index_cast %scan3A_551 : i32 to index
          %swap3A_605 = arith.constant 80 : index
          %swap3A_606 = tpu.vector_load %arg16[%swap3A_604, %swap3A_605] {strides = array<i32>} : memref<40x128xf32, #tpu.memory_space<vmem>>, vector<1x16xf32>,
          %swap3A_607 = vector.shape_cast %swap3A_606 : vector<1x16xf32> to vector<16xf32>
          %swap3A_608 = vector.shape_cast %mul3A_603 : vector<16xf32> to vector<1x16xf32>
          tpu.vector_store %arg16[%swap3A_604, %swap3A_605], %swap3A_608 {strides = array<i32>} : memref<40x128xf32, #tpu.memory_space<vmem>>, vector<1x16xf32>,
          %get3A_609 = arith.index_cast %scan3A_551 : i32 to index
          %get3A_610 = arith.constant 32 : index
          %get3A_611 = tpu.vector_load %arg20[%get3A_609, %get3A_610] {strides = array<i32>} : memref<40x64xi32, #tpu.memory_space<vmem>>, vector<1x16xi32>,
          %get3A_612 = vector.shape_cast %get3A_611 : vector<1x16xi32> to vector<16xi32>
          %shift_left3A_613 = arith.constant 16 : i32
          %shift_left3A_614 = vector.broadcast %shift_left3A_613 : i32 to vector<16xi32>
          %shift_left3A_615 = arith.shli %get3A_612, %shift_left3A_614 : vector<16xi32>
          %bitcast_convert_type3A_616 = tpu.bitcast %shift_left3A_615 : vector<16xi32> -> vector<16xf32>
          %and3A_617 = vector.broadcast %scan3A_538 : i32 to vector<16xi32>
          %and3A_618 = arith.andi %get3A_612, %and3A_617 : vector<16xi32>
          %bitcast_convert_type3A_619 = tpu.bitcast %and3A_618 : vector<16xi32> -> vector<16xf32>
          %get3A_620 = arith.index_cast %scan3A_551 : i32 to index
          %get3A_621 = arith.constant 32 : index
          %get3A_622 = tpu.vector_load %arg16[%get3A_620, %get3A_621] {strides = array<i32>} : memref<40x128xf32, #tpu.memory_space<vmem>>, vector<1x16xf32>,
          %get3A_623 = vector.shape_cast %get3A_622 : vector<1x16xf32> to vector<16xf32>
          %mul3A_624 = arith.mulf %get3A_623, %bitcast_convert_type3A_616 : vector<16xf32>
          %swap3A_625 = arith.index_cast %scan3A_551 : i32 to index
          %swap3A_626 = arith.constant 32 : index
          %swap3A_627 = tpu.vector_load %arg16[%swap3A_625, %swap3A_626] {strides = array<i32>} : memref<40x128xf32, #tpu.memory_space<vmem>>, vector<1x16xf32>,
          %swap3A_628 = vector.shape_cast %swap3A_627 : vector<1x16xf32> to vector<16xf32>
          %swap3A_629 = vector.shape_cast %mul3A_624 : vector<16xf32> to vector<1x16xf32>
          tpu.vector_store %arg16[%swap3A_625, %swap3A_626], %swap3A_629 {strides = array<i32>} : memref<40x128xf32, #tpu.memory_space<vmem>>, vector<1x16xf32>,
          %get3A_630 = arith.index_cast %scan3A_551 : i32 to index
          %get3A_631 = arith.constant 96 : index
          %get3A_632 = tpu.vector_load %arg16[%get3A_630, %get3A_631] {strides = array<i32>} : memref<40x128xf32, #tpu.memory_space<vmem>>, vector<1x16xf32>,
          %get3A_633 = vector.shape_cast %get3A_632 : vector<1x16xf32> to vector<16xf32>
          %mul3A_634 = arith.mulf %get3A_633, %bitcast_convert_type3A_619 : vector<16xf32>
          %swap3A_635 = arith.index_cast %scan3A_551 : i32 to index
          %swap3A_636 = arith.constant 96 : index
          %swap3A_637 = tpu.vector_load %arg16[%swap3A_635, %swap3A_636] {strides = array<i32>} : memref<40x128xf32, #tpu.memory_space<vmem>>, vector<1x16xf32>,
          %swap3A_638 = vector.shape_cast %swap3A_637 : vector<1x16xf32> to vector<16xf32>
          %swap3A_639 = vector.shape_cast %mul3A_634 : vector<16xf32> to vector<1x16xf32>
          tpu.vector_store %arg16[%swap3A_635, %swap3A_636], %swap3A_639 {strides = array<i32>} : memref<40x128xf32, #tpu.memory_space<vmem>>, vector<1x16xf32>,
          %get3A_640 = arith.index_cast %scan3A_551 : i32 to index
          %get3A_641 = arith.constant 48 : index
          %get3A_642 = tpu.vector_load %arg20[%get3A_640, %get3A_641] {strides = array<i32>} : memref<40x64xi32, #tpu.memory_space<vmem>>, vector<1x16xi32>,
          %get3A_643 = vector.shape_cast %get3A_642 : vector<1x16xi32> to vector<16xi32>
          %shift_left3A_644 = arith.constant 16 : i32
          %shift_left3A_645 = vector.broadcast %shift_left3A_644 : i32 to vector<16xi32>
          %shift_left3A_646 = arith.shli %get3A_643, %shift_left3A_645 : vector<16xi32>
          %bitcast_convert_type3A_647 = tpu.bitcast %shift_left3A_646 : vector<16xi32> -> vector<16xf32>
          %and3A_648 = vector.broadcast %scan3A_538 : i32 to vector<16xi32>
          %and3A_649 = arith.andi %get3A_643, %and3A_648 : vector<16xi32>
          %bitcast_convert_type3A_650 = tpu.bitcast %and3A_649 : vector<16xi32> -> vector<16xf32>
          %get3A_651 = arith.index_cast %scan3A_551 : i32 to index
          %get3A_652 = arith.constant 48 : index
          %get3A_653 = tpu.vector_load %arg16[%get3A_651, %get3A_652] {strides = array<i32>} : memref<40x128xf32, #tpu.memory_space<vmem>>, vector<1x16xf32>,
          %get3A_654 = vector.shape_cast %get3A_653 : vector<1x16xf32> to vector<16xf32>
          %mul3A_655 = arith.mulf %get3A_654, %bitcast_convert_type3A_647 : vector<16xf32>
          %swap3A_656 = arith.index_cast %scan3A_551 : i32 to index
          %swap3A_657 = arith.constant 48 : index
          %swap3A_658 = tpu.vector_load %arg16[%swap3A_656, %swap3A_657] {strides = array<i32>} : memref<40x128xf32, #tpu.memory_space<vmem>>, vector<1x16xf32>,
          %swap3A_659 = vector.shape_cast %swap3A_658 : vector<1x16xf32> to vector<16xf32>
          %swap3A_660 = vector.shape_cast %mul3A_655 : vector<16xf32> to vector<1x16xf32>
          tpu.vector_store %arg16[%swap3A_656, %swap3A_657], %swap3A_660 {strides = array<i32>} : memref<40x128xf32, #tpu.memory_space<vmem>>, vector<1x16xf32>,
          %get3A_661 = arith.index_cast %scan3A_551 : i32 to index
          %get3A_662 = arith.constant 112 : index
          %get3A_663 = tpu.vector_load %arg16[%get3A_661, %get3A_662] {strides = array<i32>} : memref<40x128xf32, #tpu.memory_space<vmem>>, vector<1x16xf32>,
          %get3A_664 = vector.shape_cast %get3A_663 : vector<1x16xf32> to vector<16xf32>
          %mul3A_665 = arith.mulf %get3A_664, %bitcast_convert_type3A_650 : vector<16xf32>
          %swap3A_666 = arith.index_cast %scan3A_551 : i32 to index
          %swap3A_667 = arith.constant 112 : index
          %swap3A_668 = tpu.vector_load %arg16[%swap3A_666, %swap3A_667] {strides = array<i32>} : memref<40x128xf32, #tpu.memory_space<vmem>>, vector<1x16xf32>,
          %swap3A_669 = vector.shape_cast %swap3A_668 : vector<1x16xf32> to vector<16xf32>
          %swap3A_670 = vector.shape_cast %mul3A_665 : vector<16xf32> to vector<1x16xf32>
          tpu.vector_store %arg16[%swap3A_666, %swap3A_667], %swap3A_670 {strides = array<i32>} : memref<40x128xf32, #tpu.memory_space<vmem>>, vector<1x16xf32>,
        }
        %scan3A_543 = arith.constant 40 : i32
        %dma_wait3A_544 = arith.constant 0 : i32
        %dma_wait3A_545 = tpu.memref_slice %arg5[%dma_wait3A_544] : memref<320000xi32, #tpu.memory_space<hbm>> -> memref<40xi32, #tpu.memory_space<hbm>>
        %dma_wait3A_546 = arith.constant 0 : i32
        %dma_wait3A_547 = tpu.memref_slice %arg5[%dma_wait3A_546] : memref<320000xi32, #tpu.memory_space<hbm>> -> memref<40xi32, #tpu.memory_space<hbm>>
        tpu.wait_dma2 semaphore(%arg28 : memref<!tpu.dma_semaphore, #tpu.memory_space<semaphore_mem>>) src(%dma_wait3A_547 : memref<40xi32, #tpu.memory_space<hbm>>) dst(%arg12 : memref<40xi32, #tpu.memory_space<vmem>>)
        %dma_start3A_548 = arith.constant 0 : i32
        %dma_start3A_549 = arith.constant 0 : i32
        %dma_start3A_550 = tpu.memref_slice %arg7[%dma_start3A_548, %dma_start3A_549] : memref<10240x128xf32, #tpu.memory_space<vmem_shared>> -> memref<10240x128xf32, #tpu.memory_space<vmem_shared>>
        tpu.enqueue_indirect_dma source(%arg16 : memref<40x128xf32, #tpu.memory_space<vmem>>) target(%dma_start3A_550 : memref<10240x128xf32, #tpu.memory_space<vmem_shared>>) offsets(%arg12 : memref<40xi32, #tpu.memory_space<vmem>>) semaphore(%arg40 : memref<!tpu.dma_semaphore, #tpu.memory_space<semaphore_mem>>) {add = true}
      } else {
      }
      %add3A_466 = arith.constant 1 : i32
      %add3A_467 = arith.addi %mul3A_447, %add3A_466 : i32
      %add3A_468 = arith.constant 2 : i32
      %add3A_469 = arith.addi %add3A_467, %add3A_468 : i32
      %le3A_470 = arith.constant 74 : i32
      %le3A_471 = arith.cmpi sle, %add3A_469, %le3A_470 : i32
      %convert_element_type3A_472 = arith.extui %le3A_471 : i1 to i32
      %cond3A_473 = arith.constant 0 : i32
      %cond3A_474 = arith.cmpi ne, %convert_element_type3A_472, %cond3A_473 : i32
      scf.if %cond3A_474 {
        %sub3A = arith.constant 2 : i32
        %sub3A_529 = arith.subi %add3A_467, %sub3A : i32
        %ge3A = arith.constant 0 : i32
        %ge3A_530 = arith.cmpi sge, %sub3A_529, %ge3A : i32
        %convert_element_type3A_531 = arith.extui %ge3A_530 : i1 to i32
        %cond3A_532 = arith.constant 0 : i32
        %cond3A_533 = arith.cmpi ne, %convert_element_type3A_531, %cond3A_532 : i32
        scf.if %cond3A_533 {
          %dma_wait3A_552 = arith.constant 0 : i32
          %dma_wait3A_553 = arith.constant 0 : i32
          %dma_wait3A_554 = tpu.memref_slice %arg7[%dma_wait3A_552, %dma_wait3A_553] : memref<10240x128xf32, #tpu.memory_space<vmem_shared>> -> memref<10240x128xf32, #tpu.memory_space<vmem_shared>>
          tpu.wait_indirect_dma semaphore(%arg43 : memref<!tpu.dma_semaphore, #tpu.memory_space<semaphore_mem>>) src(%arg19 : memref<40x128xf32, #tpu.memory_space<vmem>>) dst(%dma_wait3A_554 : memref<10240x128xf32, #tpu.memory_space<vmem_shared>>)
        } else {
        }
        %add3A_534 = arith.constant 2 : i32
        %add3A_535 = arith.addi %add3A_467, %add3A_534 : i32
        %mul3A_536 = arith.constant 40 : i32
        %mul3A_537 = arith.muli %add3A_535, %mul3A_536 : i32
        %add3A_538 = arith.addi %add3A_4, %mul3A_537 : i32
        %multiple_of3A_539 = tpu.assume_multiple %add3A_538, 8 : i32
        %mul3A_540 = arith.constant 40 : i32
        %mul3A_541 = arith.muli %add3A_535, %mul3A_540 : i32
        %add3A_542 = arith.addi %mul3A_2, %mul3A_541 : i32
        %multiple_of3A_543 = tpu.assume_multiple %add3A_542, 8 : i32
        %dma_start3A_544 = tpu.memref_slice %arg4[%multiple_of3A_539] : memref<320000xi32, #tpu.memory_space<hbm>> -> memref<40xi32, #tpu.memory_space<hbm>>
        %dma_start3A_545 = tpu.memref_slice %arg4[%multiple_of3A_539] : memref<320000xi32, #tpu.memory_space<hbm>> -> memref<40xi32, #tpu.memory_space<hbm>>
        tpu.enqueue_dma source(%dma_start3A_545 : memref<40xi32, #tpu.memory_space<hbm>>) target(%arg11 : memref<40xi32, #tpu.memory_space<vmem>>) target_semaphore(%arg27 : memref<!tpu.dma_semaphore, #tpu.memory_space<semaphore_mem>>)
        %dma_start3A_546 = tpu.memref_slice %arg5[%multiple_of3A_539] : memref<320000xi32, #tpu.memory_space<hbm>> -> memref<40xi32, #tpu.memory_space<hbm>>
        %dma_start3A_547 = tpu.memref_slice %arg5[%multiple_of3A_539] : memref<320000xi32, #tpu.memory_space<hbm>> -> memref<40xi32, #tpu.memory_space<hbm>>
        tpu.enqueue_dma source(%dma_start3A_547 : memref<40xi32, #tpu.memory_space<hbm>>) target(%arg15 : memref<40xi32, #tpu.memory_space<vmem>>) target_semaphore(%arg31 : memref<!tpu.dma_semaphore, #tpu.memory_space<semaphore_mem>>)
        %dma_start3A_548 = arith.constant 0 : i32
        %dma_start3A_549 = tpu.memref_slice %arg3[%multiple_of3A_543, %dma_start3A_548] : memref<96000x64xi32, #tpu.memory_space<hbm>> -> memref<40x64xi32, #tpu.memory_space<hbm>>
        %dma_start3A_550 = arith.constant 0 : i32
        %dma_start3A_551 = tpu.memref_slice %arg3[%multiple_of3A_543, %dma_start3A_550] : memref<96000x64xi32, #tpu.memory_space<hbm>> -> memref<40x64xi32, #tpu.memory_space<hbm>>
        tpu.enqueue_dma source(%dma_start3A_551 : memref<40x64xi32, #tpu.memory_space<hbm>>) target(%arg23 : memref<40x64xi32, #tpu.memory_space<vmem>>) target_semaphore(%arg35 : memref<!tpu.dma_semaphore, #tpu.memory_space<semaphore_mem>>)
      } else {
      }
      %add3A_475 = arith.constant 1 : i32
      %add3A_476 = arith.addi %add3A_467, %add3A_475 : i32
      %le3A_477 = arith.constant 74 : i32
      %le3A_478 = arith.cmpi sle, %add3A_476, %le3A_477 : i32
      %convert_element_type3A_479 = arith.extui %le3A_478 : i1 to i32
      %cond3A_480 = arith.constant 0 : i32
      %cond3A_481 = arith.cmpi ne, %convert_element_type3A_479, %cond3A_480 : i32
      scf.if %cond3A_481 {
        %dma_wait3A_529 = arith.constant 0 : i32
        %dma_wait3A_530 = tpu.memref_slice %arg4[%dma_wait3A_529] : memref<320000xi32, #tpu.memory_space<hbm>> -> memref<40xi32, #tpu.memory_space<hbm>>
        %dma_wait3A_531 = arith.constant 0 : i32
        %dma_wait3A_532 = tpu.memref_slice %arg4[%dma_wait3A_531] : memref<320000xi32, #tpu.memory_space<hbm>> -> memref<40xi32, #tpu.memory_space<hbm>>
        tpu.wait_dma2 semaphore(%arg26 : memref<!tpu.dma_semaphore, #tpu.memory_space<semaphore_mem>>) src(%dma_wait3A_532 : memref<40xi32, #tpu.memory_space<hbm>>) dst(%arg10 : memref<40xi32, #tpu.memory_space<vmem>>)
        %dma_start3A_533 = arith.constant 0 : i32
        %dma_start3A_534 = arith.constant 0 : i32
        %dma_start3A_535 = tpu.memref_slice %arg2[%dma_start3A_533, %dma_start3A_534] : memref<10000x128xf32, #tpu.memory_space<hbm>> -> memref<10000x128xf32, #tpu.memory_space<hbm>>
        tpu.enqueue_indirect_dma source(%dma_start3A_535 : memref<10000x128xf32, #tpu.memory_space<hbm>>) target(%arg18 : memref<40x128xf32, #tpu.memory_space<vmem>>) offsets(%arg10 : memref<40xi32, #tpu.memory_space<vmem>>) semaphore(%arg38 : memref<!tpu.dma_semaphore, #tpu.memory_space<semaphore_mem>>)
      } else {
      }
      %le3A_482 = arith.constant 74 : i32
      %le3A_483 = arith.cmpi sle, %add3A_467, %le3A_482 : i32
      %convert_element_type3A_484 = arith.extui %le3A_483 : i1 to i32
      %cond3A_485 = arith.constant 0 : i32
      %cond3A_486 = arith.cmpi ne, %convert_element_type3A_484, %cond3A_485 : i32
      scf.if %cond3A_486 {
        %dma_wait3A_529 = arith.constant 0 : i32
        %dma_wait3A_530 = arith.constant 0 : i32
        %dma_wait3A_531 = tpu.memref_slice %arg3[%dma_wait3A_529, %dma_wait3A_530] : memref<96000x64xi32, #tpu.memory_space<hbm>> -> memref<40x64xi32, #tpu.memory_space<hbm>>
        %dma_wait3A_532 = arith.constant 0 : i32
        %dma_wait3A_533 = arith.constant 0 : i32
        %dma_wait3A_534 = tpu.memref_slice %arg3[%dma_wait3A_532, %dma_wait3A_533] : memref<96000x64xi32, #tpu.memory_space<hbm>> -> memref<40x64xi32, #tpu.memory_space<hbm>>
        tpu.wait_dma2 semaphore(%arg33 : memref<!tpu.dma_semaphore, #tpu.memory_space<semaphore_mem>>) src(%dma_wait3A_534 : memref<40x64xi32, #tpu.memory_space<hbm>>) dst(%arg21 : memref<40x64xi32, #tpu.memory_space<vmem>>)
        %dma_wait3A_535 = arith.constant 0 : i32
        %dma_wait3A_536 = arith.constant 0 : i32
        %dma_wait3A_537 = tpu.memref_slice %arg2[%dma_wait3A_535, %dma_wait3A_536] : memref<10000x128xf32, #tpu.memory_space<hbm>> -> memref<10000x128xf32, #tpu.memory_space<hbm>>
        tpu.wait_indirect_dma semaphore(%arg37 : memref<!tpu.dma_semaphore, #tpu.memory_space<semaphore_mem>>) src(%dma_wait3A_537 : memref<10000x128xf32, #tpu.memory_space<hbm>>) dst(%arg17 : memref<40x128xf32, #tpu.memory_space<vmem>>)
        %scan3A_538 = arith.constant -65536 : i32
        %scan3A_539 = arith.constant 0 : i32
        %scan3A_540 = arith.constant 40 : i32
        %scan3A_541 = arith.addi %scan3A_539, %scan3A_540 : i32
        %scan3A_542 = arith.constant 1 : i32
        scf.for %scan3A_551 = %scan3A_539 to %scan3A_541 step %scan3A_542  : i32 {
          %get3A = arith.index_cast %scan3A_551 : i32 to index
          %get3A_552 = arith.constant 0 : index
          %get3A_553 = tpu.vector_load %arg21[%get3A, %get3A_552] {strides = array<i32>} : memref<40x64xi32, #tpu.memory_space<vmem>>, vector<1x16xi32>,
          %get3A_554 = vector.shape_cast %get3A_553 : vector<1x16xi32> to vector<16xi32>
          %shift_left3A = arith.constant 16 : i32
          %shift_left3A_555 = vector.broadcast %shift_left3A : i32 to vector<16xi32>
          %shift_left3A_556 = arith.shli %get3A_554, %shift_left3A_555 : vector<16xi32>
          %bitcast_convert_type3A = tpu.bitcast %shift_left3A_556 : vector<16xi32> -> vector<16xf32>
          %and3A = vector.broadcast %scan3A_538 : i32 to vector<16xi32>
          %and3A_557 = arith.andi %get3A_554, %and3A : vector<16xi32>
          %bitcast_convert_type3A_558 = tpu.bitcast %and3A_557 : vector<16xi32> -> vector<16xf32>
          %get3A_559 = arith.index_cast %scan3A_551 : i32 to index
          %get3A_560 = arith.constant 0 : index
          %get3A_561 = tpu.vector_load %arg17[%get3A_559, %get3A_560] {strides = array<i32>} : memref<40x128xf32, #tpu.memory_space<vmem>>, vector<1x16xf32>,
          %get3A_562 = vector.shape_cast %get3A_561 : vector<1x16xf32> to vector<16xf32>
          %mul3A_563 = arith.mulf %get3A_562, %bitcast_convert_type3A : vector<16xf32>
          %swap3A = arith.index_cast %scan3A_551 : i32 to index
          %swap3A_564 = arith.constant 0 : index
          %swap3A_565 = tpu.vector_load %arg17[%swap3A, %swap3A_564] {strides = array<i32>} : memref<40x128xf32, #tpu.memory_space<vmem>>, vector<1x16xf32>,
          %swap3A_566 = vector.shape_cast %swap3A_565 : vector<1x16xf32> to vector<16xf32>
          %swap3A_567 = vector.shape_cast %mul3A_563 : vector<16xf32> to vector<1x16xf32>
          tpu.vector_store %arg17[%swap3A, %swap3A_564], %swap3A_567 {strides = array<i32>} : memref<40x128xf32, #tpu.memory_space<vmem>>, vector<1x16xf32>,
          %get3A_568 = arith.index_cast %scan3A_551 : i32 to index
          %get3A_569 = arith.constant 64 : index
          %get3A_570 = tpu.vector_load %arg17[%get3A_568, %get3A_569] {strides = array<i32>} : memref<40x128xf32, #tpu.memory_space<vmem>>, vector<1x16xf32>,
          %get3A_571 = vector.shape_cast %get3A_570 : vector<1x16xf32> to vector<16xf32>
          %mul3A_572 = arith.mulf %get3A_571, %bitcast_convert_type3A_558 : vector<16xf32>
          %swap3A_573 = arith.index_cast %scan3A_551 : i32 to index
          %swap3A_574 = arith.constant 64 : index
          %swap3A_575 = tpu.vector_load %arg17[%swap3A_573, %swap3A_574] {strides = array<i32>} : memref<40x128xf32, #tpu.memory_space<vmem>>, vector<1x16xf32>,
          %swap3A_576 = vector.shape_cast %swap3A_575 : vector<1x16xf32> to vector<16xf32>
          %swap3A_577 = vector.shape_cast %mul3A_572 : vector<16xf32> to vector<1x16xf32>
          tpu.vector_store %arg17[%swap3A_573, %swap3A_574], %swap3A_577 {strides = array<i32>} : memref<40x128xf32, #tpu.memory_space<vmem>>, vector<1x16xf32>,
          %get3A_578 = arith.index_cast %scan3A_551 : i32 to index
          %get3A_579 = arith.constant 16 : index
          %get3A_580 = tpu.vector_load %arg21[%get3A_578, %get3A_579] {strides = array<i32>} : memref<40x64xi32, #tpu.memory_space<vmem>>, vector<1x16xi32>,
          %get3A_581 = vector.shape_cast %get3A_580 : vector<1x16xi32> to vector<16xi32>
          %shift_left3A_582 = arith.constant 16 : i32
          %shift_left3A_583 = vector.broadcast %shift_left3A_582 : i32 to vector<16xi32>
          %shift_left3A_584 = arith.shli %get3A_581, %shift_left3A_583 : vector<16xi32>
          %bitcast_convert_type3A_585 = tpu.bitcast %shift_left3A_584 : vector<16xi32> -> vector<16xf32>
          %and3A_586 = vector.broadcast %scan3A_538 : i32 to vector<16xi32>
          %and3A_587 = arith.andi %get3A_581, %and3A_586 : vector<16xi32>
          %bitcast_convert_type3A_588 = tpu.bitcast %and3A_587 : vector<16xi32> -> vector<16xf32>
          %get3A_589 = arith.index_cast %scan3A_551 : i32 to index
          %get3A_590 = arith.constant 16 : index
          %get3A_591 = tpu.vector_load %arg17[%get3A_589, %get3A_590] {strides = array<i32>} : memref<40x128xf32, #tpu.memory_space<vmem>>, vector<1x16xf32>,
          %get3A_592 = vector.shape_cast %get3A_591 : vector<1x16xf32> to vector<16xf32>
          %mul3A_593 = arith.mulf %get3A_592, %bitcast_convert_type3A_585 : vector<16xf32>
          %swap3A_594 = arith.index_cast %scan3A_551 : i32 to index
          %swap3A_595 = arith.constant 16 : index
          %swap3A_596 = tpu.vector_load %arg17[%swap3A_594, %swap3A_595] {strides = array<i32>} : memref<40x128xf32, #tpu.memory_space<vmem>>, vector<1x16xf32>,
          %swap3A_597 = vector.shape_cast %swap3A_596 : vector<1x16xf32> to vector<16xf32>
          %swap3A_598 = vector.shape_cast %mul3A_593 : vector<16xf32> to vector<1x16xf32>
          tpu.vector_store %arg17[%swap3A_594, %swap3A_595], %swap3A_598 {strides = array<i32>} : memref<40x128xf32, #tpu.memory_space<vmem>>, vector<1x16xf32>,
          %get3A_599 = arith.index_cast %scan3A_551 : i32 to index
          %get3A_600 = arith.constant 80 : index
          %get3A_601 = tpu.vector_load %arg17[%get3A_599, %get3A_600] {strides = array<i32>} : memref<40x128xf32, #tpu.memory_space<vmem>>, vector<1x16xf32>,
          %get3A_602 = vector.shape_cast %get3A_601 : vector<1x16xf32> to vector<16xf32>
          %mul3A_603 = arith.mulf %get3A_602, %bitcast_convert_type3A_588 : vector<16xf32>
          %swap3A_604 = arith.index_cast %scan3A_551 : i32 to index
          %swap3A_605 = arith.constant 80 : index
          %swap3A_606 = tpu.vector_load %arg17[%swap3A_604, %swap3A_605] {strides = array<i32>} : memref<40x128xf32, #tpu.memory_space<vmem>>, vector<1x16xf32>,
          %swap3A_607 = vector.shape_cast %swap3A_606 : vector<1x16xf32> to vector<16xf32>
          %swap3A_608 = vector.shape_cast %mul3A_603 : vector<16xf32> to vector<1x16xf32>
          tpu.vector_store %arg17[%swap3A_604, %swap3A_605], %swap3A_608 {strides = array<i32>} : memref<40x128xf32, #tpu.memory_space<vmem>>, vector<1x16xf32>,
          %get3A_609 = arith.index_cast %scan3A_551 : i32 to index
          %get3A_610 = arith.constant 32 : index
          %get3A_611 = tpu.vector_load %arg21[%get3A_609, %get3A_610] {strides = array<i32>} : memref<40x64xi32, #tpu.memory_space<vmem>>, vector<1x16xi32>,
          %get3A_612 = vector.shape_cast %get3A_611 : vector<1x16xi32> to vector<16xi32>
          %shift_left3A_613 = arith.constant 16 : i32
          %shift_left3A_614 = vector.broadcast %shift_left3A_613 : i32 to vector<16xi32>
          %shift_left3A_615 = arith.shli %get3A_612, %shift_left3A_614 : vector<16xi32>
          %bitcast_convert_type3A_616 = tpu.bitcast %shift_left3A_615 : vector<16xi32> -> vector<16xf32>
          %and3A_617 = vector.broadcast %scan3A_538 : i32 to vector<16xi32>
          %and3A_618 = arith.andi %get3A_612, %and3A_617 : vector<16xi32>
          %bitcast_convert_type3A_619 = tpu.bitcast %and3A_618 : vector<16xi32> -> vector<16xf32>
          %get3A_620 = arith.index_cast %scan3A_551 : i32 to index
          %get3A_621 = arith.constant 32 : index
          %get3A_622 = tpu.vector_load %arg17[%get3A_620, %get3A_621] {strides = array<i32>} : memref<40x128xf32, #tpu.memory_space<vmem>>, vector<1x16xf32>,
          %get3A_623 = vector.shape_cast %get3A_622 : vector<1x16xf32> to vector<16xf32>
          %mul3A_624 = arith.mulf %get3A_623, %bitcast_convert_type3A_616 : vector<16xf32>
          %swap3A_625 = arith.index_cast %scan3A_551 : i32 to index
          %swap3A_626 = arith.constant 32 : index
          %swap3A_627 = tpu.vector_load %arg17[%swap3A_625, %swap3A_626] {strides = array<i32>} : memref<40x128xf32, #tpu.memory_space<vmem>>, vector<1x16xf32>,
          %swap3A_628 = vector.shape_cast %swap3A_627 : vector<1x16xf32> to vector<16xf32>
          %swap3A_629 = vector.shape_cast %mul3A_624 : vector<16xf32> to vector<1x16xf32>
          tpu.vector_store %arg17[%swap3A_625, %swap3A_626], %swap3A_629 {strides = array<i32>} : memref<40x128xf32, #tpu.memory_space<vmem>>, vector<1x16xf32>,
          %get3A_630 = arith.index_cast %scan3A_551 : i32 to index
          %get3A_631 = arith.constant 96 : index
          %get3A_632 = tpu.vector_load %arg17[%get3A_630, %get3A_631] {strides = array<i32>} : memref<40x128xf32, #tpu.memory_space<vmem>>, vector<1x16xf32>,
          %get3A_633 = vector.shape_cast %get3A_632 : vector<1x16xf32> to vector<16xf32>
          %mul3A_634 = arith.mulf %get3A_633, %bitcast_convert_type3A_619 : vector<16xf32>
          %swap3A_635 = arith.index_cast %scan3A_551 : i32 to index
          %swap3A_636 = arith.constant 96 : index
          %swap3A_637 = tpu.vector_load %arg17[%swap3A_635, %swap3A_636] {strides = array<i32>} : memref<40x128xf32, #tpu.memory_space<vmem>>, vector<1x16xf32>,
          %swap3A_638 = vector.shape_cast %swap3A_637 : vector<1x16xf32> to vector<16xf32>
          %swap3A_639 = vector.shape_cast %mul3A_634 : vector<16xf32> to vector<1x16xf32>
          tpu.vector_store %arg17[%swap3A_635, %swap3A_636], %swap3A_639 {strides = array<i32>} : memref<40x128xf32, #tpu.memory_space<vmem>>, vector<1x16xf32>,
          %get3A_640 = arith.index_cast %scan3A_551 : i32 to index
          %get3A_641 = arith.constant 48 : index
          %get3A_642 = tpu.vector_load %arg21[%get3A_640, %get3A_641] {strides = array<i32>} : memref<40x64xi32, #tpu.memory_space<vmem>>, vector<1x16xi32>,
          %get3A_643 = vector.shape_cast %get3A_642 : vector<1x16xi32> to vector<16xi32>
          %shift_left3A_644 = arith.constant 16 : i32
          %shift_left3A_645 = vector.broadcast %shift_left3A_644 : i32 to vector<16xi32>
          %shift_left3A_646 = arith.shli %get3A_643, %shift_left3A_645 : vector<16xi32>
          %bitcast_convert_type3A_647 = tpu.bitcast %shift_left3A_646 : vector<16xi32> -> vector<16xf32>
          %and3A_648 = vector.broadcast %scan3A_538 : i32 to vector<16xi32>
          %and3A_649 = arith.andi %get3A_643, %and3A_648 : vector<16xi32>
          %bitcast_convert_type3A_650 = tpu.bitcast %and3A_649 : vector<16xi32> -> vector<16xf32>
          %get3A_651 = arith.index_cast %scan3A_551 : i32 to index
          %get3A_652 = arith.constant 48 : index
          %get3A_653 = tpu.vector_load %arg17[%get3A_651, %get3A_652] {strides = array<i32>} : memref<40x128xf32, #tpu.memory_space<vmem>>, vector<1x16xf32>,
          %get3A_654 = vector.shape_cast %get3A_653 : vector<1x16xf32> to vector<16xf32>
          %mul3A_655 = arith.mulf %get3A_654, %bitcast_convert_type3A_647 : vector<16xf32>
          %swap3A_656 = arith.index_cast %scan3A_551 : i32 to index
          %swap3A_657 = arith.constant 48 : index
          %swap3A_658 = tpu.vector_load %arg17[%swap3A_656, %swap3A_657] {strides = array<i32>} : memref<40x128xf32, #tpu.memory_space<vmem>>, vector<1x16xf32>,
          %swap3A_659 = vector.shape_cast %swap3A_658 : vector<1x16xf32> to vector<16xf32>
          %swap3A_660 = vector.shape_cast %mul3A_655 : vector<16xf32> to vector<1x16xf32>
          tpu.vector_store %arg17[%swap3A_656, %swap3A_657], %swap3A_660 {strides = array<i32>} : memref<40x128xf32, #tpu.memory_space<vmem>>, vector<1x16xf32>,
          %get3A_661 = arith.index_cast %scan3A_551 : i32 to index
          %get3A_662 = arith.constant 112 : index
          %get3A_663 = tpu.vector_load %arg17[%get3A_661, %get3A_662] {strides = array<i32>} : memref<40x128xf32, #tpu.memory_space<vmem>>, vector<1x16xf32>,
          %get3A_664 = vector.shape_cast %get3A_663 : vector<1x16xf32> to vector<16xf32>
          %mul3A_665 = arith.mulf %get3A_664, %bitcast_convert_type3A_650 : vector<16xf32>
          %swap3A_666 = arith.index_cast %scan3A_551 : i32 to index
          %swap3A_667 = arith.constant 112 : index
          %swap3A_668 = tpu.vector_load %arg17[%swap3A_666, %swap3A_667] {strides = array<i32>} : memref<40x128xf32, #tpu.memory_space<vmem>>, vector<1x16xf32>,
          %swap3A_669 = vector.shape_cast %swap3A_668 : vector<1x16xf32> to vector<16xf32>
          %swap3A_670 = vector.shape_cast %mul3A_665 : vector<16xf32> to vector<1x16xf32>
          tpu.vector_store %arg17[%swap3A_666, %swap3A_667], %swap3A_670 {strides = array<i32>} : memref<40x128xf32, #tpu.memory_space<vmem>>, vector<1x16xf32>,
        }
        %scan3A_543 = arith.constant 40 : i32
        %dma_wait3A_544 = arith.constant 0 : i32
        %dma_wait3A_545 = tpu.memref_slice %arg5[%dma_wait3A_544] : memref<320000xi32, #tpu.memory_space<hbm>> -> memref<40xi32, #tpu.memory_space<hbm>>
        %dma_wait3A_546 = arith.constant 0 : i32
        %dma_wait3A_547 = tpu.memref_slice %arg5[%dma_wait3A_546] : memref<320000xi32, #tpu.memory_space<hbm>> -> memref<40xi32, #tpu.memory_space<hbm>>
        tpu.wait_dma2 semaphore(%arg29 : memref<!tpu.dma_semaphore, #tpu.memory_space<semaphore_mem>>) src(%dma_wait3A_547 : memref<40xi32, #tpu.memory_space<hbm>>) dst(%arg13 : memref<40xi32, #tpu.memory_space<vmem>>)
        %dma_start3A_548 = arith.constant 0 : i32
        %dma_start3A_549 = arith.constant 0 : i32
        %dma_start3A_550 = tpu.memref_slice %arg7[%dma_start3A_548, %dma_start3A_549] : memref<10240x128xf32, #tpu.memory_space<vmem_shared>> -> memref<10240x128xf32, #tpu.memory_space<vmem_shared>>
        tpu.enqueue_indirect_dma source(%arg17 : memref<40x128xf32, #tpu.memory_space<vmem>>) target(%dma_start3A_550 : memref<10240x128xf32, #tpu.memory_space<vmem_shared>>) offsets(%arg13 : memref<40xi32, #tpu.memory_space<vmem>>) semaphore(%arg41 : memref<!tpu.dma_semaphore, #tpu.memory_space<semaphore_mem>>) {add = true}
      } else {
      }
      %add3A_487 = arith.constant 2 : i32
      %add3A_488 = arith.addi %mul3A_447, %add3A_487 : i32
      %add3A_489 = arith.constant 2 : i32
      %add3A_490 = arith.addi %add3A_488, %add3A_489 : i32
      %le3A_491 = arith.constant 74 : i32
      %le3A_492 = arith.cmpi sle, %add3A_490, %le3A_491 : i32
      %convert_element_type3A_493 = arith.extui %le3A_492 : i1 to i32
      %cond3A_494 = arith.constant 0 : i32
      %cond3A_495 = arith.cmpi ne, %convert_element_type3A_493, %cond3A_494 : i32
      scf.if %cond3A_495 {
        %sub3A = arith.constant 2 : i32
        %sub3A_529 = arith.subi %add3A_488, %sub3A : i32
        %ge3A = arith.constant 0 : i32
        %ge3A_530 = arith.cmpi sge, %sub3A_529, %ge3A : i32
        %convert_element_type3A_531 = arith.extui %ge3A_530 : i1 to i32
        %cond3A_532 = arith.constant 0 : i32
        %cond3A_533 = arith.cmpi ne, %convert_element_type3A_531, %cond3A_532 : i32
        scf.if %cond3A_533 {
          %dma_wait3A_552 = arith.constant 0 : i32
          %dma_wait3A_553 = arith.constant 0 : i32
          %dma_wait3A_554 = tpu.memref_slice %arg7[%dma_wait3A_552, %dma_wait3A_553] : memref<10240x128xf32, #tpu.memory_space<vmem_shared>> -> memref<10240x128xf32, #tpu.memory_space<vmem_shared>>
          tpu.wait_indirect_dma semaphore(%arg40 : memref<!tpu.dma_semaphore, #tpu.memory_space<semaphore_mem>>) src(%arg16 : memref<40x128xf32, #tpu.memory_space<vmem>>) dst(%dma_wait3A_554 : memref<10240x128xf32, #tpu.memory_space<vmem_shared>>)
        } else {
        }
        %add3A_534 = arith.constant 2 : i32
        %add3A_535 = arith.addi %add3A_488, %add3A_534 : i32
        %mul3A_536 = arith.constant 40 : i32
        %mul3A_537 = arith.muli %add3A_535, %mul3A_536 : i32
        %add3A_538 = arith.addi %add3A_4, %mul3A_537 : i32
        %multiple_of3A_539 = tpu.assume_multiple %add3A_538, 8 : i32
        %mul3A_540 = arith.constant 40 : i32
        %mul3A_541 = arith.muli %add3A_535, %mul3A_540 : i32
        %add3A_542 = arith.addi %mul3A_2, %mul3A_541 : i32
        %multiple_of3A_543 = tpu.assume_multiple %add3A_542, 8 : i32
        %dma_start3A_544 = tpu.memref_slice %arg4[%multiple_of3A_539] : memref<320000xi32, #tpu.memory_space<hbm>> -> memref<40xi32, #tpu.memory_space<hbm>>
        %dma_start3A_545 = tpu.memref_slice %arg4[%multiple_of3A_539] : memref<320000xi32, #tpu.memory_space<hbm>> -> memref<40xi32, #tpu.memory_space<hbm>>
        tpu.enqueue_dma source(%dma_start3A_545 : memref<40xi32, #tpu.memory_space<hbm>>) target(%arg8 : memref<40xi32, #tpu.memory_space<vmem>>) target_semaphore(%arg24 : memref<!tpu.dma_semaphore, #tpu.memory_space<semaphore_mem>>)
        %dma_start3A_546 = tpu.memref_slice %arg5[%multiple_of3A_539] : memref<320000xi32, #tpu.memory_space<hbm>> -> memref<40xi32, #tpu.memory_space<hbm>>
        %dma_start3A_547 = tpu.memref_slice %arg5[%multiple_of3A_539] : memref<320000xi32, #tpu.memory_space<hbm>> -> memref<40xi32, #tpu.memory_space<hbm>>
        tpu.enqueue_dma source(%dma_start3A_547 : memref<40xi32, #tpu.memory_space<hbm>>) target(%arg12 : memref<40xi32, #tpu.memory_space<vmem>>) target_semaphore(%arg28 : memref<!tpu.dma_semaphore, #tpu.memory_space<semaphore_mem>>)
        %dma_start3A_548 = arith.constant 0 : i32
        %dma_start3A_549 = tpu.memref_slice %arg3[%multiple_of3A_543, %dma_start3A_548] : memref<96000x64xi32, #tpu.memory_space<hbm>> -> memref<40x64xi32, #tpu.memory_space<hbm>>
        %dma_start3A_550 = arith.constant 0 : i32
        %dma_start3A_551 = tpu.memref_slice %arg3[%multiple_of3A_543, %dma_start3A_550] : memref<96000x64xi32, #tpu.memory_space<hbm>> -> memref<40x64xi32, #tpu.memory_space<hbm>>
        tpu.enqueue_dma source(%dma_start3A_551 : memref<40x64xi32, #tpu.memory_space<hbm>>) target(%arg20 : memref<40x64xi32, #tpu.memory_space<vmem>>) target_semaphore(%arg32 : memref<!tpu.dma_semaphore, #tpu.memory_space<semaphore_mem>>)
      } else {
      }
      %add3A_496 = arith.constant 1 : i32
      %add3A_497 = arith.addi %add3A_488, %add3A_496 : i32
      %le3A_498 = arith.constant 74 : i32
      %le3A_499 = arith.cmpi sle, %add3A_497, %le3A_498 : i32
      %convert_element_type3A_500 = arith.extui %le3A_499 : i1 to i32
      %cond3A_501 = arith.constant 0 : i32
      %cond3A_502 = arith.cmpi ne, %convert_element_type3A_500, %cond3A_501 : i32
      scf.if %cond3A_502 {
        %dma_wait3A_529 = arith.constant 0 : i32
        %dma_wait3A_530 = tpu.memref_slice %arg4[%dma_wait3A_529] : memref<320000xi32, #tpu.memory_space<hbm>> -> memref<40xi32, #tpu.memory_space<hbm>>
        %dma_wait3A_531 = arith.constant 0 : i32
        %dma_wait3A_532 = tpu.memref_slice %arg4[%dma_wait3A_531] : memref<320000xi32, #tpu.memory_space<hbm>> -> memref<40xi32, #tpu.memory_space<hbm>>
        tpu.wait_dma2 semaphore(%arg27 : memref<!tpu.dma_semaphore, #tpu.memory_space<semaphore_mem>>) src(%dma_wait3A_532 : memref<40xi32, #tpu.memory_space<hbm>>) dst(%arg11 : memref<40xi32, #tpu.memory_space<vmem>>)
        %dma_start3A_533 = arith.constant 0 : i32
        %dma_start3A_534 = arith.constant 0 : i32
        %dma_start3A_535 = tpu.memref_slice %arg2[%dma_start3A_533, %dma_start3A_534] : memref<10000x128xf32, #tpu.memory_space<hbm>> -> memref<10000x128xf32, #tpu.memory_space<hbm>>
        tpu.enqueue_indirect_dma source(%dma_start3A_535 : memref<10000x128xf32, #tpu.memory_space<hbm>>) target(%arg19 : memref<40x128xf32, #tpu.memory_space<vmem>>) offsets(%arg11 : memref<40xi32, #tpu.memory_space<vmem>>) semaphore(%arg39 : memref<!tpu.dma_semaphore, #tpu.memory_space<semaphore_mem>>)
      } else {
      }
      %le3A_503 = arith.constant 74 : i32
      %le3A_504 = arith.cmpi sle, %add3A_488, %le3A_503 : i32
      %convert_element_type3A_505 = arith.extui %le3A_504 : i1 to i32
      %cond3A_506 = arith.constant 0 : i32
      %cond3A_507 = arith.cmpi ne, %convert_element_type3A_505, %cond3A_506 : i32
      scf.if %cond3A_507 {
        %dma_wait3A_529 = arith.constant 0 : i32
        %dma_wait3A_530 = arith.constant 0 : i32
        %dma_wait3A_531 = tpu.memref_slice %arg3[%dma_wait3A_529, %dma_wait3A_530] : memref<96000x64xi32, #tpu.memory_space<hbm>> -> memref<40x64xi32, #tpu.memory_space<hbm>>
        %dma_wait3A_532 = arith.constant 0 : i32
        %dma_wait3A_533 = arith.constant 0 : i32
        %dma_wait3A_534 = tpu.memref_slice %arg3[%dma_wait3A_532, %dma_wait3A_533] : memref<96000x64xi32, #tpu.memory_space<hbm>> -> memref<40x64xi32, #tpu.memory_space<hbm>>
        tpu.wait_dma2 semaphore(%arg34 : memref<!tpu.dma_semaphore, #tpu.memory_space<semaphore_mem>>) src(%dma_wait3A_534 : memref<40x64xi32, #tpu.memory_space<hbm>>) dst(%arg22 : memref<40x64xi32, #tpu.memory_space<vmem>>)
        %dma_wait3A_535 = arith.constant 0 : i32
        %dma_wait3A_536 = arith.constant 0 : i32
        %dma_wait3A_537 = tpu.memref_slice %arg2[%dma_wait3A_535, %dma_wait3A_536] : memref<10000x128xf32, #tpu.memory_space<hbm>> -> memref<10000x128xf32, #tpu.memory_space<hbm>>
        tpu.wait_indirect_dma semaphore(%arg38 : memref<!tpu.dma_semaphore, #tpu.memory_space<semaphore_mem>>) src(%dma_wait3A_537 : memref<10000x128xf32, #tpu.memory_space<hbm>>) dst(%arg18 : memref<40x128xf32, #tpu.memory_space<vmem>>)
        %scan3A_538 = arith.constant -65536 : i32
        %scan3A_539 = arith.constant 0 : i32
        %scan3A_540 = arith.constant 40 : i32
        %scan3A_541 = arith.addi %scan3A_539, %scan3A_540 : i32
        %scan3A_542 = arith.constant 1 : i32
        scf.for %scan3A_551 = %scan3A_539 to %scan3A_541 step %scan3A_542  : i32 {
          %get3A = arith.index_cast %scan3A_551 : i32 to index
          %get3A_552 = arith.constant 0 : index
          %get3A_553 = tpu.vector_load %arg22[%get3A, %get3A_552] {strides = array<i32>} : memref<40x64xi32, #tpu.memory_space<vmem>>, vector<1x16xi32>,
          %get3A_554 = vector.shape_cast %get3A_553 : vector<1x16xi32> to vector<16xi32>
          %shift_left3A = arith.constant 16 : i32
          %shift_left3A_555 = vector.broadcast %shift_left3A : i32 to vector<16xi32>
          %shift_left3A_556 = arith.shli %get3A_554, %shift_left3A_555 : vector<16xi32>
          %bitcast_convert_type3A = tpu.bitcast %shift_left3A_556 : vector<16xi32> -> vector<16xf32>
          %and3A = vector.broadcast %scan3A_538 : i32 to vector<16xi32>
          %and3A_557 = arith.andi %get3A_554, %and3A : vector<16xi32>
          %bitcast_convert_type3A_558 = tpu.bitcast %and3A_557 : vector<16xi32> -> vector<16xf32>
          %get3A_559 = arith.index_cast %scan3A_551 : i32 to index
          %get3A_560 = arith.constant 0 : index
          %get3A_561 = tpu.vector_load %arg18[%get3A_559, %get3A_560] {strides = array<i32>} : memref<40x128xf32, #tpu.memory_space<vmem>>, vector<1x16xf32>,
          %get3A_562 = vector.shape_cast %get3A_561 : vector<1x16xf32> to vector<16xf32>
          %mul3A_563 = arith.mulf %get3A_562, %bitcast_convert_type3A : vector<16xf32>
          %swap3A = arith.index_cast %scan3A_551 : i32 to index
          %swap3A_564 = arith.constant 0 : index
          %swap3A_565 = tpu.vector_load %arg18[%swap3A, %swap3A_564] {strides = array<i32>} : memref<40x128xf32, #tpu.memory_space<vmem>>, vector<1x16xf32>,
          %swap3A_566 = vector.shape_cast %swap3A_565 : vector<1x16xf32> to vector<16xf32>
          %swap3A_567 = vector.shape_cast %mul3A_563 : vector<16xf32> to vector<1x16xf32>
          tpu.vector_store %arg18[%swap3A, %swap3A_564], %swap3A_567 {strides = array<i32>} : memref<40x128xf32, #tpu.memory_space<vmem>>, vector<1x16xf32>,
          %get3A_568 = arith.index_cast %scan3A_551 : i32 to index
          %get3A_569 = arith.constant 64 : index
          %get3A_570 = tpu.vector_load %arg18[%get3A_568, %get3A_569] {strides = array<i32>} : memref<40x128xf32, #tpu.memory_space<vmem>>, vector<1x16xf32>,
          %get3A_571 = vector.shape_cast %get3A_570 : vector<1x16xf32> to vector<16xf32>
          %mul3A_572 = arith.mulf %get3A_571, %bitcast_convert_type3A_558 : vector<16xf32>
          %swap3A_573 = arith.index_cast %scan3A_551 : i32 to index
          %swap3A_574 = arith.constant 64 : index
          %swap3A_575 = tpu.vector_load %arg18[%swap3A_573, %swap3A_574] {strides = array<i32>} : memref<40x128xf32, #tpu.memory_space<vmem>>, vector<1x16xf32>,
          %swap3A_576 = vector.shape_cast %swap3A_575 : vector<1x16xf32> to vector<16xf32>
          %swap3A_577 = vector.shape_cast %mul3A_572 : vector<16xf32> to vector<1x16xf32>
          tpu.vector_store %arg18[%swap3A_573, %swap3A_574], %swap3A_577 {strides = array<i32>} : memref<40x128xf32, #tpu.memory_space<vmem>>, vector<1x16xf32>,
          %get3A_578 = arith.index_cast %scan3A_551 : i32 to index
          %get3A_579 = arith.constant 16 : index
          %get3A_580 = tpu.vector_load %arg22[%get3A_578, %get3A_579] {strides = array<i32>} : memref<40x64xi32, #tpu.memory_space<vmem>>, vector<1x16xi32>,
          %get3A_581 = vector.shape_cast %get3A_580 : vector<1x16xi32> to vector<16xi32>
          %shift_left3A_582 = arith.constant 16 : i32
          %shift_left3A_583 = vector.broadcast %shift_left3A_582 : i32 to vector<16xi32>
          %shift_left3A_584 = arith.shli %get3A_581, %shift_left3A_583 : vector<16xi32>
          %bitcast_convert_type3A_585 = tpu.bitcast %shift_left3A_584 : vector<16xi32> -> vector<16xf32>
          %and3A_586 = vector.broadcast %scan3A_538 : i32 to vector<16xi32>
          %and3A_587 = arith.andi %get3A_581, %and3A_586 : vector<16xi32>
          %bitcast_convert_type3A_588 = tpu.bitcast %and3A_587 : vector<16xi32> -> vector<16xf32>
          %get3A_589 = arith.index_cast %scan3A_551 : i32 to index
          %get3A_590 = arith.constant 16 : index
          %get3A_591 = tpu.vector_load %arg18[%get3A_589, %get3A_590] {strides = array<i32>} : memref<40x128xf32, #tpu.memory_space<vmem>>, vector<1x16xf32>,
          %get3A_592 = vector.shape_cast %get3A_591 : vector<1x16xf32> to vector<16xf32>
          %mul3A_593 = arith.mulf %get3A_592, %bitcast_convert_type3A_585 : vector<16xf32>
          %swap3A_594 = arith.index_cast %scan3A_551 : i32 to index
          %swap3A_595 = arith.constant 16 : index
          %swap3A_596 = tpu.vector_load %arg18[%swap3A_594, %swap3A_595] {strides = array<i32>} : memref<40x128xf32, #tpu.memory_space<vmem>>, vector<1x16xf32>,
          %swap3A_597 = vector.shape_cast %swap3A_596 : vector<1x16xf32> to vector<16xf32>
          %swap3A_598 = vector.shape_cast %mul3A_593 : vector<16xf32> to vector<1x16xf32>
          tpu.vector_store %arg18[%swap3A_594, %swap3A_595], %swap3A_598 {strides = array<i32>} : memref<40x128xf32, #tpu.memory_space<vmem>>, vector<1x16xf32>,
          %get3A_599 = arith.index_cast %scan3A_551 : i32 to index
          %get3A_600 = arith.constant 80 : index
          %get3A_601 = tpu.vector_load %arg18[%get3A_599, %get3A_600] {strides = array<i32>} : memref<40x128xf32, #tpu.memory_space<vmem>>, vector<1x16xf32>,
          %get3A_602 = vector.shape_cast %get3A_601 : vector<1x16xf32> to vector<16xf32>
          %mul3A_603 = arith.mulf %get3A_602, %bitcast_convert_type3A_588 : vector<16xf32>
          %swap3A_604 = arith.index_cast %scan3A_551 : i32 to index
          %swap3A_605 = arith.constant 80 : index
          %swap3A_606 = tpu.vector_load %arg18[%swap3A_604, %swap3A_605] {strides = array<i32>} : memref<40x128xf32, #tpu.memory_space<vmem>>, vector<1x16xf32>,
          %swap3A_607 = vector.shape_cast %swap3A_606 : vector<1x16xf32> to vector<16xf32>
          %swap3A_608 = vector.shape_cast %mul3A_603 : vector<16xf32> to vector<1x16xf32>
          tpu.vector_store %arg18[%swap3A_604, %swap3A_605], %swap3A_608 {strides = array<i32>} : memref<40x128xf32, #tpu.memory_space<vmem>>, vector<1x16xf32>,
          %get3A_609 = arith.index_cast %scan3A_551 : i32 to index
          %get3A_610 = arith.constant 32 : index
          %get3A_611 = tpu.vector_load %arg22[%get3A_609, %get3A_610] {strides = array<i32>} : memref<40x64xi32, #tpu.memory_space<vmem>>, vector<1x16xi32>,
          %get3A_612 = vector.shape_cast %get3A_611 : vector<1x16xi32> to vector<16xi32>
          %shift_left3A_613 = arith.constant 16 : i32
          %shift_left3A_614 = vector.broadcast %shift_left3A_613 : i32 to vector<16xi32>
          %shift_left3A_615 = arith.shli %get3A_612, %shift_left3A_614 : vector<16xi32>
          %bitcast_convert_type3A_616 = tpu.bitcast %shift_left3A_615 : vector<16xi32> -> vector<16xf32>
          %and3A_617 = vector.broadcast %scan3A_538 : i32 to vector<16xi32>
          %and3A_618 = arith.andi %get3A_612, %and3A_617 : vector<16xi32>
          %bitcast_convert_type3A_619 = tpu.bitcast %and3A_618 : vector<16xi32> -> vector<16xf32>
          %get3A_620 = arith.index_cast %scan3A_551 : i32 to index
          %get3A_621 = arith.constant 32 : index
          %get3A_622 = tpu.vector_load %arg18[%get3A_620, %get3A_621] {strides = array<i32>} : memref<40x128xf32, #tpu.memory_space<vmem>>, vector<1x16xf32>,
          %get3A_623 = vector.shape_cast %get3A_622 : vector<1x16xf32> to vector<16xf32>
          %mul3A_624 = arith.mulf %get3A_623, %bitcast_convert_type3A_616 : vector<16xf32>
          %swap3A_625 = arith.index_cast %scan3A_551 : i32 to index
          %swap3A_626 = arith.constant 32 : index
          %swap3A_627 = tpu.vector_load %arg18[%swap3A_625, %swap3A_626] {strides = array<i32>} : memref<40x128xf32, #tpu.memory_space<vmem>>, vector<1x16xf32>,
          %swap3A_628 = vector.shape_cast %swap3A_627 : vector<1x16xf32> to vector<16xf32>
          %swap3A_629 = vector.shape_cast %mul3A_624 : vector<16xf32> to vector<1x16xf32>
          tpu.vector_store %arg18[%swap3A_625, %swap3A_626], %swap3A_629 {strides = array<i32>} : memref<40x128xf32, #tpu.memory_space<vmem>>, vector<1x16xf32>,
          %get3A_630 = arith.index_cast %scan3A_551 : i32 to index
          %get3A_631 = arith.constant 96 : index
          %get3A_632 = tpu.vector_load %arg18[%get3A_630, %get3A_631] {strides = array<i32>} : memref<40x128xf32, #tpu.memory_space<vmem>>, vector<1x16xf32>,
          %get3A_633 = vector.shape_cast %get3A_632 : vector<1x16xf32> to vector<16xf32>
          %mul3A_634 = arith.mulf %get3A_633, %bitcast_convert_type3A_619 : vector<16xf32>
          %swap3A_635 = arith.index_cast %scan3A_551 : i32 to index
          %swap3A_636 = arith.constant 96 : index
          %swap3A_637 = tpu.vector_load %arg18[%swap3A_635, %swap3A_636] {strides = array<i32>} : memref<40x128xf32, #tpu.memory_space<vmem>>, vector<1x16xf32>,
          %swap3A_638 = vector.shape_cast %swap3A_637 : vector<1x16xf32> to vector<16xf32>
          %swap3A_639 = vector.shape_cast %mul3A_634 : vector<16xf32> to vector<1x16xf32>
          tpu.vector_store %arg18[%swap3A_635, %swap3A_636], %swap3A_639 {strides = array<i32>} : memref<40x128xf32, #tpu.memory_space<vmem>>, vector<1x16xf32>,
          %get3A_640 = arith.index_cast %scan3A_551 : i32 to index
          %get3A_641 = arith.constant 48 : index
          %get3A_642 = tpu.vector_load %arg22[%get3A_640, %get3A_641] {strides = array<i32>} : memref<40x64xi32, #tpu.memory_space<vmem>>, vector<1x16xi32>,
          %get3A_643 = vector.shape_cast %get3A_642 : vector<1x16xi32> to vector<16xi32>
          %shift_left3A_644 = arith.constant 16 : i32
          %shift_left3A_645 = vector.broadcast %shift_left3A_644 : i32 to vector<16xi32>
          %shift_left3A_646 = arith.shli %get3A_643, %shift_left3A_645 : vector<16xi32>
          %bitcast_convert_type3A_647 = tpu.bitcast %shift_left3A_646 : vector<16xi32> -> vector<16xf32>
          %and3A_648 = vector.broadcast %scan3A_538 : i32 to vector<16xi32>
          %and3A_649 = arith.andi %get3A_643, %and3A_648 : vector<16xi32>
          %bitcast_convert_type3A_650 = tpu.bitcast %and3A_649 : vector<16xi32> -> vector<16xf32>
          %get3A_651 = arith.index_cast %scan3A_551 : i32 to index
          %get3A_652 = arith.constant 48 : index
          %get3A_653 = tpu.vector_load %arg18[%get3A_651, %get3A_652] {strides = array<i32>} : memref<40x128xf32, #tpu.memory_space<vmem>>, vector<1x16xf32>,
          %get3A_654 = vector.shape_cast %get3A_653 : vector<1x16xf32> to vector<16xf32>
          %mul3A_655 = arith.mulf %get3A_654, %bitcast_convert_type3A_647 : vector<16xf32>
          %swap3A_656 = arith.index_cast %scan3A_551 : i32 to index
          %swap3A_657 = arith.constant 48 : index
          %swap3A_658 = tpu.vector_load %arg18[%swap3A_656, %swap3A_657] {strides = array<i32>} : memref<40x128xf32, #tpu.memory_space<vmem>>, vector<1x16xf32>,
          %swap3A_659 = vector.shape_cast %swap3A_658 : vector<1x16xf32> to vector<16xf32>
          %swap3A_660 = vector.shape_cast %mul3A_655 : vector<16xf32> to vector<1x16xf32>
          tpu.vector_store %arg18[%swap3A_656, %swap3A_657], %swap3A_660 {strides = array<i32>} : memref<40x128xf32, #tpu.memory_space<vmem>>, vector<1x16xf32>,
          %get3A_661 = arith.index_cast %scan3A_551 : i32 to index
          %get3A_662 = arith.constant 112 : index
          %get3A_663 = tpu.vector_load %arg18[%get3A_661, %get3A_662] {strides = array<i32>} : memref<40x128xf32, #tpu.memory_space<vmem>>, vector<1x16xf32>,
          %get3A_664 = vector.shape_cast %get3A_663 : vector<1x16xf32> to vector<16xf32>
          %mul3A_665 = arith.mulf %get3A_664, %bitcast_convert_type3A_650 : vector<16xf32>
          %swap3A_666 = arith.index_cast %scan3A_551 : i32 to index
          %swap3A_667 = arith.constant 112 : index
          %swap3A_668 = tpu.vector_load %arg18[%swap3A_666, %swap3A_667] {strides = array<i32>} : memref<40x128xf32, #tpu.memory_space<vmem>>, vector<1x16xf32>,
          %swap3A_669 = vector.shape_cast %swap3A_668 : vector<1x16xf32> to vector<16xf32>
          %swap3A_670 = vector.shape_cast %mul3A_665 : vector<16xf32> to vector<1x16xf32>
          tpu.vector_store %arg18[%swap3A_666, %swap3A_667], %swap3A_670 {strides = array<i32>} : memref<40x128xf32, #tpu.memory_space<vmem>>, vector<1x16xf32>,
        }
        %scan3A_543 = arith.constant 40 : i32
        %dma_wait3A_544 = arith.constant 0 : i32
        %dma_wait3A_545 = tpu.memref_slice %arg5[%dma_wait3A_544] : memref<320000xi32, #tpu.memory_space<hbm>> -> memref<40xi32, #tpu.memory_space<hbm>>
        %dma_wait3A_546 = arith.constant 0 : i32
        %dma_wait3A_547 = tpu.memref_slice %arg5[%dma_wait3A_546] : memref<320000xi32, #tpu.memory_space<hbm>> -> memref<40xi32, #tpu.memory_space<hbm>>
        tpu.wait_dma2 semaphore(%arg30 : memref<!tpu.dma_semaphore, #tpu.memory_space<semaphore_mem>>) src(%dma_wait3A_547 : memref<40xi32, #tpu.memory_space<hbm>>) dst(%arg14 : memref<40xi32, #tpu.memory_space<vmem>>)
        %dma_start3A_548 = arith.constant 0 : i32
        %dma_start3A_549 = arith.constant 0 : i32
        %dma_start3A_550 = tpu.memref_slice %arg7[%dma_start3A_548, %dma_start3A_549] : memref<10240x128xf32, #tpu.memory_space<vmem_shared>> -> memref<10240x128xf32, #tpu.memory_space<vmem_shared>>
        tpu.enqueue_indirect_dma source(%arg18 : memref<40x128xf32, #tpu.memory_space<vmem>>) target(%dma_start3A_550 : memref<10240x128xf32, #tpu.memory_space<vmem_shared>>) offsets(%arg14 : memref<40xi32, #tpu.memory_space<vmem>>) semaphore(%arg42 : memref<!tpu.dma_semaphore, #tpu.memory_space<semaphore_mem>>) {add = true}
      } else {
      }
      %add3A_508 = arith.constant 3 : i32
      %add3A_509 = arith.addi %mul3A_447, %add3A_508 : i32
      %add3A_510 = arith.constant 2 : i32
      %add3A_511 = arith.addi %add3A_509, %add3A_510 : i32
      %le3A_512 = arith.constant 74 : i32
      %le3A_513 = arith.cmpi sle, %add3A_511, %le3A_512 : i32
      %convert_element_type3A_514 = arith.extui %le3A_513 : i1 to i32
      %cond3A_515 = arith.constant 0 : i32
      %cond3A_516 = arith.cmpi ne, %convert_element_type3A_514, %cond3A_515 : i32
      scf.if %cond3A_516 {
        %sub3A = arith.constant 2 : i32
        %sub3A_529 = arith.subi %add3A_509, %sub3A : i32
        %ge3A = arith.constant 0 : i32
        %ge3A_530 = arith.cmpi sge, %sub3A_529, %ge3A : i32
        %convert_element_type3A_531 = arith.extui %ge3A_530 : i1 to i32
        %cond3A_532 = arith.constant 0 : i32
        %cond3A_533 = arith.cmpi ne, %convert_element_type3A_531, %cond3A_532 : i32
        scf.if %cond3A_533 {
          %dma_wait3A_552 = arith.constant 0 : i32
          %dma_wait3A_553 = arith.constant 0 : i32
          %dma_wait3A_554 = tpu.memref_slice %arg7[%dma_wait3A_552, %dma_wait3A_553] : memref<10240x128xf32, #tpu.memory_space<vmem_shared>> -> memref<10240x128xf32, #tpu.memory_space<vmem_shared>>
          tpu.wait_indirect_dma semaphore(%arg41 : memref<!tpu.dma_semaphore, #tpu.memory_space<semaphore_mem>>) src(%arg17 : memref<40x128xf32, #tpu.memory_space<vmem>>) dst(%dma_wait3A_554 : memref<10240x128xf32, #tpu.memory_space<vmem_shared>>)
        } else {
        }
        %add3A_534 = arith.constant 2 : i32
        %add3A_535 = arith.addi %add3A_509, %add3A_534 : i32
        %mul3A_536 = arith.constant 40 : i32
        %mul3A_537 = arith.muli %add3A_535, %mul3A_536 : i32
        %add3A_538 = arith.addi %add3A_4, %mul3A_537 : i32
        %multiple_of3A_539 = tpu.assume_multiple %add3A_538, 8 : i32
        %mul3A_540 = arith.constant 40 : i32
        %mul3A_541 = arith.muli %add3A_535, %mul3A_540 : i32
        %add3A_542 = arith.addi %mul3A_2, %mul3A_541 : i32
        %multiple_of3A_543 = tpu.assume_multiple %add3A_542, 8 : i32
        %dma_start3A_544 = tpu.memref_slice %arg4[%multiple_of3A_539] : memref<320000xi32, #tpu.memory_space<hbm>> -> memref<40xi32, #tpu.memory_space<hbm>>
        %dma_start3A_545 = tpu.memref_slice %arg4[%multiple_of3A_539] : memref<320000xi32, #tpu.memory_space<hbm>> -> memref<40xi32, #tpu.memory_space<hbm>>
        tpu.enqueue_dma source(%dma_start3A_545 : memref<40xi32, #tpu.memory_space<hbm>>) target(%arg9 : memref<40xi32, #tpu.memory_space<vmem>>) target_semaphore(%arg25 : memref<!tpu.dma_semaphore, #tpu.memory_space<semaphore_mem>>)
        %dma_start3A_546 = tpu.memref_slice %arg5[%multiple_of3A_539] : memref<320000xi32, #tpu.memory_space<hbm>> -> memref<40xi32, #tpu.memory_space<hbm>>
        %dma_start3A_547 = tpu.memref_slice %arg5[%multiple_of3A_539] : memref<320000xi32, #tpu.memory_space<hbm>> -> memref<40xi32, #tpu.memory_space<hbm>>
        tpu.enqueue_dma source(%dma_start3A_547 : memref<40xi32, #tpu.memory_space<hbm>>) target(%arg13 : memref<40xi32, #tpu.memory_space<vmem>>) target_semaphore(%arg29 : memref<!tpu.dma_semaphore, #tpu.memory_space<semaphore_mem>>)
        %dma_start3A_548 = arith.constant 0 : i32
        %dma_start3A_549 = tpu.memref_slice %arg3[%multiple_of3A_543, %dma_start3A_548] : memref<96000x64xi32, #tpu.memory_space<hbm>> -> memref<40x64xi32, #tpu.memory_space<hbm>>
        %dma_start3A_550 = arith.constant 0 : i32
        %dma_start3A_551 = tpu.memref_slice %arg3[%multiple_of3A_543, %dma_start3A_550] : memref<96000x64xi32, #tpu.memory_space<hbm>> -> memref<40x64xi32, #tpu.memory_space<hbm>>
        tpu.enqueue_dma source(%dma_start3A_551 : memref<40x64xi32, #tpu.memory_space<hbm>>) target(%arg21 : memref<40x64xi32, #tpu.memory_space<vmem>>) target_semaphore(%arg33 : memref<!tpu.dma_semaphore, #tpu.memory_space<semaphore_mem>>)
      } else {
      }
      %add3A_517 = arith.constant 1 : i32
      %add3A_518 = arith.addi %add3A_509, %add3A_517 : i32
      %le3A_519 = arith.constant 74 : i32
      %le3A_520 = arith.cmpi sle, %add3A_518, %le3A_519 : i32
      %convert_element_type3A_521 = arith.extui %le3A_520 : i1 to i32
      %cond3A_522 = arith.constant 0 : i32
      %cond3A_523 = arith.cmpi ne, %convert_element_type3A_521, %cond3A_522 : i32
      scf.if %cond3A_523 {
        %dma_wait3A_529 = arith.constant 0 : i32
        %dma_wait3A_530 = tpu.memref_slice %arg4[%dma_wait3A_529] : memref<320000xi32, #tpu.memory_space<hbm>> -> memref<40xi32, #tpu.memory_space<hbm>>
        %dma_wait3A_531 = arith.constant 0 : i32
        %dma_wait3A_532 = tpu.memref_slice %arg4[%dma_wait3A_531] : memref<320000xi32, #tpu.memory_space<hbm>> -> memref<40xi32, #tpu.memory_space<hbm>>
        tpu.wait_dma2 semaphore(%arg24 : memref<!tpu.dma_semaphore, #tpu.memory_space<semaphore_mem>>) src(%dma_wait3A_532 : memref<40xi32, #tpu.memory_space<hbm>>) dst(%arg8 : memref<40xi32, #tpu.memory_space<vmem>>)
        %dma_start3A_533 = arith.constant 0 : i32
        %dma_start3A_534 = arith.constant 0 : i32
        %dma_start3A_535 = tpu.memref_slice %arg2[%dma_start3A_533, %dma_start3A_534] : memref<10000x128xf32, #tpu.memory_space<hbm>> -> memref<10000x128xf32, #tpu.memory_space<hbm>>
        tpu.enqueue_indirect_dma source(%dma_start3A_535 : memref<10000x128xf32, #tpu.memory_space<hbm>>) target(%arg16 : memref<40x128xf32, #tpu.memory_space<vmem>>) offsets(%arg8 : memref<40xi32, #tpu.memory_space<vmem>>) semaphore(%arg36 : memref<!tpu.dma_semaphore, #tpu.memory_space<semaphore_mem>>)
      } else {
      }
      %le3A_524 = arith.constant 74 : i32
      %le3A_525 = arith.cmpi sle, %add3A_509, %le3A_524 : i32
      %convert_element_type3A_526 = arith.extui %le3A_525 : i1 to i32
      %cond3A_527 = arith.constant 0 : i32
      %cond3A_528 = arith.cmpi ne, %convert_element_type3A_526, %cond3A_527 : i32
      scf.if %cond3A_528 {
        %dma_wait3A_529 = arith.constant 0 : i32
        %dma_wait3A_530 = arith.constant 0 : i32
        %dma_wait3A_531 = tpu.memref_slice %arg3[%dma_wait3A_529, %dma_wait3A_530] : memref<96000x64xi32, #tpu.memory_space<hbm>> -> memref<40x64xi32, #tpu.memory_space<hbm>>
        %dma_wait3A_532 = arith.constant 0 : i32
        %dma_wait3A_533 = arith.constant 0 : i32
        %dma_wait3A_534 = tpu.memref_slice %arg3[%dma_wait3A_532, %dma_wait3A_533] : memref<96000x64xi32, #tpu.memory_space<hbm>> -> memref<40x64xi32, #tpu.memory_space<hbm>>
        tpu.wait_dma2 semaphore(%arg35 : memref<!tpu.dma_semaphore, #tpu.memory_space<semaphore_mem>>) src(%dma_wait3A_534 : memref<40x64xi32, #tpu.memory_space<hbm>>) dst(%arg23 : memref<40x64xi32, #tpu.memory_space<vmem>>)
        %dma_wait3A_535 = arith.constant 0 : i32
        %dma_wait3A_536 = arith.constant 0 : i32
        %dma_wait3A_537 = tpu.memref_slice %arg2[%dma_wait3A_535, %dma_wait3A_536] : memref<10000x128xf32, #tpu.memory_space<hbm>> -> memref<10000x128xf32, #tpu.memory_space<hbm>>
        tpu.wait_indirect_dma semaphore(%arg39 : memref<!tpu.dma_semaphore, #tpu.memory_space<semaphore_mem>>) src(%dma_wait3A_537 : memref<10000x128xf32, #tpu.memory_space<hbm>>) dst(%arg19 : memref<40x128xf32, #tpu.memory_space<vmem>>)
        %scan3A_538 = arith.constant -65536 : i32
        %scan3A_539 = arith.constant 0 : i32
        %scan3A_540 = arith.constant 40 : i32
        %scan3A_541 = arith.addi %scan3A_539, %scan3A_540 : i32
        %scan3A_542 = arith.constant 1 : i32
        scf.for %scan3A_551 = %scan3A_539 to %scan3A_541 step %scan3A_542  : i32 {
          %get3A = arith.index_cast %scan3A_551 : i32 to index
          %get3A_552 = arith.constant 0 : index
          %get3A_553 = tpu.vector_load %arg23[%get3A, %get3A_552] {strides = array<i32>} : memref<40x64xi32, #tpu.memory_space<vmem>>, vector<1x16xi32>,
          %get3A_554 = vector.shape_cast %get3A_553 : vector<1x16xi32> to vector<16xi32>
          %shift_left3A = arith.constant 16 : i32
          %shift_left3A_555 = vector.broadcast %shift_left3A : i32 to vector<16xi32>
          %shift_left3A_556 = arith.shli %get3A_554, %shift_left3A_555 : vector<16xi32>
          %bitcast_convert_type3A = tpu.bitcast %shift_left3A_556 : vector<16xi32> -> vector<16xf32>
          %and3A = vector.broadcast %scan3A_538 : i32 to vector<16xi32>
          %and3A_557 = arith.andi %get3A_554, %and3A : vector<16xi32>
          %bitcast_convert_type3A_558 = tpu.bitcast %and3A_557 : vector<16xi32> -> vector<16xf32>
          %get3A_559 = arith.index_cast %scan3A_551 : i32 to index
          %get3A_560 = arith.constant 0 : index
          %get3A_561 = tpu.vector_load %arg19[%get3A_559, %get3A_560] {strides = array<i32>} : memref<40x128xf32, #tpu.memory_space<vmem>>, vector<1x16xf32>,
          %get3A_562 = vector.shape_cast %get3A_561 : vector<1x16xf32> to vector<16xf32>
          %mul3A_563 = arith.mulf %get3A_562, %bitcast_convert_type3A : vector<16xf32>
          %swap3A = arith.index_cast %scan3A_551 : i32 to index
          %swap3A_564 = arith.constant 0 : index
          %swap3A_565 = tpu.vector_load %arg19[%swap3A, %swap3A_564] {strides = array<i32>} : memref<40x128xf32, #tpu.memory_space<vmem>>, vector<1x16xf32>,
          %swap3A_566 = vector.shape_cast %swap3A_565 : vector<1x16xf32> to vector<16xf32>
          %swap3A_567 = vector.shape_cast %mul3A_563 : vector<16xf32> to vector<1x16xf32>
          tpu.vector_store %arg19[%swap3A, %swap3A_564], %swap3A_567 {strides = array<i32>} : memref<40x128xf32, #tpu.memory_space<vmem>>, vector<1x16xf32>,
          %get3A_568 = arith.index_cast %scan3A_551 : i32 to index
          %get3A_569 = arith.constant 64 : index
          %get3A_570 = tpu.vector_load %arg19[%get3A_568, %get3A_569] {strides = array<i32>} : memref<40x128xf32, #tpu.memory_space<vmem>>, vector<1x16xf32>,
          %get3A_571 = vector.shape_cast %get3A_570 : vector<1x16xf32> to vector<16xf32>
          %mul3A_572 = arith.mulf %get3A_571, %bitcast_convert_type3A_558 : vector<16xf32>
          %swap3A_573 = arith.index_cast %scan3A_551 : i32 to index
          %swap3A_574 = arith.constant 64 : index
          %swap3A_575 = tpu.vector_load %arg19[%swap3A_573, %swap3A_574] {strides = array<i32>} : memref<40x128xf32, #tpu.memory_space<vmem>>, vector<1x16xf32>,
          %swap3A_576 = vector.shape_cast %swap3A_575 : vector<1x16xf32> to vector<16xf32>
          %swap3A_577 = vector.shape_cast %mul3A_572 : vector<16xf32> to vector<1x16xf32>
          tpu.vector_store %arg19[%swap3A_573, %swap3A_574], %swap3A_577 {strides = array<i32>} : memref<40x128xf32, #tpu.memory_space<vmem>>, vector<1x16xf32>,
          %get3A_578 = arith.index_cast %scan3A_551 : i32 to index
          %get3A_579 = arith.constant 16 : index
          %get3A_580 = tpu.vector_load %arg23[%get3A_578, %get3A_579] {strides = array<i32>} : memref<40x64xi32, #tpu.memory_space<vmem>>, vector<1x16xi32>,
          %get3A_581 = vector.shape_cast %get3A_580 : vector<1x16xi32> to vector<16xi32>
          %shift_left3A_582 = arith.constant 16 : i32
          %shift_left3A_583 = vector.broadcast %shift_left3A_582 : i32 to vector<16xi32>
          %shift_left3A_584 = arith.shli %get3A_581, %shift_left3A_583 : vector<16xi32>
          %bitcast_convert_type3A_585 = tpu.bitcast %shift_left3A_584 : vector<16xi32> -> vector<16xf32>
          %and3A_586 = vector.broadcast %scan3A_538 : i32 to vector<16xi32>
          %and3A_587 = arith.andi %get3A_581, %and3A_586 : vector<16xi32>
          %bitcast_convert_type3A_588 = tpu.bitcast %and3A_587 : vector<16xi32> -> vector<16xf32>
          %get3A_589 = arith.index_cast %scan3A_551 : i32 to index
          %get3A_590 = arith.constant 16 : index
          %get3A_591 = tpu.vector_load %arg19[%get3A_589, %get3A_590] {strides = array<i32>} : memref<40x128xf32, #tpu.memory_space<vmem>>, vector<1x16xf32>,
          %get3A_592 = vector.shape_cast %get3A_591 : vector<1x16xf32> to vector<16xf32>
          %mul3A_593 = arith.mulf %get3A_592, %bitcast_convert_type3A_585 : vector<16xf32>
          %swap3A_594 = arith.index_cast %scan3A_551 : i32 to index
          %swap3A_595 = arith.constant 16 : index
          %swap3A_596 = tpu.vector_load %arg19[%swap3A_594, %swap3A_595] {strides = array<i32>} : memref<40x128xf32, #tpu.memory_space<vmem>>, vector<1x16xf32>,
          %swap3A_597 = vector.shape_cast %swap3A_596 : vector<1x16xf32> to vector<16xf32>
          %swap3A_598 = vector.shape_cast %mul3A_593 : vector<16xf32> to vector<1x16xf32>
          tpu.vector_store %arg19[%swap3A_594, %swap3A_595], %swap3A_598 {strides = array<i32>} : memref<40x128xf32, #tpu.memory_space<vmem>>, vector<1x16xf32>,
          %get3A_599 = arith.index_cast %scan3A_551 : i32 to index
          %get3A_600 = arith.constant 80 : index
          %get3A_601 = tpu.vector_load %arg19[%get3A_599, %get3A_600] {strides = array<i32>} : memref<40x128xf32, #tpu.memory_space<vmem>>, vector<1x16xf32>,
          %get3A_602 = vector.shape_cast %get3A_601 : vector<1x16xf32> to vector<16xf32>
          %mul3A_603 = arith.mulf %get3A_602, %bitcast_convert_type3A_588 : vector<16xf32>
          %swap3A_604 = arith.index_cast %scan3A_551 : i32 to index
          %swap3A_605 = arith.constant 80 : index
          %swap3A_606 = tpu.vector_load %arg19[%swap3A_604, %swap3A_605] {strides = array<i32>} : memref<40x128xf32, #tpu.memory_space<vmem>>, vector<1x16xf32>,
          %swap3A_607 = vector.shape_cast %swap3A_606 : vector<1x16xf32> to vector<16xf32>
          %swap3A_608 = vector.shape_cast %mul3A_603 : vector<16xf32> to vector<1x16xf32>
          tpu.vector_store %arg19[%swap3A_604, %swap3A_605], %swap3A_608 {strides = array<i32>} : memref<40x128xf32, #tpu.memory_space<vmem>>, vector<1x16xf32>,
          %get3A_609 = arith.index_cast %scan3A_551 : i32 to index
          %get3A_610 = arith.constant 32 : index
          %get3A_611 = tpu.vector_load %arg23[%get3A_609, %get3A_610] {strides = array<i32>} : memref<40x64xi32, #tpu.memory_space<vmem>>, vector<1x16xi32>,
          %get3A_612 = vector.shape_cast %get3A_611 : vector<1x16xi32> to vector<16xi32>
          %shift_left3A_613 = arith.constant 16 : i32
          %shift_left3A_614 = vector.broadcast %shift_left3A_613 : i32 to vector<16xi32>
          %shift_left3A_615 = arith.shli %get3A_612, %shift_left3A_614 : vector<16xi32>
          %bitcast_convert_type3A_616 = tpu.bitcast %shift_left3A_615 : vector<16xi32> -> vector<16xf32>
          %and3A_617 = vector.broadcast %scan3A_538 : i32 to vector<16xi32>
          %and3A_618 = arith.andi %get3A_612, %and3A_617 : vector<16xi32>
          %bitcast_convert_type3A_619 = tpu.bitcast %and3A_618 : vector<16xi32> -> vector<16xf32>
          %get3A_620 = arith.index_cast %scan3A_551 : i32 to index
          %get3A_621 = arith.constant 32 : index
          %get3A_622 = tpu.vector_load %arg19[%get3A_620, %get3A_621] {strides = array<i32>} : memref<40x128xf32, #tpu.memory_space<vmem>>, vector<1x16xf32>,
          %get3A_623 = vector.shape_cast %get3A_622 : vector<1x16xf32> to vector<16xf32>
          %mul3A_624 = arith.mulf %get3A_623, %bitcast_convert_type3A_616 : vector<16xf32>
          %swap3A_625 = arith.index_cast %scan3A_551 : i32 to index
          %swap3A_626 = arith.constant 32 : index
          %swap3A_627 = tpu.vector_load %arg19[%swap3A_625, %swap3A_626] {strides = array<i32>} : memref<40x128xf32, #tpu.memory_space<vmem>>, vector<1x16xf32>,
          %swap3A_628 = vector.shape_cast %swap3A_627 : vector<1x16xf32> to vector<16xf32>
          %swap3A_629 = vector.shape_cast %mul3A_624 : vector<16xf32> to vector<1x16xf32>
          tpu.vector_store %arg19[%swap3A_625, %swap3A_626], %swap3A_629 {strides = array<i32>} : memref<40x128xf32, #tpu.memory_space<vmem>>, vector<1x16xf32>,
          %get3A_630 = arith.index_cast %scan3A_551 : i32 to index
          %get3A_631 = arith.constant 96 : index
          %get3A_632 = tpu.vector_load %arg19[%get3A_630, %get3A_631] {strides = array<i32>} : memref<40x128xf32, #tpu.memory_space<vmem>>, vector<1x16xf32>,
          %get3A_633 = vector.shape_cast %get3A_632 : vector<1x16xf32> to vector<16xf32>
          %mul3A_634 = arith.mulf %get3A_633, %bitcast_convert_type3A_619 : vector<16xf32>
          %swap3A_635 = arith.index_cast %scan3A_551 : i32 to index
          %swap3A_636 = arith.constant 96 : index
          %swap3A_637 = tpu.vector_load %arg19[%swap3A_635, %swap3A_636] {strides = array<i32>} : memref<40x128xf32, #tpu.memory_space<vmem>>, vector<1x16xf32>,
          %swap3A_638 = vector.shape_cast %swap3A_637 : vector<1x16xf32> to vector<16xf32>
          %swap3A_639 = vector.shape_cast %mul3A_634 : vector<16xf32> to vector<1x16xf32>
          tpu.vector_store %arg19[%swap3A_635, %swap3A_636], %swap3A_639 {strides = array<i32>} : memref<40x128xf32, #tpu.memory_space<vmem>>, vector<1x16xf32>,
          %get3A_640 = arith.index_cast %scan3A_551 : i32 to index
          %get3A_641 = arith.constant 48 : index
          %get3A_642 = tpu.vector_load %arg23[%get3A_640, %get3A_641] {strides = array<i32>} : memref<40x64xi32, #tpu.memory_space<vmem>>, vector<1x16xi32>,
          %get3A_643 = vector.shape_cast %get3A_642 : vector<1x16xi32> to vector<16xi32>
          %shift_left3A_644 = arith.constant 16 : i32
          %shift_left3A_645 = vector.broadcast %shift_left3A_644 : i32 to vector<16xi32>
          %shift_left3A_646 = arith.shli %get3A_643, %shift_left3A_645 : vector<16xi32>
          %bitcast_convert_type3A_647 = tpu.bitcast %shift_left3A_646 : vector<16xi32> -> vector<16xf32>
          %and3A_648 = vector.broadcast %scan3A_538 : i32 to vector<16xi32>
          %and3A_649 = arith.andi %get3A_643, %and3A_648 : vector<16xi32>
          %bitcast_convert_type3A_650 = tpu.bitcast %and3A_649 : vector<16xi32> -> vector<16xf32>
          %get3A_651 = arith.index_cast %scan3A_551 : i32 to index
          %get3A_652 = arith.constant 48 : index
          %get3A_653 = tpu.vector_load %arg19[%get3A_651, %get3A_652] {strides = array<i32>} : memref<40x128xf32, #tpu.memory_space<vmem>>, vector<1x16xf32>,
          %get3A_654 = vector.shape_cast %get3A_653 : vector<1x16xf32> to vector<16xf32>
          %mul3A_655 = arith.mulf %get3A_654, %bitcast_convert_type3A_647 : vector<16xf32>
          %swap3A_656 = arith.index_cast %scan3A_551 : i32 to index
          %swap3A_657 = arith.constant 48 : index
          %swap3A_658 = tpu.vector_load %arg19[%swap3A_656, %swap3A_657] {strides = array<i32>} : memref<40x128xf32, #tpu.memory_space<vmem>>, vector<1x16xf32>,
          %swap3A_659 = vector.shape_cast %swap3A_658 : vector<1x16xf32> to vector<16xf32>
          %swap3A_660 = vector.shape_cast %mul3A_655 : vector<16xf32> to vector<1x16xf32>
          tpu.vector_store %arg19[%swap3A_656, %swap3A_657], %swap3A_660 {strides = array<i32>} : memref<40x128xf32, #tpu.memory_space<vmem>>, vector<1x16xf32>,
          %get3A_661 = arith.index_cast %scan3A_551 : i32 to index
          %get3A_662 = arith.constant 112 : index
          %get3A_663 = tpu.vector_load %arg19[%get3A_661, %get3A_662] {strides = array<i32>} : memref<40x128xf32, #tpu.memory_space<vmem>>, vector<1x16xf32>,
          %get3A_664 = vector.shape_cast %get3A_663 : vector<1x16xf32> to vector<16xf32>
          %mul3A_665 = arith.mulf %get3A_664, %bitcast_convert_type3A_650 : vector<16xf32>
          %swap3A_666 = arith.index_cast %scan3A_551 : i32 to index
          %swap3A_667 = arith.constant 112 : index
          %swap3A_668 = tpu.vector_load %arg19[%swap3A_666, %swap3A_667] {strides = array<i32>} : memref<40x128xf32, #tpu.memory_space<vmem>>, vector<1x16xf32>,
          %swap3A_669 = vector.shape_cast %swap3A_668 : vector<1x16xf32> to vector<16xf32>
          %swap3A_670 = vector.shape_cast %mul3A_665 : vector<16xf32> to vector<1x16xf32>
          tpu.vector_store %arg19[%swap3A_666, %swap3A_667], %swap3A_670 {strides = array<i32>} : memref<40x128xf32, #tpu.memory_space<vmem>>, vector<1x16xf32>,
        }
        %scan3A_543 = arith.constant 40 : i32
        %dma_wait3A_544 = arith.constant 0 : i32
        %dma_wait3A_545 = tpu.memref_slice %arg5[%dma_wait3A_544] : memref<320000xi32, #tpu.memory_space<hbm>> -> memref<40xi32, #tpu.memory_space<hbm>>
        %dma_wait3A_546 = arith.constant 0 : i32
        %dma_wait3A_547 = tpu.memref_slice %arg5[%dma_wait3A_546] : memref<320000xi32, #tpu.memory_space<hbm>> -> memref<40xi32, #tpu.memory_space<hbm>>
        tpu.wait_dma2 semaphore(%arg31 : memref<!tpu.dma_semaphore, #tpu.memory_space<semaphore_mem>>) src(%dma_wait3A_547 : memref<40xi32, #tpu.memory_space<hbm>>) dst(%arg15 : memref<40xi32, #tpu.memory_space<vmem>>)
        %dma_start3A_548 = arith.constant 0 : i32
        %dma_start3A_549 = arith.constant 0 : i32
        %dma_start3A_550 = tpu.memref_slice %arg7[%dma_start3A_548, %dma_start3A_549] : memref<10240x128xf32, #tpu.memory_space<vmem_shared>> -> memref<10240x128xf32, #tpu.memory_space<vmem_shared>>
        tpu.enqueue_indirect_dma source(%arg19 : memref<40x128xf32, #tpu.memory_space<vmem>>) target(%dma_start3A_550 : memref<10240x128xf32, #tpu.memory_space<vmem_shared>>) offsets(%arg15 : memref<40xi32, #tpu.memory_space<vmem>>) semaphore(%arg43 : memref<!tpu.dma_semaphore, #tpu.memory_space<semaphore_mem>>) {add = true}
      } else {
      }
    }
    %scan3A_207 = arith.constant 19 : i32
    %dma_wait3A_208 = arith.constant 0 : i32
    %dma_wait3A_209 = arith.constant 0 : i32
    %dma_wait3A_210 = tpu.memref_slice %arg7[%dma_wait3A_208, %dma_wait3A_209] : memref<10240x128xf32, #tpu.memory_space<vmem_shared>> -> memref<10240x128xf32, #tpu.memory_space<vmem_shared>>
    tpu.wait_indirect_dma semaphore(%arg40 : memref<!tpu.dma_semaphore, #tpu.memory_space<semaphore_mem>>) src(%arg16 : memref<40x128xf32, #tpu.memory_space<vmem>>) dst(%dma_wait3A_210 : memref<10240x128xf32, #tpu.memory_space<vmem_shared>>)
    %dma_wait3A_211 = arith.constant 0 : i32
    %dma_wait3A_212 = arith.constant 0 : i32
    %dma_wait3A_213 = tpu.memref_slice %arg7[%dma_wait3A_211, %dma_wait3A_212] : memref<10240x128xf32, #tpu.memory_space<vmem_shared>> -> memref<10240x128xf32, #tpu.memory_space<vmem_shared>>
    tpu.wait_indirect_dma semaphore(%arg41 : memref<!tpu.dma_semaphore, #tpu.memory_space<semaphore_mem>>) src(%arg17 : memref<40x128xf32, #tpu.memory_space<vmem>>) dst(%dma_wait3A_213 : memref<10240x128xf32, #tpu.memory_space<vmem_shared>>)
    %dma_wait3A_214 = arith.constant 0 : i32
    %dma_wait3A_215 = arith.constant 0 : i32
    %dma_wait3A_216 = tpu.memref_slice %arg7[%dma_wait3A_214, %dma_wait3A_215] : memref<10240x128xf32, #tpu.memory_space<vmem_shared>> -> memref<10240x128xf32, #tpu.memory_space<vmem_shared>>
    tpu.wait_indirect_dma semaphore(%arg42 : memref<!tpu.dma_semaphore, #tpu.memory_space<semaphore_mem>>) src(%arg18 : memref<40x128xf32, #tpu.memory_space<vmem>>) dst(%dma_wait3A_216 : memref<10240x128xf32, #tpu.memory_space<vmem_shared>>)
    %dma_wait3A_217 = arith.constant 0 : i32
    %dma_wait3A_218 = arith.constant 0 : i32
    %dma_wait3A_219 = tpu.memref_slice %arg7[%dma_wait3A_217, %dma_wait3A_218] : memref<10240x128xf32, #tpu.memory_space<vmem_shared>> -> memref<10240x128xf32, #tpu.memory_space<vmem_shared>>
    tpu.wait_indirect_dma semaphore(%arg43 : memref<!tpu.dma_semaphore, #tpu.memory_space<semaphore_mem>>) src(%arg19 : memref<40x128xf32, #tpu.memory_space<vmem>>) dst(%dma_wait3A_219 : memref<10240x128xf32, #tpu.memory_space<vmem_shared>>)
    %barrier3A_220 = arith.constant 0 : index
    tpu.barrier barrier_id(%barrier3A_220)
    %add3A_221 = arith.constant 0 : i32
    %add3A_222 = arith.addi %mul3A_10, %add3A_221 : i32
    "tpu.region"() ({
      %run_scoped3A = tpu.sem_alloc : memref<!tpu.dma_semaphore, #tpu.memory_space<semaphore_mem>>
      %dma_start3A_445 = arith.constant 0 : i32
      %dma_start3A_446 = tpu.memref_slice %arg7[%add3A_222, %dma_start3A_445] : memref<10240x128xf32, #tpu.memory_space<vmem_shared>> -> memref<40x128xf32, #tpu.memory_space<vmem_shared>>
      %dma_start3A_447 = arith.constant 0 : i32
      %dma_start3A_448 = tpu.memref_slice %arg7[%add3A_222, %dma_start3A_447] : memref<10240x128xf32, #tpu.memory_space<vmem_shared>> -> memref<40x128xf32, #tpu.memory_space<vmem_shared>>
      tpu.enqueue_dma source(%dma_start3A_448 : memref<40x128xf32, #tpu.memory_space<vmem_shared>>) target(%arg16 : memref<40x128xf32, #tpu.memory_space<vmem>>) target_semaphore(%run_scoped3A : memref<!tpu.dma_semaphore, #tpu.memory_space<semaphore_mem>>)
      %dma_wait3A_449 = arith.constant 0 : i32
      %dma_wait3A_450 = tpu.memref_slice %arg7[%add3A_222, %dma_wait3A_449] : memref<10240x128xf32, #tpu.memory_space<vmem_shared>> -> memref<40x128xf32, #tpu.memory_space<vmem_shared>>
      %dma_wait3A_451 = arith.constant 0 : i32
      %dma_wait3A_452 = tpu.memref_slice %arg7[%add3A_222, %dma_wait3A_451] : memref<10240x128xf32, #tpu.memory_space<vmem_shared>> -> memref<40x128xf32, #tpu.memory_space<vmem_shared>>
      tpu.wait_dma2 semaphore(%run_scoped3A : memref<!tpu.dma_semaphore, #tpu.memory_space<semaphore_mem>>) src(%dma_wait3A_452 : memref<40x128xf32, #tpu.memory_space<vmem_shared>>) dst(%arg16 : memref<40x128xf32, #tpu.memory_space<vmem>>)
      tpu.yield
    }) : () -> ()
    %dma_start3A_223 = arith.constant 0 : i32
    %dma_start3A_224 = tpu.memref_slice %arg6[%arg0, %add3A_222, %dma_start3A_223] : memref<2x10240x128xf32, #tpu.memory_space<hbm>> -> memref<1x40x128xf32, #tpu.memory_space<hbm>>
    %dma_start3A_225 = tpu.memref_squeeze %dma_start3A_224 : memref<1x40x128xf32, #tpu.memory_space<hbm>> -> memref<40x128xf32, #tpu.memory_space<hbm>>
    %dma_start3A_226 = arith.constant 0 : i32
    %dma_start3A_227 = tpu.memref_slice %arg6[%arg0, %add3A_222, %dma_start3A_226] : memref<2x10240x128xf32, #tpu.memory_space<hbm>> -> memref<1x40x128xf32, #tpu.memory_space<hbm>>
    %dma_start3A_228 = tpu.memref_squeeze %dma_start3A_227 : memref<1x40x128xf32, #tpu.memory_space<hbm>> -> memref<40x128xf32, #tpu.memory_space<hbm>>
    tpu.enqueue_dma source(%arg16 : memref<40x128xf32, #tpu.memory_space<vmem>>) target(%dma_start3A_228 : memref<40x128xf32, #tpu.memory_space<hbm>>) target_semaphore(%arg40 : memref<!tpu.dma_semaphore, #tpu.memory_space<semaphore_mem>>)
    %add3A_229 = arith.constant 40 : i32
    %add3A_230 = arith.addi %mul3A_10, %add3A_229 : i32
    "tpu.region"() ({
      %run_scoped3A = tpu.sem_alloc : memref<!tpu.dma_semaphore, #tpu.memory_space<semaphore_mem>>
      %dma_start3A_445 = arith.constant 0 : i32
      %dma_start3A_446 = tpu.memref_slice %arg7[%add3A_230, %dma_start3A_445] : memref<10240x128xf32, #tpu.memory_space<vmem_shared>> -> memref<40x128xf32, #tpu.memory_space<vmem_shared>>
      %dma_start3A_447 = arith.constant 0 : i32
      %dma_start3A_448 = tpu.memref_slice %arg7[%add3A_230, %dma_start3A_447] : memref<10240x128xf32, #tpu.memory_space<vmem_shared>> -> memref<40x128xf32, #tpu.memory_space<vmem_shared>>
      tpu.enqueue_dma source(%dma_start3A_448 : memref<40x128xf32, #tpu.memory_space<vmem_shared>>) target(%arg17 : memref<40x128xf32, #tpu.memory_space<vmem>>) target_semaphore(%run_scoped3A : memref<!tpu.dma_semaphore, #tpu.memory_space<semaphore_mem>>)
      %dma_wait3A_449 = arith.constant 0 : i32
      %dma_wait3A_450 = tpu.memref_slice %arg7[%add3A_230, %dma_wait3A_449] : memref<10240x128xf32, #tpu.memory_space<vmem_shared>> -> memref<40x128xf32, #tpu.memory_space<vmem_shared>>
      %dma_wait3A_451 = arith.constant 0 : i32
      %dma_wait3A_452 = tpu.memref_slice %arg7[%add3A_230, %dma_wait3A_451] : memref<10240x128xf32, #tpu.memory_space<vmem_shared>> -> memref<40x128xf32, #tpu.memory_space<vmem_shared>>
      tpu.wait_dma2 semaphore(%run_scoped3A : memref<!tpu.dma_semaphore, #tpu.memory_space<semaphore_mem>>) src(%dma_wait3A_452 : memref<40x128xf32, #tpu.memory_space<vmem_shared>>) dst(%arg17 : memref<40x128xf32, #tpu.memory_space<vmem>>)
      tpu.yield
    }) : () -> ()
    %dma_start3A_231 = arith.constant 0 : i32
    %dma_start3A_232 = tpu.memref_slice %arg6[%arg0, %add3A_230, %dma_start3A_231] : memref<2x10240x128xf32, #tpu.memory_space<hbm>> -> memref<1x40x128xf32, #tpu.memory_space<hbm>>
    %dma_start3A_233 = tpu.memref_squeeze %dma_start3A_232 : memref<1x40x128xf32, #tpu.memory_space<hbm>> -> memref<40x128xf32, #tpu.memory_space<hbm>>
    %dma_start3A_234 = arith.constant 0 : i32
    %dma_start3A_235 = tpu.memref_slice %arg6[%arg0, %add3A_230, %dma_start3A_234] : memref<2x10240x128xf32, #tpu.memory_space<hbm>> -> memref<1x40x128xf32, #tpu.memory_space<hbm>>
    %dma_start3A_236 = tpu.memref_squeeze %dma_start3A_235 : memref<1x40x128xf32, #tpu.memory_space<hbm>> -> memref<40x128xf32, #tpu.memory_space<hbm>>
    tpu.enqueue_dma source(%arg17 : memref<40x128xf32, #tpu.memory_space<vmem>>) target(%dma_start3A_236 : memref<40x128xf32, #tpu.memory_space<hbm>>) target_semaphore(%arg41 : memref<!tpu.dma_semaphore, #tpu.memory_space<semaphore_mem>>)
    %add3A_237 = arith.constant 80 : i32
    %add3A_238 = arith.addi %mul3A_10, %add3A_237 : i32
    %dma_wait3A_239 = arith.constant 0 : i32
    %dma_wait3A_240 = tpu.memref_slice %arg6[%arg0, %mul3A_10, %dma_wait3A_239] : memref<2x10240x128xf32, #tpu.memory_space<hbm>> -> memref<1x40x128xf32, #tpu.memory_space<hbm>>
    %dma_wait3A_241 = tpu.memref_squeeze %dma_wait3A_240 : memref<1x40x128xf32, #tpu.memory_space<hbm>> -> memref<40x128xf32, #tpu.memory_space<hbm>>
    %dma_wait3A_242 = arith.constant 0 : i32
    %dma_wait3A_243 = tpu.memref_slice %arg6[%arg0, %mul3A_10, %dma_wait3A_242] : memref<2x10240x128xf32, #tpu.memory_space<hbm>> -> memref<1x40x128xf32, #tpu.memory_space<hbm>>
    %dma_wait3A_244 = tpu.memref_squeeze %dma_wait3A_243 : memref<1x40x128xf32, #tpu.memory_space<hbm>> -> memref<40x128xf32, #tpu.memory_space<hbm>>
    tpu.wait_dma2 semaphore(%arg40 : memref<!tpu.dma_semaphore, #tpu.memory_space<semaphore_mem>>) src(%arg16 : memref<40x128xf32, #tpu.memory_space<vmem>>) dst(%dma_wait3A_244 : memref<40x128xf32, #tpu.memory_space<hbm>>)
    "tpu.region"() ({
      %run_scoped3A = tpu.sem_alloc : memref<!tpu.dma_semaphore, #tpu.memory_space<semaphore_mem>>
      %dma_start3A_445 = arith.constant 0 : i32
      %dma_start3A_446 = tpu.memref_slice %arg7[%add3A_238, %dma_start3A_445] : memref<10240x128xf32, #tpu.memory_space<vmem_shared>> -> memref<40x128xf32, #tpu.memory_space<vmem_shared>>
      %dma_start3A_447 = arith.constant 0 : i32
      %dma_start3A_448 = tpu.memref_slice %arg7[%add3A_238, %dma_start3A_447] : memref<10240x128xf32, #tpu.memory_space<vmem_shared>> -> memref<40x128xf32, #tpu.memory_space<vmem_shared>>
      tpu.enqueue_dma source(%dma_start3A_448 : memref<40x128xf32, #tpu.memory_space<vmem_shared>>) target(%arg16 : memref<40x128xf32, #tpu.memory_space<vmem>>) target_semaphore(%run_scoped3A : memref<!tpu.dma_semaphore, #tpu.memory_space<semaphore_mem>>)
      %dma_wait3A_449 = arith.constant 0 : i32
      %dma_wait3A_450 = tpu.memref_slice %arg7[%add3A_238, %dma_wait3A_449] : memref<10240x128xf32, #tpu.memory_space<vmem_shared>> -> memref<40x128xf32, #tpu.memory_space<vmem_shared>>
      %dma_wait3A_451 = arith.constant 0 : i32
      %dma_wait3A_452 = tpu.memref_slice %arg7[%add3A_238, %dma_wait3A_451] : memref<10240x128xf32, #tpu.memory_space<vmem_shared>> -> memref<40x128xf32, #tpu.memory_space<vmem_shared>>
      tpu.wait_dma2 semaphore(%run_scoped3A : memref<!tpu.dma_semaphore, #tpu.memory_space<semaphore_mem>>) src(%dma_wait3A_452 : memref<40x128xf32, #tpu.memory_space<vmem_shared>>) dst(%arg16 : memref<40x128xf32, #tpu.memory_space<vmem>>)
      tpu.yield
    }) : () -> ()
    %dma_start3A_245 = arith.constant 0 : i32
    %dma_start3A_246 = tpu.memref_slice %arg6[%arg0, %add3A_238, %dma_start3A_245] : memref<2x10240x128xf32, #tpu.memory_space<hbm>> -> memref<1x40x128xf32, #tpu.memory_space<hbm>>
    %dma_start3A_247 = tpu.memref_squeeze %dma_start3A_246 : memref<1x40x128xf32, #tpu.memory_space<hbm>> -> memref<40x128xf32, #tpu.memory_space<hbm>>
    %dma_start3A_248 = arith.constant 0 : i32
    %dma_start3A_249 = tpu.memref_slice %arg6[%arg0, %add3A_238, %dma_start3A_248] : memref<2x10240x128xf32, #tpu.memory_space<hbm>> -> memref<1x40x128xf32, #tpu.memory_space<hbm>>
    %dma_start3A_250 = tpu.memref_squeeze %dma_start3A_249 : memref<1x40x128xf32, #tpu.memory_space<hbm>> -> memref<40x128xf32, #tpu.memory_space<hbm>>
    tpu.enqueue_dma source(%arg16 : memref<40x128xf32, #tpu.memory_space<vmem>>) target(%dma_start3A_250 : memref<40x128xf32, #tpu.memory_space<hbm>>) target_semaphore(%arg40 : memref<!tpu.dma_semaphore, #tpu.memory_space<semaphore_mem>>)
    %add3A_251 = arith.constant 120 : i32
    %add3A_252 = arith.addi %mul3A_10, %add3A_251 : i32
    %dma_wait3A_253 = arith.constant 0 : i32
    %dma_wait3A_254 = tpu.memref_slice %arg6[%arg0, %mul3A_10, %dma_wait3A_253] : memref<2x10240x128xf32, #tpu.memory_space<hbm>> -> memref<1x40x128xf32, #tpu.memory_space<hbm>>
    %dma_wait3A_255 = tpu.memref_squeeze %dma_wait3A_254 : memref<1x40x128xf32, #tpu.memory_space<hbm>> -> memref<40x128xf32, #tpu.memory_space<hbm>>
    %dma_wait3A_256 = arith.constant 0 : i32
    %dma_wait3A_257 = tpu.memref_slice %arg6[%arg0, %mul3A_10, %dma_wait3A_256] : memref<2x10240x128xf32, #tpu.memory_space<hbm>> -> memref<1x40x128xf32, #tpu.memory_space<hbm>>
    %dma_wait3A_258 = tpu.memref_squeeze %dma_wait3A_257 : memref<1x40x128xf32, #tpu.memory_space<hbm>> -> memref<40x128xf32, #tpu.memory_space<hbm>>
    tpu.wait_dma2 semaphore(%arg41 : memref<!tpu.dma_semaphore, #tpu.memory_space<semaphore_mem>>) src(%arg17 : memref<40x128xf32, #tpu.memory_space<vmem>>) dst(%dma_wait3A_258 : memref<40x128xf32, #tpu.memory_space<hbm>>)
    "tpu.region"() ({
      %run_scoped3A = tpu.sem_alloc : memref<!tpu.dma_semaphore, #tpu.memory_space<semaphore_mem>>
      %dma_start3A_445 = arith.constant 0 : i32
      %dma_start3A_446 = tpu.memref_slice %arg7[%add3A_252, %dma_start3A_445] : memref<10240x128xf32, #tpu.memory_space<vmem_shared>> -> memref<40x128xf32, #tpu.memory_space<vmem_shared>>
      %dma_start3A_447 = arith.constant 0 : i32
      %dma_start3A_448 = tpu.memref_slice %arg7[%add3A_252, %dma_start3A_447] : memref<10240x128xf32, #tpu.memory_space<vmem_shared>> -> memref<40x128xf32, #tpu.memory_space<vmem_shared>>
      tpu.enqueue_dma source(%dma_start3A_448 : memref<40x128xf32, #tpu.memory_space<vmem_shared>>) target(%arg17 : memref<40x128xf32, #tpu.memory_space<vmem>>) target_semaphore(%run_scoped3A : memref<!tpu.dma_semaphore, #tpu.memory_space<semaphore_mem>>)
      %dma_wait3A_449 = arith.constant 0 : i32
      %dma_wait3A_450 = tpu.memref_slice %arg7[%add3A_252, %dma_wait3A_449] : memref<10240x128xf32, #tpu.memory_space<vmem_shared>> -> memref<40x128xf32, #tpu.memory_space<vmem_shared>>
      %dma_wait3A_451 = arith.constant 0 : i32
      %dma_wait3A_452 = tpu.memref_slice %arg7[%add3A_252, %dma_wait3A_451] : memref<10240x128xf32, #tpu.memory_space<vmem_shared>> -> memref<40x128xf32, #tpu.memory_space<vmem_shared>>
      tpu.wait_dma2 semaphore(%run_scoped3A : memref<!tpu.dma_semaphore, #tpu.memory_space<semaphore_mem>>) src(%dma_wait3A_452 : memref<40x128xf32, #tpu.memory_space<vmem_shared>>) dst(%arg17 : memref<40x128xf32, #tpu.memory_space<vmem>>)
      tpu.yield
    }) : () -> ()
    %dma_start3A_259 = arith.constant 0 : i32
    %dma_start3A_260 = tpu.memref_slice %arg6[%arg0, %add3A_252, %dma_start3A_259] : memref<2x10240x128xf32, #tpu.memory_space<hbm>> -> memref<1x40x128xf32, #tpu.memory_space<hbm>>
    %dma_start3A_261 = tpu.memref_squeeze %dma_start3A_260 : memref<1x40x128xf32, #tpu.memory_space<hbm>> -> memref<40x128xf32, #tpu.memory_space<hbm>>
    %dma_start3A_262 = arith.constant 0 : i32
    %dma_start3A_263 = tpu.memref_slice %arg6[%arg0, %add3A_252, %dma_start3A_262] : memref<2x10240x128xf32, #tpu.memory_space<hbm>> -> memref<1x40x128xf32, #tpu.memory_space<hbm>>
    %dma_start3A_264 = tpu.memref_squeeze %dma_start3A_263 : memref<1x40x128xf32, #tpu.memory_space<hbm>> -> memref<40x128xf32, #tpu.memory_space<hbm>>
    tpu.enqueue_dma source(%arg17 : memref<40x128xf32, #tpu.memory_space<vmem>>) target(%dma_start3A_264 : memref<40x128xf32, #tpu.memory_space<hbm>>) target_semaphore(%arg41 : memref<!tpu.dma_semaphore, #tpu.memory_space<semaphore_mem>>)
    %add3A_265 = arith.constant 160 : i32
    %add3A_266 = arith.addi %mul3A_10, %add3A_265 : i32
    %dma_wait3A_267 = arith.constant 0 : i32
    %dma_wait3A_268 = tpu.memref_slice %arg6[%arg0, %mul3A_10, %dma_wait3A_267] : memref<2x10240x128xf32, #tpu.memory_space<hbm>> -> memref<1x40x128xf32, #tpu.memory_space<hbm>>
    %dma_wait3A_269 = tpu.memref_squeeze %dma_wait3A_268 : memref<1x40x128xf32, #tpu.memory_space<hbm>> -> memref<40x128xf32, #tpu.memory_space<hbm>>
    %dma_wait3A_270 = arith.constant 0 : i32
    %dma_wait3A_271 = tpu.memref_slice %arg6[%arg0, %mul3A_10, %dma_wait3A_270] : memref<2x10240x128xf32, #tpu.memory_space<hbm>> -> memref<1x40x128xf32, #tpu.memory_space<hbm>>
    %dma_wait3A_272 = tpu.memref_squeeze %dma_wait3A_271 : memref<1x40x128xf32, #tpu.memory_space<hbm>> -> memref<40x128xf32, #tpu.memory_space<hbm>>
    tpu.wait_dma2 semaphore(%arg40 : memref<!tpu.dma_semaphore, #tpu.memory_space<semaphore_mem>>) src(%arg16 : memref<40x128xf32, #tpu.memory_space<vmem>>) dst(%dma_wait3A_272 : memref<40x128xf32, #tpu.memory_space<hbm>>)
    "tpu.region"() ({
      %run_scoped3A = tpu.sem_alloc : memref<!tpu.dma_semaphore, #tpu.memory_space<semaphore_mem>>
      %dma_start3A_445 = arith.constant 0 : i32
      %dma_start3A_446 = tpu.memref_slice %arg7[%add3A_266, %dma_start3A_445] : memref<10240x128xf32, #tpu.memory_space<vmem_shared>> -> memref<40x128xf32, #tpu.memory_space<vmem_shared>>
      %dma_start3A_447 = arith.constant 0 : i32
      %dma_start3A_448 = tpu.memref_slice %arg7[%add3A_266, %dma_start3A_447] : memref<10240x128xf32, #tpu.memory_space<vmem_shared>> -> memref<40x128xf32, #tpu.memory_space<vmem_shared>>
      tpu.enqueue_dma source(%dma_start3A_448 : memref<40x128xf32, #tpu.memory_space<vmem_shared>>) target(%arg16 : memref<40x128xf32, #tpu.memory_space<vmem>>) target_semaphore(%run_scoped3A : memref<!tpu.dma_semaphore, #tpu.memory_space<semaphore_mem>>)
      %dma_wait3A_449 = arith.constant 0 : i32
      %dma_wait3A_450 = tpu.memref_slice %arg7[%add3A_266, %dma_wait3A_449] : memref<10240x128xf32, #tpu.memory_space<vmem_shared>> -> memref<40x128xf32, #tpu.memory_space<vmem_shared>>
      %dma_wait3A_451 = arith.constant 0 : i32
      %dma_wait3A_452 = tpu.memref_slice %arg7[%add3A_266, %dma_wait3A_451] : memref<10240x128xf32, #tpu.memory_space<vmem_shared>> -> memref<40x128xf32, #tpu.memory_space<vmem_shared>>
      tpu.wait_dma2 semaphore(%run_scoped3A : memref<!tpu.dma_semaphore, #tpu.memory_space<semaphore_mem>>) src(%dma_wait3A_452 : memref<40x128xf32, #tpu.memory_space<vmem_shared>>) dst(%arg16 : memref<40x128xf32, #tpu.memory_space<vmem>>)
      tpu.yield
    }) : () -> ()
    %dma_start3A_273 = arith.constant 0 : i32
    %dma_start3A_274 = tpu.memref_slice %arg6[%arg0, %add3A_266, %dma_start3A_273] : memref<2x10240x128xf32, #tpu.memory_space<hbm>> -> memref<1x40x128xf32, #tpu.memory_space<hbm>>
    %dma_start3A_275 = tpu.memref_squeeze %dma_start3A_274 : memref<1x40x128xf32, #tpu.memory_space<hbm>> -> memref<40x128xf32, #tpu.memory_space<hbm>>
    %dma_start3A_276 = arith.constant 0 : i32
    %dma_start3A_277 = tpu.memref_slice %arg6[%arg0, %add3A_266, %dma_start3A_276] : memref<2x10240x128xf32, #tpu.memory_space<hbm>> -> memref<1x40x128xf32, #tpu.memory_space<hbm>>
    %dma_start3A_278 = tpu.memref_squeeze %dma_start3A_277 : memref<1x40x128xf32, #tpu.memory_space<hbm>> -> memref<40x128xf32, #tpu.memory_space<hbm>>
    tpu.enqueue_dma source(%arg16 : memref<40x128xf32, #tpu.memory_space<vmem>>) target(%dma_start3A_278 : memref<40x128xf32, #tpu.memory_space<hbm>>) target_semaphore(%arg40 : memref<!tpu.dma_semaphore, #tpu.memory_space<semaphore_mem>>)
    %add3A_279 = arith.constant 200 : i32
    %add3A_280 = arith.addi %mul3A_10, %add3A_279 : i32
    %dma_wait3A_281 = arith.constant 0 : i32
    %dma_wait3A_282 = tpu.memref_slice %arg6[%arg0, %mul3A_10, %dma_wait3A_281] : memref<2x10240x128xf32, #tpu.memory_space<hbm>> -> memref<1x40x128xf32, #tpu.memory_space<hbm>>
    %dma_wait3A_283 = tpu.memref_squeeze %dma_wait3A_282 : memref<1x40x128xf32, #tpu.memory_space<hbm>> -> memref<40x128xf32, #tpu.memory_space<hbm>>
    %dma_wait3A_284 = arith.constant 0 : i32
    %dma_wait3A_285 = tpu.memref_slice %arg6[%arg0, %mul3A_10, %dma_wait3A_284] : memref<2x10240x128xf32, #tpu.memory_space<hbm>> -> memref<1x40x128xf32, #tpu.memory_space<hbm>>
    %dma_wait3A_286 = tpu.memref_squeeze %dma_wait3A_285 : memref<1x40x128xf32, #tpu.memory_space<hbm>> -> memref<40x128xf32, #tpu.memory_space<hbm>>
    tpu.wait_dma2 semaphore(%arg41 : memref<!tpu.dma_semaphore, #tpu.memory_space<semaphore_mem>>) src(%arg17 : memref<40x128xf32, #tpu.memory_space<vmem>>) dst(%dma_wait3A_286 : memref<40x128xf32, #tpu.memory_space<hbm>>)
    "tpu.region"() ({
      %run_scoped3A = tpu.sem_alloc : memref<!tpu.dma_semaphore, #tpu.memory_space<semaphore_mem>>
      %dma_start3A_445 = arith.constant 0 : i32
      %dma_start3A_446 = tpu.memref_slice %arg7[%add3A_280, %dma_start3A_445] : memref<10240x128xf32, #tpu.memory_space<vmem_shared>> -> memref<40x128xf32, #tpu.memory_space<vmem_shared>>
      %dma_start3A_447 = arith.constant 0 : i32
      %dma_start3A_448 = tpu.memref_slice %arg7[%add3A_280, %dma_start3A_447] : memref<10240x128xf32, #tpu.memory_space<vmem_shared>> -> memref<40x128xf32, #tpu.memory_space<vmem_shared>>
      tpu.enqueue_dma source(%dma_start3A_448 : memref<40x128xf32, #tpu.memory_space<vmem_shared>>) target(%arg17 : memref<40x128xf32, #tpu.memory_space<vmem>>) target_semaphore(%run_scoped3A : memref<!tpu.dma_semaphore, #tpu.memory_space<semaphore_mem>>)
      %dma_wait3A_449 = arith.constant 0 : i32
      %dma_wait3A_450 = tpu.memref_slice %arg7[%add3A_280, %dma_wait3A_449] : memref<10240x128xf32, #tpu.memory_space<vmem_shared>> -> memref<40x128xf32, #tpu.memory_space<vmem_shared>>
      %dma_wait3A_451 = arith.constant 0 : i32
      %dma_wait3A_452 = tpu.memref_slice %arg7[%add3A_280, %dma_wait3A_451] : memref<10240x128xf32, #tpu.memory_space<vmem_shared>> -> memref<40x128xf32, #tpu.memory_space<vmem_shared>>
      tpu.wait_dma2 semaphore(%run_scoped3A : memref<!tpu.dma_semaphore, #tpu.memory_space<semaphore_mem>>) src(%dma_wait3A_452 : memref<40x128xf32, #tpu.memory_space<vmem_shared>>) dst(%arg17 : memref<40x128xf32, #tpu.memory_space<vmem>>)
      tpu.yield
    }) : () -> ()
    %dma_start3A_287 = arith.constant 0 : i32
    %dma_start3A_288 = tpu.memref_slice %arg6[%arg0, %add3A_280, %dma_start3A_287] : memref<2x10240x128xf32, #tpu.memory_space<hbm>> -> memref<1x40x128xf32, #tpu.memory_space<hbm>>
    %dma_start3A_289 = tpu.memref_squeeze %dma_start3A_288 : memref<1x40x128xf32, #tpu.memory_space<hbm>> -> memref<40x128xf32, #tpu.memory_space<hbm>>
    %dma_start3A_290 = arith.constant 0 : i32
    %dma_start3A_291 = tpu.memref_slice %arg6[%arg0, %add3A_280, %dma_start3A_290] : memref<2x10240x128xf32, #tpu.memory_space<hbm>> -> memref<1x40x128xf32, #tpu.memory_space<hbm>>
    %dma_start3A_292 = tpu.memref_squeeze %dma_start3A_291 : memref<1x40x128xf32, #tpu.memory_space<hbm>> -> memref<40x128xf32, #tpu.memory_space<hbm>>
    tpu.enqueue_dma source(%arg17 : memref<40x128xf32, #tpu.memory_space<vmem>>) target(%dma_start3A_292 : memref<40x128xf32, #tpu.memory_space<hbm>>) target_semaphore(%arg41 : memref<!tpu.dma_semaphore, #tpu.memory_space<semaphore_mem>>)
    %add3A_293 = arith.constant 240 : i32
    %add3A_294 = arith.addi %mul3A_10, %add3A_293 : i32
    %dma_wait3A_295 = arith.constant 0 : i32
    %dma_wait3A_296 = tpu.memref_slice %arg6[%arg0, %mul3A_10, %dma_wait3A_295] : memref<2x10240x128xf32, #tpu.memory_space<hbm>> -> memref<1x40x128xf32, #tpu.memory_space<hbm>>
    %dma_wait3A_297 = tpu.memref_squeeze %dma_wait3A_296 : memref<1x40x128xf32, #tpu.memory_space<hbm>> -> memref<40x128xf32, #tpu.memory_space<hbm>>
    %dma_wait3A_298 = arith.constant 0 : i32
    %dma_wait3A_299 = tpu.memref_slice %arg6[%arg0, %mul3A_10, %dma_wait3A_298] : memref<2x10240x128xf32, #tpu.memory_space<hbm>> -> memref<1x40x128xf32, #tpu.memory_space<hbm>>
    %dma_wait3A_300 = tpu.memref_squeeze %dma_wait3A_299 : memref<1x40x128xf32, #tpu.memory_space<hbm>> -> memref<40x128xf32, #tpu.memory_space<hbm>>
    tpu.wait_dma2 semaphore(%arg40 : memref<!tpu.dma_semaphore, #tpu.memory_space<semaphore_mem>>) src(%arg16 : memref<40x128xf32, #tpu.memory_space<vmem>>) dst(%dma_wait3A_300 : memref<40x128xf32, #tpu.memory_space<hbm>>)
    "tpu.region"() ({
      %run_scoped3A = tpu.sem_alloc : memref<!tpu.dma_semaphore, #tpu.memory_space<semaphore_mem>>
      %dma_start3A_445 = arith.constant 0 : i32
      %dma_start3A_446 = tpu.memref_slice %arg7[%add3A_294, %dma_start3A_445] : memref<10240x128xf32, #tpu.memory_space<vmem_shared>> -> memref<40x128xf32, #tpu.memory_space<vmem_shared>>
      %dma_start3A_447 = arith.constant 0 : i32
      %dma_start3A_448 = tpu.memref_slice %arg7[%add3A_294, %dma_start3A_447] : memref<10240x128xf32, #tpu.memory_space<vmem_shared>> -> memref<40x128xf32, #tpu.memory_space<vmem_shared>>
      tpu.enqueue_dma source(%dma_start3A_448 : memref<40x128xf32, #tpu.memory_space<vmem_shared>>) target(%arg16 : memref<40x128xf32, #tpu.memory_space<vmem>>) target_semaphore(%run_scoped3A : memref<!tpu.dma_semaphore, #tpu.memory_space<semaphore_mem>>)
      %dma_wait3A_449 = arith.constant 0 : i32
      %dma_wait3A_450 = tpu.memref_slice %arg7[%add3A_294, %dma_wait3A_449] : memref<10240x128xf32, #tpu.memory_space<vmem_shared>> -> memref<40x128xf32, #tpu.memory_space<vmem_shared>>
      %dma_wait3A_451 = arith.constant 0 : i32
      %dma_wait3A_452 = tpu.memref_slice %arg7[%add3A_294, %dma_wait3A_451] : memref<10240x128xf32, #tpu.memory_space<vmem_shared>> -> memref<40x128xf32, #tpu.memory_space<vmem_shared>>
      tpu.wait_dma2 semaphore(%run_scoped3A : memref<!tpu.dma_semaphore, #tpu.memory_space<semaphore_mem>>) src(%dma_wait3A_452 : memref<40x128xf32, #tpu.memory_space<vmem_shared>>) dst(%arg16 : memref<40x128xf32, #tpu.memory_space<vmem>>)
      tpu.yield
    }) : () -> ()
    %dma_start3A_301 = arith.constant 0 : i32
    %dma_start3A_302 = tpu.memref_slice %arg6[%arg0, %add3A_294, %dma_start3A_301] : memref<2x10240x128xf32, #tpu.memory_space<hbm>> -> memref<1x40x128xf32, #tpu.memory_space<hbm>>
    %dma_start3A_303 = tpu.memref_squeeze %dma_start3A_302 : memref<1x40x128xf32, #tpu.memory_space<hbm>> -> memref<40x128xf32, #tpu.memory_space<hbm>>
    %dma_start3A_304 = arith.constant 0 : i32
    %dma_start3A_305 = tpu.memref_slice %arg6[%arg0, %add3A_294, %dma_start3A_304] : memref<2x10240x128xf32, #tpu.memory_space<hbm>> -> memref<1x40x128xf32, #tpu.memory_space<hbm>>
    %dma_start3A_306 = tpu.memref_squeeze %dma_start3A_305 : memref<1x40x128xf32, #tpu.memory_space<hbm>> -> memref<40x128xf32, #tpu.memory_space<hbm>>
    tpu.enqueue_dma source(%arg16 : memref<40x128xf32, #tpu.memory_space<vmem>>) target(%dma_start3A_306 : memref<40x128xf32, #tpu.memory_space<hbm>>) target_semaphore(%arg40 : memref<!tpu.dma_semaphore, #tpu.memory_space<semaphore_mem>>)
    %add3A_307 = arith.constant 280 : i32
    %add3A_308 = arith.addi %mul3A_10, %add3A_307 : i32
    %dma_wait3A_309 = arith.constant 0 : i32
    %dma_wait3A_310 = tpu.memref_slice %arg6[%arg0, %mul3A_10, %dma_wait3A_309] : memref<2x10240x128xf32, #tpu.memory_space<hbm>> -> memref<1x40x128xf32, #tpu.memory_space<hbm>>
    %dma_wait3A_311 = tpu.memref_squeeze %dma_wait3A_310 : memref<1x40x128xf32, #tpu.memory_space<hbm>> -> memref<40x128xf32, #tpu.memory_space<hbm>>
    %dma_wait3A_312 = arith.constant 0 : i32
    %dma_wait3A_313 = tpu.memref_slice %arg6[%arg0, %mul3A_10, %dma_wait3A_312] : memref<2x10240x128xf32, #tpu.memory_space<hbm>> -> memref<1x40x128xf32, #tpu.memory_space<hbm>>
    %dma_wait3A_314 = tpu.memref_squeeze %dma_wait3A_313 : memref<1x40x128xf32, #tpu.memory_space<hbm>> -> memref<40x128xf32, #tpu.memory_space<hbm>>
    tpu.wait_dma2 semaphore(%arg41 : memref<!tpu.dma_semaphore, #tpu.memory_space<semaphore_mem>>) src(%arg17 : memref<40x128xf32, #tpu.memory_space<vmem>>) dst(%dma_wait3A_314 : memref<40x128xf32, #tpu.memory_space<hbm>>)
    "tpu.region"() ({
      %run_scoped3A = tpu.sem_alloc : memref<!tpu.dma_semaphore, #tpu.memory_space<semaphore_mem>>
      %dma_start3A_445 = arith.constant 0 : i32
      %dma_start3A_446 = tpu.memref_slice %arg7[%add3A_308, %dma_start3A_445] : memref<10240x128xf32, #tpu.memory_space<vmem_shared>> -> memref<40x128xf32, #tpu.memory_space<vmem_shared>>
      %dma_start3A_447 = arith.constant 0 : i32
      %dma_start3A_448 = tpu.memref_slice %arg7[%add3A_308, %dma_start3A_447] : memref<10240x128xf32, #tpu.memory_space<vmem_shared>> -> memref<40x128xf32, #tpu.memory_space<vmem_shared>>
      tpu.enqueue_dma source(%dma_start3A_448 : memref<40x128xf32, #tpu.memory_space<vmem_shared>>) target(%arg17 : memref<40x128xf32, #tpu.memory_space<vmem>>) target_semaphore(%run_scoped3A : memref<!tpu.dma_semaphore, #tpu.memory_space<semaphore_mem>>)
      %dma_wait3A_449 = arith.constant 0 : i32
      %dma_wait3A_450 = tpu.memref_slice %arg7[%add3A_308, %dma_wait3A_449] : memref<10240x128xf32, #tpu.memory_space<vmem_shared>> -> memref<40x128xf32, #tpu.memory_space<vmem_shared>>
      %dma_wait3A_451 = arith.constant 0 : i32
      %dma_wait3A_452 = tpu.memref_slice %arg7[%add3A_308, %dma_wait3A_451] : memref<10240x128xf32, #tpu.memory_space<vmem_shared>> -> memref<40x128xf32, #tpu.memory_space<vmem_shared>>
      tpu.wait_dma2 semaphore(%run_scoped3A : memref<!tpu.dma_semaphore, #tpu.memory_space<semaphore_mem>>) src(%dma_wait3A_452 : memref<40x128xf32, #tpu.memory_space<vmem_shared>>) dst(%arg17 : memref<40x128xf32, #tpu.memory_space<vmem>>)
      tpu.yield
    }) : () -> ()
    %dma_start3A_315 = arith.constant 0 : i32
    %dma_start3A_316 = tpu.memref_slice %arg6[%arg0, %add3A_308, %dma_start3A_315] : memref<2x10240x128xf32, #tpu.memory_space<hbm>> -> memref<1x40x128xf32, #tpu.memory_space<hbm>>
    %dma_start3A_317 = tpu.memref_squeeze %dma_start3A_316 : memref<1x40x128xf32, #tpu.memory_space<hbm>> -> memref<40x128xf32, #tpu.memory_space<hbm>>
    %dma_start3A_318 = arith.constant 0 : i32
    %dma_start3A_319 = tpu.memref_slice %arg6[%arg0, %add3A_308, %dma_start3A_318] : memref<2x10240x128xf32, #tpu.memory_space<hbm>> -> memref<1x40x128xf32, #tpu.memory_space<hbm>>
    %dma_start3A_320 = tpu.memref_squeeze %dma_start3A_319 : memref<1x40x128xf32, #tpu.memory_space<hbm>> -> memref<40x128xf32, #tpu.memory_space<hbm>>
    tpu.enqueue_dma source(%arg17 : memref<40x128xf32, #tpu.memory_space<vmem>>) target(%dma_start3A_320 : memref<40x128xf32, #tpu.memory_space<hbm>>) target_semaphore(%arg41 : memref<!tpu.dma_semaphore, #tpu.memory_space<semaphore_mem>>)
    %add3A_321 = arith.constant 320 : i32
    %add3A_322 = arith.addi %mul3A_10, %add3A_321 : i32
    %dma_wait3A_323 = arith.constant 0 : i32
    %dma_wait3A_324 = tpu.memref_slice %arg6[%arg0, %mul3A_10, %dma_wait3A_323] : memref<2x10240x128xf32, #tpu.memory_space<hbm>> -> memref<1x40x128xf32, #tpu.memory_space<hbm>>
    %dma_wait3A_325 = tpu.memref_squeeze %dma_wait3A_324 : memref<1x40x128xf32, #tpu.memory_space<hbm>> -> memref<40x128xf32, #tpu.memory_space<hbm>>
    %dma_wait3A_326 = arith.constant 0 : i32
    %dma_wait3A_327 = tpu.memref_slice %arg6[%arg0, %mul3A_10, %dma_wait3A_326] : memref<2x10240x128xf32, #tpu.memory_space<hbm>> -> memref<1x40x128xf32, #tpu.memory_space<hbm>>
    %dma_wait3A_328 = tpu.memref_squeeze %dma_wait3A_327 : memref<1x40x128xf32, #tpu.memory_space<hbm>> -> memref<40x128xf32, #tpu.memory_space<hbm>>
    tpu.wait_dma2 semaphore(%arg40 : memref<!tpu.dma_semaphore, #tpu.memory_space<semaphore_mem>>) src(%arg16 : memref<40x128xf32, #tpu.memory_space<vmem>>) dst(%dma_wait3A_328 : memref<40x128xf32, #tpu.memory_space<hbm>>)
    "tpu.region"() ({
      %run_scoped3A = tpu.sem_alloc : memref<!tpu.dma_semaphore, #tpu.memory_space<semaphore_mem>>
      %dma_start3A_445 = arith.constant 0 : i32
      %dma_start3A_446 = tpu.memref_slice %arg7[%add3A_322, %dma_start3A_445] : memref<10240x128xf32, #tpu.memory_space<vmem_shared>> -> memref<40x128xf32, #tpu.memory_space<vmem_shared>>
      %dma_start3A_447 = arith.constant 0 : i32
      %dma_start3A_448 = tpu.memref_slice %arg7[%add3A_322, %dma_start3A_447] : memref<10240x128xf32, #tpu.memory_space<vmem_shared>> -> memref<40x128xf32, #tpu.memory_space<vmem_shared>>
      tpu.enqueue_dma source(%dma_start3A_448 : memref<40x128xf32, #tpu.memory_space<vmem_shared>>) target(%arg16 : memref<40x128xf32, #tpu.memory_space<vmem>>) target_semaphore(%run_scoped3A : memref<!tpu.dma_semaphore, #tpu.memory_space<semaphore_mem>>)
      %dma_wait3A_449 = arith.constant 0 : i32
      %dma_wait3A_450 = tpu.memref_slice %arg7[%add3A_322, %dma_wait3A_449] : memref<10240x128xf32, #tpu.memory_space<vmem_shared>> -> memref<40x128xf32, #tpu.memory_space<vmem_shared>>
      %dma_wait3A_451 = arith.constant 0 : i32
      %dma_wait3A_452 = tpu.memref_slice %arg7[%add3A_322, %dma_wait3A_451] : memref<10240x128xf32, #tpu.memory_space<vmem_shared>> -> memref<40x128xf32, #tpu.memory_space<vmem_shared>>
      tpu.wait_dma2 semaphore(%run_scoped3A : memref<!tpu.dma_semaphore, #tpu.memory_space<semaphore_mem>>) src(%dma_wait3A_452 : memref<40x128xf32, #tpu.memory_space<vmem_shared>>) dst(%arg16 : memref<40x128xf32, #tpu.memory_space<vmem>>)
      tpu.yield
    }) : () -> ()
    %dma_start3A_329 = arith.constant 0 : i32
    %dma_start3A_330 = tpu.memref_slice %arg6[%arg0, %add3A_322, %dma_start3A_329] : memref<2x10240x128xf32, #tpu.memory_space<hbm>> -> memref<1x40x128xf32, #tpu.memory_space<hbm>>
    %dma_start3A_331 = tpu.memref_squeeze %dma_start3A_330 : memref<1x40x128xf32, #tpu.memory_space<hbm>> -> memref<40x128xf32, #tpu.memory_space<hbm>>
    %dma_start3A_332 = arith.constant 0 : i32
    %dma_start3A_333 = tpu.memref_slice %arg6[%arg0, %add3A_322, %dma_start3A_332] : memref<2x10240x128xf32, #tpu.memory_space<hbm>> -> memref<1x40x128xf32, #tpu.memory_space<hbm>>
    %dma_start3A_334 = tpu.memref_squeeze %dma_start3A_333 : memref<1x40x128xf32, #tpu.memory_space<hbm>> -> memref<40x128xf32, #tpu.memory_space<hbm>>
    tpu.enqueue_dma source(%arg16 : memref<40x128xf32, #tpu.memory_space<vmem>>) target(%dma_start3A_334 : memref<40x128xf32, #tpu.memory_space<hbm>>) target_semaphore(%arg40 : memref<!tpu.dma_semaphore, #tpu.memory_space<semaphore_mem>>)
    %add3A_335 = arith.constant 360 : i32
    %add3A_336 = arith.addi %mul3A_10, %add3A_335 : i32
    %dma_wait3A_337 = arith.constant 0 : i32
    %dma_wait3A_338 = tpu.memref_slice %arg6[%arg0, %mul3A_10, %dma_wait3A_337] : memref<2x10240x128xf32, #tpu.memory_space<hbm>> -> memref<1x40x128xf32, #tpu.memory_space<hbm>>
    %dma_wait3A_339 = tpu.memref_squeeze %dma_wait3A_338 : memref<1x40x128xf32, #tpu.memory_space<hbm>> -> memref<40x128xf32, #tpu.memory_space<hbm>>
    %dma_wait3A_340 = arith.constant 0 : i32
    %dma_wait3A_341 = tpu.memref_slice %arg6[%arg0, %mul3A_10, %dma_wait3A_340] : memref<2x10240x128xf32, #tpu.memory_space<hbm>> -> memref<1x40x128xf32, #tpu.memory_space<hbm>>
    %dma_wait3A_342 = tpu.memref_squeeze %dma_wait3A_341 : memref<1x40x128xf32, #tpu.memory_space<hbm>> -> memref<40x128xf32, #tpu.memory_space<hbm>>
    tpu.wait_dma2 semaphore(%arg41 : memref<!tpu.dma_semaphore, #tpu.memory_space<semaphore_mem>>) src(%arg17 : memref<40x128xf32, #tpu.memory_space<vmem>>) dst(%dma_wait3A_342 : memref<40x128xf32, #tpu.memory_space<hbm>>)
    "tpu.region"() ({
      %run_scoped3A = tpu.sem_alloc : memref<!tpu.dma_semaphore, #tpu.memory_space<semaphore_mem>>
      %dma_start3A_445 = arith.constant 0 : i32
      %dma_start3A_446 = tpu.memref_slice %arg7[%add3A_336, %dma_start3A_445] : memref<10240x128xf32, #tpu.memory_space<vmem_shared>> -> memref<40x128xf32, #tpu.memory_space<vmem_shared>>
      %dma_start3A_447 = arith.constant 0 : i32
      %dma_start3A_448 = tpu.memref_slice %arg7[%add3A_336, %dma_start3A_447] : memref<10240x128xf32, #tpu.memory_space<vmem_shared>> -> memref<40x128xf32, #tpu.memory_space<vmem_shared>>
      tpu.enqueue_dma source(%dma_start3A_448 : memref<40x128xf32, #tpu.memory_space<vmem_shared>>) target(%arg17 : memref<40x128xf32, #tpu.memory_space<vmem>>) target_semaphore(%run_scoped3A : memref<!tpu.dma_semaphore, #tpu.memory_space<semaphore_mem>>)
      %dma_wait3A_449 = arith.constant 0 : i32
      %dma_wait3A_450 = tpu.memref_slice %arg7[%add3A_336, %dma_wait3A_449] : memref<10240x128xf32, #tpu.memory_space<vmem_shared>> -> memref<40x128xf32, #tpu.memory_space<vmem_shared>>
      %dma_wait3A_451 = arith.constant 0 : i32
      %dma_wait3A_452 = tpu.memref_slice %arg7[%add3A_336, %dma_wait3A_451] : memref<10240x128xf32, #tpu.memory_space<vmem_shared>> -> memref<40x128xf32, #tpu.memory_space<vmem_shared>>
      tpu.wait_dma2 semaphore(%run_scoped3A : memref<!tpu.dma_semaphore, #tpu.memory_space<semaphore_mem>>) src(%dma_wait3A_452 : memref<40x128xf32, #tpu.memory_space<vmem_shared>>) dst(%arg17 : memref<40x128xf32, #tpu.memory_space<vmem>>)
      tpu.yield
    }) : () -> ()
    %dma_start3A_343 = arith.constant 0 : i32
    %dma_start3A_344 = tpu.memref_slice %arg6[%arg0, %add3A_336, %dma_start3A_343] : memref<2x10240x128xf32, #tpu.memory_space<hbm>> -> memref<1x40x128xf32, #tpu.memory_space<hbm>>
    %dma_start3A_345 = tpu.memref_squeeze %dma_start3A_344 : memref<1x40x128xf32, #tpu.memory_space<hbm>> -> memref<40x128xf32, #tpu.memory_space<hbm>>
    %dma_start3A_346 = arith.constant 0 : i32
    %dma_start3A_347 = tpu.memref_slice %arg6[%arg0, %add3A_336, %dma_start3A_346] : memref<2x10240x128xf32, #tpu.memory_space<hbm>> -> memref<1x40x128xf32, #tpu.memory_space<hbm>>
    %dma_start3A_348 = tpu.memref_squeeze %dma_start3A_347 : memref<1x40x128xf32, #tpu.memory_space<hbm>> -> memref<40x128xf32, #tpu.memory_space<hbm>>
    tpu.enqueue_dma source(%arg17 : memref<40x128xf32, #tpu.memory_space<vmem>>) target(%dma_start3A_348 : memref<40x128xf32, #tpu.memory_space<hbm>>) target_semaphore(%arg41 : memref<!tpu.dma_semaphore, #tpu.memory_space<semaphore_mem>>)
    %add3A_349 = arith.constant 400 : i32
    %add3A_350 = arith.addi %mul3A_10, %add3A_349 : i32
    %dma_wait3A_351 = arith.constant 0 : i32
    %dma_wait3A_352 = tpu.memref_slice %arg6[%arg0, %mul3A_10, %dma_wait3A_351] : memref<2x10240x128xf32, #tpu.memory_space<hbm>> -> memref<1x40x128xf32, #tpu.memory_space<hbm>>
    %dma_wait3A_353 = tpu.memref_squeeze %dma_wait3A_352 : memref<1x40x128xf32, #tpu.memory_space<hbm>> -> memref<40x128xf32, #tpu.memory_space<hbm>>
    %dma_wait3A_354 = arith.constant 0 : i32
    %dma_wait3A_355 = tpu.memref_slice %arg6[%arg0, %mul3A_10, %dma_wait3A_354] : memref<2x10240x128xf32, #tpu.memory_space<hbm>> -> memref<1x40x128xf32, #tpu.memory_space<hbm>>
    %dma_wait3A_356 = tpu.memref_squeeze %dma_wait3A_355 : memref<1x40x128xf32, #tpu.memory_space<hbm>> -> memref<40x128xf32, #tpu.memory_space<hbm>>
    tpu.wait_dma2 semaphore(%arg40 : memref<!tpu.dma_semaphore, #tpu.memory_space<semaphore_mem>>) src(%arg16 : memref<40x128xf32, #tpu.memory_space<vmem>>) dst(%dma_wait3A_356 : memref<40x128xf32, #tpu.memory_space<hbm>>)
    "tpu.region"() ({
      %run_scoped3A = tpu.sem_alloc : memref<!tpu.dma_semaphore, #tpu.memory_space<semaphore_mem>>
      %dma_start3A_445 = arith.constant 0 : i32
      %dma_start3A_446 = tpu.memref_slice %arg7[%add3A_350, %dma_start3A_445] : memref<10240x128xf32, #tpu.memory_space<vmem_shared>> -> memref<40x128xf32, #tpu.memory_space<vmem_shared>>
      %dma_start3A_447 = arith.constant 0 : i32
      %dma_start3A_448 = tpu.memref_slice %arg7[%add3A_350, %dma_start3A_447] : memref<10240x128xf32, #tpu.memory_space<vmem_shared>> -> memref<40x128xf32, #tpu.memory_space<vmem_shared>>
      tpu.enqueue_dma source(%dma_start3A_448 : memref<40x128xf32, #tpu.memory_space<vmem_shared>>) target(%arg16 : memref<40x128xf32, #tpu.memory_space<vmem>>) target_semaphore(%run_scoped3A : memref<!tpu.dma_semaphore, #tpu.memory_space<semaphore_mem>>)
      %dma_wait3A_449 = arith.constant 0 : i32
      %dma_wait3A_450 = tpu.memref_slice %arg7[%add3A_350, %dma_wait3A_449] : memref<10240x128xf32, #tpu.memory_space<vmem_shared>> -> memref<40x128xf32, #tpu.memory_space<vmem_shared>>
      %dma_wait3A_451 = arith.constant 0 : i32
      %dma_wait3A_452 = tpu.memref_slice %arg7[%add3A_350, %dma_wait3A_451] : memref<10240x128xf32, #tpu.memory_space<vmem_shared>> -> memref<40x128xf32, #tpu.memory_space<vmem_shared>>
      tpu.wait_dma2 semaphore(%run_scoped3A : memref<!tpu.dma_semaphore, #tpu.memory_space<semaphore_mem>>) src(%dma_wait3A_452 : memref<40x128xf32, #tpu.memory_space<vmem_shared>>) dst(%arg16 : memref<40x128xf32, #tpu.memory_space<vmem>>)
      tpu.yield
    }) : () -> ()
    %dma_start3A_357 = arith.constant 0 : i32
    %dma_start3A_358 = tpu.memref_slice %arg6[%arg0, %add3A_350, %dma_start3A_357] : memref<2x10240x128xf32, #tpu.memory_space<hbm>> -> memref<1x40x128xf32, #tpu.memory_space<hbm>>
    %dma_start3A_359 = tpu.memref_squeeze %dma_start3A_358 : memref<1x40x128xf32, #tpu.memory_space<hbm>> -> memref<40x128xf32, #tpu.memory_space<hbm>>
    %dma_start3A_360 = arith.constant 0 : i32
    %dma_start3A_361 = tpu.memref_slice %arg6[%arg0, %add3A_350, %dma_start3A_360] : memref<2x10240x128xf32, #tpu.memory_space<hbm>> -> memref<1x40x128xf32, #tpu.memory_space<hbm>>
    %dma_start3A_362 = tpu.memref_squeeze %dma_start3A_361 : memref<1x40x128xf32, #tpu.memory_space<hbm>> -> memref<40x128xf32, #tpu.memory_space<hbm>>
    tpu.enqueue_dma source(%arg16 : memref<40x128xf32, #tpu.memory_space<vmem>>) target(%dma_start3A_362 : memref<40x128xf32, #tpu.memory_space<hbm>>) target_semaphore(%arg40 : memref<!tpu.dma_semaphore, #tpu.memory_space<semaphore_mem>>)
    %add3A_363 = arith.constant 440 : i32
    %add3A_364 = arith.addi %mul3A_10, %add3A_363 : i32
    %dma_wait3A_365 = arith.constant 0 : i32
    %dma_wait3A_366 = tpu.memref_slice %arg6[%arg0, %mul3A_10, %dma_wait3A_365] : memref<2x10240x128xf32, #tpu.memory_space<hbm>> -> memref<1x40x128xf32, #tpu.memory_space<hbm>>
    %dma_wait3A_367 = tpu.memref_squeeze %dma_wait3A_366 : memref<1x40x128xf32, #tpu.memory_space<hbm>> -> memref<40x128xf32, #tpu.memory_space<hbm>>
    %dma_wait3A_368 = arith.constant 0 : i32
    %dma_wait3A_369 = tpu.memref_slice %arg6[%arg0, %mul3A_10, %dma_wait3A_368] : memref<2x10240x128xf32, #tpu.memory_space<hbm>> -> memref<1x40x128xf32, #tpu.memory_space<hbm>>
    %dma_wait3A_370 = tpu.memref_squeeze %dma_wait3A_369 : memref<1x40x128xf32, #tpu.memory_space<hbm>> -> memref<40x128xf32, #tpu.memory_space<hbm>>
    tpu.wait_dma2 semaphore(%arg41 : memref<!tpu.dma_semaphore, #tpu.memory_space<semaphore_mem>>) src(%arg17 : memref<40x128xf32, #tpu.memory_space<vmem>>) dst(%dma_wait3A_370 : memref<40x128xf32, #tpu.memory_space<hbm>>)
    "tpu.region"() ({
      %run_scoped3A = tpu.sem_alloc : memref<!tpu.dma_semaphore, #tpu.memory_space<semaphore_mem>>
      %dma_start3A_445 = arith.constant 0 : i32
      %dma_start3A_446 = tpu.memref_slice %arg7[%add3A_364, %dma_start3A_445] : memref<10240x128xf32, #tpu.memory_space<vmem_shared>> -> memref<40x128xf32, #tpu.memory_space<vmem_shared>>
      %dma_start3A_447 = arith.constant 0 : i32
      %dma_start3A_448 = tpu.memref_slice %arg7[%add3A_364, %dma_start3A_447] : memref<10240x128xf32, #tpu.memory_space<vmem_shared>> -> memref<40x128xf32, #tpu.memory_space<vmem_shared>>
      tpu.enqueue_dma source(%dma_start3A_448 : memref<40x128xf32, #tpu.memory_space<vmem_shared>>) target(%arg17 : memref<40x128xf32, #tpu.memory_space<vmem>>) target_semaphore(%run_scoped3A : memref<!tpu.dma_semaphore, #tpu.memory_space<semaphore_mem>>)
      %dma_wait3A_449 = arith.constant 0 : i32
      %dma_wait3A_450 = tpu.memref_slice %arg7[%add3A_364, %dma_wait3A_449] : memref<10240x128xf32, #tpu.memory_space<vmem_shared>> -> memref<40x128xf32, #tpu.memory_space<vmem_shared>>
      %dma_wait3A_451 = arith.constant 0 : i32
      %dma_wait3A_452 = tpu.memref_slice %arg7[%add3A_364, %dma_wait3A_451] : memref<10240x128xf32, #tpu.memory_space<vmem_shared>> -> memref<40x128xf32, #tpu.memory_space<vmem_shared>>
      tpu.wait_dma2 semaphore(%run_scoped3A : memref<!tpu.dma_semaphore, #tpu.memory_space<semaphore_mem>>) src(%dma_wait3A_452 : memref<40x128xf32, #tpu.memory_space<vmem_shared>>) dst(%arg17 : memref<40x128xf32, #tpu.memory_space<vmem>>)
      tpu.yield
    }) : () -> ()
    %dma_start3A_371 = arith.constant 0 : i32
    %dma_start3A_372 = tpu.memref_slice %arg6[%arg0, %add3A_364, %dma_start3A_371] : memref<2x10240x128xf32, #tpu.memory_space<hbm>> -> memref<1x40x128xf32, #tpu.memory_space<hbm>>
    %dma_start3A_373 = tpu.memref_squeeze %dma_start3A_372 : memref<1x40x128xf32, #tpu.memory_space<hbm>> -> memref<40x128xf32, #tpu.memory_space<hbm>>
    %dma_start3A_374 = arith.constant 0 : i32
    %dma_start3A_375 = tpu.memref_slice %arg6[%arg0, %add3A_364, %dma_start3A_374] : memref<2x10240x128xf32, #tpu.memory_space<hbm>> -> memref<1x40x128xf32, #tpu.memory_space<hbm>>
    %dma_start3A_376 = tpu.memref_squeeze %dma_start3A_375 : memref<1x40x128xf32, #tpu.memory_space<hbm>> -> memref<40x128xf32, #tpu.memory_space<hbm>>
    tpu.enqueue_dma source(%arg17 : memref<40x128xf32, #tpu.memory_space<vmem>>) target(%dma_start3A_376 : memref<40x128xf32, #tpu.memory_space<hbm>>) target_semaphore(%arg41 : memref<!tpu.dma_semaphore, #tpu.memory_space<semaphore_mem>>)
    %add3A_377 = arith.constant 480 : i32
    %add3A_378 = arith.addi %mul3A_10, %add3A_377 : i32
    %dma_wait3A_379 = arith.constant 0 : i32
    %dma_wait3A_380 = tpu.memref_slice %arg6[%arg0, %mul3A_10, %dma_wait3A_379] : memref<2x10240x128xf32, #tpu.memory_space<hbm>> -> memref<1x40x128xf32, #tpu.memory_space<hbm>>
    %dma_wait3A_381 = tpu.memref_squeeze %dma_wait3A_380 : memref<1x40x128xf32, #tpu.memory_space<hbm>> -> memref<40x128xf32, #tpu.memory_space<hbm>>
    %dma_wait3A_382 = arith.constant 0 : i32
    %dma_wait3A_383 = tpu.memref_slice %arg6[%arg0, %mul3A_10, %dma_wait3A_382] : memref<2x10240x128xf32, #tpu.memory_space<hbm>> -> memref<1x40x128xf32, #tpu.memory_space<hbm>>
    %dma_wait3A_384 = tpu.memref_squeeze %dma_wait3A_383 : memref<1x40x128xf32, #tpu.memory_space<hbm>> -> memref<40x128xf32, #tpu.memory_space<hbm>>
    tpu.wait_dma2 semaphore(%arg40 : memref<!tpu.dma_semaphore, #tpu.memory_space<semaphore_mem>>) src(%arg16 : memref<40x128xf32, #tpu.memory_space<vmem>>) dst(%dma_wait3A_384 : memref<40x128xf32, #tpu.memory_space<hbm>>)
    "tpu.region"() ({
      %run_scoped3A = tpu.sem_alloc : memref<!tpu.dma_semaphore, #tpu.memory_space<semaphore_mem>>
      %dma_start3A_445 = arith.constant 0 : i32
      %dma_start3A_446 = tpu.memref_slice %arg7[%add3A_378, %dma_start3A_445] : memref<10240x128xf32, #tpu.memory_space<vmem_shared>> -> memref<40x128xf32, #tpu.memory_space<vmem_shared>>
      %dma_start3A_447 = arith.constant 0 : i32
      %dma_start3A_448 = tpu.memref_slice %arg7[%add3A_378, %dma_start3A_447] : memref<10240x128xf32, #tpu.memory_space<vmem_shared>> -> memref<40x128xf32, #tpu.memory_space<vmem_shared>>
      tpu.enqueue_dma source(%dma_start3A_448 : memref<40x128xf32, #tpu.memory_space<vmem_shared>>) target(%arg16 : memref<40x128xf32, #tpu.memory_space<vmem>>) target_semaphore(%run_scoped3A : memref<!tpu.dma_semaphore, #tpu.memory_space<semaphore_mem>>)
      %dma_wait3A_449 = arith.constant 0 : i32
      %dma_wait3A_450 = tpu.memref_slice %arg7[%add3A_378, %dma_wait3A_449] : memref<10240x128xf32, #tpu.memory_space<vmem_shared>> -> memref<40x128xf32, #tpu.memory_space<vmem_shared>>
      %dma_wait3A_451 = arith.constant 0 : i32
      %dma_wait3A_452 = tpu.memref_slice %arg7[%add3A_378, %dma_wait3A_451] : memref<10240x128xf32, #tpu.memory_space<vmem_shared>> -> memref<40x128xf32, #tpu.memory_space<vmem_shared>>
      tpu.wait_dma2 semaphore(%run_scoped3A : memref<!tpu.dma_semaphore, #tpu.memory_space<semaphore_mem>>) src(%dma_wait3A_452 : memref<40x128xf32, #tpu.memory_space<vmem_shared>>) dst(%arg16 : memref<40x128xf32, #tpu.memory_space<vmem>>)
      tpu.yield
    }) : () -> ()
    %dma_start3A_385 = arith.constant 0 : i32
    %dma_start3A_386 = tpu.memref_slice %arg6[%arg0, %add3A_378, %dma_start3A_385] : memref<2x10240x128xf32, #tpu.memory_space<hbm>> -> memref<1x40x128xf32, #tpu.memory_space<hbm>>
    %dma_start3A_387 = tpu.memref_squeeze %dma_start3A_386 : memref<1x40x128xf32, #tpu.memory_space<hbm>> -> memref<40x128xf32, #tpu.memory_space<hbm>>
    %dma_start3A_388 = arith.constant 0 : i32
    %dma_start3A_389 = tpu.memref_slice %arg6[%arg0, %add3A_378, %dma_start3A_388] : memref<2x10240x128xf32, #tpu.memory_space<hbm>> -> memref<1x40x128xf32, #tpu.memory_space<hbm>>
    %dma_start3A_390 = tpu.memref_squeeze %dma_start3A_389 : memref<1x40x128xf32, #tpu.memory_space<hbm>> -> memref<40x128xf32, #tpu.memory_space<hbm>>
    tpu.enqueue_dma source(%arg16 : memref<40x128xf32, #tpu.memory_space<vmem>>) target(%dma_start3A_390 : memref<40x128xf32, #tpu.memory_space<hbm>>) target_semaphore(%arg40 : memref<!tpu.dma_semaphore, #tpu.memory_space<semaphore_mem>>)
    %add3A_391 = arith.constant 520 : i32
    %add3A_392 = arith.addi %mul3A_10, %add3A_391 : i32
    %dma_wait3A_393 = arith.constant 0 : i32
    %dma_wait3A_394 = tpu.memref_slice %arg6[%arg0, %mul3A_10, %dma_wait3A_393] : memref<2x10240x128xf32, #tpu.memory_space<hbm>> -> memref<1x40x128xf32, #tpu.memory_space<hbm>>
    %dma_wait3A_395 = tpu.memref_squeeze %dma_wait3A_394 : memref<1x40x128xf32, #tpu.memory_space<hbm>> -> memref<40x128xf32, #tpu.memory_space<hbm>>
    %dma_wait3A_396 = arith.constant 0 : i32
    %dma_wait3A_397 = tpu.memref_slice %arg6[%arg0, %mul3A_10, %dma_wait3A_396] : memref<2x10240x128xf32, #tpu.memory_space<hbm>> -> memref<1x40x128xf32, #tpu.memory_space<hbm>>
    %dma_wait3A_398 = tpu.memref_squeeze %dma_wait3A_397 : memref<1x40x128xf32, #tpu.memory_space<hbm>> -> memref<40x128xf32, #tpu.memory_space<hbm>>
    tpu.wait_dma2 semaphore(%arg41 : memref<!tpu.dma_semaphore, #tpu.memory_space<semaphore_mem>>) src(%arg17 : memref<40x128xf32, #tpu.memory_space<vmem>>) dst(%dma_wait3A_398 : memref<40x128xf32, #tpu.memory_space<hbm>>)
    "tpu.region"() ({
      %run_scoped3A = tpu.sem_alloc : memref<!tpu.dma_semaphore, #tpu.memory_space<semaphore_mem>>
      %dma_start3A_445 = arith.constant 0 : i32
      %dma_start3A_446 = tpu.memref_slice %arg7[%add3A_392, %dma_start3A_445] : memref<10240x128xf32, #tpu.memory_space<vmem_shared>> -> memref<40x128xf32, #tpu.memory_space<vmem_shared>>
      %dma_start3A_447 = arith.constant 0 : i32
      %dma_start3A_448 = tpu.memref_slice %arg7[%add3A_392, %dma_start3A_447] : memref<10240x128xf32, #tpu.memory_space<vmem_shared>> -> memref<40x128xf32, #tpu.memory_space<vmem_shared>>
      tpu.enqueue_dma source(%dma_start3A_448 : memref<40x128xf32, #tpu.memory_space<vmem_shared>>) target(%arg17 : memref<40x128xf32, #tpu.memory_space<vmem>>) target_semaphore(%run_scoped3A : memref<!tpu.dma_semaphore, #tpu.memory_space<semaphore_mem>>)
      %dma_wait3A_449 = arith.constant 0 : i32
      %dma_wait3A_450 = tpu.memref_slice %arg7[%add3A_392, %dma_wait3A_449] : memref<10240x128xf32, #tpu.memory_space<vmem_shared>> -> memref<40x128xf32, #tpu.memory_space<vmem_shared>>
      %dma_wait3A_451 = arith.constant 0 : i32
      %dma_wait3A_452 = tpu.memref_slice %arg7[%add3A_392, %dma_wait3A_451] : memref<10240x128xf32, #tpu.memory_space<vmem_shared>> -> memref<40x128xf32, #tpu.memory_space<vmem_shared>>
      tpu.wait_dma2 semaphore(%run_scoped3A : memref<!tpu.dma_semaphore, #tpu.memory_space<semaphore_mem>>) src(%dma_wait3A_452 : memref<40x128xf32, #tpu.memory_space<vmem_shared>>) dst(%arg17 : memref<40x128xf32, #tpu.memory_space<vmem>>)
      tpu.yield
    }) : () -> ()
    %dma_start3A_399 = arith.constant 0 : i32
    %dma_start3A_400 = tpu.memref_slice %arg6[%arg0, %add3A_392, %dma_start3A_399] : memref<2x10240x128xf32, #tpu.memory_space<hbm>> -> memref<1x40x128xf32, #tpu.memory_space<hbm>>
    %dma_start3A_401 = tpu.memref_squeeze %dma_start3A_400 : memref<1x40x128xf32, #tpu.memory_space<hbm>> -> memref<40x128xf32, #tpu.memory_space<hbm>>
    %dma_start3A_402 = arith.constant 0 : i32
    %dma_start3A_403 = tpu.memref_slice %arg6[%arg0, %add3A_392, %dma_start3A_402] : memref<2x10240x128xf32, #tpu.memory_space<hbm>> -> memref<1x40x128xf32, #tpu.memory_space<hbm>>
    %dma_start3A_404 = tpu.memref_squeeze %dma_start3A_403 : memref<1x40x128xf32, #tpu.memory_space<hbm>> -> memref<40x128xf32, #tpu.memory_space<hbm>>
    tpu.enqueue_dma source(%arg17 : memref<40x128xf32, #tpu.memory_space<vmem>>) target(%dma_start3A_404 : memref<40x128xf32, #tpu.memory_space<hbm>>) target_semaphore(%arg41 : memref<!tpu.dma_semaphore, #tpu.memory_space<semaphore_mem>>)
    %add3A_405 = arith.constant 560 : i32
    %add3A_406 = arith.addi %mul3A_10, %add3A_405 : i32
    %dma_wait3A_407 = arith.constant 0 : i32
    %dma_wait3A_408 = tpu.memref_slice %arg6[%arg0, %mul3A_10, %dma_wait3A_407] : memref<2x10240x128xf32, #tpu.memory_space<hbm>> -> memref<1x40x128xf32, #tpu.memory_space<hbm>>
    %dma_wait3A_409 = tpu.memref_squeeze %dma_wait3A_408 : memref<1x40x128xf32, #tpu.memory_space<hbm>> -> memref<40x128xf32, #tpu.memory_space<hbm>>
    %dma_wait3A_410 = arith.constant 0 : i32
    %dma_wait3A_411 = tpu.memref_slice %arg6[%arg0, %mul3A_10, %dma_wait3A_410] : memref<2x10240x128xf32, #tpu.memory_space<hbm>> -> memref<1x40x128xf32, #tpu.memory_space<hbm>>
    %dma_wait3A_412 = tpu.memref_squeeze %dma_wait3A_411 : memref<1x40x128xf32, #tpu.memory_space<hbm>> -> memref<40x128xf32, #tpu.memory_space<hbm>>
    tpu.wait_dma2 semaphore(%arg40 : memref<!tpu.dma_semaphore, #tpu.memory_space<semaphore_mem>>) src(%arg16 : memref<40x128xf32, #tpu.memory_space<vmem>>) dst(%dma_wait3A_412 : memref<40x128xf32, #tpu.memory_space<hbm>>)
    "tpu.region"() ({
      %run_scoped3A = tpu.sem_alloc : memref<!tpu.dma_semaphore, #tpu.memory_space<semaphore_mem>>
      %dma_start3A_445 = arith.constant 0 : i32
      %dma_start3A_446 = tpu.memref_slice %arg7[%add3A_406, %dma_start3A_445] : memref<10240x128xf32, #tpu.memory_space<vmem_shared>> -> memref<40x128xf32, #tpu.memory_space<vmem_shared>>
      %dma_start3A_447 = arith.constant 0 : i32
      %dma_start3A_448 = tpu.memref_slice %arg7[%add3A_406, %dma_start3A_447] : memref<10240x128xf32, #tpu.memory_space<vmem_shared>> -> memref<40x128xf32, #tpu.memory_space<vmem_shared>>
      tpu.enqueue_dma source(%dma_start3A_448 : memref<40x128xf32, #tpu.memory_space<vmem_shared>>) target(%arg16 : memref<40x128xf32, #tpu.memory_space<vmem>>) target_semaphore(%run_scoped3A : memref<!tpu.dma_semaphore, #tpu.memory_space<semaphore_mem>>)
      %dma_wait3A_449 = arith.constant 0 : i32
      %dma_wait3A_450 = tpu.memref_slice %arg7[%add3A_406, %dma_wait3A_449] : memref<10240x128xf32, #tpu.memory_space<vmem_shared>> -> memref<40x128xf32, #tpu.memory_space<vmem_shared>>
      %dma_wait3A_451 = arith.constant 0 : i32
      %dma_wait3A_452 = tpu.memref_slice %arg7[%add3A_406, %dma_wait3A_451] : memref<10240x128xf32, #tpu.memory_space<vmem_shared>> -> memref<40x128xf32, #tpu.memory_space<vmem_shared>>
      tpu.wait_dma2 semaphore(%run_scoped3A : memref<!tpu.dma_semaphore, #tpu.memory_space<semaphore_mem>>) src(%dma_wait3A_452 : memref<40x128xf32, #tpu.memory_space<vmem_shared>>) dst(%arg16 : memref<40x128xf32, #tpu.memory_space<vmem>>)
      tpu.yield
    }) : () -> ()
    %dma_start3A_413 = arith.constant 0 : i32
    %dma_start3A_414 = tpu.memref_slice %arg6[%arg0, %add3A_406, %dma_start3A_413] : memref<2x10240x128xf32, #tpu.memory_space<hbm>> -> memref<1x40x128xf32, #tpu.memory_space<hbm>>
    %dma_start3A_415 = tpu.memref_squeeze %dma_start3A_414 : memref<1x40x128xf32, #tpu.memory_space<hbm>> -> memref<40x128xf32, #tpu.memory_space<hbm>>
    %dma_start3A_416 = arith.constant 0 : i32
    %dma_start3A_417 = tpu.memref_slice %arg6[%arg0, %add3A_406, %dma_start3A_416] : memref<2x10240x128xf32, #tpu.memory_space<hbm>> -> memref<1x40x128xf32, #tpu.memory_space<hbm>>
    %dma_start3A_418 = tpu.memref_squeeze %dma_start3A_417 : memref<1x40x128xf32, #tpu.memory_space<hbm>> -> memref<40x128xf32, #tpu.memory_space<hbm>>
    tpu.enqueue_dma source(%arg16 : memref<40x128xf32, #tpu.memory_space<vmem>>) target(%dma_start3A_418 : memref<40x128xf32, #tpu.memory_space<hbm>>) target_semaphore(%arg40 : memref<!tpu.dma_semaphore, #tpu.memory_space<semaphore_mem>>)
    %add3A_419 = arith.constant 600 : i32
    %add3A_420 = arith.addi %mul3A_10, %add3A_419 : i32
    %dma_wait3A_421 = arith.constant 0 : i32
    %dma_wait3A_422 = tpu.memref_slice %arg6[%arg0, %mul3A_10, %dma_wait3A_421] : memref<2x10240x128xf32, #tpu.memory_space<hbm>> -> memref<1x40x128xf32, #tpu.memory_space<hbm>>
    %dma_wait3A_423 = tpu.memref_squeeze %dma_wait3A_422 : memref<1x40x128xf32, #tpu.memory_space<hbm>> -> memref<40x128xf32, #tpu.memory_space<hbm>>
    %dma_wait3A_424 = arith.constant 0 : i32
    %dma_wait3A_425 = tpu.memref_slice %arg6[%arg0, %mul3A_10, %dma_wait3A_424] : memref<2x10240x128xf32, #tpu.memory_space<hbm>> -> memref<1x40x128xf32, #tpu.memory_space<hbm>>
    %dma_wait3A_426 = tpu.memref_squeeze %dma_wait3A_425 : memref<1x40x128xf32, #tpu.memory_space<hbm>> -> memref<40x128xf32, #tpu.memory_space<hbm>>
    tpu.wait_dma2 semaphore(%arg41 : memref<!tpu.dma_semaphore, #tpu.memory_space<semaphore_mem>>) src(%arg17 : memref<40x128xf32, #tpu.memory_space<vmem>>) dst(%dma_wait3A_426 : memref<40x128xf32, #tpu.memory_space<hbm>>)
    "tpu.region"() ({
      %run_scoped3A = tpu.sem_alloc : memref<!tpu.dma_semaphore, #tpu.memory_space<semaphore_mem>>
      %dma_start3A_445 = arith.constant 0 : i32
      %dma_start3A_446 = tpu.memref_slice %arg7[%add3A_420, %dma_start3A_445] : memref<10240x128xf32, #tpu.memory_space<vmem_shared>> -> memref<40x128xf32, #tpu.memory_space<vmem_shared>>
      %dma_start3A_447 = arith.constant 0 : i32
      %dma_start3A_448 = tpu.memref_slice %arg7[%add3A_420, %dma_start3A_447] : memref<10240x128xf32, #tpu.memory_space<vmem_shared>> -> memref<40x128xf32, #tpu.memory_space<vmem_shared>>
      tpu.enqueue_dma source(%dma_start3A_448 : memref<40x128xf32, #tpu.memory_space<vmem_shared>>) target(%arg17 : memref<40x128xf32, #tpu.memory_space<vmem>>) target_semaphore(%run_scoped3A : memref<!tpu.dma_semaphore, #tpu.memory_space<semaphore_mem>>)
      %dma_wait3A_449 = arith.constant 0 : i32
      %dma_wait3A_450 = tpu.memref_slice %arg7[%add3A_420, %dma_wait3A_449] : memref<10240x128xf32, #tpu.memory_space<vmem_shared>> -> memref<40x128xf32, #tpu.memory_space<vmem_shared>>
      %dma_wait3A_451 = arith.constant 0 : i32
      %dma_wait3A_452 = tpu.memref_slice %arg7[%add3A_420, %dma_wait3A_451] : memref<10240x128xf32, #tpu.memory_space<vmem_shared>> -> memref<40x128xf32, #tpu.memory_space<vmem_shared>>
      tpu.wait_dma2 semaphore(%run_scoped3A : memref<!tpu.dma_semaphore, #tpu.memory_space<semaphore_mem>>) src(%dma_wait3A_452 : memref<40x128xf32, #tpu.memory_space<vmem_shared>>) dst(%arg17 : memref<40x128xf32, #tpu.memory_space<vmem>>)
      tpu.yield
    }) : () -> ()
    %dma_start3A_427 = arith.constant 0 : i32
    %dma_start3A_428 = tpu.memref_slice %arg6[%arg0, %add3A_420, %dma_start3A_427] : memref<2x10240x128xf32, #tpu.memory_space<hbm>> -> memref<1x40x128xf32, #tpu.memory_space<hbm>>
    %dma_start3A_429 = tpu.memref_squeeze %dma_start3A_428 : memref<1x40x128xf32, #tpu.memory_space<hbm>> -> memref<40x128xf32, #tpu.memory_space<hbm>>
    %dma_start3A_430 = arith.constant 0 : i32
    %dma_start3A_431 = tpu.memref_slice %arg6[%arg0, %add3A_420, %dma_start3A_430] : memref<2x10240x128xf32, #tpu.memory_space<hbm>> -> memref<1x40x128xf32, #tpu.memory_space<hbm>>
    %dma_start3A_432 = tpu.memref_squeeze %dma_start3A_431 : memref<1x40x128xf32, #tpu.memory_space<hbm>> -> memref<40x128xf32, #tpu.memory_space<hbm>>
    tpu.enqueue_dma source(%arg17 : memref<40x128xf32, #tpu.memory_space<vmem>>) target(%dma_start3A_432 : memref<40x128xf32, #tpu.memory_space<hbm>>) target_semaphore(%arg41 : memref<!tpu.dma_semaphore, #tpu.memory_space<semaphore_mem>>)
    %dma_wait3A_433 = arith.constant 0 : i32
    %dma_wait3A_434 = tpu.memref_slice %arg6[%arg0, %mul3A_10, %dma_wait3A_433] : memref<2x10240x128xf32, #tpu.memory_space<hbm>> -> memref<1x40x128xf32, #tpu.memory_space<hbm>>
    %dma_wait3A_435 = tpu.memref_squeeze %dma_wait3A_434 : memref<1x40x128xf32, #tpu.memory_space<hbm>> -> memref<40x128xf32, #tpu.memory_space<hbm>>
    %dma_wait3A_436 = arith.constant 0 : i32
    %dma_wait3A_437 = tpu.memref_slice %arg6[%arg0, %mul3A_10, %dma_wait3A_436] : memref<2x10240x128xf32, #tpu.memory_space<hbm>> -> memref<1x40x128xf32, #tpu.memory_space<hbm>>
    %dma_wait3A_438 = tpu.memref_squeeze %dma_wait3A_437 : memref<1x40x128xf32, #tpu.memory_space<hbm>> -> memref<40x128xf32, #tpu.memory_space<hbm>>
    tpu.wait_dma2 semaphore(%arg40 : memref<!tpu.dma_semaphore, #tpu.memory_space<semaphore_mem>>) src(%arg16 : memref<40x128xf32, #tpu.memory_space<vmem>>) dst(%dma_wait3A_438 : memref<40x128xf32, #tpu.memory_space<hbm>>)
    %dma_wait3A_439 = arith.constant 0 : i32
    %dma_wait3A_440 = tpu.memref_slice %arg6[%arg0, %mul3A_10, %dma_wait3A_439] : memref<2x10240x128xf32, #tpu.memory_space<hbm>> -> memref<1x40x128xf32, #tpu.memory_space<hbm>>
    %dma_wait3A_441 = tpu.memref_squeeze %dma_wait3A_440 : memref<1x40x128xf32, #tpu.memory_space<hbm>> -> memref<40x128xf32, #tpu.memory_space<hbm>>
    %dma_wait3A_442 = arith.constant 0 : i32
    %dma_wait3A_443 = tpu.memref_slice %arg6[%arg0, %mul3A_10, %dma_wait3A_442] : memref<2x10240x128xf32, #tpu.memory_space<hbm>> -> memref<1x40x128xf32, #tpu.memory_space<hbm>>
    %dma_wait3A_444 = tpu.memref_squeeze %dma_wait3A_443 : memref<1x40x128xf32, #tpu.memory_space<hbm>> -> memref<40x128xf32, #tpu.memory_space<hbm>>
    tpu.wait_dma2 semaphore(%arg41 : memref<!tpu.dma_semaphore, #tpu.memory_space<semaphore_mem>>) src(%arg17 : memref<40x128xf32, #tpu.memory_space<vmem>>) dst(%dma_wait3A_444 : memref<40x128xf32, #tpu.memory_space<hbm>>)
    return
  }
}

#map = affine_map<(d0, d1) -> (0, 0)>
#map1 = affine_map<(d0, d1) -> (0)>
#map2 = affine_map<(d0, d1) -> (0, 0, 0)>
module attributes {stable_mosaic.version = 14 : i64} {
  func.func @_sc_body(%arg0: i32, %arg1: i32, %arg2: memref<10000x128xf32, #tpu.memory_space<hbm>>, %arg3: memref<224000x64xi32, #tpu.memory_space<hbm>>, %arg4: memref<320000xi32, #tpu.memory_space<hbm>>, %arg5: memref<320000xi32, #tpu.memory_space<hbm>>, %arg6: memref<2x10240x128xf32, #tpu.memory_space<hbm>>, %arg7: memref<10240x128xf32, #tpu.memory_space<vmem_shared>>, %arg8: memref<40xi32, #tpu.memory_space<vmem>>, %arg9: memref<40xi32, #tpu.memory_space<vmem>>, %arg10: memref<40xi32, #tpu.memory_space<vmem>>, %arg11: memref<40xi32, #tpu.memory_space<vmem>>, %arg12: memref<40xi32, #tpu.memory_space<vmem>>, %arg13: memref<40xi32, #tpu.memory_space<vmem>>, %arg14: memref<40xi32, #tpu.memory_space<vmem>>, %arg15: memref<40xi32, #tpu.memory_space<vmem>>, %arg16: memref<40x128xf32, #tpu.memory_space<vmem>>, %arg17: memref<40x128xf32, #tpu.memory_space<vmem>>, %arg18: memref<40x128xf32, #tpu.memory_space<vmem>>, %arg19: memref<40x128xf32, #tpu.memory_space<vmem>>, %arg20: memref<40x64xi32, #tpu.memory_space<vmem>>, %arg21: memref<40x64xi32, #tpu.memory_space<vmem>>, %arg22: memref<40x64xi32, #tpu.memory_space<vmem>>, %arg23: memref<40x64xi32, #tpu.memory_space<vmem>>, %arg24: memref<!tpu.dma_semaphore, #tpu.memory_space<semaphore_mem>>, %arg25: memref<!tpu.dma_semaphore, #tpu.memory_space<semaphore_mem>>, %arg26: memref<!tpu.dma_semaphore, #tpu.memory_space<semaphore_mem>>, %arg27: memref<!tpu.dma_semaphore, #tpu.memory_space<semaphore_mem>>, %arg28: memref<!tpu.dma_semaphore, #tpu.memory_space<semaphore_mem>>, %arg29: memref<!tpu.dma_semaphore, #tpu.memory_space<semaphore_mem>>, %arg30: memref<!tpu.dma_semaphore, #tpu.memory_space<semaphore_mem>>, %arg31: memref<!tpu.dma_semaphore, #tpu.memory_space<semaphore_mem>>, %arg32: memref<!tpu.dma_semaphore, #tpu.memory_space<semaphore_mem>>, %arg33: memref<!tpu.dma_semaphore, #tpu.memory_space<semaphore_mem>>, %arg34: memref<!tpu.dma_semaphore, #tpu.memory_space<semaphore_mem>>, %arg35: memref<!tpu.dma_semaphore, #tpu.memory_space<semaphore_mem>>, %arg36: memref<!tpu.dma_semaphore, #tpu.memory_space<semaphore_mem>>, %arg37: memref<!tpu.dma_semaphore, #tpu.memory_space<semaphore_mem>>, %arg38: memref<!tpu.dma_semaphore, #tpu.memory_space<semaphore_mem>>, %arg39: memref<!tpu.dma_semaphore, #tpu.memory_space<semaphore_mem>>, %arg40: memref<!tpu.dma_semaphore, #tpu.memory_space<semaphore_mem>>, %arg41: memref<!tpu.dma_semaphore, #tpu.memory_space<semaphore_mem>>, %arg42: memref<!tpu.dma_semaphore, #tpu.memory_space<semaphore_mem>>, %arg43: memref<!tpu.dma_semaphore, #tpu.memory_space<semaphore_mem>>) attributes {dimension_semantics = [#tpu.dimension_semantics<core_parallel>, #tpu.dimension_semantics<subcore_parallel>], iteration_bounds = array<i64: 2, 16>, scalar_prefetch = 0 : i64, scratch_operands = 37 : i64, tpu.core_type = #tpu.core_type<sc_vector_subcore>, window_params = [{transform_indices = #map}, {transform_indices = #map}, {transform_indices = #map1}, {transform_indices = #map1}, {transform_indices = #map2}]} {
    %mul3A = arith.constant 16 : i32
    %mul3A_0 = arith.muli %arg0, %mul3A : i32
    %add3A = arith.addi %mul3A_0, %arg1 : i32
    %mul3A_1 = arith.constant 7000 : i32
    %mul3A_2 = arith.muli %add3A, %mul3A_1 : i32
    %add3A_3 = arith.constant 96000 : i32
    %add3A_4 = arith.addi %add3A_3, %mul3A_2 : i32
    %scan3A = arith.constant 0 : i32
    %scan3A_5 = arith.constant 40 : i32
    %scan3A_6 = arith.addi %scan3A, %scan3A_5 : i32
    %scan3A_7 = arith.constant 1 : i32
    scf.for %scan3A_445 = %scan3A to %scan3A_6 step %scan3A_7  : i32 {
      %broadcast_in_dim3A = arith.constant 0.000000e+00 : f32
      %broadcast_in_dim3A_446 = vector.broadcast %broadcast_in_dim3A : f32 to vector<16xf32>
      %swap3A = arith.index_cast %scan3A_445 : i32 to index
      %swap3A_447 = arith.constant 0 : index
      %swap3A_448 = tpu.vector_load %arg16[%swap3A, %swap3A_447] {strides = array<i32>} : memref<40x128xf32, #tpu.memory_space<vmem>>, vector<1x16xf32>,
      %swap3A_449 = vector.shape_cast %swap3A_448 : vector<1x16xf32> to vector<16xf32>
      %swap3A_450 = vector.shape_cast %broadcast_in_dim3A_446 : vector<16xf32> to vector<1x16xf32>
      tpu.vector_store %arg16[%swap3A, %swap3A_447], %swap3A_450 {strides = array<i32>} : memref<40x128xf32, #tpu.memory_space<vmem>>, vector<1x16xf32>,
      %broadcast_in_dim3A_451 = arith.constant 0.000000e+00 : f32
      %broadcast_in_dim3A_452 = vector.broadcast %broadcast_in_dim3A_451 : f32 to vector<16xf32>
      %swap3A_453 = arith.index_cast %scan3A_445 : i32 to index
      %swap3A_454 = arith.constant 16 : index
      %swap3A_455 = tpu.vector_load %arg16[%swap3A_453, %swap3A_454] {strides = array<i32>} : memref<40x128xf32, #tpu.memory_space<vmem>>, vector<1x16xf32>,
      %swap3A_456 = vector.shape_cast %swap3A_455 : vector<1x16xf32> to vector<16xf32>
      %swap3A_457 = vector.shape_cast %broadcast_in_dim3A_452 : vector<16xf32> to vector<1x16xf32>
      tpu.vector_store %arg16[%swap3A_453, %swap3A_454], %swap3A_457 {strides = array<i32>} : memref<40x128xf32, #tpu.memory_space<vmem>>, vector<1x16xf32>,
      %broadcast_in_dim3A_458 = arith.constant 0.000000e+00 : f32
      %broadcast_in_dim3A_459 = vector.broadcast %broadcast_in_dim3A_458 : f32 to vector<16xf32>
      %swap3A_460 = arith.index_cast %scan3A_445 : i32 to index
      %swap3A_461 = arith.constant 32 : index
      %swap3A_462 = tpu.vector_load %arg16[%swap3A_460, %swap3A_461] {strides = array<i32>} : memref<40x128xf32, #tpu.memory_space<vmem>>, vector<1x16xf32>,
      %swap3A_463 = vector.shape_cast %swap3A_462 : vector<1x16xf32> to vector<16xf32>
      %swap3A_464 = vector.shape_cast %broadcast_in_dim3A_459 : vector<16xf32> to vector<1x16xf32>
      tpu.vector_store %arg16[%swap3A_460, %swap3A_461], %swap3A_464 {strides = array<i32>} : memref<40x128xf32, #tpu.memory_space<vmem>>, vector<1x16xf32>,
      %broadcast_in_dim3A_465 = arith.constant 0.000000e+00 : f32
      %broadcast_in_dim3A_466 = vector.broadcast %broadcast_in_dim3A_465 : f32 to vector<16xf32>
      %swap3A_467 = arith.index_cast %scan3A_445 : i32 to index
      %swap3A_468 = arith.constant 48 : index
      %swap3A_469 = tpu.vector_load %arg16[%swap3A_467, %swap3A_468] {strides = array<i32>} : memref<40x128xf32, #tpu.memory_space<vmem>>, vector<1x16xf32>,
      %swap3A_470 = vector.shape_cast %swap3A_469 : vector<1x16xf32> to vector<16xf32>
      %swap3A_471 = vector.shape_cast %broadcast_in_dim3A_466 : vector<16xf32> to vector<1x16xf32>
      tpu.vector_store %arg16[%swap3A_467, %swap3A_468], %swap3A_471 {strides = array<i32>} : memref<40x128xf32, #tpu.memory_space<vmem>>, vector<1x16xf32>,
      %broadcast_in_dim3A_472 = arith.constant 0.000000e+00 : f32
      %broadcast_in_dim3A_473 = vector.broadcast %broadcast_in_dim3A_472 : f32 to vector<16xf32>
      %swap3A_474 = arith.index_cast %scan3A_445 : i32 to index
      %swap3A_475 = arith.constant 64 : index
      %swap3A_476 = tpu.vector_load %arg16[%swap3A_474, %swap3A_475] {strides = array<i32>} : memref<40x128xf32, #tpu.memory_space<vmem>>, vector<1x16xf32>,
      %swap3A_477 = vector.shape_cast %swap3A_476 : vector<1x16xf32> to vector<16xf32>
      %swap3A_478 = vector.shape_cast %broadcast_in_dim3A_473 : vector<16xf32> to vector<1x16xf32>
      tpu.vector_store %arg16[%swap3A_474, %swap3A_475], %swap3A_478 {strides = array<i32>} : memref<40x128xf32, #tpu.memory_space<vmem>>, vector<1x16xf32>,
      %broadcast_in_dim3A_479 = arith.constant 0.000000e+00 : f32
      %broadcast_in_dim3A_480 = vector.broadcast %broadcast_in_dim3A_479 : f32 to vector<16xf32>
      %swap3A_481 = arith.index_cast %scan3A_445 : i32 to index
      %swap3A_482 = arith.constant 80 : index
      %swap3A_483 = tpu.vector_load %arg16[%swap3A_481, %swap3A_482] {strides = array<i32>} : memref<40x128xf32, #tpu.memory_space<vmem>>, vector<1x16xf32>,
      %swap3A_484 = vector.shape_cast %swap3A_483 : vector<1x16xf32> to vector<16xf32>
      %swap3A_485 = vector.shape_cast %broadcast_in_dim3A_480 : vector<16xf32> to vector<1x16xf32>
      tpu.vector_store %arg16[%swap3A_481, %swap3A_482], %swap3A_485 {strides = array<i32>} : memref<40x128xf32, #tpu.memory_space<vmem>>, vector<1x16xf32>,
      %broadcast_in_dim3A_486 = arith.constant 0.000000e+00 : f32
      %broadcast_in_dim3A_487 = vector.broadcast %broadcast_in_dim3A_486 : f32 to vector<16xf32>
      %swap3A_488 = arith.index_cast %scan3A_445 : i32 to index
      %swap3A_489 = arith.constant 96 : index
      %swap3A_490 = tpu.vector_load %arg16[%swap3A_488, %swap3A_489] {strides = array<i32>} : memref<40x128xf32, #tpu.memory_space<vmem>>, vector<1x16xf32>,
      %swap3A_491 = vector.shape_cast %swap3A_490 : vector<1x16xf32> to vector<16xf32>
      %swap3A_492 = vector.shape_cast %broadcast_in_dim3A_487 : vector<16xf32> to vector<1x16xf32>
      tpu.vector_store %arg16[%swap3A_488, %swap3A_489], %swap3A_492 {strides = array<i32>} : memref<40x128xf32, #tpu.memory_space<vmem>>, vector<1x16xf32>,
      %broadcast_in_dim3A_493 = arith.constant 0.000000e+00 : f32
      %broadcast_in_dim3A_494 = vector.broadcast %broadcast_in_dim3A_493 : f32 to vector<16xf32>
      %swap3A_495 = arith.index_cast %scan3A_445 : i32 to index
      %swap3A_496 = arith.constant 112 : index
      %swap3A_497 = tpu.vector_load %arg16[%swap3A_495, %swap3A_496] {strides = array<i32>} : memref<40x128xf32, #tpu.memory_space<vmem>>, vector<1x16xf32>,
      %swap3A_498 = vector.shape_cast %swap3A_497 : vector<1x16xf32> to vector<16xf32>
      %swap3A_499 = vector.shape_cast %broadcast_in_dim3A_494 : vector<16xf32> to vector<1x16xf32>
      tpu.vector_store %arg16[%swap3A_495, %swap3A_496], %swap3A_499 {strides = array<i32>} : memref<40x128xf32, #tpu.memory_space<vmem>>, vector<1x16xf32>,
    }
    %scan3A_8 = arith.constant 40 : i32
    %mul3A_9 = arith.constant 640 : i32
    %mul3A_10 = arith.muli %arg1, %mul3A_9 : i32
    %add3A_11 = arith.constant 0 : i32
    %add3A_12 = arith.addi %mul3A_10, %add3A_11 : i32
    %dma_start3A = arith.constant 0 : i32
    %dma_start3A_13 = tpu.memref_slice %arg7[%add3A_12, %dma_start3A] : memref<10240x128xf32, #tpu.memory_space<vmem_shared>> -> memref<40x128xf32, #tpu.memory_space<vmem_shared>>
    %dma_start3A_14 = arith.constant 0 : i32
    %dma_start3A_15 = tpu.memref_slice %arg7[%add3A_12, %dma_start3A_14] : memref<10240x128xf32, #tpu.memory_space<vmem_shared>> -> memref<40x128xf32, #tpu.memory_space<vmem_shared>>
    tpu.enqueue_dma source(%arg16 : memref<40x128xf32, #tpu.memory_space<vmem>>) target(%dma_start3A_15 : memref<40x128xf32, #tpu.memory_space<vmem_shared>>) target_semaphore(%arg36 : memref<!tpu.dma_semaphore, #tpu.memory_space<semaphore_mem>>)
    %add3A_16 = arith.constant 40 : i32
    %add3A_17 = arith.addi %mul3A_10, %add3A_16 : i32
    %dma_start3A_18 = arith.constant 0 : i32
    %dma_start3A_19 = tpu.memref_slice %arg7[%add3A_17, %dma_start3A_18] : memref<10240x128xf32, #tpu.memory_space<vmem_shared>> -> memref<40x128xf32, #tpu.memory_space<vmem_shared>>
    %dma_start3A_20 = arith.constant 0 : i32
    %dma_start3A_21 = tpu.memref_slice %arg7[%add3A_17, %dma_start3A_20] : memref<10240x128xf32, #tpu.memory_space<vmem_shared>> -> memref<40x128xf32, #tpu.memory_space<vmem_shared>>
    tpu.enqueue_dma source(%arg16 : memref<40x128xf32, #tpu.memory_space<vmem>>) target(%dma_start3A_21 : memref<40x128xf32, #tpu.memory_space<vmem_shared>>) target_semaphore(%arg36 : memref<!tpu.dma_semaphore, #tpu.memory_space<semaphore_mem>>)
    %add3A_22 = arith.constant 80 : i32
    %add3A_23 = arith.addi %mul3A_10, %add3A_22 : i32
    %dma_start3A_24 = arith.constant 0 : i32
    %dma_start3A_25 = tpu.memref_slice %arg7[%add3A_23, %dma_start3A_24] : memref<10240x128xf32, #tpu.memory_space<vmem_shared>> -> memref<40x128xf32, #tpu.memory_space<vmem_shared>>
    %dma_start3A_26 = arith.constant 0 : i32
    %dma_start3A_27 = tpu.memref_slice %arg7[%add3A_23, %dma_start3A_26] : memref<10240x128xf32, #tpu.memory_space<vmem_shared>> -> memref<40x128xf32, #tpu.memory_space<vmem_shared>>
    tpu.enqueue_dma source(%arg16 : memref<40x128xf32, #tpu.memory_space<vmem>>) target(%dma_start3A_27 : memref<40x128xf32, #tpu.memory_space<vmem_shared>>) target_semaphore(%arg36 : memref<!tpu.dma_semaphore, #tpu.memory_space<semaphore_mem>>)
    %add3A_28 = arith.constant 120 : i32
    %add3A_29 = arith.addi %mul3A_10, %add3A_28 : i32
    %dma_start3A_30 = arith.constant 0 : i32
    %dma_start3A_31 = tpu.memref_slice %arg7[%add3A_29, %dma_start3A_30] : memref<10240x128xf32, #tpu.memory_space<vmem_shared>> -> memref<40x128xf32, #tpu.memory_space<vmem_shared>>
    %dma_start3A_32 = arith.constant 0 : i32
    %dma_start3A_33 = tpu.memref_slice %arg7[%add3A_29, %dma_start3A_32] : memref<10240x128xf32, #tpu.memory_space<vmem_shared>> -> memref<40x128xf32, #tpu.memory_space<vmem_shared>>
    tpu.enqueue_dma source(%arg16 : memref<40x128xf32, #tpu.memory_space<vmem>>) target(%dma_start3A_33 : memref<40x128xf32, #tpu.memory_space<vmem_shared>>) target_semaphore(%arg36 : memref<!tpu.dma_semaphore, #tpu.memory_space<semaphore_mem>>)
    %add3A_34 = arith.constant 160 : i32
    %add3A_35 = arith.addi %mul3A_10, %add3A_34 : i32
    %dma_start3A_36 = arith.constant 0 : i32
    %dma_start3A_37 = tpu.memref_slice %arg7[%add3A_35, %dma_start3A_36] : memref<10240x128xf32, #tpu.memory_space<vmem_shared>> -> memref<40x128xf32, #tpu.memory_space<vmem_shared>>
    %dma_start3A_38 = arith.constant 0 : i32
    %dma_start3A_39 = tpu.memref_slice %arg7[%add3A_35, %dma_start3A_38] : memref<10240x128xf32, #tpu.memory_space<vmem_shared>> -> memref<40x128xf32, #tpu.memory_space<vmem_shared>>
    tpu.enqueue_dma source(%arg16 : memref<40x128xf32, #tpu.memory_space<vmem>>) target(%dma_start3A_39 : memref<40x128xf32, #tpu.memory_space<vmem_shared>>) target_semaphore(%arg36 : memref<!tpu.dma_semaphore, #tpu.memory_space<semaphore_mem>>)
    %add3A_40 = arith.constant 200 : i32
    %add3A_41 = arith.addi %mul3A_10, %add3A_40 : i32
    %dma_start3A_42 = arith.constant 0 : i32
    %dma_start3A_43 = tpu.memref_slice %arg7[%add3A_41, %dma_start3A_42] : memref<10240x128xf32, #tpu.memory_space<vmem_shared>> -> memref<40x128xf32, #tpu.memory_space<vmem_shared>>
    %dma_start3A_44 = arith.constant 0 : i32
    %dma_start3A_45 = tpu.memref_slice %arg7[%add3A_41, %dma_start3A_44] : memref<10240x128xf32, #tpu.memory_space<vmem_shared>> -> memref<40x128xf32, #tpu.memory_space<vmem_shared>>
    tpu.enqueue_dma source(%arg16 : memref<40x128xf32, #tpu.memory_space<vmem>>) target(%dma_start3A_45 : memref<40x128xf32, #tpu.memory_space<vmem_shared>>) target_semaphore(%arg36 : memref<!tpu.dma_semaphore, #tpu.memory_space<semaphore_mem>>)
    %add3A_46 = arith.constant 240 : i32
    %add3A_47 = arith.addi %mul3A_10, %add3A_46 : i32
    %dma_start3A_48 = arith.constant 0 : i32
    %dma_start3A_49 = tpu.memref_slice %arg7[%add3A_47, %dma_start3A_48] : memref<10240x128xf32, #tpu.memory_space<vmem_shared>> -> memref<40x128xf32, #tpu.memory_space<vmem_shared>>
    %dma_start3A_50 = arith.constant 0 : i32
    %dma_start3A_51 = tpu.memref_slice %arg7[%add3A_47, %dma_start3A_50] : memref<10240x128xf32, #tpu.memory_space<vmem_shared>> -> memref<40x128xf32, #tpu.memory_space<vmem_shared>>
    tpu.enqueue_dma source(%arg16 : memref<40x128xf32, #tpu.memory_space<vmem>>) target(%dma_start3A_51 : memref<40x128xf32, #tpu.memory_space<vmem_shared>>) target_semaphore(%arg36 : memref<!tpu.dma_semaphore, #tpu.memory_space<semaphore_mem>>)
    %add3A_52 = arith.constant 280 : i32
    %add3A_53 = arith.addi %mul3A_10, %add3A_52 : i32
    %dma_start3A_54 = arith.constant 0 : i32
    %dma_start3A_55 = tpu.memref_slice %arg7[%add3A_53, %dma_start3A_54] : memref<10240x128xf32, #tpu.memory_space<vmem_shared>> -> memref<40x128xf32, #tpu.memory_space<vmem_shared>>
    %dma_start3A_56 = arith.constant 0 : i32
    %dma_start3A_57 = tpu.memref_slice %arg7[%add3A_53, %dma_start3A_56] : memref<10240x128xf32, #tpu.memory_space<vmem_shared>> -> memref<40x128xf32, #tpu.memory_space<vmem_shared>>
    tpu.enqueue_dma source(%arg16 : memref<40x128xf32, #tpu.memory_space<vmem>>) target(%dma_start3A_57 : memref<40x128xf32, #tpu.memory_space<vmem_shared>>) target_semaphore(%arg36 : memref<!tpu.dma_semaphore, #tpu.memory_space<semaphore_mem>>)
    %add3A_58 = arith.constant 320 : i32
    %add3A_59 = arith.addi %mul3A_10, %add3A_58 : i32
    %dma_start3A_60 = arith.constant 0 : i32
    %dma_start3A_61 = tpu.memref_slice %arg7[%add3A_59, %dma_start3A_60] : memref<10240x128xf32, #tpu.memory_space<vmem_shared>> -> memref<40x128xf32, #tpu.memory_space<vmem_shared>>
    %dma_start3A_62 = arith.constant 0 : i32
    %dma_start3A_63 = tpu.memref_slice %arg7[%add3A_59, %dma_start3A_62] : memref<10240x128xf32, #tpu.memory_space<vmem_shared>> -> memref<40x128xf32, #tpu.memory_space<vmem_shared>>
    tpu.enqueue_dma source(%arg16 : memref<40x128xf32, #tpu.memory_space<vmem>>) target(%dma_start3A_63 : memref<40x128xf32, #tpu.memory_space<vmem_shared>>) target_semaphore(%arg36 : memref<!tpu.dma_semaphore, #tpu.memory_space<semaphore_mem>>)
    %add3A_64 = arith.constant 360 : i32
    %add3A_65 = arith.addi %mul3A_10, %add3A_64 : i32
    %dma_start3A_66 = arith.constant 0 : i32
    %dma_start3A_67 = tpu.memref_slice %arg7[%add3A_65, %dma_start3A_66] : memref<10240x128xf32, #tpu.memory_space<vmem_shared>> -> memref<40x128xf32, #tpu.memory_space<vmem_shared>>
    %dma_start3A_68 = arith.constant 0 : i32
    %dma_start3A_69 = tpu.memref_slice %arg7[%add3A_65, %dma_start3A_68] : memref<10240x128xf32, #tpu.memory_space<vmem_shared>> -> memref<40x128xf32, #tpu.memory_space<vmem_shared>>
    tpu.enqueue_dma source(%arg16 : memref<40x128xf32, #tpu.memory_space<vmem>>) target(%dma_start3A_69 : memref<40x128xf32, #tpu.memory_space<vmem_shared>>) target_semaphore(%arg36 : memref<!tpu.dma_semaphore, #tpu.memory_space<semaphore_mem>>)
    %add3A_70 = arith.constant 400 : i32
    %add3A_71 = arith.addi %mul3A_10, %add3A_70 : i32
    %dma_start3A_72 = arith.constant 0 : i32
    %dma_start3A_73 = tpu.memref_slice %arg7[%add3A_71, %dma_start3A_72] : memref<10240x128xf32, #tpu.memory_space<vmem_shared>> -> memref<40x128xf32, #tpu.memory_space<vmem_shared>>
    %dma_start3A_74 = arith.constant 0 : i32
    %dma_start3A_75 = tpu.memref_slice %arg7[%add3A_71, %dma_start3A_74] : memref<10240x128xf32, #tpu.memory_space<vmem_shared>> -> memref<40x128xf32, #tpu.memory_space<vmem_shared>>
    tpu.enqueue_dma source(%arg16 : memref<40x128xf32, #tpu.memory_space<vmem>>) target(%dma_start3A_75 : memref<40x128xf32, #tpu.memory_space<vmem_shared>>) target_semaphore(%arg36 : memref<!tpu.dma_semaphore, #tpu.memory_space<semaphore_mem>>)
    %add3A_76 = arith.constant 440 : i32
    %add3A_77 = arith.addi %mul3A_10, %add3A_76 : i32
    %dma_start3A_78 = arith.constant 0 : i32
    %dma_start3A_79 = tpu.memref_slice %arg7[%add3A_77, %dma_start3A_78] : memref<10240x128xf32, #tpu.memory_space<vmem_shared>> -> memref<40x128xf32, #tpu.memory_space<vmem_shared>>
    %dma_start3A_80 = arith.constant 0 : i32
    %dma_start3A_81 = tpu.memref_slice %arg7[%add3A_77, %dma_start3A_80] : memref<10240x128xf32, #tpu.memory_space<vmem_shared>> -> memref<40x128xf32, #tpu.memory_space<vmem_shared>>
    tpu.enqueue_dma source(%arg16 : memref<40x128xf32, #tpu.memory_space<vmem>>) target(%dma_start3A_81 : memref<40x128xf32, #tpu.memory_space<vmem_shared>>) target_semaphore(%arg36 : memref<!tpu.dma_semaphore, #tpu.memory_space<semaphore_mem>>)
    %add3A_82 = arith.constant 480 : i32
    %add3A_83 = arith.addi %mul3A_10, %add3A_82 : i32
    %dma_start3A_84 = arith.constant 0 : i32
    %dma_start3A_85 = tpu.memref_slice %arg7[%add3A_83, %dma_start3A_84] : memref<10240x128xf32, #tpu.memory_space<vmem_shared>> -> memref<40x128xf32, #tpu.memory_space<vmem_shared>>
    %dma_start3A_86 = arith.constant 0 : i32
    %dma_start3A_87 = tpu.memref_slice %arg7[%add3A_83, %dma_start3A_86] : memref<10240x128xf32, #tpu.memory_space<vmem_shared>> -> memref<40x128xf32, #tpu.memory_space<vmem_shared>>
    tpu.enqueue_dma source(%arg16 : memref<40x128xf32, #tpu.memory_space<vmem>>) target(%dma_start3A_87 : memref<40x128xf32, #tpu.memory_space<vmem_shared>>) target_semaphore(%arg36 : memref<!tpu.dma_semaphore, #tpu.memory_space<semaphore_mem>>)
    %add3A_88 = arith.constant 520 : i32
    %add3A_89 = arith.addi %mul3A_10, %add3A_88 : i32
    %dma_start3A_90 = arith.constant 0 : i32
    %dma_start3A_91 = tpu.memref_slice %arg7[%add3A_89, %dma_start3A_90] : memref<10240x128xf32, #tpu.memory_space<vmem_shared>> -> memref<40x128xf32, #tpu.memory_space<vmem_shared>>
    %dma_start3A_92 = arith.constant 0 : i32
    %dma_start3A_93 = tpu.memref_slice %arg7[%add3A_89, %dma_start3A_92] : memref<10240x128xf32, #tpu.memory_space<vmem_shared>> -> memref<40x128xf32, #tpu.memory_space<vmem_shared>>
    tpu.enqueue_dma source(%arg16 : memref<40x128xf32, #tpu.memory_space<vmem>>) target(%dma_start3A_93 : memref<40x128xf32, #tpu.memory_space<vmem_shared>>) target_semaphore(%arg36 : memref<!tpu.dma_semaphore, #tpu.memory_space<semaphore_mem>>)
    %add3A_94 = arith.constant 560 : i32
    %add3A_95 = arith.addi %mul3A_10, %add3A_94 : i32
    %dma_start3A_96 = arith.constant 0 : i32
    %dma_start3A_97 = tpu.memref_slice %arg7[%add3A_95, %dma_start3A_96] : memref<10240x128xf32, #tpu.memory_space<vmem_shared>> -> memref<40x128xf32, #tpu.memory_space<vmem_shared>>
    %dma_start3A_98 = arith.constant 0 : i32
    %dma_start3A_99 = tpu.memref_slice %arg7[%add3A_95, %dma_start3A_98] : memref<10240x128xf32, #tpu.memory_space<vmem_shared>> -> memref<40x128xf32, #tpu.memory_space<vmem_shared>>
    tpu.enqueue_dma source(%arg16 : memref<40x128xf32, #tpu.memory_space<vmem>>) target(%dma_start3A_99 : memref<40x128xf32, #tpu.memory_space<vmem_shared>>) target_semaphore(%arg36 : memref<!tpu.dma_semaphore, #tpu.memory_space<semaphore_mem>>)
    %add3A_100 = arith.constant 600 : i32
    %add3A_101 = arith.addi %mul3A_10, %add3A_100 : i32
    %dma_start3A_102 = arith.constant 0 : i32
    %dma_start3A_103 = tpu.memref_slice %arg7[%add3A_101, %dma_start3A_102] : memref<10240x128xf32, #tpu.memory_space<vmem_shared>> -> memref<40x128xf32, #tpu.memory_space<vmem_shared>>
    %dma_start3A_104 = arith.constant 0 : i32
    %dma_start3A_105 = tpu.memref_slice %arg7[%add3A_101, %dma_start3A_104] : memref<10240x128xf32, #tpu.memory_space<vmem_shared>> -> memref<40x128xf32, #tpu.memory_space<vmem_shared>>
    tpu.enqueue_dma source(%arg16 : memref<40x128xf32, #tpu.memory_space<vmem>>) target(%dma_start3A_105 : memref<40x128xf32, #tpu.memory_space<vmem_shared>>) target_semaphore(%arg36 : memref<!tpu.dma_semaphore, #tpu.memory_space<semaphore_mem>>)
    %dma_wait3A = arith.constant 0 : i32
    %dma_wait3A_106 = tpu.memref_slice %arg7[%mul3A_10, %dma_wait3A] : memref<10240x128xf32, #tpu.memory_space<vmem_shared>> -> memref<40x128xf32, #tpu.memory_space<vmem_shared>>
    %dma_wait3A_107 = arith.constant 0 : i32
    %dma_wait3A_108 = tpu.memref_slice %arg7[%mul3A_10, %dma_wait3A_107] : memref<10240x128xf32, #tpu.memory_space<vmem_shared>> -> memref<40x128xf32, #tpu.memory_space<vmem_shared>>
    tpu.wait_dma2 semaphore(%arg36 : memref<!tpu.dma_semaphore, #tpu.memory_space<semaphore_mem>>) src(%arg16 : memref<40x128xf32, #tpu.memory_space<vmem>>) dst(%dma_wait3A_108 : memref<40x128xf32, #tpu.memory_space<vmem_shared>>)
    %dma_wait3A_109 = arith.constant 0 : i32
    %dma_wait3A_110 = tpu.memref_slice %arg7[%mul3A_10, %dma_wait3A_109] : memref<10240x128xf32, #tpu.memory_space<vmem_shared>> -> memref<40x128xf32, #tpu.memory_space<vmem_shared>>
    %dma_wait3A_111 = arith.constant 0 : i32
    %dma_wait3A_112 = tpu.memref_slice %arg7[%mul3A_10, %dma_wait3A_111] : memref<10240x128xf32, #tpu.memory_space<vmem_shared>> -> memref<40x128xf32, #tpu.memory_space<vmem_shared>>
    tpu.wait_dma2 semaphore(%arg36 : memref<!tpu.dma_semaphore, #tpu.memory_space<semaphore_mem>>) src(%arg16 : memref<40x128xf32, #tpu.memory_space<vmem>>) dst(%dma_wait3A_112 : memref<40x128xf32, #tpu.memory_space<vmem_shared>>)
    %dma_wait3A_113 = arith.constant 0 : i32
    %dma_wait3A_114 = tpu.memref_slice %arg7[%mul3A_10, %dma_wait3A_113] : memref<10240x128xf32, #tpu.memory_space<vmem_shared>> -> memref<40x128xf32, #tpu.memory_space<vmem_shared>>
    %dma_wait3A_115 = arith.constant 0 : i32
    %dma_wait3A_116 = tpu.memref_slice %arg7[%mul3A_10, %dma_wait3A_115] : memref<10240x128xf32, #tpu.memory_space<vmem_shared>> -> memref<40x128xf32, #tpu.memory_space<vmem_shared>>
    tpu.wait_dma2 semaphore(%arg36 : memref<!tpu.dma_semaphore, #tpu.memory_space<semaphore_mem>>) src(%arg16 : memref<40x128xf32, #tpu.memory_space<vmem>>) dst(%dma_wait3A_116 : memref<40x128xf32, #tpu.memory_space<vmem_shared>>)
    %dma_wait3A_117 = arith.constant 0 : i32
    %dma_wait3A_118 = tpu.memref_slice %arg7[%mul3A_10, %dma_wait3A_117] : memref<10240x128xf32, #tpu.memory_space<vmem_shared>> -> memref<40x128xf32, #tpu.memory_space<vmem_shared>>
    %dma_wait3A_119 = arith.constant 0 : i32
    %dma_wait3A_120 = tpu.memref_slice %arg7[%mul3A_10, %dma_wait3A_119] : memref<10240x128xf32, #tpu.memory_space<vmem_shared>> -> memref<40x128xf32, #tpu.memory_space<vmem_shared>>
    tpu.wait_dma2 semaphore(%arg36 : memref<!tpu.dma_semaphore, #tpu.memory_space<semaphore_mem>>) src(%arg16 : memref<40x128xf32, #tpu.memory_space<vmem>>) dst(%dma_wait3A_120 : memref<40x128xf32, #tpu.memory_space<vmem_shared>>)
    %dma_wait3A_121 = arith.constant 0 : i32
    %dma_wait3A_122 = tpu.memref_slice %arg7[%mul3A_10, %dma_wait3A_121] : memref<10240x128xf32, #tpu.memory_space<vmem_shared>> -> memref<40x128xf32, #tpu.memory_space<vmem_shared>>
    %dma_wait3A_123 = arith.constant 0 : i32
    %dma_wait3A_124 = tpu.memref_slice %arg7[%mul3A_10, %dma_wait3A_123] : memref<10240x128xf32, #tpu.memory_space<vmem_shared>> -> memref<40x128xf32, #tpu.memory_space<vmem_shared>>
    tpu.wait_dma2 semaphore(%arg36 : memref<!tpu.dma_semaphore, #tpu.memory_space<semaphore_mem>>) src(%arg16 : memref<40x128xf32, #tpu.memory_space<vmem>>) dst(%dma_wait3A_124 : memref<40x128xf32, #tpu.memory_space<vmem_shared>>)
    %dma_wait3A_125 = arith.constant 0 : i32
    %dma_wait3A_126 = tpu.memref_slice %arg7[%mul3A_10, %dma_wait3A_125] : memref<10240x128xf32, #tpu.memory_space<vmem_shared>> -> memref<40x128xf32, #tpu.memory_space<vmem_shared>>
    %dma_wait3A_127 = arith.constant 0 : i32
    %dma_wait3A_128 = tpu.memref_slice %arg7[%mul3A_10, %dma_wait3A_127] : memref<10240x128xf32, #tpu.memory_space<vmem_shared>> -> memref<40x128xf32, #tpu.memory_space<vmem_shared>>
    tpu.wait_dma2 semaphore(%arg36 : memref<!tpu.dma_semaphore, #tpu.memory_space<semaphore_mem>>) src(%arg16 : memref<40x128xf32, #tpu.memory_space<vmem>>) dst(%dma_wait3A_128 : memref<40x128xf32, #tpu.memory_space<vmem_shared>>)
    %dma_wait3A_129 = arith.constant 0 : i32
    %dma_wait3A_130 = tpu.memref_slice %arg7[%mul3A_10, %dma_wait3A_129] : memref<10240x128xf32, #tpu.memory_space<vmem_shared>> -> memref<40x128xf32, #tpu.memory_space<vmem_shared>>
    %dma_wait3A_131 = arith.constant 0 : i32
    %dma_wait3A_132 = tpu.memref_slice %arg7[%mul3A_10, %dma_wait3A_131] : memref<10240x128xf32, #tpu.memory_space<vmem_shared>> -> memref<40x128xf32, #tpu.memory_space<vmem_shared>>
    tpu.wait_dma2 semaphore(%arg36 : memref<!tpu.dma_semaphore, #tpu.memory_space<semaphore_mem>>) src(%arg16 : memref<40x128xf32, #tpu.memory_space<vmem>>) dst(%dma_wait3A_132 : memref<40x128xf32, #tpu.memory_space<vmem_shared>>)
    %dma_wait3A_133 = arith.constant 0 : i32
    %dma_wait3A_134 = tpu.memref_slice %arg7[%mul3A_10, %dma_wait3A_133] : memref<10240x128xf32, #tpu.memory_space<vmem_shared>> -> memref<40x128xf32, #tpu.memory_space<vmem_shared>>
    %dma_wait3A_135 = arith.constant 0 : i32
    %dma_wait3A_136 = tpu.memref_slice %arg7[%mul3A_10, %dma_wait3A_135] : memref<10240x128xf32, #tpu.memory_space<vmem_shared>> -> memref<40x128xf32, #tpu.memory_space<vmem_shared>>
    tpu.wait_dma2 semaphore(%arg36 : memref<!tpu.dma_semaphore, #tpu.memory_space<semaphore_mem>>) src(%arg16 : memref<40x128xf32, #tpu.memory_space<vmem>>) dst(%dma_wait3A_136 : memref<40x128xf32, #tpu.memory_space<vmem_shared>>)
    %dma_wait3A_137 = arith.constant 0 : i32
    %dma_wait3A_138 = tpu.memref_slice %arg7[%mul3A_10, %dma_wait3A_137] : memref<10240x128xf32, #tpu.memory_space<vmem_shared>> -> memref<40x128xf32, #tpu.memory_space<vmem_shared>>
    %dma_wait3A_139 = arith.constant 0 : i32
    %dma_wait3A_140 = tpu.memref_slice %arg7[%mul3A_10, %dma_wait3A_139] : memref<10240x128xf32, #tpu.memory_space<vmem_shared>> -> memref<40x128xf32, #tpu.memory_space<vmem_shared>>
    tpu.wait_dma2 semaphore(%arg36 : memref<!tpu.dma_semaphore, #tpu.memory_space<semaphore_mem>>) src(%arg16 : memref<40x128xf32, #tpu.memory_space<vmem>>) dst(%dma_wait3A_140 : memref<40x128xf32, #tpu.memory_space<vmem_shared>>)
    %dma_wait3A_141 = arith.constant 0 : i32
    %dma_wait3A_142 = tpu.memref_slice %arg7[%mul3A_10, %dma_wait3A_141] : memref<10240x128xf32, #tpu.memory_space<vmem_shared>> -> memref<40x128xf32, #tpu.memory_space<vmem_shared>>
    %dma_wait3A_143 = arith.constant 0 : i32
    %dma_wait3A_144 = tpu.memref_slice %arg7[%mul3A_10, %dma_wait3A_143] : memref<10240x128xf32, #tpu.memory_space<vmem_shared>> -> memref<40x128xf32, #tpu.memory_space<vmem_shared>>
    tpu.wait_dma2 semaphore(%arg36 : memref<!tpu.dma_semaphore, #tpu.memory_space<semaphore_mem>>) src(%arg16 : memref<40x128xf32, #tpu.memory_space<vmem>>) dst(%dma_wait3A_144 : memref<40x128xf32, #tpu.memory_space<vmem_shared>>)
    %dma_wait3A_145 = arith.constant 0 : i32
    %dma_wait3A_146 = tpu.memref_slice %arg7[%mul3A_10, %dma_wait3A_145] : memref<10240x128xf32, #tpu.memory_space<vmem_shared>> -> memref<40x128xf32, #tpu.memory_space<vmem_shared>>
    %dma_wait3A_147 = arith.constant 0 : i32
    %dma_wait3A_148 = tpu.memref_slice %arg7[%mul3A_10, %dma_wait3A_147] : memref<10240x128xf32, #tpu.memory_space<vmem_shared>> -> memref<40x128xf32, #tpu.memory_space<vmem_shared>>
    tpu.wait_dma2 semaphore(%arg36 : memref<!tpu.dma_semaphore, #tpu.memory_space<semaphore_mem>>) src(%arg16 : memref<40x128xf32, #tpu.memory_space<vmem>>) dst(%dma_wait3A_148 : memref<40x128xf32, #tpu.memory_space<vmem_shared>>)
    %dma_wait3A_149 = arith.constant 0 : i32
    %dma_wait3A_150 = tpu.memref_slice %arg7[%mul3A_10, %dma_wait3A_149] : memref<10240x128xf32, #tpu.memory_space<vmem_shared>> -> memref<40x128xf32, #tpu.memory_space<vmem_shared>>
    %dma_wait3A_151 = arith.constant 0 : i32
    %dma_wait3A_152 = tpu.memref_slice %arg7[%mul3A_10, %dma_wait3A_151] : memref<10240x128xf32, #tpu.memory_space<vmem_shared>> -> memref<40x128xf32, #tpu.memory_space<vmem_shared>>
    tpu.wait_dma2 semaphore(%arg36 : memref<!tpu.dma_semaphore, #tpu.memory_space<semaphore_mem>>) src(%arg16 : memref<40x128xf32, #tpu.memory_space<vmem>>) dst(%dma_wait3A_152 : memref<40x128xf32, #tpu.memory_space<vmem_shared>>)
    %dma_wait3A_153 = arith.constant 0 : i32
    %dma_wait3A_154 = tpu.memref_slice %arg7[%mul3A_10, %dma_wait3A_153] : memref<10240x128xf32, #tpu.memory_space<vmem_shared>> -> memref<40x128xf32, #tpu.memory_space<vmem_shared>>
    %dma_wait3A_155 = arith.constant 0 : i32
    %dma_wait3A_156 = tpu.memref_slice %arg7[%mul3A_10, %dma_wait3A_155] : memref<10240x128xf32, #tpu.memory_space<vmem_shared>> -> memref<40x128xf32, #tpu.memory_space<vmem_shared>>
    tpu.wait_dma2 semaphore(%arg36 : memref<!tpu.dma_semaphore, #tpu.memory_space<semaphore_mem>>) src(%arg16 : memref<40x128xf32, #tpu.memory_space<vmem>>) dst(%dma_wait3A_156 : memref<40x128xf32, #tpu.memory_space<vmem_shared>>)
    %dma_wait3A_157 = arith.constant 0 : i32
    %dma_wait3A_158 = tpu.memref_slice %arg7[%mul3A_10, %dma_wait3A_157] : memref<10240x128xf32, #tpu.memory_space<vmem_shared>> -> memref<40x128xf32, #tpu.memory_space<vmem_shared>>
    %dma_wait3A_159 = arith.constant 0 : i32
    %dma_wait3A_160 = tpu.memref_slice %arg7[%mul3A_10, %dma_wait3A_159] : memref<10240x128xf32, #tpu.memory_space<vmem_shared>> -> memref<40x128xf32, #tpu.memory_space<vmem_shared>>
    tpu.wait_dma2 semaphore(%arg36 : memref<!tpu.dma_semaphore, #tpu.memory_space<semaphore_mem>>) src(%arg16 : memref<40x128xf32, #tpu.memory_space<vmem>>) dst(%dma_wait3A_160 : memref<40x128xf32, #tpu.memory_space<vmem_shared>>)
    %dma_wait3A_161 = arith.constant 0 : i32
    %dma_wait3A_162 = tpu.memref_slice %arg7[%mul3A_10, %dma_wait3A_161] : memref<10240x128xf32, #tpu.memory_space<vmem_shared>> -> memref<40x128xf32, #tpu.memory_space<vmem_shared>>
    %dma_wait3A_163 = arith.constant 0 : i32
    %dma_wait3A_164 = tpu.memref_slice %arg7[%mul3A_10, %dma_wait3A_163] : memref<10240x128xf32, #tpu.memory_space<vmem_shared>> -> memref<40x128xf32, #tpu.memory_space<vmem_shared>>
    tpu.wait_dma2 semaphore(%arg36 : memref<!tpu.dma_semaphore, #tpu.memory_space<semaphore_mem>>) src(%arg16 : memref<40x128xf32, #tpu.memory_space<vmem>>) dst(%dma_wait3A_164 : memref<40x128xf32, #tpu.memory_space<vmem_shared>>)
    %dma_wait3A_165 = arith.constant 0 : i32
    %dma_wait3A_166 = tpu.memref_slice %arg7[%mul3A_10, %dma_wait3A_165] : memref<10240x128xf32, #tpu.memory_space<vmem_shared>> -> memref<40x128xf32, #tpu.memory_space<vmem_shared>>
    %dma_wait3A_167 = arith.constant 0 : i32
    %dma_wait3A_168 = tpu.memref_slice %arg7[%mul3A_10, %dma_wait3A_167] : memref<10240x128xf32, #tpu.memory_space<vmem_shared>> -> memref<40x128xf32, #tpu.memory_space<vmem_shared>>
    tpu.wait_dma2 semaphore(%arg36 : memref<!tpu.dma_semaphore, #tpu.memory_space<semaphore_mem>>) src(%arg16 : memref<40x128xf32, #tpu.memory_space<vmem>>) dst(%dma_wait3A_168 : memref<40x128xf32, #tpu.memory_space<vmem_shared>>)
    %barrier3A = arith.constant 0 : index
    tpu.barrier barrier_id(%barrier3A)
    %add3A_169 = arith.constant 0 : i32
    %add3A_170 = arith.addi %add3A_4, %add3A_169 : i32
    %multiple_of3A = tpu.assume_multiple %add3A_170, 8 : i32
    %add3A_171 = arith.constant 0 : i32
    %add3A_172 = arith.addi %mul3A_2, %add3A_171 : i32
    %multiple_of3A_173 = tpu.assume_multiple %add3A_172, 8 : i32
    %dma_start3A_174 = tpu.memref_slice %arg4[%multiple_of3A] : memref<320000xi32, #tpu.memory_space<hbm>> -> memref<40xi32, #tpu.memory_space<hbm>>
    %dma_start3A_175 = tpu.memref_slice %arg4[%multiple_of3A] : memref<320000xi32, #tpu.memory_space<hbm>> -> memref<40xi32, #tpu.memory_space<hbm>>
    tpu.enqueue_dma source(%dma_start3A_175 : memref<40xi32, #tpu.memory_space<hbm>>) target(%arg8 : memref<40xi32, #tpu.memory_space<vmem>>) target_semaphore(%arg24 : memref<!tpu.dma_semaphore, #tpu.memory_space<semaphore_mem>>)
    %dma_start3A_176 = tpu.memref_slice %arg5[%multiple_of3A] : memref<320000xi32, #tpu.memory_space<hbm>> -> memref<40xi32, #tpu.memory_space<hbm>>
    %dma_start3A_177 = tpu.memref_slice %arg5[%multiple_of3A] : memref<320000xi32, #tpu.memory_space<hbm>> -> memref<40xi32, #tpu.memory_space<hbm>>
    tpu.enqueue_dma source(%dma_start3A_177 : memref<40xi32, #tpu.memory_space<hbm>>) target(%arg12 : memref<40xi32, #tpu.memory_space<vmem>>) target_semaphore(%arg28 : memref<!tpu.dma_semaphore, #tpu.memory_space<semaphore_mem>>)
    %dma_start3A_178 = arith.constant 0 : i32
    %dma_start3A_179 = tpu.memref_slice %arg3[%multiple_of3A_173, %dma_start3A_178] : memref<224000x64xi32, #tpu.memory_space<hbm>> -> memref<40x64xi32, #tpu.memory_space<hbm>>
    %dma_start3A_180 = arith.constant 0 : i32
    %dma_start3A_181 = tpu.memref_slice %arg3[%multiple_of3A_173, %dma_start3A_180] : memref<224000x64xi32, #tpu.memory_space<hbm>> -> memref<40x64xi32, #tpu.memory_space<hbm>>
    tpu.enqueue_dma source(%dma_start3A_181 : memref<40x64xi32, #tpu.memory_space<hbm>>) target(%arg20 : memref<40x64xi32, #tpu.memory_space<vmem>>) target_semaphore(%arg32 : memref<!tpu.dma_semaphore, #tpu.memory_space<semaphore_mem>>)
    %add3A_182 = arith.constant 40 : i32
    %add3A_183 = arith.addi %add3A_4, %add3A_182 : i32
    %multiple_of3A_184 = tpu.assume_multiple %add3A_183, 8 : i32
    %add3A_185 = arith.constant 40 : i32
    %add3A_186 = arith.addi %mul3A_2, %add3A_185 : i32
    %multiple_of3A_187 = tpu.assume_multiple %add3A_186, 8 : i32
    %dma_start3A_188 = tpu.memref_slice %arg4[%multiple_of3A_184] : memref<320000xi32, #tpu.memory_space<hbm>> -> memref<40xi32, #tpu.memory_space<hbm>>
    %dma_start3A_189 = tpu.memref_slice %arg4[%multiple_of3A_184] : memref<320000xi32, #tpu.memory_space<hbm>> -> memref<40xi32, #tpu.memory_space<hbm>>
    tpu.enqueue_dma source(%dma_start3A_189 : memref<40xi32, #tpu.memory_space<hbm>>) target(%arg9 : memref<40xi32, #tpu.memory_space<vmem>>) target_semaphore(%arg25 : memref<!tpu.dma_semaphore, #tpu.memory_space<semaphore_mem>>)
    %dma_start3A_190 = tpu.memref_slice %arg5[%multiple_of3A_184] : memref<320000xi32, #tpu.memory_space<hbm>> -> memref<40xi32, #tpu.memory_space<hbm>>
    %dma_start3A_191 = tpu.memref_slice %arg5[%multiple_of3A_184] : memref<320000xi32, #tpu.memory_space<hbm>> -> memref<40xi32, #tpu.memory_space<hbm>>
    tpu.enqueue_dma source(%dma_start3A_191 : memref<40xi32, #tpu.memory_space<hbm>>) target(%arg13 : memref<40xi32, #tpu.memory_space<vmem>>) target_semaphore(%arg29 : memref<!tpu.dma_semaphore, #tpu.memory_space<semaphore_mem>>)
    %dma_start3A_192 = arith.constant 0 : i32
    %dma_start3A_193 = tpu.memref_slice %arg3[%multiple_of3A_187, %dma_start3A_192] : memref<224000x64xi32, #tpu.memory_space<hbm>> -> memref<40x64xi32, #tpu.memory_space<hbm>>
    %dma_start3A_194 = arith.constant 0 : i32
    %dma_start3A_195 = tpu.memref_slice %arg3[%multiple_of3A_187, %dma_start3A_194] : memref<224000x64xi32, #tpu.memory_space<hbm>> -> memref<40x64xi32, #tpu.memory_space<hbm>>
    tpu.enqueue_dma source(%dma_start3A_195 : memref<40x64xi32, #tpu.memory_space<hbm>>) target(%arg21 : memref<40x64xi32, #tpu.memory_space<vmem>>) target_semaphore(%arg33 : memref<!tpu.dma_semaphore, #tpu.memory_space<semaphore_mem>>)
    %dma_wait3A_196 = arith.constant 0 : i32
    %dma_wait3A_197 = tpu.memref_slice %arg4[%dma_wait3A_196] : memref<320000xi32, #tpu.memory_space<hbm>> -> memref<40xi32, #tpu.memory_space<hbm>>
    %dma_wait3A_198 = arith.constant 0 : i32
    %dma_wait3A_199 = tpu.memref_slice %arg4[%dma_wait3A_198] : memref<320000xi32, #tpu.memory_space<hbm>> -> memref<40xi32, #tpu.memory_space<hbm>>
    tpu.wait_dma2 semaphore(%arg24 : memref<!tpu.dma_semaphore, #tpu.memory_space<semaphore_mem>>) src(%dma_wait3A_199 : memref<40xi32, #tpu.memory_space<hbm>>) dst(%arg8 : memref<40xi32, #tpu.memory_space<vmem>>)
    %dma_start3A_200 = arith.constant 0 : i32
    %dma_start3A_201 = arith.constant 0 : i32
    %dma_start3A_202 = tpu.memref_slice %arg2[%dma_start3A_200, %dma_start3A_201] : memref<10000x128xf32, #tpu.memory_space<hbm>> -> memref<10000x128xf32, #tpu.memory_space<hbm>>
    tpu.enqueue_indirect_dma source(%dma_start3A_202 : memref<10000x128xf32, #tpu.memory_space<hbm>>) target(%arg16 : memref<40x128xf32, #tpu.memory_space<vmem>>) offsets(%arg8 : memref<40xi32, #tpu.memory_space<vmem>>) semaphore(%arg36 : memref<!tpu.dma_semaphore, #tpu.memory_space<semaphore_mem>>)
    %scan3A_203 = arith.constant 0 : i32
    %scan3A_204 = arith.constant 44 : i32
    %scan3A_205 = arith.addi %scan3A_203, %scan3A_204 : i32
    %scan3A_206 = arith.constant 1 : i32
    scf.for %scan3A_445 = %scan3A_203 to %scan3A_205 step %scan3A_206  : i32 {
      %mul3A_446 = arith.constant 4 : i32
      %mul3A_447 = arith.muli %scan3A_445, %mul3A_446 : i32
      %add3A_448 = arith.constant 0 : i32
      %add3A_449 = arith.addi %mul3A_447, %add3A_448 : i32
      %add3A_450 = arith.constant 2 : i32
      %add3A_451 = arith.addi %add3A_449, %add3A_450 : i32
      %le3A = arith.constant 174 : i32
      %le3A_452 = arith.cmpi sle, %add3A_451, %le3A : i32
      %convert_element_type3A = arith.extui %le3A_452 : i1 to i32
      %cond3A = arith.constant 0 : i32
      %cond3A_453 = arith.cmpi ne, %convert_element_type3A, %cond3A : i32
      scf.if %cond3A_453 {
        %sub3A = arith.constant 2 : i32
        %sub3A_529 = arith.subi %add3A_449, %sub3A : i32
        %ge3A = arith.constant 0 : i32
        %ge3A_530 = arith.cmpi sge, %sub3A_529, %ge3A : i32
        %convert_element_type3A_531 = arith.extui %ge3A_530 : i1 to i32
        %cond3A_532 = arith.constant 0 : i32
        %cond3A_533 = arith.cmpi ne, %convert_element_type3A_531, %cond3A_532 : i32
        scf.if %cond3A_533 {
          %dma_wait3A_552 = arith.constant 0 : i32
          %dma_wait3A_553 = arith.constant 0 : i32
          %dma_wait3A_554 = tpu.memref_slice %arg7[%dma_wait3A_552, %dma_wait3A_553] : memref<10240x128xf32, #tpu.memory_space<vmem_shared>> -> memref<10240x128xf32, #tpu.memory_space<vmem_shared>>
          tpu.wait_indirect_dma semaphore(%arg42 : memref<!tpu.dma_semaphore, #tpu.memory_space<semaphore_mem>>) src(%arg18 : memref<40x128xf32, #tpu.memory_space<vmem>>) dst(%dma_wait3A_554 : memref<10240x128xf32, #tpu.memory_space<vmem_shared>>)
        } else {
        }
        %add3A_534 = arith.constant 2 : i32
        %add3A_535 = arith.addi %add3A_449, %add3A_534 : i32
        %mul3A_536 = arith.constant 40 : i32
        %mul3A_537 = arith.muli %add3A_535, %mul3A_536 : i32
        %add3A_538 = arith.addi %add3A_4, %mul3A_537 : i32
        %multiple_of3A_539 = tpu.assume_multiple %add3A_538, 8 : i32
        %mul3A_540 = arith.constant 40 : i32
        %mul3A_541 = arith.muli %add3A_535, %mul3A_540 : i32
        %add3A_542 = arith.addi %mul3A_2, %mul3A_541 : i32
        %multiple_of3A_543 = tpu.assume_multiple %add3A_542, 8 : i32
        %dma_start3A_544 = tpu.memref_slice %arg4[%multiple_of3A_539] : memref<320000xi32, #tpu.memory_space<hbm>> -> memref<40xi32, #tpu.memory_space<hbm>>
        %dma_start3A_545 = tpu.memref_slice %arg4[%multiple_of3A_539] : memref<320000xi32, #tpu.memory_space<hbm>> -> memref<40xi32, #tpu.memory_space<hbm>>
        tpu.enqueue_dma source(%dma_start3A_545 : memref<40xi32, #tpu.memory_space<hbm>>) target(%arg10 : memref<40xi32, #tpu.memory_space<vmem>>) target_semaphore(%arg26 : memref<!tpu.dma_semaphore, #tpu.memory_space<semaphore_mem>>)
        %dma_start3A_546 = tpu.memref_slice %arg5[%multiple_of3A_539] : memref<320000xi32, #tpu.memory_space<hbm>> -> memref<40xi32, #tpu.memory_space<hbm>>
        %dma_start3A_547 = tpu.memref_slice %arg5[%multiple_of3A_539] : memref<320000xi32, #tpu.memory_space<hbm>> -> memref<40xi32, #tpu.memory_space<hbm>>
        tpu.enqueue_dma source(%dma_start3A_547 : memref<40xi32, #tpu.memory_space<hbm>>) target(%arg14 : memref<40xi32, #tpu.memory_space<vmem>>) target_semaphore(%arg30 : memref<!tpu.dma_semaphore, #tpu.memory_space<semaphore_mem>>)
        %dma_start3A_548 = arith.constant 0 : i32
        %dma_start3A_549 = tpu.memref_slice %arg3[%multiple_of3A_543, %dma_start3A_548] : memref<224000x64xi32, #tpu.memory_space<hbm>> -> memref<40x64xi32, #tpu.memory_space<hbm>>
        %dma_start3A_550 = arith.constant 0 : i32
        %dma_start3A_551 = tpu.memref_slice %arg3[%multiple_of3A_543, %dma_start3A_550] : memref<224000x64xi32, #tpu.memory_space<hbm>> -> memref<40x64xi32, #tpu.memory_space<hbm>>
        tpu.enqueue_dma source(%dma_start3A_551 : memref<40x64xi32, #tpu.memory_space<hbm>>) target(%arg22 : memref<40x64xi32, #tpu.memory_space<vmem>>) target_semaphore(%arg34 : memref<!tpu.dma_semaphore, #tpu.memory_space<semaphore_mem>>)
      } else {
      }
      %add3A_454 = arith.constant 1 : i32
      %add3A_455 = arith.addi %add3A_449, %add3A_454 : i32
      %le3A_456 = arith.constant 174 : i32
      %le3A_457 = arith.cmpi sle, %add3A_455, %le3A_456 : i32
      %convert_element_type3A_458 = arith.extui %le3A_457 : i1 to i32
      %cond3A_459 = arith.constant 0 : i32
      %cond3A_460 = arith.cmpi ne, %convert_element_type3A_458, %cond3A_459 : i32
      scf.if %cond3A_460 {
        %dma_wait3A_529 = arith.constant 0 : i32
        %dma_wait3A_530 = tpu.memref_slice %arg4[%dma_wait3A_529] : memref<320000xi32, #tpu.memory_space<hbm>> -> memref<40xi32, #tpu.memory_space<hbm>>
        %dma_wait3A_531 = arith.constant 0 : i32
        %dma_wait3A_532 = tpu.memref_slice %arg4[%dma_wait3A_531] : memref<320000xi32, #tpu.memory_space<hbm>> -> memref<40xi32, #tpu.memory_space<hbm>>
        tpu.wait_dma2 semaphore(%arg25 : memref<!tpu.dma_semaphore, #tpu.memory_space<semaphore_mem>>) src(%dma_wait3A_532 : memref<40xi32, #tpu.memory_space<hbm>>) dst(%arg9 : memref<40xi32, #tpu.memory_space<vmem>>)
        %dma_start3A_533 = arith.constant 0 : i32
        %dma_start3A_534 = arith.constant 0 : i32
        %dma_start3A_535 = tpu.memref_slice %arg2[%dma_start3A_533, %dma_start3A_534] : memref<10000x128xf32, #tpu.memory_space<hbm>> -> memref<10000x128xf32, #tpu.memory_space<hbm>>
        tpu.enqueue_indirect_dma source(%dma_start3A_535 : memref<10000x128xf32, #tpu.memory_space<hbm>>) target(%arg17 : memref<40x128xf32, #tpu.memory_space<vmem>>) offsets(%arg9 : memref<40xi32, #tpu.memory_space<vmem>>) semaphore(%arg37 : memref<!tpu.dma_semaphore, #tpu.memory_space<semaphore_mem>>)
      } else {
      }
      %le3A_461 = arith.constant 174 : i32
      %le3A_462 = arith.cmpi sle, %add3A_449, %le3A_461 : i32
      %convert_element_type3A_463 = arith.extui %le3A_462 : i1 to i32
      %cond3A_464 = arith.constant 0 : i32
      %cond3A_465 = arith.cmpi ne, %convert_element_type3A_463, %cond3A_464 : i32
      scf.if %cond3A_465 {
        %dma_wait3A_529 = arith.constant 0 : i32
        %dma_wait3A_530 = arith.constant 0 : i32
        %dma_wait3A_531 = tpu.memref_slice %arg3[%dma_wait3A_529, %dma_wait3A_530] : memref<224000x64xi32, #tpu.memory_space<hbm>> -> memref<40x64xi32, #tpu.memory_space<hbm>>
        %dma_wait3A_532 = arith.constant 0 : i32
        %dma_wait3A_533 = arith.constant 0 : i32
        %dma_wait3A_534 = tpu.memref_slice %arg3[%dma_wait3A_532, %dma_wait3A_533] : memref<224000x64xi32, #tpu.memory_space<hbm>> -> memref<40x64xi32, #tpu.memory_space<hbm>>
        tpu.wait_dma2 semaphore(%arg32 : memref<!tpu.dma_semaphore, #tpu.memory_space<semaphore_mem>>) src(%dma_wait3A_534 : memref<40x64xi32, #tpu.memory_space<hbm>>) dst(%arg20 : memref<40x64xi32, #tpu.memory_space<vmem>>)
        %dma_wait3A_535 = arith.constant 0 : i32
        %dma_wait3A_536 = arith.constant 0 : i32
        %dma_wait3A_537 = tpu.memref_slice %arg2[%dma_wait3A_535, %dma_wait3A_536] : memref<10000x128xf32, #tpu.memory_space<hbm>> -> memref<10000x128xf32, #tpu.memory_space<hbm>>
        tpu.wait_indirect_dma semaphore(%arg36 : memref<!tpu.dma_semaphore, #tpu.memory_space<semaphore_mem>>) src(%dma_wait3A_537 : memref<10000x128xf32, #tpu.memory_space<hbm>>) dst(%arg16 : memref<40x128xf32, #tpu.memory_space<vmem>>)
        %scan3A_538 = arith.constant -65536 : i32
        %scan3A_539 = arith.constant 0 : i32
        %scan3A_540 = arith.constant 40 : i32
        %scan3A_541 = arith.addi %scan3A_539, %scan3A_540 : i32
        %scan3A_542 = arith.constant 1 : i32
        scf.for %scan3A_551 = %scan3A_539 to %scan3A_541 step %scan3A_542  : i32 {
          %get3A = arith.index_cast %scan3A_551 : i32 to index
          %get3A_552 = arith.constant 0 : index
          %get3A_553 = tpu.vector_load %arg20[%get3A, %get3A_552] {strides = array<i32>} : memref<40x64xi32, #tpu.memory_space<vmem>>, vector<1x16xi32>,
          %get3A_554 = vector.shape_cast %get3A_553 : vector<1x16xi32> to vector<16xi32>
          %shift_left3A = arith.constant 16 : i32
          %shift_left3A_555 = vector.broadcast %shift_left3A : i32 to vector<16xi32>
          %shift_left3A_556 = arith.shli %get3A_554, %shift_left3A_555 : vector<16xi32>
          %bitcast_convert_type3A = tpu.bitcast %shift_left3A_556 : vector<16xi32> -> vector<16xf32>
          %and3A = vector.broadcast %scan3A_538 : i32 to vector<16xi32>
          %and3A_557 = arith.andi %get3A_554, %and3A : vector<16xi32>
          %bitcast_convert_type3A_558 = tpu.bitcast %and3A_557 : vector<16xi32> -> vector<16xf32>
          %get3A_559 = arith.index_cast %scan3A_551 : i32 to index
          %get3A_560 = arith.constant 0 : index
          %get3A_561 = tpu.vector_load %arg16[%get3A_559, %get3A_560] {strides = array<i32>} : memref<40x128xf32, #tpu.memory_space<vmem>>, vector<1x16xf32>,
          %get3A_562 = vector.shape_cast %get3A_561 : vector<1x16xf32> to vector<16xf32>
          %mul3A_563 = arith.mulf %get3A_562, %bitcast_convert_type3A : vector<16xf32>
          %swap3A = arith.index_cast %scan3A_551 : i32 to index
          %swap3A_564 = arith.constant 0 : index
          %swap3A_565 = tpu.vector_load %arg16[%swap3A, %swap3A_564] {strides = array<i32>} : memref<40x128xf32, #tpu.memory_space<vmem>>, vector<1x16xf32>,
          %swap3A_566 = vector.shape_cast %swap3A_565 : vector<1x16xf32> to vector<16xf32>
          %swap3A_567 = vector.shape_cast %mul3A_563 : vector<16xf32> to vector<1x16xf32>
          tpu.vector_store %arg16[%swap3A, %swap3A_564], %swap3A_567 {strides = array<i32>} : memref<40x128xf32, #tpu.memory_space<vmem>>, vector<1x16xf32>,
          %get3A_568 = arith.index_cast %scan3A_551 : i32 to index
          %get3A_569 = arith.constant 64 : index
          %get3A_570 = tpu.vector_load %arg16[%get3A_568, %get3A_569] {strides = array<i32>} : memref<40x128xf32, #tpu.memory_space<vmem>>, vector<1x16xf32>,
          %get3A_571 = vector.shape_cast %get3A_570 : vector<1x16xf32> to vector<16xf32>
          %mul3A_572 = arith.mulf %get3A_571, %bitcast_convert_type3A_558 : vector<16xf32>
          %swap3A_573 = arith.index_cast %scan3A_551 : i32 to index
          %swap3A_574 = arith.constant 64 : index
          %swap3A_575 = tpu.vector_load %arg16[%swap3A_573, %swap3A_574] {strides = array<i32>} : memref<40x128xf32, #tpu.memory_space<vmem>>, vector<1x16xf32>,
          %swap3A_576 = vector.shape_cast %swap3A_575 : vector<1x16xf32> to vector<16xf32>
          %swap3A_577 = vector.shape_cast %mul3A_572 : vector<16xf32> to vector<1x16xf32>
          tpu.vector_store %arg16[%swap3A_573, %swap3A_574], %swap3A_577 {strides = array<i32>} : memref<40x128xf32, #tpu.memory_space<vmem>>, vector<1x16xf32>,
          %get3A_578 = arith.index_cast %scan3A_551 : i32 to index
          %get3A_579 = arith.constant 16 : index
          %get3A_580 = tpu.vector_load %arg20[%get3A_578, %get3A_579] {strides = array<i32>} : memref<40x64xi32, #tpu.memory_space<vmem>>, vector<1x16xi32>,
          %get3A_581 = vector.shape_cast %get3A_580 : vector<1x16xi32> to vector<16xi32>
          %shift_left3A_582 = arith.constant 16 : i32
          %shift_left3A_583 = vector.broadcast %shift_left3A_582 : i32 to vector<16xi32>
          %shift_left3A_584 = arith.shli %get3A_581, %shift_left3A_583 : vector<16xi32>
          %bitcast_convert_type3A_585 = tpu.bitcast %shift_left3A_584 : vector<16xi32> -> vector<16xf32>
          %and3A_586 = vector.broadcast %scan3A_538 : i32 to vector<16xi32>
          %and3A_587 = arith.andi %get3A_581, %and3A_586 : vector<16xi32>
          %bitcast_convert_type3A_588 = tpu.bitcast %and3A_587 : vector<16xi32> -> vector<16xf32>
          %get3A_589 = arith.index_cast %scan3A_551 : i32 to index
          %get3A_590 = arith.constant 16 : index
          %get3A_591 = tpu.vector_load %arg16[%get3A_589, %get3A_590] {strides = array<i32>} : memref<40x128xf32, #tpu.memory_space<vmem>>, vector<1x16xf32>,
          %get3A_592 = vector.shape_cast %get3A_591 : vector<1x16xf32> to vector<16xf32>
          %mul3A_593 = arith.mulf %get3A_592, %bitcast_convert_type3A_585 : vector<16xf32>
          %swap3A_594 = arith.index_cast %scan3A_551 : i32 to index
          %swap3A_595 = arith.constant 16 : index
          %swap3A_596 = tpu.vector_load %arg16[%swap3A_594, %swap3A_595] {strides = array<i32>} : memref<40x128xf32, #tpu.memory_space<vmem>>, vector<1x16xf32>,
          %swap3A_597 = vector.shape_cast %swap3A_596 : vector<1x16xf32> to vector<16xf32>
          %swap3A_598 = vector.shape_cast %mul3A_593 : vector<16xf32> to vector<1x16xf32>
          tpu.vector_store %arg16[%swap3A_594, %swap3A_595], %swap3A_598 {strides = array<i32>} : memref<40x128xf32, #tpu.memory_space<vmem>>, vector<1x16xf32>,
          %get3A_599 = arith.index_cast %scan3A_551 : i32 to index
          %get3A_600 = arith.constant 80 : index
          %get3A_601 = tpu.vector_load %arg16[%get3A_599, %get3A_600] {strides = array<i32>} : memref<40x128xf32, #tpu.memory_space<vmem>>, vector<1x16xf32>,
          %get3A_602 = vector.shape_cast %get3A_601 : vector<1x16xf32> to vector<16xf32>
          %mul3A_603 = arith.mulf %get3A_602, %bitcast_convert_type3A_588 : vector<16xf32>
          %swap3A_604 = arith.index_cast %scan3A_551 : i32 to index
          %swap3A_605 = arith.constant 80 : index
          %swap3A_606 = tpu.vector_load %arg16[%swap3A_604, %swap3A_605] {strides = array<i32>} : memref<40x128xf32, #tpu.memory_space<vmem>>, vector<1x16xf32>,
          %swap3A_607 = vector.shape_cast %swap3A_606 : vector<1x16xf32> to vector<16xf32>
          %swap3A_608 = vector.shape_cast %mul3A_603 : vector<16xf32> to vector<1x16xf32>
          tpu.vector_store %arg16[%swap3A_604, %swap3A_605], %swap3A_608 {strides = array<i32>} : memref<40x128xf32, #tpu.memory_space<vmem>>, vector<1x16xf32>,
          %get3A_609 = arith.index_cast %scan3A_551 : i32 to index
          %get3A_610 = arith.constant 32 : index
          %get3A_611 = tpu.vector_load %arg20[%get3A_609, %get3A_610] {strides = array<i32>} : memref<40x64xi32, #tpu.memory_space<vmem>>, vector<1x16xi32>,
          %get3A_612 = vector.shape_cast %get3A_611 : vector<1x16xi32> to vector<16xi32>
          %shift_left3A_613 = arith.constant 16 : i32
          %shift_left3A_614 = vector.broadcast %shift_left3A_613 : i32 to vector<16xi32>
          %shift_left3A_615 = arith.shli %get3A_612, %shift_left3A_614 : vector<16xi32>
          %bitcast_convert_type3A_616 = tpu.bitcast %shift_left3A_615 : vector<16xi32> -> vector<16xf32>
          %and3A_617 = vector.broadcast %scan3A_538 : i32 to vector<16xi32>
          %and3A_618 = arith.andi %get3A_612, %and3A_617 : vector<16xi32>
          %bitcast_convert_type3A_619 = tpu.bitcast %and3A_618 : vector<16xi32> -> vector<16xf32>
          %get3A_620 = arith.index_cast %scan3A_551 : i32 to index
          %get3A_621 = arith.constant 32 : index
          %get3A_622 = tpu.vector_load %arg16[%get3A_620, %get3A_621] {strides = array<i32>} : memref<40x128xf32, #tpu.memory_space<vmem>>, vector<1x16xf32>,
          %get3A_623 = vector.shape_cast %get3A_622 : vector<1x16xf32> to vector<16xf32>
          %mul3A_624 = arith.mulf %get3A_623, %bitcast_convert_type3A_616 : vector<16xf32>
          %swap3A_625 = arith.index_cast %scan3A_551 : i32 to index
          %swap3A_626 = arith.constant 32 : index
          %swap3A_627 = tpu.vector_load %arg16[%swap3A_625, %swap3A_626] {strides = array<i32>} : memref<40x128xf32, #tpu.memory_space<vmem>>, vector<1x16xf32>,
          %swap3A_628 = vector.shape_cast %swap3A_627 : vector<1x16xf32> to vector<16xf32>
          %swap3A_629 = vector.shape_cast %mul3A_624 : vector<16xf32> to vector<1x16xf32>
          tpu.vector_store %arg16[%swap3A_625, %swap3A_626], %swap3A_629 {strides = array<i32>} : memref<40x128xf32, #tpu.memory_space<vmem>>, vector<1x16xf32>,
          %get3A_630 = arith.index_cast %scan3A_551 : i32 to index
          %get3A_631 = arith.constant 96 : index
          %get3A_632 = tpu.vector_load %arg16[%get3A_630, %get3A_631] {strides = array<i32>} : memref<40x128xf32, #tpu.memory_space<vmem>>, vector<1x16xf32>,
          %get3A_633 = vector.shape_cast %get3A_632 : vector<1x16xf32> to vector<16xf32>
          %mul3A_634 = arith.mulf %get3A_633, %bitcast_convert_type3A_619 : vector<16xf32>
          %swap3A_635 = arith.index_cast %scan3A_551 : i32 to index
          %swap3A_636 = arith.constant 96 : index
          %swap3A_637 = tpu.vector_load %arg16[%swap3A_635, %swap3A_636] {strides = array<i32>} : memref<40x128xf32, #tpu.memory_space<vmem>>, vector<1x16xf32>,
          %swap3A_638 = vector.shape_cast %swap3A_637 : vector<1x16xf32> to vector<16xf32>
          %swap3A_639 = vector.shape_cast %mul3A_634 : vector<16xf32> to vector<1x16xf32>
          tpu.vector_store %arg16[%swap3A_635, %swap3A_636], %swap3A_639 {strides = array<i32>} : memref<40x128xf32, #tpu.memory_space<vmem>>, vector<1x16xf32>,
          %get3A_640 = arith.index_cast %scan3A_551 : i32 to index
          %get3A_641 = arith.constant 48 : index
          %get3A_642 = tpu.vector_load %arg20[%get3A_640, %get3A_641] {strides = array<i32>} : memref<40x64xi32, #tpu.memory_space<vmem>>, vector<1x16xi32>,
          %get3A_643 = vector.shape_cast %get3A_642 : vector<1x16xi32> to vector<16xi32>
          %shift_left3A_644 = arith.constant 16 : i32
          %shift_left3A_645 = vector.broadcast %shift_left3A_644 : i32 to vector<16xi32>
          %shift_left3A_646 = arith.shli %get3A_643, %shift_left3A_645 : vector<16xi32>
          %bitcast_convert_type3A_647 = tpu.bitcast %shift_left3A_646 : vector<16xi32> -> vector<16xf32>
          %and3A_648 = vector.broadcast %scan3A_538 : i32 to vector<16xi32>
          %and3A_649 = arith.andi %get3A_643, %and3A_648 : vector<16xi32>
          %bitcast_convert_type3A_650 = tpu.bitcast %and3A_649 : vector<16xi32> -> vector<16xf32>
          %get3A_651 = arith.index_cast %scan3A_551 : i32 to index
          %get3A_652 = arith.constant 48 : index
          %get3A_653 = tpu.vector_load %arg16[%get3A_651, %get3A_652] {strides = array<i32>} : memref<40x128xf32, #tpu.memory_space<vmem>>, vector<1x16xf32>,
          %get3A_654 = vector.shape_cast %get3A_653 : vector<1x16xf32> to vector<16xf32>
          %mul3A_655 = arith.mulf %get3A_654, %bitcast_convert_type3A_647 : vector<16xf32>
          %swap3A_656 = arith.index_cast %scan3A_551 : i32 to index
          %swap3A_657 = arith.constant 48 : index
          %swap3A_658 = tpu.vector_load %arg16[%swap3A_656, %swap3A_657] {strides = array<i32>} : memref<40x128xf32, #tpu.memory_space<vmem>>, vector<1x16xf32>,
          %swap3A_659 = vector.shape_cast %swap3A_658 : vector<1x16xf32> to vector<16xf32>
          %swap3A_660 = vector.shape_cast %mul3A_655 : vector<16xf32> to vector<1x16xf32>
          tpu.vector_store %arg16[%swap3A_656, %swap3A_657], %swap3A_660 {strides = array<i32>} : memref<40x128xf32, #tpu.memory_space<vmem>>, vector<1x16xf32>,
          %get3A_661 = arith.index_cast %scan3A_551 : i32 to index
          %get3A_662 = arith.constant 112 : index
          %get3A_663 = tpu.vector_load %arg16[%get3A_661, %get3A_662] {strides = array<i32>} : memref<40x128xf32, #tpu.memory_space<vmem>>, vector<1x16xf32>,
          %get3A_664 = vector.shape_cast %get3A_663 : vector<1x16xf32> to vector<16xf32>
          %mul3A_665 = arith.mulf %get3A_664, %bitcast_convert_type3A_650 : vector<16xf32>
          %swap3A_666 = arith.index_cast %scan3A_551 : i32 to index
          %swap3A_667 = arith.constant 112 : index
          %swap3A_668 = tpu.vector_load %arg16[%swap3A_666, %swap3A_667] {strides = array<i32>} : memref<40x128xf32, #tpu.memory_space<vmem>>, vector<1x16xf32>,
          %swap3A_669 = vector.shape_cast %swap3A_668 : vector<1x16xf32> to vector<16xf32>
          %swap3A_670 = vector.shape_cast %mul3A_665 : vector<16xf32> to vector<1x16xf32>
          tpu.vector_store %arg16[%swap3A_666, %swap3A_667], %swap3A_670 {strides = array<i32>} : memref<40x128xf32, #tpu.memory_space<vmem>>, vector<1x16xf32>,
        }
        %scan3A_543 = arith.constant 40 : i32
        %dma_wait3A_544 = arith.constant 0 : i32
        %dma_wait3A_545 = tpu.memref_slice %arg5[%dma_wait3A_544] : memref<320000xi32, #tpu.memory_space<hbm>> -> memref<40xi32, #tpu.memory_space<hbm>>
        %dma_wait3A_546 = arith.constant 0 : i32
        %dma_wait3A_547 = tpu.memref_slice %arg5[%dma_wait3A_546] : memref<320000xi32, #tpu.memory_space<hbm>> -> memref<40xi32, #tpu.memory_space<hbm>>
        tpu.wait_dma2 semaphore(%arg28 : memref<!tpu.dma_semaphore, #tpu.memory_space<semaphore_mem>>) src(%dma_wait3A_547 : memref<40xi32, #tpu.memory_space<hbm>>) dst(%arg12 : memref<40xi32, #tpu.memory_space<vmem>>)
        %dma_start3A_548 = arith.constant 0 : i32
        %dma_start3A_549 = arith.constant 0 : i32
        %dma_start3A_550 = tpu.memref_slice %arg7[%dma_start3A_548, %dma_start3A_549] : memref<10240x128xf32, #tpu.memory_space<vmem_shared>> -> memref<10240x128xf32, #tpu.memory_space<vmem_shared>>
        tpu.enqueue_indirect_dma source(%arg16 : memref<40x128xf32, #tpu.memory_space<vmem>>) target(%dma_start3A_550 : memref<10240x128xf32, #tpu.memory_space<vmem_shared>>) offsets(%arg12 : memref<40xi32, #tpu.memory_space<vmem>>) semaphore(%arg40 : memref<!tpu.dma_semaphore, #tpu.memory_space<semaphore_mem>>) {add = true}
      } else {
      }
      %add3A_466 = arith.constant 1 : i32
      %add3A_467 = arith.addi %mul3A_447, %add3A_466 : i32
      %add3A_468 = arith.constant 2 : i32
      %add3A_469 = arith.addi %add3A_467, %add3A_468 : i32
      %le3A_470 = arith.constant 174 : i32
      %le3A_471 = arith.cmpi sle, %add3A_469, %le3A_470 : i32
      %convert_element_type3A_472 = arith.extui %le3A_471 : i1 to i32
      %cond3A_473 = arith.constant 0 : i32
      %cond3A_474 = arith.cmpi ne, %convert_element_type3A_472, %cond3A_473 : i32
      scf.if %cond3A_474 {
        %sub3A = arith.constant 2 : i32
        %sub3A_529 = arith.subi %add3A_467, %sub3A : i32
        %ge3A = arith.constant 0 : i32
        %ge3A_530 = arith.cmpi sge, %sub3A_529, %ge3A : i32
        %convert_element_type3A_531 = arith.extui %ge3A_530 : i1 to i32
        %cond3A_532 = arith.constant 0 : i32
        %cond3A_533 = arith.cmpi ne, %convert_element_type3A_531, %cond3A_532 : i32
        scf.if %cond3A_533 {
          %dma_wait3A_552 = arith.constant 0 : i32
          %dma_wait3A_553 = arith.constant 0 : i32
          %dma_wait3A_554 = tpu.memref_slice %arg7[%dma_wait3A_552, %dma_wait3A_553] : memref<10240x128xf32, #tpu.memory_space<vmem_shared>> -> memref<10240x128xf32, #tpu.memory_space<vmem_shared>>
          tpu.wait_indirect_dma semaphore(%arg43 : memref<!tpu.dma_semaphore, #tpu.memory_space<semaphore_mem>>) src(%arg19 : memref<40x128xf32, #tpu.memory_space<vmem>>) dst(%dma_wait3A_554 : memref<10240x128xf32, #tpu.memory_space<vmem_shared>>)
        } else {
        }
        %add3A_534 = arith.constant 2 : i32
        %add3A_535 = arith.addi %add3A_467, %add3A_534 : i32
        %mul3A_536 = arith.constant 40 : i32
        %mul3A_537 = arith.muli %add3A_535, %mul3A_536 : i32
        %add3A_538 = arith.addi %add3A_4, %mul3A_537 : i32
        %multiple_of3A_539 = tpu.assume_multiple %add3A_538, 8 : i32
        %mul3A_540 = arith.constant 40 : i32
        %mul3A_541 = arith.muli %add3A_535, %mul3A_540 : i32
        %add3A_542 = arith.addi %mul3A_2, %mul3A_541 : i32
        %multiple_of3A_543 = tpu.assume_multiple %add3A_542, 8 : i32
        %dma_start3A_544 = tpu.memref_slice %arg4[%multiple_of3A_539] : memref<320000xi32, #tpu.memory_space<hbm>> -> memref<40xi32, #tpu.memory_space<hbm>>
        %dma_start3A_545 = tpu.memref_slice %arg4[%multiple_of3A_539] : memref<320000xi32, #tpu.memory_space<hbm>> -> memref<40xi32, #tpu.memory_space<hbm>>
        tpu.enqueue_dma source(%dma_start3A_545 : memref<40xi32, #tpu.memory_space<hbm>>) target(%arg11 : memref<40xi32, #tpu.memory_space<vmem>>) target_semaphore(%arg27 : memref<!tpu.dma_semaphore, #tpu.memory_space<semaphore_mem>>)
        %dma_start3A_546 = tpu.memref_slice %arg5[%multiple_of3A_539] : memref<320000xi32, #tpu.memory_space<hbm>> -> memref<40xi32, #tpu.memory_space<hbm>>
        %dma_start3A_547 = tpu.memref_slice %arg5[%multiple_of3A_539] : memref<320000xi32, #tpu.memory_space<hbm>> -> memref<40xi32, #tpu.memory_space<hbm>>
        tpu.enqueue_dma source(%dma_start3A_547 : memref<40xi32, #tpu.memory_space<hbm>>) target(%arg15 : memref<40xi32, #tpu.memory_space<vmem>>) target_semaphore(%arg31 : memref<!tpu.dma_semaphore, #tpu.memory_space<semaphore_mem>>)
        %dma_start3A_548 = arith.constant 0 : i32
        %dma_start3A_549 = tpu.memref_slice %arg3[%multiple_of3A_543, %dma_start3A_548] : memref<224000x64xi32, #tpu.memory_space<hbm>> -> memref<40x64xi32, #tpu.memory_space<hbm>>
        %dma_start3A_550 = arith.constant 0 : i32
        %dma_start3A_551 = tpu.memref_slice %arg3[%multiple_of3A_543, %dma_start3A_550] : memref<224000x64xi32, #tpu.memory_space<hbm>> -> memref<40x64xi32, #tpu.memory_space<hbm>>
        tpu.enqueue_dma source(%dma_start3A_551 : memref<40x64xi32, #tpu.memory_space<hbm>>) target(%arg23 : memref<40x64xi32, #tpu.memory_space<vmem>>) target_semaphore(%arg35 : memref<!tpu.dma_semaphore, #tpu.memory_space<semaphore_mem>>)
      } else {
      }
      %add3A_475 = arith.constant 1 : i32
      %add3A_476 = arith.addi %add3A_467, %add3A_475 : i32
      %le3A_477 = arith.constant 174 : i32
      %le3A_478 = arith.cmpi sle, %add3A_476, %le3A_477 : i32
      %convert_element_type3A_479 = arith.extui %le3A_478 : i1 to i32
      %cond3A_480 = arith.constant 0 : i32
      %cond3A_481 = arith.cmpi ne, %convert_element_type3A_479, %cond3A_480 : i32
      scf.if %cond3A_481 {
        %dma_wait3A_529 = arith.constant 0 : i32
        %dma_wait3A_530 = tpu.memref_slice %arg4[%dma_wait3A_529] : memref<320000xi32, #tpu.memory_space<hbm>> -> memref<40xi32, #tpu.memory_space<hbm>>
        %dma_wait3A_531 = arith.constant 0 : i32
        %dma_wait3A_532 = tpu.memref_slice %arg4[%dma_wait3A_531] : memref<320000xi32, #tpu.memory_space<hbm>> -> memref<40xi32, #tpu.memory_space<hbm>>
        tpu.wait_dma2 semaphore(%arg26 : memref<!tpu.dma_semaphore, #tpu.memory_space<semaphore_mem>>) src(%dma_wait3A_532 : memref<40xi32, #tpu.memory_space<hbm>>) dst(%arg10 : memref<40xi32, #tpu.memory_space<vmem>>)
        %dma_start3A_533 = arith.constant 0 : i32
        %dma_start3A_534 = arith.constant 0 : i32
        %dma_start3A_535 = tpu.memref_slice %arg2[%dma_start3A_533, %dma_start3A_534] : memref<10000x128xf32, #tpu.memory_space<hbm>> -> memref<10000x128xf32, #tpu.memory_space<hbm>>
        tpu.enqueue_indirect_dma source(%dma_start3A_535 : memref<10000x128xf32, #tpu.memory_space<hbm>>) target(%arg18 : memref<40x128xf32, #tpu.memory_space<vmem>>) offsets(%arg10 : memref<40xi32, #tpu.memory_space<vmem>>) semaphore(%arg38 : memref<!tpu.dma_semaphore, #tpu.memory_space<semaphore_mem>>)
      } else {
      }
      %le3A_482 = arith.constant 174 : i32
      %le3A_483 = arith.cmpi sle, %add3A_467, %le3A_482 : i32
      %convert_element_type3A_484 = arith.extui %le3A_483 : i1 to i32
      %cond3A_485 = arith.constant 0 : i32
      %cond3A_486 = arith.cmpi ne, %convert_element_type3A_484, %cond3A_485 : i32
      scf.if %cond3A_486 {
        %dma_wait3A_529 = arith.constant 0 : i32
        %dma_wait3A_530 = arith.constant 0 : i32
        %dma_wait3A_531 = tpu.memref_slice %arg3[%dma_wait3A_529, %dma_wait3A_530] : memref<224000x64xi32, #tpu.memory_space<hbm>> -> memref<40x64xi32, #tpu.memory_space<hbm>>
        %dma_wait3A_532 = arith.constant 0 : i32
        %dma_wait3A_533 = arith.constant 0 : i32
        %dma_wait3A_534 = tpu.memref_slice %arg3[%dma_wait3A_532, %dma_wait3A_533] : memref<224000x64xi32, #tpu.memory_space<hbm>> -> memref<40x64xi32, #tpu.memory_space<hbm>>
        tpu.wait_dma2 semaphore(%arg33 : memref<!tpu.dma_semaphore, #tpu.memory_space<semaphore_mem>>) src(%dma_wait3A_534 : memref<40x64xi32, #tpu.memory_space<hbm>>) dst(%arg21 : memref<40x64xi32, #tpu.memory_space<vmem>>)
        %dma_wait3A_535 = arith.constant 0 : i32
        %dma_wait3A_536 = arith.constant 0 : i32
        %dma_wait3A_537 = tpu.memref_slice %arg2[%dma_wait3A_535, %dma_wait3A_536] : memref<10000x128xf32, #tpu.memory_space<hbm>> -> memref<10000x128xf32, #tpu.memory_space<hbm>>
        tpu.wait_indirect_dma semaphore(%arg37 : memref<!tpu.dma_semaphore, #tpu.memory_space<semaphore_mem>>) src(%dma_wait3A_537 : memref<10000x128xf32, #tpu.memory_space<hbm>>) dst(%arg17 : memref<40x128xf32, #tpu.memory_space<vmem>>)
        %scan3A_538 = arith.constant -65536 : i32
        %scan3A_539 = arith.constant 0 : i32
        %scan3A_540 = arith.constant 40 : i32
        %scan3A_541 = arith.addi %scan3A_539, %scan3A_540 : i32
        %scan3A_542 = arith.constant 1 : i32
        scf.for %scan3A_551 = %scan3A_539 to %scan3A_541 step %scan3A_542  : i32 {
          %get3A = arith.index_cast %scan3A_551 : i32 to index
          %get3A_552 = arith.constant 0 : index
          %get3A_553 = tpu.vector_load %arg21[%get3A, %get3A_552] {strides = array<i32>} : memref<40x64xi32, #tpu.memory_space<vmem>>, vector<1x16xi32>,
          %get3A_554 = vector.shape_cast %get3A_553 : vector<1x16xi32> to vector<16xi32>
          %shift_left3A = arith.constant 16 : i32
          %shift_left3A_555 = vector.broadcast %shift_left3A : i32 to vector<16xi32>
          %shift_left3A_556 = arith.shli %get3A_554, %shift_left3A_555 : vector<16xi32>
          %bitcast_convert_type3A = tpu.bitcast %shift_left3A_556 : vector<16xi32> -> vector<16xf32>
          %and3A = vector.broadcast %scan3A_538 : i32 to vector<16xi32>
          %and3A_557 = arith.andi %get3A_554, %and3A : vector<16xi32>
          %bitcast_convert_type3A_558 = tpu.bitcast %and3A_557 : vector<16xi32> -> vector<16xf32>
          %get3A_559 = arith.index_cast %scan3A_551 : i32 to index
          %get3A_560 = arith.constant 0 : index
          %get3A_561 = tpu.vector_load %arg17[%get3A_559, %get3A_560] {strides = array<i32>} : memref<40x128xf32, #tpu.memory_space<vmem>>, vector<1x16xf32>,
          %get3A_562 = vector.shape_cast %get3A_561 : vector<1x16xf32> to vector<16xf32>
          %mul3A_563 = arith.mulf %get3A_562, %bitcast_convert_type3A : vector<16xf32>
          %swap3A = arith.index_cast %scan3A_551 : i32 to index
          %swap3A_564 = arith.constant 0 : index
          %swap3A_565 = tpu.vector_load %arg17[%swap3A, %swap3A_564] {strides = array<i32>} : memref<40x128xf32, #tpu.memory_space<vmem>>, vector<1x16xf32>,
          %swap3A_566 = vector.shape_cast %swap3A_565 : vector<1x16xf32> to vector<16xf32>
          %swap3A_567 = vector.shape_cast %mul3A_563 : vector<16xf32> to vector<1x16xf32>
          tpu.vector_store %arg17[%swap3A, %swap3A_564], %swap3A_567 {strides = array<i32>} : memref<40x128xf32, #tpu.memory_space<vmem>>, vector<1x16xf32>,
          %get3A_568 = arith.index_cast %scan3A_551 : i32 to index
          %get3A_569 = arith.constant 64 : index
          %get3A_570 = tpu.vector_load %arg17[%get3A_568, %get3A_569] {strides = array<i32>} : memref<40x128xf32, #tpu.memory_space<vmem>>, vector<1x16xf32>,
          %get3A_571 = vector.shape_cast %get3A_570 : vector<1x16xf32> to vector<16xf32>
          %mul3A_572 = arith.mulf %get3A_571, %bitcast_convert_type3A_558 : vector<16xf32>
          %swap3A_573 = arith.index_cast %scan3A_551 : i32 to index
          %swap3A_574 = arith.constant 64 : index
          %swap3A_575 = tpu.vector_load %arg17[%swap3A_573, %swap3A_574] {strides = array<i32>} : memref<40x128xf32, #tpu.memory_space<vmem>>, vector<1x16xf32>,
          %swap3A_576 = vector.shape_cast %swap3A_575 : vector<1x16xf32> to vector<16xf32>
          %swap3A_577 = vector.shape_cast %mul3A_572 : vector<16xf32> to vector<1x16xf32>
          tpu.vector_store %arg17[%swap3A_573, %swap3A_574], %swap3A_577 {strides = array<i32>} : memref<40x128xf32, #tpu.memory_space<vmem>>, vector<1x16xf32>,
          %get3A_578 = arith.index_cast %scan3A_551 : i32 to index
          %get3A_579 = arith.constant 16 : index
          %get3A_580 = tpu.vector_load %arg21[%get3A_578, %get3A_579] {strides = array<i32>} : memref<40x64xi32, #tpu.memory_space<vmem>>, vector<1x16xi32>,
          %get3A_581 = vector.shape_cast %get3A_580 : vector<1x16xi32> to vector<16xi32>
          %shift_left3A_582 = arith.constant 16 : i32
          %shift_left3A_583 = vector.broadcast %shift_left3A_582 : i32 to vector<16xi32>
          %shift_left3A_584 = arith.shli %get3A_581, %shift_left3A_583 : vector<16xi32>
          %bitcast_convert_type3A_585 = tpu.bitcast %shift_left3A_584 : vector<16xi32> -> vector<16xf32>
          %and3A_586 = vector.broadcast %scan3A_538 : i32 to vector<16xi32>
          %and3A_587 = arith.andi %get3A_581, %and3A_586 : vector<16xi32>
          %bitcast_convert_type3A_588 = tpu.bitcast %and3A_587 : vector<16xi32> -> vector<16xf32>
          %get3A_589 = arith.index_cast %scan3A_551 : i32 to index
          %get3A_590 = arith.constant 16 : index
          %get3A_591 = tpu.vector_load %arg17[%get3A_589, %get3A_590] {strides = array<i32>} : memref<40x128xf32, #tpu.memory_space<vmem>>, vector<1x16xf32>,
          %get3A_592 = vector.shape_cast %get3A_591 : vector<1x16xf32> to vector<16xf32>
          %mul3A_593 = arith.mulf %get3A_592, %bitcast_convert_type3A_585 : vector<16xf32>
          %swap3A_594 = arith.index_cast %scan3A_551 : i32 to index
          %swap3A_595 = arith.constant 16 : index
          %swap3A_596 = tpu.vector_load %arg17[%swap3A_594, %swap3A_595] {strides = array<i32>} : memref<40x128xf32, #tpu.memory_space<vmem>>, vector<1x16xf32>,
          %swap3A_597 = vector.shape_cast %swap3A_596 : vector<1x16xf32> to vector<16xf32>
          %swap3A_598 = vector.shape_cast %mul3A_593 : vector<16xf32> to vector<1x16xf32>
          tpu.vector_store %arg17[%swap3A_594, %swap3A_595], %swap3A_598 {strides = array<i32>} : memref<40x128xf32, #tpu.memory_space<vmem>>, vector<1x16xf32>,
          %get3A_599 = arith.index_cast %scan3A_551 : i32 to index
          %get3A_600 = arith.constant 80 : index
          %get3A_601 = tpu.vector_load %arg17[%get3A_599, %get3A_600] {strides = array<i32>} : memref<40x128xf32, #tpu.memory_space<vmem>>, vector<1x16xf32>,
          %get3A_602 = vector.shape_cast %get3A_601 : vector<1x16xf32> to vector<16xf32>
          %mul3A_603 = arith.mulf %get3A_602, %bitcast_convert_type3A_588 : vector<16xf32>
          %swap3A_604 = arith.index_cast %scan3A_551 : i32 to index
          %swap3A_605 = arith.constant 80 : index
          %swap3A_606 = tpu.vector_load %arg17[%swap3A_604, %swap3A_605] {strides = array<i32>} : memref<40x128xf32, #tpu.memory_space<vmem>>, vector<1x16xf32>,
          %swap3A_607 = vector.shape_cast %swap3A_606 : vector<1x16xf32> to vector<16xf32>
          %swap3A_608 = vector.shape_cast %mul3A_603 : vector<16xf32> to vector<1x16xf32>
          tpu.vector_store %arg17[%swap3A_604, %swap3A_605], %swap3A_608 {strides = array<i32>} : memref<40x128xf32, #tpu.memory_space<vmem>>, vector<1x16xf32>,
          %get3A_609 = arith.index_cast %scan3A_551 : i32 to index
          %get3A_610 = arith.constant 32 : index
          %get3A_611 = tpu.vector_load %arg21[%get3A_609, %get3A_610] {strides = array<i32>} : memref<40x64xi32, #tpu.memory_space<vmem>>, vector<1x16xi32>,
          %get3A_612 = vector.shape_cast %get3A_611 : vector<1x16xi32> to vector<16xi32>
          %shift_left3A_613 = arith.constant 16 : i32
          %shift_left3A_614 = vector.broadcast %shift_left3A_613 : i32 to vector<16xi32>
          %shift_left3A_615 = arith.shli %get3A_612, %shift_left3A_614 : vector<16xi32>
          %bitcast_convert_type3A_616 = tpu.bitcast %shift_left3A_615 : vector<16xi32> -> vector<16xf32>
          %and3A_617 = vector.broadcast %scan3A_538 : i32 to vector<16xi32>
          %and3A_618 = arith.andi %get3A_612, %and3A_617 : vector<16xi32>
          %bitcast_convert_type3A_619 = tpu.bitcast %and3A_618 : vector<16xi32> -> vector<16xf32>
          %get3A_620 = arith.index_cast %scan3A_551 : i32 to index
          %get3A_621 = arith.constant 32 : index
          %get3A_622 = tpu.vector_load %arg17[%get3A_620, %get3A_621] {strides = array<i32>} : memref<40x128xf32, #tpu.memory_space<vmem>>, vector<1x16xf32>,
          %get3A_623 = vector.shape_cast %get3A_622 : vector<1x16xf32> to vector<16xf32>
          %mul3A_624 = arith.mulf %get3A_623, %bitcast_convert_type3A_616 : vector<16xf32>
          %swap3A_625 = arith.index_cast %scan3A_551 : i32 to index
          %swap3A_626 = arith.constant 32 : index
          %swap3A_627 = tpu.vector_load %arg17[%swap3A_625, %swap3A_626] {strides = array<i32>} : memref<40x128xf32, #tpu.memory_space<vmem>>, vector<1x16xf32>,
          %swap3A_628 = vector.shape_cast %swap3A_627 : vector<1x16xf32> to vector<16xf32>
          %swap3A_629 = vector.shape_cast %mul3A_624 : vector<16xf32> to vector<1x16xf32>
          tpu.vector_store %arg17[%swap3A_625, %swap3A_626], %swap3A_629 {strides = array<i32>} : memref<40x128xf32, #tpu.memory_space<vmem>>, vector<1x16xf32>,
          %get3A_630 = arith.index_cast %scan3A_551 : i32 to index
          %get3A_631 = arith.constant 96 : index
          %get3A_632 = tpu.vector_load %arg17[%get3A_630, %get3A_631] {strides = array<i32>} : memref<40x128xf32, #tpu.memory_space<vmem>>, vector<1x16xf32>,
          %get3A_633 = vector.shape_cast %get3A_632 : vector<1x16xf32> to vector<16xf32>
          %mul3A_634 = arith.mulf %get3A_633, %bitcast_convert_type3A_619 : vector<16xf32>
          %swap3A_635 = arith.index_cast %scan3A_551 : i32 to index
          %swap3A_636 = arith.constant 96 : index
          %swap3A_637 = tpu.vector_load %arg17[%swap3A_635, %swap3A_636] {strides = array<i32>} : memref<40x128xf32, #tpu.memory_space<vmem>>, vector<1x16xf32>,
          %swap3A_638 = vector.shape_cast %swap3A_637 : vector<1x16xf32> to vector<16xf32>
          %swap3A_639 = vector.shape_cast %mul3A_634 : vector<16xf32> to vector<1x16xf32>
          tpu.vector_store %arg17[%swap3A_635, %swap3A_636], %swap3A_639 {strides = array<i32>} : memref<40x128xf32, #tpu.memory_space<vmem>>, vector<1x16xf32>,
          %get3A_640 = arith.index_cast %scan3A_551 : i32 to index
          %get3A_641 = arith.constant 48 : index
          %get3A_642 = tpu.vector_load %arg21[%get3A_640, %get3A_641] {strides = array<i32>} : memref<40x64xi32, #tpu.memory_space<vmem>>, vector<1x16xi32>,
          %get3A_643 = vector.shape_cast %get3A_642 : vector<1x16xi32> to vector<16xi32>
          %shift_left3A_644 = arith.constant 16 : i32
          %shift_left3A_645 = vector.broadcast %shift_left3A_644 : i32 to vector<16xi32>
          %shift_left3A_646 = arith.shli %get3A_643, %shift_left3A_645 : vector<16xi32>
          %bitcast_convert_type3A_647 = tpu.bitcast %shift_left3A_646 : vector<16xi32> -> vector<16xf32>
          %and3A_648 = vector.broadcast %scan3A_538 : i32 to vector<16xi32>
          %and3A_649 = arith.andi %get3A_643, %and3A_648 : vector<16xi32>
          %bitcast_convert_type3A_650 = tpu.bitcast %and3A_649 : vector<16xi32> -> vector<16xf32>
          %get3A_651 = arith.index_cast %scan3A_551 : i32 to index
          %get3A_652 = arith.constant 48 : index
          %get3A_653 = tpu.vector_load %arg17[%get3A_651, %get3A_652] {strides = array<i32>} : memref<40x128xf32, #tpu.memory_space<vmem>>, vector<1x16xf32>,
          %get3A_654 = vector.shape_cast %get3A_653 : vector<1x16xf32> to vector<16xf32>
          %mul3A_655 = arith.mulf %get3A_654, %bitcast_convert_type3A_647 : vector<16xf32>
          %swap3A_656 = arith.index_cast %scan3A_551 : i32 to index
          %swap3A_657 = arith.constant 48 : index
          %swap3A_658 = tpu.vector_load %arg17[%swap3A_656, %swap3A_657] {strides = array<i32>} : memref<40x128xf32, #tpu.memory_space<vmem>>, vector<1x16xf32>,
          %swap3A_659 = vector.shape_cast %swap3A_658 : vector<1x16xf32> to vector<16xf32>
          %swap3A_660 = vector.shape_cast %mul3A_655 : vector<16xf32> to vector<1x16xf32>
          tpu.vector_store %arg17[%swap3A_656, %swap3A_657], %swap3A_660 {strides = array<i32>} : memref<40x128xf32, #tpu.memory_space<vmem>>, vector<1x16xf32>,
          %get3A_661 = arith.index_cast %scan3A_551 : i32 to index
          %get3A_662 = arith.constant 112 : index
          %get3A_663 = tpu.vector_load %arg17[%get3A_661, %get3A_662] {strides = array<i32>} : memref<40x128xf32, #tpu.memory_space<vmem>>, vector<1x16xf32>,
          %get3A_664 = vector.shape_cast %get3A_663 : vector<1x16xf32> to vector<16xf32>
          %mul3A_665 = arith.mulf %get3A_664, %bitcast_convert_type3A_650 : vector<16xf32>
          %swap3A_666 = arith.index_cast %scan3A_551 : i32 to index
          %swap3A_667 = arith.constant 112 : index
          %swap3A_668 = tpu.vector_load %arg17[%swap3A_666, %swap3A_667] {strides = array<i32>} : memref<40x128xf32, #tpu.memory_space<vmem>>, vector<1x16xf32>,
          %swap3A_669 = vector.shape_cast %swap3A_668 : vector<1x16xf32> to vector<16xf32>
          %swap3A_670 = vector.shape_cast %mul3A_665 : vector<16xf32> to vector<1x16xf32>
          tpu.vector_store %arg17[%swap3A_666, %swap3A_667], %swap3A_670 {strides = array<i32>} : memref<40x128xf32, #tpu.memory_space<vmem>>, vector<1x16xf32>,
        }
        %scan3A_543 = arith.constant 40 : i32
        %dma_wait3A_544 = arith.constant 0 : i32
        %dma_wait3A_545 = tpu.memref_slice %arg5[%dma_wait3A_544] : memref<320000xi32, #tpu.memory_space<hbm>> -> memref<40xi32, #tpu.memory_space<hbm>>
        %dma_wait3A_546 = arith.constant 0 : i32
        %dma_wait3A_547 = tpu.memref_slice %arg5[%dma_wait3A_546] : memref<320000xi32, #tpu.memory_space<hbm>> -> memref<40xi32, #tpu.memory_space<hbm>>
        tpu.wait_dma2 semaphore(%arg29 : memref<!tpu.dma_semaphore, #tpu.memory_space<semaphore_mem>>) src(%dma_wait3A_547 : memref<40xi32, #tpu.memory_space<hbm>>) dst(%arg13 : memref<40xi32, #tpu.memory_space<vmem>>)
        %dma_start3A_548 = arith.constant 0 : i32
        %dma_start3A_549 = arith.constant 0 : i32
        %dma_start3A_550 = tpu.memref_slice %arg7[%dma_start3A_548, %dma_start3A_549] : memref<10240x128xf32, #tpu.memory_space<vmem_shared>> -> memref<10240x128xf32, #tpu.memory_space<vmem_shared>>
        tpu.enqueue_indirect_dma source(%arg17 : memref<40x128xf32, #tpu.memory_space<vmem>>) target(%dma_start3A_550 : memref<10240x128xf32, #tpu.memory_space<vmem_shared>>) offsets(%arg13 : memref<40xi32, #tpu.memory_space<vmem>>) semaphore(%arg41 : memref<!tpu.dma_semaphore, #tpu.memory_space<semaphore_mem>>) {add = true}
      } else {
      }
      %add3A_487 = arith.constant 2 : i32
      %add3A_488 = arith.addi %mul3A_447, %add3A_487 : i32
      %add3A_489 = arith.constant 2 : i32
      %add3A_490 = arith.addi %add3A_488, %add3A_489 : i32
      %le3A_491 = arith.constant 174 : i32
      %le3A_492 = arith.cmpi sle, %add3A_490, %le3A_491 : i32
      %convert_element_type3A_493 = arith.extui %le3A_492 : i1 to i32
      %cond3A_494 = arith.constant 0 : i32
      %cond3A_495 = arith.cmpi ne, %convert_element_type3A_493, %cond3A_494 : i32
      scf.if %cond3A_495 {
        %sub3A = arith.constant 2 : i32
        %sub3A_529 = arith.subi %add3A_488, %sub3A : i32
        %ge3A = arith.constant 0 : i32
        %ge3A_530 = arith.cmpi sge, %sub3A_529, %ge3A : i32
        %convert_element_type3A_531 = arith.extui %ge3A_530 : i1 to i32
        %cond3A_532 = arith.constant 0 : i32
        %cond3A_533 = arith.cmpi ne, %convert_element_type3A_531, %cond3A_532 : i32
        scf.if %cond3A_533 {
          %dma_wait3A_552 = arith.constant 0 : i32
          %dma_wait3A_553 = arith.constant 0 : i32
          %dma_wait3A_554 = tpu.memref_slice %arg7[%dma_wait3A_552, %dma_wait3A_553] : memref<10240x128xf32, #tpu.memory_space<vmem_shared>> -> memref<10240x128xf32, #tpu.memory_space<vmem_shared>>
          tpu.wait_indirect_dma semaphore(%arg40 : memref<!tpu.dma_semaphore, #tpu.memory_space<semaphore_mem>>) src(%arg16 : memref<40x128xf32, #tpu.memory_space<vmem>>) dst(%dma_wait3A_554 : memref<10240x128xf32, #tpu.memory_space<vmem_shared>>)
        } else {
        }
        %add3A_534 = arith.constant 2 : i32
        %add3A_535 = arith.addi %add3A_488, %add3A_534 : i32
        %mul3A_536 = arith.constant 40 : i32
        %mul3A_537 = arith.muli %add3A_535, %mul3A_536 : i32
        %add3A_538 = arith.addi %add3A_4, %mul3A_537 : i32
        %multiple_of3A_539 = tpu.assume_multiple %add3A_538, 8 : i32
        %mul3A_540 = arith.constant 40 : i32
        %mul3A_541 = arith.muli %add3A_535, %mul3A_540 : i32
        %add3A_542 = arith.addi %mul3A_2, %mul3A_541 : i32
        %multiple_of3A_543 = tpu.assume_multiple %add3A_542, 8 : i32
        %dma_start3A_544 = tpu.memref_slice %arg4[%multiple_of3A_539] : memref<320000xi32, #tpu.memory_space<hbm>> -> memref<40xi32, #tpu.memory_space<hbm>>
        %dma_start3A_545 = tpu.memref_slice %arg4[%multiple_of3A_539] : memref<320000xi32, #tpu.memory_space<hbm>> -> memref<40xi32, #tpu.memory_space<hbm>>
        tpu.enqueue_dma source(%dma_start3A_545 : memref<40xi32, #tpu.memory_space<hbm>>) target(%arg8 : memref<40xi32, #tpu.memory_space<vmem>>) target_semaphore(%arg24 : memref<!tpu.dma_semaphore, #tpu.memory_space<semaphore_mem>>)
        %dma_start3A_546 = tpu.memref_slice %arg5[%multiple_of3A_539] : memref<320000xi32, #tpu.memory_space<hbm>> -> memref<40xi32, #tpu.memory_space<hbm>>
        %dma_start3A_547 = tpu.memref_slice %arg5[%multiple_of3A_539] : memref<320000xi32, #tpu.memory_space<hbm>> -> memref<40xi32, #tpu.memory_space<hbm>>
        tpu.enqueue_dma source(%dma_start3A_547 : memref<40xi32, #tpu.memory_space<hbm>>) target(%arg12 : memref<40xi32, #tpu.memory_space<vmem>>) target_semaphore(%arg28 : memref<!tpu.dma_semaphore, #tpu.memory_space<semaphore_mem>>)
        %dma_start3A_548 = arith.constant 0 : i32
        %dma_start3A_549 = tpu.memref_slice %arg3[%multiple_of3A_543, %dma_start3A_548] : memref<224000x64xi32, #tpu.memory_space<hbm>> -> memref<40x64xi32, #tpu.memory_space<hbm>>
        %dma_start3A_550 = arith.constant 0 : i32
        %dma_start3A_551 = tpu.memref_slice %arg3[%multiple_of3A_543, %dma_start3A_550] : memref<224000x64xi32, #tpu.memory_space<hbm>> -> memref<40x64xi32, #tpu.memory_space<hbm>>
        tpu.enqueue_dma source(%dma_start3A_551 : memref<40x64xi32, #tpu.memory_space<hbm>>) target(%arg20 : memref<40x64xi32, #tpu.memory_space<vmem>>) target_semaphore(%arg32 : memref<!tpu.dma_semaphore, #tpu.memory_space<semaphore_mem>>)
      } else {
      }
      %add3A_496 = arith.constant 1 : i32
      %add3A_497 = arith.addi %add3A_488, %add3A_496 : i32
      %le3A_498 = arith.constant 174 : i32
      %le3A_499 = arith.cmpi sle, %add3A_497, %le3A_498 : i32
      %convert_element_type3A_500 = arith.extui %le3A_499 : i1 to i32
      %cond3A_501 = arith.constant 0 : i32
      %cond3A_502 = arith.cmpi ne, %convert_element_type3A_500, %cond3A_501 : i32
      scf.if %cond3A_502 {
        %dma_wait3A_529 = arith.constant 0 : i32
        %dma_wait3A_530 = tpu.memref_slice %arg4[%dma_wait3A_529] : memref<320000xi32, #tpu.memory_space<hbm>> -> memref<40xi32, #tpu.memory_space<hbm>>
        %dma_wait3A_531 = arith.constant 0 : i32
        %dma_wait3A_532 = tpu.memref_slice %arg4[%dma_wait3A_531] : memref<320000xi32, #tpu.memory_space<hbm>> -> memref<40xi32, #tpu.memory_space<hbm>>
        tpu.wait_dma2 semaphore(%arg27 : memref<!tpu.dma_semaphore, #tpu.memory_space<semaphore_mem>>) src(%dma_wait3A_532 : memref<40xi32, #tpu.memory_space<hbm>>) dst(%arg11 : memref<40xi32, #tpu.memory_space<vmem>>)
        %dma_start3A_533 = arith.constant 0 : i32
        %dma_start3A_534 = arith.constant 0 : i32
        %dma_start3A_535 = tpu.memref_slice %arg2[%dma_start3A_533, %dma_start3A_534] : memref<10000x128xf32, #tpu.memory_space<hbm>> -> memref<10000x128xf32, #tpu.memory_space<hbm>>
        tpu.enqueue_indirect_dma source(%dma_start3A_535 : memref<10000x128xf32, #tpu.memory_space<hbm>>) target(%arg19 : memref<40x128xf32, #tpu.memory_space<vmem>>) offsets(%arg11 : memref<40xi32, #tpu.memory_space<vmem>>) semaphore(%arg39 : memref<!tpu.dma_semaphore, #tpu.memory_space<semaphore_mem>>)
      } else {
      }
      %le3A_503 = arith.constant 174 : i32
      %le3A_504 = arith.cmpi sle, %add3A_488, %le3A_503 : i32
      %convert_element_type3A_505 = arith.extui %le3A_504 : i1 to i32
      %cond3A_506 = arith.constant 0 : i32
      %cond3A_507 = arith.cmpi ne, %convert_element_type3A_505, %cond3A_506 : i32
      scf.if %cond3A_507 {
        %dma_wait3A_529 = arith.constant 0 : i32
        %dma_wait3A_530 = arith.constant 0 : i32
        %dma_wait3A_531 = tpu.memref_slice %arg3[%dma_wait3A_529, %dma_wait3A_530] : memref<224000x64xi32, #tpu.memory_space<hbm>> -> memref<40x64xi32, #tpu.memory_space<hbm>>
        %dma_wait3A_532 = arith.constant 0 : i32
        %dma_wait3A_533 = arith.constant 0 : i32
        %dma_wait3A_534 = tpu.memref_slice %arg3[%dma_wait3A_532, %dma_wait3A_533] : memref<224000x64xi32, #tpu.memory_space<hbm>> -> memref<40x64xi32, #tpu.memory_space<hbm>>
        tpu.wait_dma2 semaphore(%arg34 : memref<!tpu.dma_semaphore, #tpu.memory_space<semaphore_mem>>) src(%dma_wait3A_534 : memref<40x64xi32, #tpu.memory_space<hbm>>) dst(%arg22 : memref<40x64xi32, #tpu.memory_space<vmem>>)
        %dma_wait3A_535 = arith.constant 0 : i32
        %dma_wait3A_536 = arith.constant 0 : i32
        %dma_wait3A_537 = tpu.memref_slice %arg2[%dma_wait3A_535, %dma_wait3A_536] : memref<10000x128xf32, #tpu.memory_space<hbm>> -> memref<10000x128xf32, #tpu.memory_space<hbm>>
        tpu.wait_indirect_dma semaphore(%arg38 : memref<!tpu.dma_semaphore, #tpu.memory_space<semaphore_mem>>) src(%dma_wait3A_537 : memref<10000x128xf32, #tpu.memory_space<hbm>>) dst(%arg18 : memref<40x128xf32, #tpu.memory_space<vmem>>)
        %scan3A_538 = arith.constant -65536 : i32
        %scan3A_539 = arith.constant 0 : i32
        %scan3A_540 = arith.constant 40 : i32
        %scan3A_541 = arith.addi %scan3A_539, %scan3A_540 : i32
        %scan3A_542 = arith.constant 1 : i32
        scf.for %scan3A_551 = %scan3A_539 to %scan3A_541 step %scan3A_542  : i32 {
          %get3A = arith.index_cast %scan3A_551 : i32 to index
          %get3A_552 = arith.constant 0 : index
          %get3A_553 = tpu.vector_load %arg22[%get3A, %get3A_552] {strides = array<i32>} : memref<40x64xi32, #tpu.memory_space<vmem>>, vector<1x16xi32>,
          %get3A_554 = vector.shape_cast %get3A_553 : vector<1x16xi32> to vector<16xi32>
          %shift_left3A = arith.constant 16 : i32
          %shift_left3A_555 = vector.broadcast %shift_left3A : i32 to vector<16xi32>
          %shift_left3A_556 = arith.shli %get3A_554, %shift_left3A_555 : vector<16xi32>
          %bitcast_convert_type3A = tpu.bitcast %shift_left3A_556 : vector<16xi32> -> vector<16xf32>
          %and3A = vector.broadcast %scan3A_538 : i32 to vector<16xi32>
          %and3A_557 = arith.andi %get3A_554, %and3A : vector<16xi32>
          %bitcast_convert_type3A_558 = tpu.bitcast %and3A_557 : vector<16xi32> -> vector<16xf32>
          %get3A_559 = arith.index_cast %scan3A_551 : i32 to index
          %get3A_560 = arith.constant 0 : index
          %get3A_561 = tpu.vector_load %arg18[%get3A_559, %get3A_560] {strides = array<i32>} : memref<40x128xf32, #tpu.memory_space<vmem>>, vector<1x16xf32>,
          %get3A_562 = vector.shape_cast %get3A_561 : vector<1x16xf32> to vector<16xf32>
          %mul3A_563 = arith.mulf %get3A_562, %bitcast_convert_type3A : vector<16xf32>
          %swap3A = arith.index_cast %scan3A_551 : i32 to index
          %swap3A_564 = arith.constant 0 : index
          %swap3A_565 = tpu.vector_load %arg18[%swap3A, %swap3A_564] {strides = array<i32>} : memref<40x128xf32, #tpu.memory_space<vmem>>, vector<1x16xf32>,
          %swap3A_566 = vector.shape_cast %swap3A_565 : vector<1x16xf32> to vector<16xf32>
          %swap3A_567 = vector.shape_cast %mul3A_563 : vector<16xf32> to vector<1x16xf32>
          tpu.vector_store %arg18[%swap3A, %swap3A_564], %swap3A_567 {strides = array<i32>} : memref<40x128xf32, #tpu.memory_space<vmem>>, vector<1x16xf32>,
          %get3A_568 = arith.index_cast %scan3A_551 : i32 to index
          %get3A_569 = arith.constant 64 : index
          %get3A_570 = tpu.vector_load %arg18[%get3A_568, %get3A_569] {strides = array<i32>} : memref<40x128xf32, #tpu.memory_space<vmem>>, vector<1x16xf32>,
          %get3A_571 = vector.shape_cast %get3A_570 : vector<1x16xf32> to vector<16xf32>
          %mul3A_572 = arith.mulf %get3A_571, %bitcast_convert_type3A_558 : vector<16xf32>
          %swap3A_573 = arith.index_cast %scan3A_551 : i32 to index
          %swap3A_574 = arith.constant 64 : index
          %swap3A_575 = tpu.vector_load %arg18[%swap3A_573, %swap3A_574] {strides = array<i32>} : memref<40x128xf32, #tpu.memory_space<vmem>>, vector<1x16xf32>,
          %swap3A_576 = vector.shape_cast %swap3A_575 : vector<1x16xf32> to vector<16xf32>
          %swap3A_577 = vector.shape_cast %mul3A_572 : vector<16xf32> to vector<1x16xf32>
          tpu.vector_store %arg18[%swap3A_573, %swap3A_574], %swap3A_577 {strides = array<i32>} : memref<40x128xf32, #tpu.memory_space<vmem>>, vector<1x16xf32>,
          %get3A_578 = arith.index_cast %scan3A_551 : i32 to index
          %get3A_579 = arith.constant 16 : index
          %get3A_580 = tpu.vector_load %arg22[%get3A_578, %get3A_579] {strides = array<i32>} : memref<40x64xi32, #tpu.memory_space<vmem>>, vector<1x16xi32>,
          %get3A_581 = vector.shape_cast %get3A_580 : vector<1x16xi32> to vector<16xi32>
          %shift_left3A_582 = arith.constant 16 : i32
          %shift_left3A_583 = vector.broadcast %shift_left3A_582 : i32 to vector<16xi32>
          %shift_left3A_584 = arith.shli %get3A_581, %shift_left3A_583 : vector<16xi32>
          %bitcast_convert_type3A_585 = tpu.bitcast %shift_left3A_584 : vector<16xi32> -> vector<16xf32>
          %and3A_586 = vector.broadcast %scan3A_538 : i32 to vector<16xi32>
          %and3A_587 = arith.andi %get3A_581, %and3A_586 : vector<16xi32>
          %bitcast_convert_type3A_588 = tpu.bitcast %and3A_587 : vector<16xi32> -> vector<16xf32>
          %get3A_589 = arith.index_cast %scan3A_551 : i32 to index
          %get3A_590 = arith.constant 16 : index
          %get3A_591 = tpu.vector_load %arg18[%get3A_589, %get3A_590] {strides = array<i32>} : memref<40x128xf32, #tpu.memory_space<vmem>>, vector<1x16xf32>,
          %get3A_592 = vector.shape_cast %get3A_591 : vector<1x16xf32> to vector<16xf32>
          %mul3A_593 = arith.mulf %get3A_592, %bitcast_convert_type3A_585 : vector<16xf32>
          %swap3A_594 = arith.index_cast %scan3A_551 : i32 to index
          %swap3A_595 = arith.constant 16 : index
          %swap3A_596 = tpu.vector_load %arg18[%swap3A_594, %swap3A_595] {strides = array<i32>} : memref<40x128xf32, #tpu.memory_space<vmem>>, vector<1x16xf32>,
          %swap3A_597 = vector.shape_cast %swap3A_596 : vector<1x16xf32> to vector<16xf32>
          %swap3A_598 = vector.shape_cast %mul3A_593 : vector<16xf32> to vector<1x16xf32>
          tpu.vector_store %arg18[%swap3A_594, %swap3A_595], %swap3A_598 {strides = array<i32>} : memref<40x128xf32, #tpu.memory_space<vmem>>, vector<1x16xf32>,
          %get3A_599 = arith.index_cast %scan3A_551 : i32 to index
          %get3A_600 = arith.constant 80 : index
          %get3A_601 = tpu.vector_load %arg18[%get3A_599, %get3A_600] {strides = array<i32>} : memref<40x128xf32, #tpu.memory_space<vmem>>, vector<1x16xf32>,
          %get3A_602 = vector.shape_cast %get3A_601 : vector<1x16xf32> to vector<16xf32>
          %mul3A_603 = arith.mulf %get3A_602, %bitcast_convert_type3A_588 : vector<16xf32>
          %swap3A_604 = arith.index_cast %scan3A_551 : i32 to index
          %swap3A_605 = arith.constant 80 : index
          %swap3A_606 = tpu.vector_load %arg18[%swap3A_604, %swap3A_605] {strides = array<i32>} : memref<40x128xf32, #tpu.memory_space<vmem>>, vector<1x16xf32>,
          %swap3A_607 = vector.shape_cast %swap3A_606 : vector<1x16xf32> to vector<16xf32>
          %swap3A_608 = vector.shape_cast %mul3A_603 : vector<16xf32> to vector<1x16xf32>
          tpu.vector_store %arg18[%swap3A_604, %swap3A_605], %swap3A_608 {strides = array<i32>} : memref<40x128xf32, #tpu.memory_space<vmem>>, vector<1x16xf32>,
          %get3A_609 = arith.index_cast %scan3A_551 : i32 to index
          %get3A_610 = arith.constant 32 : index
          %get3A_611 = tpu.vector_load %arg22[%get3A_609, %get3A_610] {strides = array<i32>} : memref<40x64xi32, #tpu.memory_space<vmem>>, vector<1x16xi32>,
          %get3A_612 = vector.shape_cast %get3A_611 : vector<1x16xi32> to vector<16xi32>
          %shift_left3A_613 = arith.constant 16 : i32
          %shift_left3A_614 = vector.broadcast %shift_left3A_613 : i32 to vector<16xi32>
          %shift_left3A_615 = arith.shli %get3A_612, %shift_left3A_614 : vector<16xi32>
          %bitcast_convert_type3A_616 = tpu.bitcast %shift_left3A_615 : vector<16xi32> -> vector<16xf32>
          %and3A_617 = vector.broadcast %scan3A_538 : i32 to vector<16xi32>
          %and3A_618 = arith.andi %get3A_612, %and3A_617 : vector<16xi32>
          %bitcast_convert_type3A_619 = tpu.bitcast %and3A_618 : vector<16xi32> -> vector<16xf32>
          %get3A_620 = arith.index_cast %scan3A_551 : i32 to index
          %get3A_621 = arith.constant 32 : index
          %get3A_622 = tpu.vector_load %arg18[%get3A_620, %get3A_621] {strides = array<i32>} : memref<40x128xf32, #tpu.memory_space<vmem>>, vector<1x16xf32>,
          %get3A_623 = vector.shape_cast %get3A_622 : vector<1x16xf32> to vector<16xf32>
          %mul3A_624 = arith.mulf %get3A_623, %bitcast_convert_type3A_616 : vector<16xf32>
          %swap3A_625 = arith.index_cast %scan3A_551 : i32 to index
          %swap3A_626 = arith.constant 32 : index
          %swap3A_627 = tpu.vector_load %arg18[%swap3A_625, %swap3A_626] {strides = array<i32>} : memref<40x128xf32, #tpu.memory_space<vmem>>, vector<1x16xf32>,
          %swap3A_628 = vector.shape_cast %swap3A_627 : vector<1x16xf32> to vector<16xf32>
          %swap3A_629 = vector.shape_cast %mul3A_624 : vector<16xf32> to vector<1x16xf32>
          tpu.vector_store %arg18[%swap3A_625, %swap3A_626], %swap3A_629 {strides = array<i32>} : memref<40x128xf32, #tpu.memory_space<vmem>>, vector<1x16xf32>,
          %get3A_630 = arith.index_cast %scan3A_551 : i32 to index
          %get3A_631 = arith.constant 96 : index
          %get3A_632 = tpu.vector_load %arg18[%get3A_630, %get3A_631] {strides = array<i32>} : memref<40x128xf32, #tpu.memory_space<vmem>>, vector<1x16xf32>,
          %get3A_633 = vector.shape_cast %get3A_632 : vector<1x16xf32> to vector<16xf32>
          %mul3A_634 = arith.mulf %get3A_633, %bitcast_convert_type3A_619 : vector<16xf32>
          %swap3A_635 = arith.index_cast %scan3A_551 : i32 to index
          %swap3A_636 = arith.constant 96 : index
          %swap3A_637 = tpu.vector_load %arg18[%swap3A_635, %swap3A_636] {strides = array<i32>} : memref<40x128xf32, #tpu.memory_space<vmem>>, vector<1x16xf32>,
          %swap3A_638 = vector.shape_cast %swap3A_637 : vector<1x16xf32> to vector<16xf32>
          %swap3A_639 = vector.shape_cast %mul3A_634 : vector<16xf32> to vector<1x16xf32>
          tpu.vector_store %arg18[%swap3A_635, %swap3A_636], %swap3A_639 {strides = array<i32>} : memref<40x128xf32, #tpu.memory_space<vmem>>, vector<1x16xf32>,
          %get3A_640 = arith.index_cast %scan3A_551 : i32 to index
          %get3A_641 = arith.constant 48 : index
          %get3A_642 = tpu.vector_load %arg22[%get3A_640, %get3A_641] {strides = array<i32>} : memref<40x64xi32, #tpu.memory_space<vmem>>, vector<1x16xi32>,
          %get3A_643 = vector.shape_cast %get3A_642 : vector<1x16xi32> to vector<16xi32>
          %shift_left3A_644 = arith.constant 16 : i32
          %shift_left3A_645 = vector.broadcast %shift_left3A_644 : i32 to vector<16xi32>
          %shift_left3A_646 = arith.shli %get3A_643, %shift_left3A_645 : vector<16xi32>
          %bitcast_convert_type3A_647 = tpu.bitcast %shift_left3A_646 : vector<16xi32> -> vector<16xf32>
          %and3A_648 = vector.broadcast %scan3A_538 : i32 to vector<16xi32>
          %and3A_649 = arith.andi %get3A_643, %and3A_648 : vector<16xi32>
          %bitcast_convert_type3A_650 = tpu.bitcast %and3A_649 : vector<16xi32> -> vector<16xf32>
          %get3A_651 = arith.index_cast %scan3A_551 : i32 to index
          %get3A_652 = arith.constant 48 : index
          %get3A_653 = tpu.vector_load %arg18[%get3A_651, %get3A_652] {strides = array<i32>} : memref<40x128xf32, #tpu.memory_space<vmem>>, vector<1x16xf32>,
          %get3A_654 = vector.shape_cast %get3A_653 : vector<1x16xf32> to vector<16xf32>
          %mul3A_655 = arith.mulf %get3A_654, %bitcast_convert_type3A_647 : vector<16xf32>
          %swap3A_656 = arith.index_cast %scan3A_551 : i32 to index
          %swap3A_657 = arith.constant 48 : index
          %swap3A_658 = tpu.vector_load %arg18[%swap3A_656, %swap3A_657] {strides = array<i32>} : memref<40x128xf32, #tpu.memory_space<vmem>>, vector<1x16xf32>,
          %swap3A_659 = vector.shape_cast %swap3A_658 : vector<1x16xf32> to vector<16xf32>
          %swap3A_660 = vector.shape_cast %mul3A_655 : vector<16xf32> to vector<1x16xf32>
          tpu.vector_store %arg18[%swap3A_656, %swap3A_657], %swap3A_660 {strides = array<i32>} : memref<40x128xf32, #tpu.memory_space<vmem>>, vector<1x16xf32>,
          %get3A_661 = arith.index_cast %scan3A_551 : i32 to index
          %get3A_662 = arith.constant 112 : index
          %get3A_663 = tpu.vector_load %arg18[%get3A_661, %get3A_662] {strides = array<i32>} : memref<40x128xf32, #tpu.memory_space<vmem>>, vector<1x16xf32>,
          %get3A_664 = vector.shape_cast %get3A_663 : vector<1x16xf32> to vector<16xf32>
          %mul3A_665 = arith.mulf %get3A_664, %bitcast_convert_type3A_650 : vector<16xf32>
          %swap3A_666 = arith.index_cast %scan3A_551 : i32 to index
          %swap3A_667 = arith.constant 112 : index
          %swap3A_668 = tpu.vector_load %arg18[%swap3A_666, %swap3A_667] {strides = array<i32>} : memref<40x128xf32, #tpu.memory_space<vmem>>, vector<1x16xf32>,
          %swap3A_669 = vector.shape_cast %swap3A_668 : vector<1x16xf32> to vector<16xf32>
          %swap3A_670 = vector.shape_cast %mul3A_665 : vector<16xf32> to vector<1x16xf32>
          tpu.vector_store %arg18[%swap3A_666, %swap3A_667], %swap3A_670 {strides = array<i32>} : memref<40x128xf32, #tpu.memory_space<vmem>>, vector<1x16xf32>,
        }
        %scan3A_543 = arith.constant 40 : i32
        %dma_wait3A_544 = arith.constant 0 : i32
        %dma_wait3A_545 = tpu.memref_slice %arg5[%dma_wait3A_544] : memref<320000xi32, #tpu.memory_space<hbm>> -> memref<40xi32, #tpu.memory_space<hbm>>
        %dma_wait3A_546 = arith.constant 0 : i32
        %dma_wait3A_547 = tpu.memref_slice %arg5[%dma_wait3A_546] : memref<320000xi32, #tpu.memory_space<hbm>> -> memref<40xi32, #tpu.memory_space<hbm>>
        tpu.wait_dma2 semaphore(%arg30 : memref<!tpu.dma_semaphore, #tpu.memory_space<semaphore_mem>>) src(%dma_wait3A_547 : memref<40xi32, #tpu.memory_space<hbm>>) dst(%arg14 : memref<40xi32, #tpu.memory_space<vmem>>)
        %dma_start3A_548 = arith.constant 0 : i32
        %dma_start3A_549 = arith.constant 0 : i32
        %dma_start3A_550 = tpu.memref_slice %arg7[%dma_start3A_548, %dma_start3A_549] : memref<10240x128xf32, #tpu.memory_space<vmem_shared>> -> memref<10240x128xf32, #tpu.memory_space<vmem_shared>>
        tpu.enqueue_indirect_dma source(%arg18 : memref<40x128xf32, #tpu.memory_space<vmem>>) target(%dma_start3A_550 : memref<10240x128xf32, #tpu.memory_space<vmem_shared>>) offsets(%arg14 : memref<40xi32, #tpu.memory_space<vmem>>) semaphore(%arg42 : memref<!tpu.dma_semaphore, #tpu.memory_space<semaphore_mem>>) {add = true}
      } else {
      }
      %add3A_508 = arith.constant 3 : i32
      %add3A_509 = arith.addi %mul3A_447, %add3A_508 : i32
      %add3A_510 = arith.constant 2 : i32
      %add3A_511 = arith.addi %add3A_509, %add3A_510 : i32
      %le3A_512 = arith.constant 174 : i32
      %le3A_513 = arith.cmpi sle, %add3A_511, %le3A_512 : i32
      %convert_element_type3A_514 = arith.extui %le3A_513 : i1 to i32
      %cond3A_515 = arith.constant 0 : i32
      %cond3A_516 = arith.cmpi ne, %convert_element_type3A_514, %cond3A_515 : i32
      scf.if %cond3A_516 {
        %sub3A = arith.constant 2 : i32
        %sub3A_529 = arith.subi %add3A_509, %sub3A : i32
        %ge3A = arith.constant 0 : i32
        %ge3A_530 = arith.cmpi sge, %sub3A_529, %ge3A : i32
        %convert_element_type3A_531 = arith.extui %ge3A_530 : i1 to i32
        %cond3A_532 = arith.constant 0 : i32
        %cond3A_533 = arith.cmpi ne, %convert_element_type3A_531, %cond3A_532 : i32
        scf.if %cond3A_533 {
          %dma_wait3A_552 = arith.constant 0 : i32
          %dma_wait3A_553 = arith.constant 0 : i32
          %dma_wait3A_554 = tpu.memref_slice %arg7[%dma_wait3A_552, %dma_wait3A_553] : memref<10240x128xf32, #tpu.memory_space<vmem_shared>> -> memref<10240x128xf32, #tpu.memory_space<vmem_shared>>
          tpu.wait_indirect_dma semaphore(%arg41 : memref<!tpu.dma_semaphore, #tpu.memory_space<semaphore_mem>>) src(%arg17 : memref<40x128xf32, #tpu.memory_space<vmem>>) dst(%dma_wait3A_554 : memref<10240x128xf32, #tpu.memory_space<vmem_shared>>)
        } else {
        }
        %add3A_534 = arith.constant 2 : i32
        %add3A_535 = arith.addi %add3A_509, %add3A_534 : i32
        %mul3A_536 = arith.constant 40 : i32
        %mul3A_537 = arith.muli %add3A_535, %mul3A_536 : i32
        %add3A_538 = arith.addi %add3A_4, %mul3A_537 : i32
        %multiple_of3A_539 = tpu.assume_multiple %add3A_538, 8 : i32
        %mul3A_540 = arith.constant 40 : i32
        %mul3A_541 = arith.muli %add3A_535, %mul3A_540 : i32
        %add3A_542 = arith.addi %mul3A_2, %mul3A_541 : i32
        %multiple_of3A_543 = tpu.assume_multiple %add3A_542, 8 : i32
        %dma_start3A_544 = tpu.memref_slice %arg4[%multiple_of3A_539] : memref<320000xi32, #tpu.memory_space<hbm>> -> memref<40xi32, #tpu.memory_space<hbm>>
        %dma_start3A_545 = tpu.memref_slice %arg4[%multiple_of3A_539] : memref<320000xi32, #tpu.memory_space<hbm>> -> memref<40xi32, #tpu.memory_space<hbm>>
        tpu.enqueue_dma source(%dma_start3A_545 : memref<40xi32, #tpu.memory_space<hbm>>) target(%arg9 : memref<40xi32, #tpu.memory_space<vmem>>) target_semaphore(%arg25 : memref<!tpu.dma_semaphore, #tpu.memory_space<semaphore_mem>>)
        %dma_start3A_546 = tpu.memref_slice %arg5[%multiple_of3A_539] : memref<320000xi32, #tpu.memory_space<hbm>> -> memref<40xi32, #tpu.memory_space<hbm>>
        %dma_start3A_547 = tpu.memref_slice %arg5[%multiple_of3A_539] : memref<320000xi32, #tpu.memory_space<hbm>> -> memref<40xi32, #tpu.memory_space<hbm>>
        tpu.enqueue_dma source(%dma_start3A_547 : memref<40xi32, #tpu.memory_space<hbm>>) target(%arg13 : memref<40xi32, #tpu.memory_space<vmem>>) target_semaphore(%arg29 : memref<!tpu.dma_semaphore, #tpu.memory_space<semaphore_mem>>)
        %dma_start3A_548 = arith.constant 0 : i32
        %dma_start3A_549 = tpu.memref_slice %arg3[%multiple_of3A_543, %dma_start3A_548] : memref<224000x64xi32, #tpu.memory_space<hbm>> -> memref<40x64xi32, #tpu.memory_space<hbm>>
        %dma_start3A_550 = arith.constant 0 : i32
        %dma_start3A_551 = tpu.memref_slice %arg3[%multiple_of3A_543, %dma_start3A_550] : memref<224000x64xi32, #tpu.memory_space<hbm>> -> memref<40x64xi32, #tpu.memory_space<hbm>>
        tpu.enqueue_dma source(%dma_start3A_551 : memref<40x64xi32, #tpu.memory_space<hbm>>) target(%arg21 : memref<40x64xi32, #tpu.memory_space<vmem>>) target_semaphore(%arg33 : memref<!tpu.dma_semaphore, #tpu.memory_space<semaphore_mem>>)
      } else {
      }
      %add3A_517 = arith.constant 1 : i32
      %add3A_518 = arith.addi %add3A_509, %add3A_517 : i32
      %le3A_519 = arith.constant 174 : i32
      %le3A_520 = arith.cmpi sle, %add3A_518, %le3A_519 : i32
      %convert_element_type3A_521 = arith.extui %le3A_520 : i1 to i32
      %cond3A_522 = arith.constant 0 : i32
      %cond3A_523 = arith.cmpi ne, %convert_element_type3A_521, %cond3A_522 : i32
      scf.if %cond3A_523 {
        %dma_wait3A_529 = arith.constant 0 : i32
        %dma_wait3A_530 = tpu.memref_slice %arg4[%dma_wait3A_529] : memref<320000xi32, #tpu.memory_space<hbm>> -> memref<40xi32, #tpu.memory_space<hbm>>
        %dma_wait3A_531 = arith.constant 0 : i32
        %dma_wait3A_532 = tpu.memref_slice %arg4[%dma_wait3A_531] : memref<320000xi32, #tpu.memory_space<hbm>> -> memref<40xi32, #tpu.memory_space<hbm>>
        tpu.wait_dma2 semaphore(%arg24 : memref<!tpu.dma_semaphore, #tpu.memory_space<semaphore_mem>>) src(%dma_wait3A_532 : memref<40xi32, #tpu.memory_space<hbm>>) dst(%arg8 : memref<40xi32, #tpu.memory_space<vmem>>)
        %dma_start3A_533 = arith.constant 0 : i32
        %dma_start3A_534 = arith.constant 0 : i32
        %dma_start3A_535 = tpu.memref_slice %arg2[%dma_start3A_533, %dma_start3A_534] : memref<10000x128xf32, #tpu.memory_space<hbm>> -> memref<10000x128xf32, #tpu.memory_space<hbm>>
        tpu.enqueue_indirect_dma source(%dma_start3A_535 : memref<10000x128xf32, #tpu.memory_space<hbm>>) target(%arg16 : memref<40x128xf32, #tpu.memory_space<vmem>>) offsets(%arg8 : memref<40xi32, #tpu.memory_space<vmem>>) semaphore(%arg36 : memref<!tpu.dma_semaphore, #tpu.memory_space<semaphore_mem>>)
      } else {
      }
      %le3A_524 = arith.constant 174 : i32
      %le3A_525 = arith.cmpi sle, %add3A_509, %le3A_524 : i32
      %convert_element_type3A_526 = arith.extui %le3A_525 : i1 to i32
      %cond3A_527 = arith.constant 0 : i32
      %cond3A_528 = arith.cmpi ne, %convert_element_type3A_526, %cond3A_527 : i32
      scf.if %cond3A_528 {
        %dma_wait3A_529 = arith.constant 0 : i32
        %dma_wait3A_530 = arith.constant 0 : i32
        %dma_wait3A_531 = tpu.memref_slice %arg3[%dma_wait3A_529, %dma_wait3A_530] : memref<224000x64xi32, #tpu.memory_space<hbm>> -> memref<40x64xi32, #tpu.memory_space<hbm>>
        %dma_wait3A_532 = arith.constant 0 : i32
        %dma_wait3A_533 = arith.constant 0 : i32
        %dma_wait3A_534 = tpu.memref_slice %arg3[%dma_wait3A_532, %dma_wait3A_533] : memref<224000x64xi32, #tpu.memory_space<hbm>> -> memref<40x64xi32, #tpu.memory_space<hbm>>
        tpu.wait_dma2 semaphore(%arg35 : memref<!tpu.dma_semaphore, #tpu.memory_space<semaphore_mem>>) src(%dma_wait3A_534 : memref<40x64xi32, #tpu.memory_space<hbm>>) dst(%arg23 : memref<40x64xi32, #tpu.memory_space<vmem>>)
        %dma_wait3A_535 = arith.constant 0 : i32
        %dma_wait3A_536 = arith.constant 0 : i32
        %dma_wait3A_537 = tpu.memref_slice %arg2[%dma_wait3A_535, %dma_wait3A_536] : memref<10000x128xf32, #tpu.memory_space<hbm>> -> memref<10000x128xf32, #tpu.memory_space<hbm>>
        tpu.wait_indirect_dma semaphore(%arg39 : memref<!tpu.dma_semaphore, #tpu.memory_space<semaphore_mem>>) src(%dma_wait3A_537 : memref<10000x128xf32, #tpu.memory_space<hbm>>) dst(%arg19 : memref<40x128xf32, #tpu.memory_space<vmem>>)
        %scan3A_538 = arith.constant -65536 : i32
        %scan3A_539 = arith.constant 0 : i32
        %scan3A_540 = arith.constant 40 : i32
        %scan3A_541 = arith.addi %scan3A_539, %scan3A_540 : i32
        %scan3A_542 = arith.constant 1 : i32
        scf.for %scan3A_551 = %scan3A_539 to %scan3A_541 step %scan3A_542  : i32 {
          %get3A = arith.index_cast %scan3A_551 : i32 to index
          %get3A_552 = arith.constant 0 : index
          %get3A_553 = tpu.vector_load %arg23[%get3A, %get3A_552] {strides = array<i32>} : memref<40x64xi32, #tpu.memory_space<vmem>>, vector<1x16xi32>,
          %get3A_554 = vector.shape_cast %get3A_553 : vector<1x16xi32> to vector<16xi32>
          %shift_left3A = arith.constant 16 : i32
          %shift_left3A_555 = vector.broadcast %shift_left3A : i32 to vector<16xi32>
          %shift_left3A_556 = arith.shli %get3A_554, %shift_left3A_555 : vector<16xi32>
          %bitcast_convert_type3A = tpu.bitcast %shift_left3A_556 : vector<16xi32> -> vector<16xf32>
          %and3A = vector.broadcast %scan3A_538 : i32 to vector<16xi32>
          %and3A_557 = arith.andi %get3A_554, %and3A : vector<16xi32>
          %bitcast_convert_type3A_558 = tpu.bitcast %and3A_557 : vector<16xi32> -> vector<16xf32>
          %get3A_559 = arith.index_cast %scan3A_551 : i32 to index
          %get3A_560 = arith.constant 0 : index
          %get3A_561 = tpu.vector_load %arg19[%get3A_559, %get3A_560] {strides = array<i32>} : memref<40x128xf32, #tpu.memory_space<vmem>>, vector<1x16xf32>,
          %get3A_562 = vector.shape_cast %get3A_561 : vector<1x16xf32> to vector<16xf32>
          %mul3A_563 = arith.mulf %get3A_562, %bitcast_convert_type3A : vector<16xf32>
          %swap3A = arith.index_cast %scan3A_551 : i32 to index
          %swap3A_564 = arith.constant 0 : index
          %swap3A_565 = tpu.vector_load %arg19[%swap3A, %swap3A_564] {strides = array<i32>} : memref<40x128xf32, #tpu.memory_space<vmem>>, vector<1x16xf32>,
          %swap3A_566 = vector.shape_cast %swap3A_565 : vector<1x16xf32> to vector<16xf32>
          %swap3A_567 = vector.shape_cast %mul3A_563 : vector<16xf32> to vector<1x16xf32>
          tpu.vector_store %arg19[%swap3A, %swap3A_564], %swap3A_567 {strides = array<i32>} : memref<40x128xf32, #tpu.memory_space<vmem>>, vector<1x16xf32>,
          %get3A_568 = arith.index_cast %scan3A_551 : i32 to index
          %get3A_569 = arith.constant 64 : index
          %get3A_570 = tpu.vector_load %arg19[%get3A_568, %get3A_569] {strides = array<i32>} : memref<40x128xf32, #tpu.memory_space<vmem>>, vector<1x16xf32>,
          %get3A_571 = vector.shape_cast %get3A_570 : vector<1x16xf32> to vector<16xf32>
          %mul3A_572 = arith.mulf %get3A_571, %bitcast_convert_type3A_558 : vector<16xf32>
          %swap3A_573 = arith.index_cast %scan3A_551 : i32 to index
          %swap3A_574 = arith.constant 64 : index
          %swap3A_575 = tpu.vector_load %arg19[%swap3A_573, %swap3A_574] {strides = array<i32>} : memref<40x128xf32, #tpu.memory_space<vmem>>, vector<1x16xf32>,
          %swap3A_576 = vector.shape_cast %swap3A_575 : vector<1x16xf32> to vector<16xf32>
          %swap3A_577 = vector.shape_cast %mul3A_572 : vector<16xf32> to vector<1x16xf32>
          tpu.vector_store %arg19[%swap3A_573, %swap3A_574], %swap3A_577 {strides = array<i32>} : memref<40x128xf32, #tpu.memory_space<vmem>>, vector<1x16xf32>,
          %get3A_578 = arith.index_cast %scan3A_551 : i32 to index
          %get3A_579 = arith.constant 16 : index
          %get3A_580 = tpu.vector_load %arg23[%get3A_578, %get3A_579] {strides = array<i32>} : memref<40x64xi32, #tpu.memory_space<vmem>>, vector<1x16xi32>,
          %get3A_581 = vector.shape_cast %get3A_580 : vector<1x16xi32> to vector<16xi32>
          %shift_left3A_582 = arith.constant 16 : i32
          %shift_left3A_583 = vector.broadcast %shift_left3A_582 : i32 to vector<16xi32>
          %shift_left3A_584 = arith.shli %get3A_581, %shift_left3A_583 : vector<16xi32>
          %bitcast_convert_type3A_585 = tpu.bitcast %shift_left3A_584 : vector<16xi32> -> vector<16xf32>
          %and3A_586 = vector.broadcast %scan3A_538 : i32 to vector<16xi32>
          %and3A_587 = arith.andi %get3A_581, %and3A_586 : vector<16xi32>
          %bitcast_convert_type3A_588 = tpu.bitcast %and3A_587 : vector<16xi32> -> vector<16xf32>
          %get3A_589 = arith.index_cast %scan3A_551 : i32 to index
          %get3A_590 = arith.constant 16 : index
          %get3A_591 = tpu.vector_load %arg19[%get3A_589, %get3A_590] {strides = array<i32>} : memref<40x128xf32, #tpu.memory_space<vmem>>, vector<1x16xf32>,
          %get3A_592 = vector.shape_cast %get3A_591 : vector<1x16xf32> to vector<16xf32>
          %mul3A_593 = arith.mulf %get3A_592, %bitcast_convert_type3A_585 : vector<16xf32>
          %swap3A_594 = arith.index_cast %scan3A_551 : i32 to index
          %swap3A_595 = arith.constant 16 : index
          %swap3A_596 = tpu.vector_load %arg19[%swap3A_594, %swap3A_595] {strides = array<i32>} : memref<40x128xf32, #tpu.memory_space<vmem>>, vector<1x16xf32>,
          %swap3A_597 = vector.shape_cast %swap3A_596 : vector<1x16xf32> to vector<16xf32>
          %swap3A_598 = vector.shape_cast %mul3A_593 : vector<16xf32> to vector<1x16xf32>
          tpu.vector_store %arg19[%swap3A_594, %swap3A_595], %swap3A_598 {strides = array<i32>} : memref<40x128xf32, #tpu.memory_space<vmem>>, vector<1x16xf32>,
          %get3A_599 = arith.index_cast %scan3A_551 : i32 to index
          %get3A_600 = arith.constant 80 : index
          %get3A_601 = tpu.vector_load %arg19[%get3A_599, %get3A_600] {strides = array<i32>} : memref<40x128xf32, #tpu.memory_space<vmem>>, vector<1x16xf32>,
          %get3A_602 = vector.shape_cast %get3A_601 : vector<1x16xf32> to vector<16xf32>
          %mul3A_603 = arith.mulf %get3A_602, %bitcast_convert_type3A_588 : vector<16xf32>
          %swap3A_604 = arith.index_cast %scan3A_551 : i32 to index
          %swap3A_605 = arith.constant 80 : index
          %swap3A_606 = tpu.vector_load %arg19[%swap3A_604, %swap3A_605] {strides = array<i32>} : memref<40x128xf32, #tpu.memory_space<vmem>>, vector<1x16xf32>,
          %swap3A_607 = vector.shape_cast %swap3A_606 : vector<1x16xf32> to vector<16xf32>
          %swap3A_608 = vector.shape_cast %mul3A_603 : vector<16xf32> to vector<1x16xf32>
          tpu.vector_store %arg19[%swap3A_604, %swap3A_605], %swap3A_608 {strides = array<i32>} : memref<40x128xf32, #tpu.memory_space<vmem>>, vector<1x16xf32>,
          %get3A_609 = arith.index_cast %scan3A_551 : i32 to index
          %get3A_610 = arith.constant 32 : index
          %get3A_611 = tpu.vector_load %arg23[%get3A_609, %get3A_610] {strides = array<i32>} : memref<40x64xi32, #tpu.memory_space<vmem>>, vector<1x16xi32>,
          %get3A_612 = vector.shape_cast %get3A_611 : vector<1x16xi32> to vector<16xi32>
          %shift_left3A_613 = arith.constant 16 : i32
          %shift_left3A_614 = vector.broadcast %shift_left3A_613 : i32 to vector<16xi32>
          %shift_left3A_615 = arith.shli %get3A_612, %shift_left3A_614 : vector<16xi32>
          %bitcast_convert_type3A_616 = tpu.bitcast %shift_left3A_615 : vector<16xi32> -> vector<16xf32>
          %and3A_617 = vector.broadcast %scan3A_538 : i32 to vector<16xi32>
          %and3A_618 = arith.andi %get3A_612, %and3A_617 : vector<16xi32>
          %bitcast_convert_type3A_619 = tpu.bitcast %and3A_618 : vector<16xi32> -> vector<16xf32>
          %get3A_620 = arith.index_cast %scan3A_551 : i32 to index
          %get3A_621 = arith.constant 32 : index
          %get3A_622 = tpu.vector_load %arg19[%get3A_620, %get3A_621] {strides = array<i32>} : memref<40x128xf32, #tpu.memory_space<vmem>>, vector<1x16xf32>,
          %get3A_623 = vector.shape_cast %get3A_622 : vector<1x16xf32> to vector<16xf32>
          %mul3A_624 = arith.mulf %get3A_623, %bitcast_convert_type3A_616 : vector<16xf32>
          %swap3A_625 = arith.index_cast %scan3A_551 : i32 to index
          %swap3A_626 = arith.constant 32 : index
          %swap3A_627 = tpu.vector_load %arg19[%swap3A_625, %swap3A_626] {strides = array<i32>} : memref<40x128xf32, #tpu.memory_space<vmem>>, vector<1x16xf32>,
          %swap3A_628 = vector.shape_cast %swap3A_627 : vector<1x16xf32> to vector<16xf32>
          %swap3A_629 = vector.shape_cast %mul3A_624 : vector<16xf32> to vector<1x16xf32>
          tpu.vector_store %arg19[%swap3A_625, %swap3A_626], %swap3A_629 {strides = array<i32>} : memref<40x128xf32, #tpu.memory_space<vmem>>, vector<1x16xf32>,
          %get3A_630 = arith.index_cast %scan3A_551 : i32 to index
          %get3A_631 = arith.constant 96 : index
          %get3A_632 = tpu.vector_load %arg19[%get3A_630, %get3A_631] {strides = array<i32>} : memref<40x128xf32, #tpu.memory_space<vmem>>, vector<1x16xf32>,
          %get3A_633 = vector.shape_cast %get3A_632 : vector<1x16xf32> to vector<16xf32>
          %mul3A_634 = arith.mulf %get3A_633, %bitcast_convert_type3A_619 : vector<16xf32>
          %swap3A_635 = arith.index_cast %scan3A_551 : i32 to index
          %swap3A_636 = arith.constant 96 : index
          %swap3A_637 = tpu.vector_load %arg19[%swap3A_635, %swap3A_636] {strides = array<i32>} : memref<40x128xf32, #tpu.memory_space<vmem>>, vector<1x16xf32>,
          %swap3A_638 = vector.shape_cast %swap3A_637 : vector<1x16xf32> to vector<16xf32>
          %swap3A_639 = vector.shape_cast %mul3A_634 : vector<16xf32> to vector<1x16xf32>
          tpu.vector_store %arg19[%swap3A_635, %swap3A_636], %swap3A_639 {strides = array<i32>} : memref<40x128xf32, #tpu.memory_space<vmem>>, vector<1x16xf32>,
          %get3A_640 = arith.index_cast %scan3A_551 : i32 to index
          %get3A_641 = arith.constant 48 : index
          %get3A_642 = tpu.vector_load %arg23[%get3A_640, %get3A_641] {strides = array<i32>} : memref<40x64xi32, #tpu.memory_space<vmem>>, vector<1x16xi32>,
          %get3A_643 = vector.shape_cast %get3A_642 : vector<1x16xi32> to vector<16xi32>
          %shift_left3A_644 = arith.constant 16 : i32
          %shift_left3A_645 = vector.broadcast %shift_left3A_644 : i32 to vector<16xi32>
          %shift_left3A_646 = arith.shli %get3A_643, %shift_left3A_645 : vector<16xi32>
          %bitcast_convert_type3A_647 = tpu.bitcast %shift_left3A_646 : vector<16xi32> -> vector<16xf32>
          %and3A_648 = vector.broadcast %scan3A_538 : i32 to vector<16xi32>
          %and3A_649 = arith.andi %get3A_643, %and3A_648 : vector<16xi32>
          %bitcast_convert_type3A_650 = tpu.bitcast %and3A_649 : vector<16xi32> -> vector<16xf32>
          %get3A_651 = arith.index_cast %scan3A_551 : i32 to index
          %get3A_652 = arith.constant 48 : index
          %get3A_653 = tpu.vector_load %arg19[%get3A_651, %get3A_652] {strides = array<i32>} : memref<40x128xf32, #tpu.memory_space<vmem>>, vector<1x16xf32>,
          %get3A_654 = vector.shape_cast %get3A_653 : vector<1x16xf32> to vector<16xf32>
          %mul3A_655 = arith.mulf %get3A_654, %bitcast_convert_type3A_647 : vector<16xf32>
          %swap3A_656 = arith.index_cast %scan3A_551 : i32 to index
          %swap3A_657 = arith.constant 48 : index
          %swap3A_658 = tpu.vector_load %arg19[%swap3A_656, %swap3A_657] {strides = array<i32>} : memref<40x128xf32, #tpu.memory_space<vmem>>, vector<1x16xf32>,
          %swap3A_659 = vector.shape_cast %swap3A_658 : vector<1x16xf32> to vector<16xf32>
          %swap3A_660 = vector.shape_cast %mul3A_655 : vector<16xf32> to vector<1x16xf32>
          tpu.vector_store %arg19[%swap3A_656, %swap3A_657], %swap3A_660 {strides = array<i32>} : memref<40x128xf32, #tpu.memory_space<vmem>>, vector<1x16xf32>,
          %get3A_661 = arith.index_cast %scan3A_551 : i32 to index
          %get3A_662 = arith.constant 112 : index
          %get3A_663 = tpu.vector_load %arg19[%get3A_661, %get3A_662] {strides = array<i32>} : memref<40x128xf32, #tpu.memory_space<vmem>>, vector<1x16xf32>,
          %get3A_664 = vector.shape_cast %get3A_663 : vector<1x16xf32> to vector<16xf32>
          %mul3A_665 = arith.mulf %get3A_664, %bitcast_convert_type3A_650 : vector<16xf32>
          %swap3A_666 = arith.index_cast %scan3A_551 : i32 to index
          %swap3A_667 = arith.constant 112 : index
          %swap3A_668 = tpu.vector_load %arg19[%swap3A_666, %swap3A_667] {strides = array<i32>} : memref<40x128xf32, #tpu.memory_space<vmem>>, vector<1x16xf32>,
          %swap3A_669 = vector.shape_cast %swap3A_668 : vector<1x16xf32> to vector<16xf32>
          %swap3A_670 = vector.shape_cast %mul3A_665 : vector<16xf32> to vector<1x16xf32>
          tpu.vector_store %arg19[%swap3A_666, %swap3A_667], %swap3A_670 {strides = array<i32>} : memref<40x128xf32, #tpu.memory_space<vmem>>, vector<1x16xf32>,
        }
        %scan3A_543 = arith.constant 40 : i32
        %dma_wait3A_544 = arith.constant 0 : i32
        %dma_wait3A_545 = tpu.memref_slice %arg5[%dma_wait3A_544] : memref<320000xi32, #tpu.memory_space<hbm>> -> memref<40xi32, #tpu.memory_space<hbm>>
        %dma_wait3A_546 = arith.constant 0 : i32
        %dma_wait3A_547 = tpu.memref_slice %arg5[%dma_wait3A_546] : memref<320000xi32, #tpu.memory_space<hbm>> -> memref<40xi32, #tpu.memory_space<hbm>>
        tpu.wait_dma2 semaphore(%arg31 : memref<!tpu.dma_semaphore, #tpu.memory_space<semaphore_mem>>) src(%dma_wait3A_547 : memref<40xi32, #tpu.memory_space<hbm>>) dst(%arg15 : memref<40xi32, #tpu.memory_space<vmem>>)
        %dma_start3A_548 = arith.constant 0 : i32
        %dma_start3A_549 = arith.constant 0 : i32
        %dma_start3A_550 = tpu.memref_slice %arg7[%dma_start3A_548, %dma_start3A_549] : memref<10240x128xf32, #tpu.memory_space<vmem_shared>> -> memref<10240x128xf32, #tpu.memory_space<vmem_shared>>
        tpu.enqueue_indirect_dma source(%arg19 : memref<40x128xf32, #tpu.memory_space<vmem>>) target(%dma_start3A_550 : memref<10240x128xf32, #tpu.memory_space<vmem_shared>>) offsets(%arg15 : memref<40xi32, #tpu.memory_space<vmem>>) semaphore(%arg43 : memref<!tpu.dma_semaphore, #tpu.memory_space<semaphore_mem>>) {add = true}
      } else {
      }
    }
    %scan3A_207 = arith.constant 44 : i32
    %dma_wait3A_208 = arith.constant 0 : i32
    %dma_wait3A_209 = arith.constant 0 : i32
    %dma_wait3A_210 = tpu.memref_slice %arg7[%dma_wait3A_208, %dma_wait3A_209] : memref<10240x128xf32, #tpu.memory_space<vmem_shared>> -> memref<10240x128xf32, #tpu.memory_space<vmem_shared>>
    tpu.wait_indirect_dma semaphore(%arg40 : memref<!tpu.dma_semaphore, #tpu.memory_space<semaphore_mem>>) src(%arg16 : memref<40x128xf32, #tpu.memory_space<vmem>>) dst(%dma_wait3A_210 : memref<10240x128xf32, #tpu.memory_space<vmem_shared>>)
    %dma_wait3A_211 = arith.constant 0 : i32
    %dma_wait3A_212 = arith.constant 0 : i32
    %dma_wait3A_213 = tpu.memref_slice %arg7[%dma_wait3A_211, %dma_wait3A_212] : memref<10240x128xf32, #tpu.memory_space<vmem_shared>> -> memref<10240x128xf32, #tpu.memory_space<vmem_shared>>
    tpu.wait_indirect_dma semaphore(%arg41 : memref<!tpu.dma_semaphore, #tpu.memory_space<semaphore_mem>>) src(%arg17 : memref<40x128xf32, #tpu.memory_space<vmem>>) dst(%dma_wait3A_213 : memref<10240x128xf32, #tpu.memory_space<vmem_shared>>)
    %dma_wait3A_214 = arith.constant 0 : i32
    %dma_wait3A_215 = arith.constant 0 : i32
    %dma_wait3A_216 = tpu.memref_slice %arg7[%dma_wait3A_214, %dma_wait3A_215] : memref<10240x128xf32, #tpu.memory_space<vmem_shared>> -> memref<10240x128xf32, #tpu.memory_space<vmem_shared>>
    tpu.wait_indirect_dma semaphore(%arg42 : memref<!tpu.dma_semaphore, #tpu.memory_space<semaphore_mem>>) src(%arg18 : memref<40x128xf32, #tpu.memory_space<vmem>>) dst(%dma_wait3A_216 : memref<10240x128xf32, #tpu.memory_space<vmem_shared>>)
    %dma_wait3A_217 = arith.constant 0 : i32
    %dma_wait3A_218 = arith.constant 0 : i32
    %dma_wait3A_219 = tpu.memref_slice %arg7[%dma_wait3A_217, %dma_wait3A_218] : memref<10240x128xf32, #tpu.memory_space<vmem_shared>> -> memref<10240x128xf32, #tpu.memory_space<vmem_shared>>
    tpu.wait_indirect_dma semaphore(%arg43 : memref<!tpu.dma_semaphore, #tpu.memory_space<semaphore_mem>>) src(%arg19 : memref<40x128xf32, #tpu.memory_space<vmem>>) dst(%dma_wait3A_219 : memref<10240x128xf32, #tpu.memory_space<vmem_shared>>)
    %barrier3A_220 = arith.constant 0 : index
    tpu.barrier barrier_id(%barrier3A_220)
    %add3A_221 = arith.constant 0 : i32
    %add3A_222 = arith.addi %mul3A_10, %add3A_221 : i32
    "tpu.region"() ({
      %run_scoped3A = tpu.sem_alloc : memref<!tpu.dma_semaphore, #tpu.memory_space<semaphore_mem>>
      %dma_start3A_445 = arith.constant 0 : i32
      %dma_start3A_446 = tpu.memref_slice %arg7[%add3A_222, %dma_start3A_445] : memref<10240x128xf32, #tpu.memory_space<vmem_shared>> -> memref<40x128xf32, #tpu.memory_space<vmem_shared>>
      %dma_start3A_447 = arith.constant 0 : i32
      %dma_start3A_448 = tpu.memref_slice %arg7[%add3A_222, %dma_start3A_447] : memref<10240x128xf32, #tpu.memory_space<vmem_shared>> -> memref<40x128xf32, #tpu.memory_space<vmem_shared>>
      tpu.enqueue_dma source(%dma_start3A_448 : memref<40x128xf32, #tpu.memory_space<vmem_shared>>) target(%arg16 : memref<40x128xf32, #tpu.memory_space<vmem>>) target_semaphore(%run_scoped3A : memref<!tpu.dma_semaphore, #tpu.memory_space<semaphore_mem>>)
      %dma_wait3A_449 = arith.constant 0 : i32
      %dma_wait3A_450 = tpu.memref_slice %arg7[%add3A_222, %dma_wait3A_449] : memref<10240x128xf32, #tpu.memory_space<vmem_shared>> -> memref<40x128xf32, #tpu.memory_space<vmem_shared>>
      %dma_wait3A_451 = arith.constant 0 : i32
      %dma_wait3A_452 = tpu.memref_slice %arg7[%add3A_222, %dma_wait3A_451] : memref<10240x128xf32, #tpu.memory_space<vmem_shared>> -> memref<40x128xf32, #tpu.memory_space<vmem_shared>>
      tpu.wait_dma2 semaphore(%run_scoped3A : memref<!tpu.dma_semaphore, #tpu.memory_space<semaphore_mem>>) src(%dma_wait3A_452 : memref<40x128xf32, #tpu.memory_space<vmem_shared>>) dst(%arg16 : memref<40x128xf32, #tpu.memory_space<vmem>>)
      tpu.yield
    }) : () -> ()
    %dma_start3A_223 = arith.constant 0 : i32
    %dma_start3A_224 = tpu.memref_slice %arg6[%arg0, %add3A_222, %dma_start3A_223] : memref<2x10240x128xf32, #tpu.memory_space<hbm>> -> memref<1x40x128xf32, #tpu.memory_space<hbm>>
    %dma_start3A_225 = tpu.memref_squeeze %dma_start3A_224 : memref<1x40x128xf32, #tpu.memory_space<hbm>> -> memref<40x128xf32, #tpu.memory_space<hbm>>
    %dma_start3A_226 = arith.constant 0 : i32
    %dma_start3A_227 = tpu.memref_slice %arg6[%arg0, %add3A_222, %dma_start3A_226] : memref<2x10240x128xf32, #tpu.memory_space<hbm>> -> memref<1x40x128xf32, #tpu.memory_space<hbm>>
    %dma_start3A_228 = tpu.memref_squeeze %dma_start3A_227 : memref<1x40x128xf32, #tpu.memory_space<hbm>> -> memref<40x128xf32, #tpu.memory_space<hbm>>
    tpu.enqueue_dma source(%arg16 : memref<40x128xf32, #tpu.memory_space<vmem>>) target(%dma_start3A_228 : memref<40x128xf32, #tpu.memory_space<hbm>>) target_semaphore(%arg40 : memref<!tpu.dma_semaphore, #tpu.memory_space<semaphore_mem>>)
    %add3A_229 = arith.constant 40 : i32
    %add3A_230 = arith.addi %mul3A_10, %add3A_229 : i32
    "tpu.region"() ({
      %run_scoped3A = tpu.sem_alloc : memref<!tpu.dma_semaphore, #tpu.memory_space<semaphore_mem>>
      %dma_start3A_445 = arith.constant 0 : i32
      %dma_start3A_446 = tpu.memref_slice %arg7[%add3A_230, %dma_start3A_445] : memref<10240x128xf32, #tpu.memory_space<vmem_shared>> -> memref<40x128xf32, #tpu.memory_space<vmem_shared>>
      %dma_start3A_447 = arith.constant 0 : i32
      %dma_start3A_448 = tpu.memref_slice %arg7[%add3A_230, %dma_start3A_447] : memref<10240x128xf32, #tpu.memory_space<vmem_shared>> -> memref<40x128xf32, #tpu.memory_space<vmem_shared>>
      tpu.enqueue_dma source(%dma_start3A_448 : memref<40x128xf32, #tpu.memory_space<vmem_shared>>) target(%arg17 : memref<40x128xf32, #tpu.memory_space<vmem>>) target_semaphore(%run_scoped3A : memref<!tpu.dma_semaphore, #tpu.memory_space<semaphore_mem>>)
      %dma_wait3A_449 = arith.constant 0 : i32
      %dma_wait3A_450 = tpu.memref_slice %arg7[%add3A_230, %dma_wait3A_449] : memref<10240x128xf32, #tpu.memory_space<vmem_shared>> -> memref<40x128xf32, #tpu.memory_space<vmem_shared>>
      %dma_wait3A_451 = arith.constant 0 : i32
      %dma_wait3A_452 = tpu.memref_slice %arg7[%add3A_230, %dma_wait3A_451] : memref<10240x128xf32, #tpu.memory_space<vmem_shared>> -> memref<40x128xf32, #tpu.memory_space<vmem_shared>>
      tpu.wait_dma2 semaphore(%run_scoped3A : memref<!tpu.dma_semaphore, #tpu.memory_space<semaphore_mem>>) src(%dma_wait3A_452 : memref<40x128xf32, #tpu.memory_space<vmem_shared>>) dst(%arg17 : memref<40x128xf32, #tpu.memory_space<vmem>>)
      tpu.yield
    }) : () -> ()
    %dma_start3A_231 = arith.constant 0 : i32
    %dma_start3A_232 = tpu.memref_slice %arg6[%arg0, %add3A_230, %dma_start3A_231] : memref<2x10240x128xf32, #tpu.memory_space<hbm>> -> memref<1x40x128xf32, #tpu.memory_space<hbm>>
    %dma_start3A_233 = tpu.memref_squeeze %dma_start3A_232 : memref<1x40x128xf32, #tpu.memory_space<hbm>> -> memref<40x128xf32, #tpu.memory_space<hbm>>
    %dma_start3A_234 = arith.constant 0 : i32
    %dma_start3A_235 = tpu.memref_slice %arg6[%arg0, %add3A_230, %dma_start3A_234] : memref<2x10240x128xf32, #tpu.memory_space<hbm>> -> memref<1x40x128xf32, #tpu.memory_space<hbm>>
    %dma_start3A_236 = tpu.memref_squeeze %dma_start3A_235 : memref<1x40x128xf32, #tpu.memory_space<hbm>> -> memref<40x128xf32, #tpu.memory_space<hbm>>
    tpu.enqueue_dma source(%arg17 : memref<40x128xf32, #tpu.memory_space<vmem>>) target(%dma_start3A_236 : memref<40x128xf32, #tpu.memory_space<hbm>>) target_semaphore(%arg41 : memref<!tpu.dma_semaphore, #tpu.memory_space<semaphore_mem>>)
    %add3A_237 = arith.constant 80 : i32
    %add3A_238 = arith.addi %mul3A_10, %add3A_237 : i32
    %dma_wait3A_239 = arith.constant 0 : i32
    %dma_wait3A_240 = tpu.memref_slice %arg6[%arg0, %mul3A_10, %dma_wait3A_239] : memref<2x10240x128xf32, #tpu.memory_space<hbm>> -> memref<1x40x128xf32, #tpu.memory_space<hbm>>
    %dma_wait3A_241 = tpu.memref_squeeze %dma_wait3A_240 : memref<1x40x128xf32, #tpu.memory_space<hbm>> -> memref<40x128xf32, #tpu.memory_space<hbm>>
    %dma_wait3A_242 = arith.constant 0 : i32
    %dma_wait3A_243 = tpu.memref_slice %arg6[%arg0, %mul3A_10, %dma_wait3A_242] : memref<2x10240x128xf32, #tpu.memory_space<hbm>> -> memref<1x40x128xf32, #tpu.memory_space<hbm>>
    %dma_wait3A_244 = tpu.memref_squeeze %dma_wait3A_243 : memref<1x40x128xf32, #tpu.memory_space<hbm>> -> memref<40x128xf32, #tpu.memory_space<hbm>>
    tpu.wait_dma2 semaphore(%arg40 : memref<!tpu.dma_semaphore, #tpu.memory_space<semaphore_mem>>) src(%arg16 : memref<40x128xf32, #tpu.memory_space<vmem>>) dst(%dma_wait3A_244 : memref<40x128xf32, #tpu.memory_space<hbm>>)
    "tpu.region"() ({
      %run_scoped3A = tpu.sem_alloc : memref<!tpu.dma_semaphore, #tpu.memory_space<semaphore_mem>>
      %dma_start3A_445 = arith.constant 0 : i32
      %dma_start3A_446 = tpu.memref_slice %arg7[%add3A_238, %dma_start3A_445] : memref<10240x128xf32, #tpu.memory_space<vmem_shared>> -> memref<40x128xf32, #tpu.memory_space<vmem_shared>>
      %dma_start3A_447 = arith.constant 0 : i32
      %dma_start3A_448 = tpu.memref_slice %arg7[%add3A_238, %dma_start3A_447] : memref<10240x128xf32, #tpu.memory_space<vmem_shared>> -> memref<40x128xf32, #tpu.memory_space<vmem_shared>>
      tpu.enqueue_dma source(%dma_start3A_448 : memref<40x128xf32, #tpu.memory_space<vmem_shared>>) target(%arg16 : memref<40x128xf32, #tpu.memory_space<vmem>>) target_semaphore(%run_scoped3A : memref<!tpu.dma_semaphore, #tpu.memory_space<semaphore_mem>>)
      %dma_wait3A_449 = arith.constant 0 : i32
      %dma_wait3A_450 = tpu.memref_slice %arg7[%add3A_238, %dma_wait3A_449] : memref<10240x128xf32, #tpu.memory_space<vmem_shared>> -> memref<40x128xf32, #tpu.memory_space<vmem_shared>>
      %dma_wait3A_451 = arith.constant 0 : i32
      %dma_wait3A_452 = tpu.memref_slice %arg7[%add3A_238, %dma_wait3A_451] : memref<10240x128xf32, #tpu.memory_space<vmem_shared>> -> memref<40x128xf32, #tpu.memory_space<vmem_shared>>
      tpu.wait_dma2 semaphore(%run_scoped3A : memref<!tpu.dma_semaphore, #tpu.memory_space<semaphore_mem>>) src(%dma_wait3A_452 : memref<40x128xf32, #tpu.memory_space<vmem_shared>>) dst(%arg16 : memref<40x128xf32, #tpu.memory_space<vmem>>)
      tpu.yield
    }) : () -> ()
    %dma_start3A_245 = arith.constant 0 : i32
    %dma_start3A_246 = tpu.memref_slice %arg6[%arg0, %add3A_238, %dma_start3A_245] : memref<2x10240x128xf32, #tpu.memory_space<hbm>> -> memref<1x40x128xf32, #tpu.memory_space<hbm>>
    %dma_start3A_247 = tpu.memref_squeeze %dma_start3A_246 : memref<1x40x128xf32, #tpu.memory_space<hbm>> -> memref<40x128xf32, #tpu.memory_space<hbm>>
    %dma_start3A_248 = arith.constant 0 : i32
    %dma_start3A_249 = tpu.memref_slice %arg6[%arg0, %add3A_238, %dma_start3A_248] : memref<2x10240x128xf32, #tpu.memory_space<hbm>> -> memref<1x40x128xf32, #tpu.memory_space<hbm>>
    %dma_start3A_250 = tpu.memref_squeeze %dma_start3A_249 : memref<1x40x128xf32, #tpu.memory_space<hbm>> -> memref<40x128xf32, #tpu.memory_space<hbm>>
    tpu.enqueue_dma source(%arg16 : memref<40x128xf32, #tpu.memory_space<vmem>>) target(%dma_start3A_250 : memref<40x128xf32, #tpu.memory_space<hbm>>) target_semaphore(%arg40 : memref<!tpu.dma_semaphore, #tpu.memory_space<semaphore_mem>>)
    %add3A_251 = arith.constant 120 : i32
    %add3A_252 = arith.addi %mul3A_10, %add3A_251 : i32
    %dma_wait3A_253 = arith.constant 0 : i32
    %dma_wait3A_254 = tpu.memref_slice %arg6[%arg0, %mul3A_10, %dma_wait3A_253] : memref<2x10240x128xf32, #tpu.memory_space<hbm>> -> memref<1x40x128xf32, #tpu.memory_space<hbm>>
    %dma_wait3A_255 = tpu.memref_squeeze %dma_wait3A_254 : memref<1x40x128xf32, #tpu.memory_space<hbm>> -> memref<40x128xf32, #tpu.memory_space<hbm>>
    %dma_wait3A_256 = arith.constant 0 : i32
    %dma_wait3A_257 = tpu.memref_slice %arg6[%arg0, %mul3A_10, %dma_wait3A_256] : memref<2x10240x128xf32, #tpu.memory_space<hbm>> -> memref<1x40x128xf32, #tpu.memory_space<hbm>>
    %dma_wait3A_258 = tpu.memref_squeeze %dma_wait3A_257 : memref<1x40x128xf32, #tpu.memory_space<hbm>> -> memref<40x128xf32, #tpu.memory_space<hbm>>
    tpu.wait_dma2 semaphore(%arg41 : memref<!tpu.dma_semaphore, #tpu.memory_space<semaphore_mem>>) src(%arg17 : memref<40x128xf32, #tpu.memory_space<vmem>>) dst(%dma_wait3A_258 : memref<40x128xf32, #tpu.memory_space<hbm>>)
    "tpu.region"() ({
      %run_scoped3A = tpu.sem_alloc : memref<!tpu.dma_semaphore, #tpu.memory_space<semaphore_mem>>
      %dma_start3A_445 = arith.constant 0 : i32
      %dma_start3A_446 = tpu.memref_slice %arg7[%add3A_252, %dma_start3A_445] : memref<10240x128xf32, #tpu.memory_space<vmem_shared>> -> memref<40x128xf32, #tpu.memory_space<vmem_shared>>
      %dma_start3A_447 = arith.constant 0 : i32
      %dma_start3A_448 = tpu.memref_slice %arg7[%add3A_252, %dma_start3A_447] : memref<10240x128xf32, #tpu.memory_space<vmem_shared>> -> memref<40x128xf32, #tpu.memory_space<vmem_shared>>
      tpu.enqueue_dma source(%dma_start3A_448 : memref<40x128xf32, #tpu.memory_space<vmem_shared>>) target(%arg17 : memref<40x128xf32, #tpu.memory_space<vmem>>) target_semaphore(%run_scoped3A : memref<!tpu.dma_semaphore, #tpu.memory_space<semaphore_mem>>)
      %dma_wait3A_449 = arith.constant 0 : i32
      %dma_wait3A_450 = tpu.memref_slice %arg7[%add3A_252, %dma_wait3A_449] : memref<10240x128xf32, #tpu.memory_space<vmem_shared>> -> memref<40x128xf32, #tpu.memory_space<vmem_shared>>
      %dma_wait3A_451 = arith.constant 0 : i32
      %dma_wait3A_452 = tpu.memref_slice %arg7[%add3A_252, %dma_wait3A_451] : memref<10240x128xf32, #tpu.memory_space<vmem_shared>> -> memref<40x128xf32, #tpu.memory_space<vmem_shared>>
      tpu.wait_dma2 semaphore(%run_scoped3A : memref<!tpu.dma_semaphore, #tpu.memory_space<semaphore_mem>>) src(%dma_wait3A_452 : memref<40x128xf32, #tpu.memory_space<vmem_shared>>) dst(%arg17 : memref<40x128xf32, #tpu.memory_space<vmem>>)
      tpu.yield
    }) : () -> ()
    %dma_start3A_259 = arith.constant 0 : i32
    %dma_start3A_260 = tpu.memref_slice %arg6[%arg0, %add3A_252, %dma_start3A_259] : memref<2x10240x128xf32, #tpu.memory_space<hbm>> -> memref<1x40x128xf32, #tpu.memory_space<hbm>>
    %dma_start3A_261 = tpu.memref_squeeze %dma_start3A_260 : memref<1x40x128xf32, #tpu.memory_space<hbm>> -> memref<40x128xf32, #tpu.memory_space<hbm>>
    %dma_start3A_262 = arith.constant 0 : i32
    %dma_start3A_263 = tpu.memref_slice %arg6[%arg0, %add3A_252, %dma_start3A_262] : memref<2x10240x128xf32, #tpu.memory_space<hbm>> -> memref<1x40x128xf32, #tpu.memory_space<hbm>>
    %dma_start3A_264 = tpu.memref_squeeze %dma_start3A_263 : memref<1x40x128xf32, #tpu.memory_space<hbm>> -> memref<40x128xf32, #tpu.memory_space<hbm>>
    tpu.enqueue_dma source(%arg17 : memref<40x128xf32, #tpu.memory_space<vmem>>) target(%dma_start3A_264 : memref<40x128xf32, #tpu.memory_space<hbm>>) target_semaphore(%arg41 : memref<!tpu.dma_semaphore, #tpu.memory_space<semaphore_mem>>)
    %add3A_265 = arith.constant 160 : i32
    %add3A_266 = arith.addi %mul3A_10, %add3A_265 : i32
    %dma_wait3A_267 = arith.constant 0 : i32
    %dma_wait3A_268 = tpu.memref_slice %arg6[%arg0, %mul3A_10, %dma_wait3A_267] : memref<2x10240x128xf32, #tpu.memory_space<hbm>> -> memref<1x40x128xf32, #tpu.memory_space<hbm>>
    %dma_wait3A_269 = tpu.memref_squeeze %dma_wait3A_268 : memref<1x40x128xf32, #tpu.memory_space<hbm>> -> memref<40x128xf32, #tpu.memory_space<hbm>>
    %dma_wait3A_270 = arith.constant 0 : i32
    %dma_wait3A_271 = tpu.memref_slice %arg6[%arg0, %mul3A_10, %dma_wait3A_270] : memref<2x10240x128xf32, #tpu.memory_space<hbm>> -> memref<1x40x128xf32, #tpu.memory_space<hbm>>
    %dma_wait3A_272 = tpu.memref_squeeze %dma_wait3A_271 : memref<1x40x128xf32, #tpu.memory_space<hbm>> -> memref<40x128xf32, #tpu.memory_space<hbm>>
    tpu.wait_dma2 semaphore(%arg40 : memref<!tpu.dma_semaphore, #tpu.memory_space<semaphore_mem>>) src(%arg16 : memref<40x128xf32, #tpu.memory_space<vmem>>) dst(%dma_wait3A_272 : memref<40x128xf32, #tpu.memory_space<hbm>>)
    "tpu.region"() ({
      %run_scoped3A = tpu.sem_alloc : memref<!tpu.dma_semaphore, #tpu.memory_space<semaphore_mem>>
      %dma_start3A_445 = arith.constant 0 : i32
      %dma_start3A_446 = tpu.memref_slice %arg7[%add3A_266, %dma_start3A_445] : memref<10240x128xf32, #tpu.memory_space<vmem_shared>> -> memref<40x128xf32, #tpu.memory_space<vmem_shared>>
      %dma_start3A_447 = arith.constant 0 : i32
      %dma_start3A_448 = tpu.memref_slice %arg7[%add3A_266, %dma_start3A_447] : memref<10240x128xf32, #tpu.memory_space<vmem_shared>> -> memref<40x128xf32, #tpu.memory_space<vmem_shared>>
      tpu.enqueue_dma source(%dma_start3A_448 : memref<40x128xf32, #tpu.memory_space<vmem_shared>>) target(%arg16 : memref<40x128xf32, #tpu.memory_space<vmem>>) target_semaphore(%run_scoped3A : memref<!tpu.dma_semaphore, #tpu.memory_space<semaphore_mem>>)
      %dma_wait3A_449 = arith.constant 0 : i32
      %dma_wait3A_450 = tpu.memref_slice %arg7[%add3A_266, %dma_wait3A_449] : memref<10240x128xf32, #tpu.memory_space<vmem_shared>> -> memref<40x128xf32, #tpu.memory_space<vmem_shared>>
      %dma_wait3A_451 = arith.constant 0 : i32
      %dma_wait3A_452 = tpu.memref_slice %arg7[%add3A_266, %dma_wait3A_451] : memref<10240x128xf32, #tpu.memory_space<vmem_shared>> -> memref<40x128xf32, #tpu.memory_space<vmem_shared>>
      tpu.wait_dma2 semaphore(%run_scoped3A : memref<!tpu.dma_semaphore, #tpu.memory_space<semaphore_mem>>) src(%dma_wait3A_452 : memref<40x128xf32, #tpu.memory_space<vmem_shared>>) dst(%arg16 : memref<40x128xf32, #tpu.memory_space<vmem>>)
      tpu.yield
    }) : () -> ()
    %dma_start3A_273 = arith.constant 0 : i32
    %dma_start3A_274 = tpu.memref_slice %arg6[%arg0, %add3A_266, %dma_start3A_273] : memref<2x10240x128xf32, #tpu.memory_space<hbm>> -> memref<1x40x128xf32, #tpu.memory_space<hbm>>
    %dma_start3A_275 = tpu.memref_squeeze %dma_start3A_274 : memref<1x40x128xf32, #tpu.memory_space<hbm>> -> memref<40x128xf32, #tpu.memory_space<hbm>>
    %dma_start3A_276 = arith.constant 0 : i32
    %dma_start3A_277 = tpu.memref_slice %arg6[%arg0, %add3A_266, %dma_start3A_276] : memref<2x10240x128xf32, #tpu.memory_space<hbm>> -> memref<1x40x128xf32, #tpu.memory_space<hbm>>
    %dma_start3A_278 = tpu.memref_squeeze %dma_start3A_277 : memref<1x40x128xf32, #tpu.memory_space<hbm>> -> memref<40x128xf32, #tpu.memory_space<hbm>>
    tpu.enqueue_dma source(%arg16 : memref<40x128xf32, #tpu.memory_space<vmem>>) target(%dma_start3A_278 : memref<40x128xf32, #tpu.memory_space<hbm>>) target_semaphore(%arg40 : memref<!tpu.dma_semaphore, #tpu.memory_space<semaphore_mem>>)
    %add3A_279 = arith.constant 200 : i32
    %add3A_280 = arith.addi %mul3A_10, %add3A_279 : i32
    %dma_wait3A_281 = arith.constant 0 : i32
    %dma_wait3A_282 = tpu.memref_slice %arg6[%arg0, %mul3A_10, %dma_wait3A_281] : memref<2x10240x128xf32, #tpu.memory_space<hbm>> -> memref<1x40x128xf32, #tpu.memory_space<hbm>>
    %dma_wait3A_283 = tpu.memref_squeeze %dma_wait3A_282 : memref<1x40x128xf32, #tpu.memory_space<hbm>> -> memref<40x128xf32, #tpu.memory_space<hbm>>
    %dma_wait3A_284 = arith.constant 0 : i32
    %dma_wait3A_285 = tpu.memref_slice %arg6[%arg0, %mul3A_10, %dma_wait3A_284] : memref<2x10240x128xf32, #tpu.memory_space<hbm>> -> memref<1x40x128xf32, #tpu.memory_space<hbm>>
    %dma_wait3A_286 = tpu.memref_squeeze %dma_wait3A_285 : memref<1x40x128xf32, #tpu.memory_space<hbm>> -> memref<40x128xf32, #tpu.memory_space<hbm>>
    tpu.wait_dma2 semaphore(%arg41 : memref<!tpu.dma_semaphore, #tpu.memory_space<semaphore_mem>>) src(%arg17 : memref<40x128xf32, #tpu.memory_space<vmem>>) dst(%dma_wait3A_286 : memref<40x128xf32, #tpu.memory_space<hbm>>)
    "tpu.region"() ({
      %run_scoped3A = tpu.sem_alloc : memref<!tpu.dma_semaphore, #tpu.memory_space<semaphore_mem>>
      %dma_start3A_445 = arith.constant 0 : i32
      %dma_start3A_446 = tpu.memref_slice %arg7[%add3A_280, %dma_start3A_445] : memref<10240x128xf32, #tpu.memory_space<vmem_shared>> -> memref<40x128xf32, #tpu.memory_space<vmem_shared>>
      %dma_start3A_447 = arith.constant 0 : i32
      %dma_start3A_448 = tpu.memref_slice %arg7[%add3A_280, %dma_start3A_447] : memref<10240x128xf32, #tpu.memory_space<vmem_shared>> -> memref<40x128xf32, #tpu.memory_space<vmem_shared>>
      tpu.enqueue_dma source(%dma_start3A_448 : memref<40x128xf32, #tpu.memory_space<vmem_shared>>) target(%arg17 : memref<40x128xf32, #tpu.memory_space<vmem>>) target_semaphore(%run_scoped3A : memref<!tpu.dma_semaphore, #tpu.memory_space<semaphore_mem>>)
      %dma_wait3A_449 = arith.constant 0 : i32
      %dma_wait3A_450 = tpu.memref_slice %arg7[%add3A_280, %dma_wait3A_449] : memref<10240x128xf32, #tpu.memory_space<vmem_shared>> -> memref<40x128xf32, #tpu.memory_space<vmem_shared>>
      %dma_wait3A_451 = arith.constant 0 : i32
      %dma_wait3A_452 = tpu.memref_slice %arg7[%add3A_280, %dma_wait3A_451] : memref<10240x128xf32, #tpu.memory_space<vmem_shared>> -> memref<40x128xf32, #tpu.memory_space<vmem_shared>>
      tpu.wait_dma2 semaphore(%run_scoped3A : memref<!tpu.dma_semaphore, #tpu.memory_space<semaphore_mem>>) src(%dma_wait3A_452 : memref<40x128xf32, #tpu.memory_space<vmem_shared>>) dst(%arg17 : memref<40x128xf32, #tpu.memory_space<vmem>>)
      tpu.yield
    }) : () -> ()
    %dma_start3A_287 = arith.constant 0 : i32
    %dma_start3A_288 = tpu.memref_slice %arg6[%arg0, %add3A_280, %dma_start3A_287] : memref<2x10240x128xf32, #tpu.memory_space<hbm>> -> memref<1x40x128xf32, #tpu.memory_space<hbm>>
    %dma_start3A_289 = tpu.memref_squeeze %dma_start3A_288 : memref<1x40x128xf32, #tpu.memory_space<hbm>> -> memref<40x128xf32, #tpu.memory_space<hbm>>
    %dma_start3A_290 = arith.constant 0 : i32
    %dma_start3A_291 = tpu.memref_slice %arg6[%arg0, %add3A_280, %dma_start3A_290] : memref<2x10240x128xf32, #tpu.memory_space<hbm>> -> memref<1x40x128xf32, #tpu.memory_space<hbm>>
    %dma_start3A_292 = tpu.memref_squeeze %dma_start3A_291 : memref<1x40x128xf32, #tpu.memory_space<hbm>> -> memref<40x128xf32, #tpu.memory_space<hbm>>
    tpu.enqueue_dma source(%arg17 : memref<40x128xf32, #tpu.memory_space<vmem>>) target(%dma_start3A_292 : memref<40x128xf32, #tpu.memory_space<hbm>>) target_semaphore(%arg41 : memref<!tpu.dma_semaphore, #tpu.memory_space<semaphore_mem>>)
    %add3A_293 = arith.constant 240 : i32
    %add3A_294 = arith.addi %mul3A_10, %add3A_293 : i32
    %dma_wait3A_295 = arith.constant 0 : i32
    %dma_wait3A_296 = tpu.memref_slice %arg6[%arg0, %mul3A_10, %dma_wait3A_295] : memref<2x10240x128xf32, #tpu.memory_space<hbm>> -> memref<1x40x128xf32, #tpu.memory_space<hbm>>
    %dma_wait3A_297 = tpu.memref_squeeze %dma_wait3A_296 : memref<1x40x128xf32, #tpu.memory_space<hbm>> -> memref<40x128xf32, #tpu.memory_space<hbm>>
    %dma_wait3A_298 = arith.constant 0 : i32
    %dma_wait3A_299 = tpu.memref_slice %arg6[%arg0, %mul3A_10, %dma_wait3A_298] : memref<2x10240x128xf32, #tpu.memory_space<hbm>> -> memref<1x40x128xf32, #tpu.memory_space<hbm>>
    %dma_wait3A_300 = tpu.memref_squeeze %dma_wait3A_299 : memref<1x40x128xf32, #tpu.memory_space<hbm>> -> memref<40x128xf32, #tpu.memory_space<hbm>>
    tpu.wait_dma2 semaphore(%arg40 : memref<!tpu.dma_semaphore, #tpu.memory_space<semaphore_mem>>) src(%arg16 : memref<40x128xf32, #tpu.memory_space<vmem>>) dst(%dma_wait3A_300 : memref<40x128xf32, #tpu.memory_space<hbm>>)
    "tpu.region"() ({
      %run_scoped3A = tpu.sem_alloc : memref<!tpu.dma_semaphore, #tpu.memory_space<semaphore_mem>>
      %dma_start3A_445 = arith.constant 0 : i32
      %dma_start3A_446 = tpu.memref_slice %arg7[%add3A_294, %dma_start3A_445] : memref<10240x128xf32, #tpu.memory_space<vmem_shared>> -> memref<40x128xf32, #tpu.memory_space<vmem_shared>>
      %dma_start3A_447 = arith.constant 0 : i32
      %dma_start3A_448 = tpu.memref_slice %arg7[%add3A_294, %dma_start3A_447] : memref<10240x128xf32, #tpu.memory_space<vmem_shared>> -> memref<40x128xf32, #tpu.memory_space<vmem_shared>>
      tpu.enqueue_dma source(%dma_start3A_448 : memref<40x128xf32, #tpu.memory_space<vmem_shared>>) target(%arg16 : memref<40x128xf32, #tpu.memory_space<vmem>>) target_semaphore(%run_scoped3A : memref<!tpu.dma_semaphore, #tpu.memory_space<semaphore_mem>>)
      %dma_wait3A_449 = arith.constant 0 : i32
      %dma_wait3A_450 = tpu.memref_slice %arg7[%add3A_294, %dma_wait3A_449] : memref<10240x128xf32, #tpu.memory_space<vmem_shared>> -> memref<40x128xf32, #tpu.memory_space<vmem_shared>>
      %dma_wait3A_451 = arith.constant 0 : i32
      %dma_wait3A_452 = tpu.memref_slice %arg7[%add3A_294, %dma_wait3A_451] : memref<10240x128xf32, #tpu.memory_space<vmem_shared>> -> memref<40x128xf32, #tpu.memory_space<vmem_shared>>
      tpu.wait_dma2 semaphore(%run_scoped3A : memref<!tpu.dma_semaphore, #tpu.memory_space<semaphore_mem>>) src(%dma_wait3A_452 : memref<40x128xf32, #tpu.memory_space<vmem_shared>>) dst(%arg16 : memref<40x128xf32, #tpu.memory_space<vmem>>)
      tpu.yield
    }) : () -> ()
    %dma_start3A_301 = arith.constant 0 : i32
    %dma_start3A_302 = tpu.memref_slice %arg6[%arg0, %add3A_294, %dma_start3A_301] : memref<2x10240x128xf32, #tpu.memory_space<hbm>> -> memref<1x40x128xf32, #tpu.memory_space<hbm>>
    %dma_start3A_303 = tpu.memref_squeeze %dma_start3A_302 : memref<1x40x128xf32, #tpu.memory_space<hbm>> -> memref<40x128xf32, #tpu.memory_space<hbm>>
    %dma_start3A_304 = arith.constant 0 : i32
    %dma_start3A_305 = tpu.memref_slice %arg6[%arg0, %add3A_294, %dma_start3A_304] : memref<2x10240x128xf32, #tpu.memory_space<hbm>> -> memref<1x40x128xf32, #tpu.memory_space<hbm>>
    %dma_start3A_306 = tpu.memref_squeeze %dma_start3A_305 : memref<1x40x128xf32, #tpu.memory_space<hbm>> -> memref<40x128xf32, #tpu.memory_space<hbm>>
    tpu.enqueue_dma source(%arg16 : memref<40x128xf32, #tpu.memory_space<vmem>>) target(%dma_start3A_306 : memref<40x128xf32, #tpu.memory_space<hbm>>) target_semaphore(%arg40 : memref<!tpu.dma_semaphore, #tpu.memory_space<semaphore_mem>>)
    %add3A_307 = arith.constant 280 : i32
    %add3A_308 = arith.addi %mul3A_10, %add3A_307 : i32
    %dma_wait3A_309 = arith.constant 0 : i32
    %dma_wait3A_310 = tpu.memref_slice %arg6[%arg0, %mul3A_10, %dma_wait3A_309] : memref<2x10240x128xf32, #tpu.memory_space<hbm>> -> memref<1x40x128xf32, #tpu.memory_space<hbm>>
    %dma_wait3A_311 = tpu.memref_squeeze %dma_wait3A_310 : memref<1x40x128xf32, #tpu.memory_space<hbm>> -> memref<40x128xf32, #tpu.memory_space<hbm>>
    %dma_wait3A_312 = arith.constant 0 : i32
    %dma_wait3A_313 = tpu.memref_slice %arg6[%arg0, %mul3A_10, %dma_wait3A_312] : memref<2x10240x128xf32, #tpu.memory_space<hbm>> -> memref<1x40x128xf32, #tpu.memory_space<hbm>>
    %dma_wait3A_314 = tpu.memref_squeeze %dma_wait3A_313 : memref<1x40x128xf32, #tpu.memory_space<hbm>> -> memref<40x128xf32, #tpu.memory_space<hbm>>
    tpu.wait_dma2 semaphore(%arg41 : memref<!tpu.dma_semaphore, #tpu.memory_space<semaphore_mem>>) src(%arg17 : memref<40x128xf32, #tpu.memory_space<vmem>>) dst(%dma_wait3A_314 : memref<40x128xf32, #tpu.memory_space<hbm>>)
    "tpu.region"() ({
      %run_scoped3A = tpu.sem_alloc : memref<!tpu.dma_semaphore, #tpu.memory_space<semaphore_mem>>
      %dma_start3A_445 = arith.constant 0 : i32
      %dma_start3A_446 = tpu.memref_slice %arg7[%add3A_308, %dma_start3A_445] : memref<10240x128xf32, #tpu.memory_space<vmem_shared>> -> memref<40x128xf32, #tpu.memory_space<vmem_shared>>
      %dma_start3A_447 = arith.constant 0 : i32
      %dma_start3A_448 = tpu.memref_slice %arg7[%add3A_308, %dma_start3A_447] : memref<10240x128xf32, #tpu.memory_space<vmem_shared>> -> memref<40x128xf32, #tpu.memory_space<vmem_shared>>
      tpu.enqueue_dma source(%dma_start3A_448 : memref<40x128xf32, #tpu.memory_space<vmem_shared>>) target(%arg17 : memref<40x128xf32, #tpu.memory_space<vmem>>) target_semaphore(%run_scoped3A : memref<!tpu.dma_semaphore, #tpu.memory_space<semaphore_mem>>)
      %dma_wait3A_449 = arith.constant 0 : i32
      %dma_wait3A_450 = tpu.memref_slice %arg7[%add3A_308, %dma_wait3A_449] : memref<10240x128xf32, #tpu.memory_space<vmem_shared>> -> memref<40x128xf32, #tpu.memory_space<vmem_shared>>
      %dma_wait3A_451 = arith.constant 0 : i32
      %dma_wait3A_452 = tpu.memref_slice %arg7[%add3A_308, %dma_wait3A_451] : memref<10240x128xf32, #tpu.memory_space<vmem_shared>> -> memref<40x128xf32, #tpu.memory_space<vmem_shared>>
      tpu.wait_dma2 semaphore(%run_scoped3A : memref<!tpu.dma_semaphore, #tpu.memory_space<semaphore_mem>>) src(%dma_wait3A_452 : memref<40x128xf32, #tpu.memory_space<vmem_shared>>) dst(%arg17 : memref<40x128xf32, #tpu.memory_space<vmem>>)
      tpu.yield
    }) : () -> ()
    %dma_start3A_315 = arith.constant 0 : i32
    %dma_start3A_316 = tpu.memref_slice %arg6[%arg0, %add3A_308, %dma_start3A_315] : memref<2x10240x128xf32, #tpu.memory_space<hbm>> -> memref<1x40x128xf32, #tpu.memory_space<hbm>>
    %dma_start3A_317 = tpu.memref_squeeze %dma_start3A_316 : memref<1x40x128xf32, #tpu.memory_space<hbm>> -> memref<40x128xf32, #tpu.memory_space<hbm>>
    %dma_start3A_318 = arith.constant 0 : i32
    %dma_start3A_319 = tpu.memref_slice %arg6[%arg0, %add3A_308, %dma_start3A_318] : memref<2x10240x128xf32, #tpu.memory_space<hbm>> -> memref<1x40x128xf32, #tpu.memory_space<hbm>>
    %dma_start3A_320 = tpu.memref_squeeze %dma_start3A_319 : memref<1x40x128xf32, #tpu.memory_space<hbm>> -> memref<40x128xf32, #tpu.memory_space<hbm>>
    tpu.enqueue_dma source(%arg17 : memref<40x128xf32, #tpu.memory_space<vmem>>) target(%dma_start3A_320 : memref<40x128xf32, #tpu.memory_space<hbm>>) target_semaphore(%arg41 : memref<!tpu.dma_semaphore, #tpu.memory_space<semaphore_mem>>)
    %add3A_321 = arith.constant 320 : i32
    %add3A_322 = arith.addi %mul3A_10, %add3A_321 : i32
    %dma_wait3A_323 = arith.constant 0 : i32
    %dma_wait3A_324 = tpu.memref_slice %arg6[%arg0, %mul3A_10, %dma_wait3A_323] : memref<2x10240x128xf32, #tpu.memory_space<hbm>> -> memref<1x40x128xf32, #tpu.memory_space<hbm>>
    %dma_wait3A_325 = tpu.memref_squeeze %dma_wait3A_324 : memref<1x40x128xf32, #tpu.memory_space<hbm>> -> memref<40x128xf32, #tpu.memory_space<hbm>>
    %dma_wait3A_326 = arith.constant 0 : i32
    %dma_wait3A_327 = tpu.memref_slice %arg6[%arg0, %mul3A_10, %dma_wait3A_326] : memref<2x10240x128xf32, #tpu.memory_space<hbm>> -> memref<1x40x128xf32, #tpu.memory_space<hbm>>
    %dma_wait3A_328 = tpu.memref_squeeze %dma_wait3A_327 : memref<1x40x128xf32, #tpu.memory_space<hbm>> -> memref<40x128xf32, #tpu.memory_space<hbm>>
    tpu.wait_dma2 semaphore(%arg40 : memref<!tpu.dma_semaphore, #tpu.memory_space<semaphore_mem>>) src(%arg16 : memref<40x128xf32, #tpu.memory_space<vmem>>) dst(%dma_wait3A_328 : memref<40x128xf32, #tpu.memory_space<hbm>>)
    "tpu.region"() ({
      %run_scoped3A = tpu.sem_alloc : memref<!tpu.dma_semaphore, #tpu.memory_space<semaphore_mem>>
      %dma_start3A_445 = arith.constant 0 : i32
      %dma_start3A_446 = tpu.memref_slice %arg7[%add3A_322, %dma_start3A_445] : memref<10240x128xf32, #tpu.memory_space<vmem_shared>> -> memref<40x128xf32, #tpu.memory_space<vmem_shared>>
      %dma_start3A_447 = arith.constant 0 : i32
      %dma_start3A_448 = tpu.memref_slice %arg7[%add3A_322, %dma_start3A_447] : memref<10240x128xf32, #tpu.memory_space<vmem_shared>> -> memref<40x128xf32, #tpu.memory_space<vmem_shared>>
      tpu.enqueue_dma source(%dma_start3A_448 : memref<40x128xf32, #tpu.memory_space<vmem_shared>>) target(%arg16 : memref<40x128xf32, #tpu.memory_space<vmem>>) target_semaphore(%run_scoped3A : memref<!tpu.dma_semaphore, #tpu.memory_space<semaphore_mem>>)
      %dma_wait3A_449 = arith.constant 0 : i32
      %dma_wait3A_450 = tpu.memref_slice %arg7[%add3A_322, %dma_wait3A_449] : memref<10240x128xf32, #tpu.memory_space<vmem_shared>> -> memref<40x128xf32, #tpu.memory_space<vmem_shared>>
      %dma_wait3A_451 = arith.constant 0 : i32
      %dma_wait3A_452 = tpu.memref_slice %arg7[%add3A_322, %dma_wait3A_451] : memref<10240x128xf32, #tpu.memory_space<vmem_shared>> -> memref<40x128xf32, #tpu.memory_space<vmem_shared>>
      tpu.wait_dma2 semaphore(%run_scoped3A : memref<!tpu.dma_semaphore, #tpu.memory_space<semaphore_mem>>) src(%dma_wait3A_452 : memref<40x128xf32, #tpu.memory_space<vmem_shared>>) dst(%arg16 : memref<40x128xf32, #tpu.memory_space<vmem>>)
      tpu.yield
    }) : () -> ()
    %dma_start3A_329 = arith.constant 0 : i32
    %dma_start3A_330 = tpu.memref_slice %arg6[%arg0, %add3A_322, %dma_start3A_329] : memref<2x10240x128xf32, #tpu.memory_space<hbm>> -> memref<1x40x128xf32, #tpu.memory_space<hbm>>
    %dma_start3A_331 = tpu.memref_squeeze %dma_start3A_330 : memref<1x40x128xf32, #tpu.memory_space<hbm>> -> memref<40x128xf32, #tpu.memory_space<hbm>>
    %dma_start3A_332 = arith.constant 0 : i32
    %dma_start3A_333 = tpu.memref_slice %arg6[%arg0, %add3A_322, %dma_start3A_332] : memref<2x10240x128xf32, #tpu.memory_space<hbm>> -> memref<1x40x128xf32, #tpu.memory_space<hbm>>
    %dma_start3A_334 = tpu.memref_squeeze %dma_start3A_333 : memref<1x40x128xf32, #tpu.memory_space<hbm>> -> memref<40x128xf32, #tpu.memory_space<hbm>>
    tpu.enqueue_dma source(%arg16 : memref<40x128xf32, #tpu.memory_space<vmem>>) target(%dma_start3A_334 : memref<40x128xf32, #tpu.memory_space<hbm>>) target_semaphore(%arg40 : memref<!tpu.dma_semaphore, #tpu.memory_space<semaphore_mem>>)
    %add3A_335 = arith.constant 360 : i32
    %add3A_336 = arith.addi %mul3A_10, %add3A_335 : i32
    %dma_wait3A_337 = arith.constant 0 : i32
    %dma_wait3A_338 = tpu.memref_slice %arg6[%arg0, %mul3A_10, %dma_wait3A_337] : memref<2x10240x128xf32, #tpu.memory_space<hbm>> -> memref<1x40x128xf32, #tpu.memory_space<hbm>>
    %dma_wait3A_339 = tpu.memref_squeeze %dma_wait3A_338 : memref<1x40x128xf32, #tpu.memory_space<hbm>> -> memref<40x128xf32, #tpu.memory_space<hbm>>
    %dma_wait3A_340 = arith.constant 0 : i32
    %dma_wait3A_341 = tpu.memref_slice %arg6[%arg0, %mul3A_10, %dma_wait3A_340] : memref<2x10240x128xf32, #tpu.memory_space<hbm>> -> memref<1x40x128xf32, #tpu.memory_space<hbm>>
    %dma_wait3A_342 = tpu.memref_squeeze %dma_wait3A_341 : memref<1x40x128xf32, #tpu.memory_space<hbm>> -> memref<40x128xf32, #tpu.memory_space<hbm>>
    tpu.wait_dma2 semaphore(%arg41 : memref<!tpu.dma_semaphore, #tpu.memory_space<semaphore_mem>>) src(%arg17 : memref<40x128xf32, #tpu.memory_space<vmem>>) dst(%dma_wait3A_342 : memref<40x128xf32, #tpu.memory_space<hbm>>)
    "tpu.region"() ({
      %run_scoped3A = tpu.sem_alloc : memref<!tpu.dma_semaphore, #tpu.memory_space<semaphore_mem>>
      %dma_start3A_445 = arith.constant 0 : i32
      %dma_start3A_446 = tpu.memref_slice %arg7[%add3A_336, %dma_start3A_445] : memref<10240x128xf32, #tpu.memory_space<vmem_shared>> -> memref<40x128xf32, #tpu.memory_space<vmem_shared>>
      %dma_start3A_447 = arith.constant 0 : i32
      %dma_start3A_448 = tpu.memref_slice %arg7[%add3A_336, %dma_start3A_447] : memref<10240x128xf32, #tpu.memory_space<vmem_shared>> -> memref<40x128xf32, #tpu.memory_space<vmem_shared>>
      tpu.enqueue_dma source(%dma_start3A_448 : memref<40x128xf32, #tpu.memory_space<vmem_shared>>) target(%arg17 : memref<40x128xf32, #tpu.memory_space<vmem>>) target_semaphore(%run_scoped3A : memref<!tpu.dma_semaphore, #tpu.memory_space<semaphore_mem>>)
      %dma_wait3A_449 = arith.constant 0 : i32
      %dma_wait3A_450 = tpu.memref_slice %arg7[%add3A_336, %dma_wait3A_449] : memref<10240x128xf32, #tpu.memory_space<vmem_shared>> -> memref<40x128xf32, #tpu.memory_space<vmem_shared>>
      %dma_wait3A_451 = arith.constant 0 : i32
      %dma_wait3A_452 = tpu.memref_slice %arg7[%add3A_336, %dma_wait3A_451] : memref<10240x128xf32, #tpu.memory_space<vmem_shared>> -> memref<40x128xf32, #tpu.memory_space<vmem_shared>>
      tpu.wait_dma2 semaphore(%run_scoped3A : memref<!tpu.dma_semaphore, #tpu.memory_space<semaphore_mem>>) src(%dma_wait3A_452 : memref<40x128xf32, #tpu.memory_space<vmem_shared>>) dst(%arg17 : memref<40x128xf32, #tpu.memory_space<vmem>>)
      tpu.yield
    }) : () -> ()
    %dma_start3A_343 = arith.constant 0 : i32
    %dma_start3A_344 = tpu.memref_slice %arg6[%arg0, %add3A_336, %dma_start3A_343] : memref<2x10240x128xf32, #tpu.memory_space<hbm>> -> memref<1x40x128xf32, #tpu.memory_space<hbm>>
    %dma_start3A_345 = tpu.memref_squeeze %dma_start3A_344 : memref<1x40x128xf32, #tpu.memory_space<hbm>> -> memref<40x128xf32, #tpu.memory_space<hbm>>
    %dma_start3A_346 = arith.constant 0 : i32
    %dma_start3A_347 = tpu.memref_slice %arg6[%arg0, %add3A_336, %dma_start3A_346] : memref<2x10240x128xf32, #tpu.memory_space<hbm>> -> memref<1x40x128xf32, #tpu.memory_space<hbm>>
    %dma_start3A_348 = tpu.memref_squeeze %dma_start3A_347 : memref<1x40x128xf32, #tpu.memory_space<hbm>> -> memref<40x128xf32, #tpu.memory_space<hbm>>
    tpu.enqueue_dma source(%arg17 : memref<40x128xf32, #tpu.memory_space<vmem>>) target(%dma_start3A_348 : memref<40x128xf32, #tpu.memory_space<hbm>>) target_semaphore(%arg41 : memref<!tpu.dma_semaphore, #tpu.memory_space<semaphore_mem>>)
    %add3A_349 = arith.constant 400 : i32
    %add3A_350 = arith.addi %mul3A_10, %add3A_349 : i32
    %dma_wait3A_351 = arith.constant 0 : i32
    %dma_wait3A_352 = tpu.memref_slice %arg6[%arg0, %mul3A_10, %dma_wait3A_351] : memref<2x10240x128xf32, #tpu.memory_space<hbm>> -> memref<1x40x128xf32, #tpu.memory_space<hbm>>
    %dma_wait3A_353 = tpu.memref_squeeze %dma_wait3A_352 : memref<1x40x128xf32, #tpu.memory_space<hbm>> -> memref<40x128xf32, #tpu.memory_space<hbm>>
    %dma_wait3A_354 = arith.constant 0 : i32
    %dma_wait3A_355 = tpu.memref_slice %arg6[%arg0, %mul3A_10, %dma_wait3A_354] : memref<2x10240x128xf32, #tpu.memory_space<hbm>> -> memref<1x40x128xf32, #tpu.memory_space<hbm>>
    %dma_wait3A_356 = tpu.memref_squeeze %dma_wait3A_355 : memref<1x40x128xf32, #tpu.memory_space<hbm>> -> memref<40x128xf32, #tpu.memory_space<hbm>>
    tpu.wait_dma2 semaphore(%arg40 : memref<!tpu.dma_semaphore, #tpu.memory_space<semaphore_mem>>) src(%arg16 : memref<40x128xf32, #tpu.memory_space<vmem>>) dst(%dma_wait3A_356 : memref<40x128xf32, #tpu.memory_space<hbm>>)
    "tpu.region"() ({
      %run_scoped3A = tpu.sem_alloc : memref<!tpu.dma_semaphore, #tpu.memory_space<semaphore_mem>>
      %dma_start3A_445 = arith.constant 0 : i32
      %dma_start3A_446 = tpu.memref_slice %arg7[%add3A_350, %dma_start3A_445] : memref<10240x128xf32, #tpu.memory_space<vmem_shared>> -> memref<40x128xf32, #tpu.memory_space<vmem_shared>>
      %dma_start3A_447 = arith.constant 0 : i32
      %dma_start3A_448 = tpu.memref_slice %arg7[%add3A_350, %dma_start3A_447] : memref<10240x128xf32, #tpu.memory_space<vmem_shared>> -> memref<40x128xf32, #tpu.memory_space<vmem_shared>>
      tpu.enqueue_dma source(%dma_start3A_448 : memref<40x128xf32, #tpu.memory_space<vmem_shared>>) target(%arg16 : memref<40x128xf32, #tpu.memory_space<vmem>>) target_semaphore(%run_scoped3A : memref<!tpu.dma_semaphore, #tpu.memory_space<semaphore_mem>>)
      %dma_wait3A_449 = arith.constant 0 : i32
      %dma_wait3A_450 = tpu.memref_slice %arg7[%add3A_350, %dma_wait3A_449] : memref<10240x128xf32, #tpu.memory_space<vmem_shared>> -> memref<40x128xf32, #tpu.memory_space<vmem_shared>>
      %dma_wait3A_451 = arith.constant 0 : i32
      %dma_wait3A_452 = tpu.memref_slice %arg7[%add3A_350, %dma_wait3A_451] : memref<10240x128xf32, #tpu.memory_space<vmem_shared>> -> memref<40x128xf32, #tpu.memory_space<vmem_shared>>
      tpu.wait_dma2 semaphore(%run_scoped3A : memref<!tpu.dma_semaphore, #tpu.memory_space<semaphore_mem>>) src(%dma_wait3A_452 : memref<40x128xf32, #tpu.memory_space<vmem_shared>>) dst(%arg16 : memref<40x128xf32, #tpu.memory_space<vmem>>)
      tpu.yield
    }) : () -> ()
    %dma_start3A_357 = arith.constant 0 : i32
    %dma_start3A_358 = tpu.memref_slice %arg6[%arg0, %add3A_350, %dma_start3A_357] : memref<2x10240x128xf32, #tpu.memory_space<hbm>> -> memref<1x40x128xf32, #tpu.memory_space<hbm>>
    %dma_start3A_359 = tpu.memref_squeeze %dma_start3A_358 : memref<1x40x128xf32, #tpu.memory_space<hbm>> -> memref<40x128xf32, #tpu.memory_space<hbm>>
    %dma_start3A_360 = arith.constant 0 : i32
    %dma_start3A_361 = tpu.memref_slice %arg6[%arg0, %add3A_350, %dma_start3A_360] : memref<2x10240x128xf32, #tpu.memory_space<hbm>> -> memref<1x40x128xf32, #tpu.memory_space<hbm>>
    %dma_start3A_362 = tpu.memref_squeeze %dma_start3A_361 : memref<1x40x128xf32, #tpu.memory_space<hbm>> -> memref<40x128xf32, #tpu.memory_space<hbm>>
    tpu.enqueue_dma source(%arg16 : memref<40x128xf32, #tpu.memory_space<vmem>>) target(%dma_start3A_362 : memref<40x128xf32, #tpu.memory_space<hbm>>) target_semaphore(%arg40 : memref<!tpu.dma_semaphore, #tpu.memory_space<semaphore_mem>>)
    %add3A_363 = arith.constant 440 : i32
    %add3A_364 = arith.addi %mul3A_10, %add3A_363 : i32
    %dma_wait3A_365 = arith.constant 0 : i32
    %dma_wait3A_366 = tpu.memref_slice %arg6[%arg0, %mul3A_10, %dma_wait3A_365] : memref<2x10240x128xf32, #tpu.memory_space<hbm>> -> memref<1x40x128xf32, #tpu.memory_space<hbm>>
    %dma_wait3A_367 = tpu.memref_squeeze %dma_wait3A_366 : memref<1x40x128xf32, #tpu.memory_space<hbm>> -> memref<40x128xf32, #tpu.memory_space<hbm>>
    %dma_wait3A_368 = arith.constant 0 : i32
    %dma_wait3A_369 = tpu.memref_slice %arg6[%arg0, %mul3A_10, %dma_wait3A_368] : memref<2x10240x128xf32, #tpu.memory_space<hbm>> -> memref<1x40x128xf32, #tpu.memory_space<hbm>>
    %dma_wait3A_370 = tpu.memref_squeeze %dma_wait3A_369 : memref<1x40x128xf32, #tpu.memory_space<hbm>> -> memref<40x128xf32, #tpu.memory_space<hbm>>
    tpu.wait_dma2 semaphore(%arg41 : memref<!tpu.dma_semaphore, #tpu.memory_space<semaphore_mem>>) src(%arg17 : memref<40x128xf32, #tpu.memory_space<vmem>>) dst(%dma_wait3A_370 : memref<40x128xf32, #tpu.memory_space<hbm>>)
    "tpu.region"() ({
      %run_scoped3A = tpu.sem_alloc : memref<!tpu.dma_semaphore, #tpu.memory_space<semaphore_mem>>
      %dma_start3A_445 = arith.constant 0 : i32
      %dma_start3A_446 = tpu.memref_slice %arg7[%add3A_364, %dma_start3A_445] : memref<10240x128xf32, #tpu.memory_space<vmem_shared>> -> memref<40x128xf32, #tpu.memory_space<vmem_shared>>
      %dma_start3A_447 = arith.constant 0 : i32
      %dma_start3A_448 = tpu.memref_slice %arg7[%add3A_364, %dma_start3A_447] : memref<10240x128xf32, #tpu.memory_space<vmem_shared>> -> memref<40x128xf32, #tpu.memory_space<vmem_shared>>
      tpu.enqueue_dma source(%dma_start3A_448 : memref<40x128xf32, #tpu.memory_space<vmem_shared>>) target(%arg17 : memref<40x128xf32, #tpu.memory_space<vmem>>) target_semaphore(%run_scoped3A : memref<!tpu.dma_semaphore, #tpu.memory_space<semaphore_mem>>)
      %dma_wait3A_449 = arith.constant 0 : i32
      %dma_wait3A_450 = tpu.memref_slice %arg7[%add3A_364, %dma_wait3A_449] : memref<10240x128xf32, #tpu.memory_space<vmem_shared>> -> memref<40x128xf32, #tpu.memory_space<vmem_shared>>
      %dma_wait3A_451 = arith.constant 0 : i32
      %dma_wait3A_452 = tpu.memref_slice %arg7[%add3A_364, %dma_wait3A_451] : memref<10240x128xf32, #tpu.memory_space<vmem_shared>> -> memref<40x128xf32, #tpu.memory_space<vmem_shared>>
      tpu.wait_dma2 semaphore(%run_scoped3A : memref<!tpu.dma_semaphore, #tpu.memory_space<semaphore_mem>>) src(%dma_wait3A_452 : memref<40x128xf32, #tpu.memory_space<vmem_shared>>) dst(%arg17 : memref<40x128xf32, #tpu.memory_space<vmem>>)
      tpu.yield
    }) : () -> ()
    %dma_start3A_371 = arith.constant 0 : i32
    %dma_start3A_372 = tpu.memref_slice %arg6[%arg0, %add3A_364, %dma_start3A_371] : memref<2x10240x128xf32, #tpu.memory_space<hbm>> -> memref<1x40x128xf32, #tpu.memory_space<hbm>>
    %dma_start3A_373 = tpu.memref_squeeze %dma_start3A_372 : memref<1x40x128xf32, #tpu.memory_space<hbm>> -> memref<40x128xf32, #tpu.memory_space<hbm>>
    %dma_start3A_374 = arith.constant 0 : i32
    %dma_start3A_375 = tpu.memref_slice %arg6[%arg0, %add3A_364, %dma_start3A_374] : memref<2x10240x128xf32, #tpu.memory_space<hbm>> -> memref<1x40x128xf32, #tpu.memory_space<hbm>>
    %dma_start3A_376 = tpu.memref_squeeze %dma_start3A_375 : memref<1x40x128xf32, #tpu.memory_space<hbm>> -> memref<40x128xf32, #tpu.memory_space<hbm>>
    tpu.enqueue_dma source(%arg17 : memref<40x128xf32, #tpu.memory_space<vmem>>) target(%dma_start3A_376 : memref<40x128xf32, #tpu.memory_space<hbm>>) target_semaphore(%arg41 : memref<!tpu.dma_semaphore, #tpu.memory_space<semaphore_mem>>)
    %add3A_377 = arith.constant 480 : i32
    %add3A_378 = arith.addi %mul3A_10, %add3A_377 : i32
    %dma_wait3A_379 = arith.constant 0 : i32
    %dma_wait3A_380 = tpu.memref_slice %arg6[%arg0, %mul3A_10, %dma_wait3A_379] : memref<2x10240x128xf32, #tpu.memory_space<hbm>> -> memref<1x40x128xf32, #tpu.memory_space<hbm>>
    %dma_wait3A_381 = tpu.memref_squeeze %dma_wait3A_380 : memref<1x40x128xf32, #tpu.memory_space<hbm>> -> memref<40x128xf32, #tpu.memory_space<hbm>>
    %dma_wait3A_382 = arith.constant 0 : i32
    %dma_wait3A_383 = tpu.memref_slice %arg6[%arg0, %mul3A_10, %dma_wait3A_382] : memref<2x10240x128xf32, #tpu.memory_space<hbm>> -> memref<1x40x128xf32, #tpu.memory_space<hbm>>
    %dma_wait3A_384 = tpu.memref_squeeze %dma_wait3A_383 : memref<1x40x128xf32, #tpu.memory_space<hbm>> -> memref<40x128xf32, #tpu.memory_space<hbm>>
    tpu.wait_dma2 semaphore(%arg40 : memref<!tpu.dma_semaphore, #tpu.memory_space<semaphore_mem>>) src(%arg16 : memref<40x128xf32, #tpu.memory_space<vmem>>) dst(%dma_wait3A_384 : memref<40x128xf32, #tpu.memory_space<hbm>>)
    "tpu.region"() ({
      %run_scoped3A = tpu.sem_alloc : memref<!tpu.dma_semaphore, #tpu.memory_space<semaphore_mem>>
      %dma_start3A_445 = arith.constant 0 : i32
      %dma_start3A_446 = tpu.memref_slice %arg7[%add3A_378, %dma_start3A_445] : memref<10240x128xf32, #tpu.memory_space<vmem_shared>> -> memref<40x128xf32, #tpu.memory_space<vmem_shared>>
      %dma_start3A_447 = arith.constant 0 : i32
      %dma_start3A_448 = tpu.memref_slice %arg7[%add3A_378, %dma_start3A_447] : memref<10240x128xf32, #tpu.memory_space<vmem_shared>> -> memref<40x128xf32, #tpu.memory_space<vmem_shared>>
      tpu.enqueue_dma source(%dma_start3A_448 : memref<40x128xf32, #tpu.memory_space<vmem_shared>>) target(%arg16 : memref<40x128xf32, #tpu.memory_space<vmem>>) target_semaphore(%run_scoped3A : memref<!tpu.dma_semaphore, #tpu.memory_space<semaphore_mem>>)
      %dma_wait3A_449 = arith.constant 0 : i32
      %dma_wait3A_450 = tpu.memref_slice %arg7[%add3A_378, %dma_wait3A_449] : memref<10240x128xf32, #tpu.memory_space<vmem_shared>> -> memref<40x128xf32, #tpu.memory_space<vmem_shared>>
      %dma_wait3A_451 = arith.constant 0 : i32
      %dma_wait3A_452 = tpu.memref_slice %arg7[%add3A_378, %dma_wait3A_451] : memref<10240x128xf32, #tpu.memory_space<vmem_shared>> -> memref<40x128xf32, #tpu.memory_space<vmem_shared>>
      tpu.wait_dma2 semaphore(%run_scoped3A : memref<!tpu.dma_semaphore, #tpu.memory_space<semaphore_mem>>) src(%dma_wait3A_452 : memref<40x128xf32, #tpu.memory_space<vmem_shared>>) dst(%arg16 : memref<40x128xf32, #tpu.memory_space<vmem>>)
      tpu.yield
    }) : () -> ()
    %dma_start3A_385 = arith.constant 0 : i32
    %dma_start3A_386 = tpu.memref_slice %arg6[%arg0, %add3A_378, %dma_start3A_385] : memref<2x10240x128xf32, #tpu.memory_space<hbm>> -> memref<1x40x128xf32, #tpu.memory_space<hbm>>
    %dma_start3A_387 = tpu.memref_squeeze %dma_start3A_386 : memref<1x40x128xf32, #tpu.memory_space<hbm>> -> memref<40x128xf32, #tpu.memory_space<hbm>>
    %dma_start3A_388 = arith.constant 0 : i32
    %dma_start3A_389 = tpu.memref_slice %arg6[%arg0, %add3A_378, %dma_start3A_388] : memref<2x10240x128xf32, #tpu.memory_space<hbm>> -> memref<1x40x128xf32, #tpu.memory_space<hbm>>
    %dma_start3A_390 = tpu.memref_squeeze %dma_start3A_389 : memref<1x40x128xf32, #tpu.memory_space<hbm>> -> memref<40x128xf32, #tpu.memory_space<hbm>>
    tpu.enqueue_dma source(%arg16 : memref<40x128xf32, #tpu.memory_space<vmem>>) target(%dma_start3A_390 : memref<40x128xf32, #tpu.memory_space<hbm>>) target_semaphore(%arg40 : memref<!tpu.dma_semaphore, #tpu.memory_space<semaphore_mem>>)
    %add3A_391 = arith.constant 520 : i32
    %add3A_392 = arith.addi %mul3A_10, %add3A_391 : i32
    %dma_wait3A_393 = arith.constant 0 : i32
    %dma_wait3A_394 = tpu.memref_slice %arg6[%arg0, %mul3A_10, %dma_wait3A_393] : memref<2x10240x128xf32, #tpu.memory_space<hbm>> -> memref<1x40x128xf32, #tpu.memory_space<hbm>>
    %dma_wait3A_395 = tpu.memref_squeeze %dma_wait3A_394 : memref<1x40x128xf32, #tpu.memory_space<hbm>> -> memref<40x128xf32, #tpu.memory_space<hbm>>
    %dma_wait3A_396 = arith.constant 0 : i32
    %dma_wait3A_397 = tpu.memref_slice %arg6[%arg0, %mul3A_10, %dma_wait3A_396] : memref<2x10240x128xf32, #tpu.memory_space<hbm>> -> memref<1x40x128xf32, #tpu.memory_space<hbm>>
    %dma_wait3A_398 = tpu.memref_squeeze %dma_wait3A_397 : memref<1x40x128xf32, #tpu.memory_space<hbm>> -> memref<40x128xf32, #tpu.memory_space<hbm>>
    tpu.wait_dma2 semaphore(%arg41 : memref<!tpu.dma_semaphore, #tpu.memory_space<semaphore_mem>>) src(%arg17 : memref<40x128xf32, #tpu.memory_space<vmem>>) dst(%dma_wait3A_398 : memref<40x128xf32, #tpu.memory_space<hbm>>)
    "tpu.region"() ({
      %run_scoped3A = tpu.sem_alloc : memref<!tpu.dma_semaphore, #tpu.memory_space<semaphore_mem>>
      %dma_start3A_445 = arith.constant 0 : i32
      %dma_start3A_446 = tpu.memref_slice %arg7[%add3A_392, %dma_start3A_445] : memref<10240x128xf32, #tpu.memory_space<vmem_shared>> -> memref<40x128xf32, #tpu.memory_space<vmem_shared>>
      %dma_start3A_447 = arith.constant 0 : i32
      %dma_start3A_448 = tpu.memref_slice %arg7[%add3A_392, %dma_start3A_447] : memref<10240x128xf32, #tpu.memory_space<vmem_shared>> -> memref<40x128xf32, #tpu.memory_space<vmem_shared>>
      tpu.enqueue_dma source(%dma_start3A_448 : memref<40x128xf32, #tpu.memory_space<vmem_shared>>) target(%arg17 : memref<40x128xf32, #tpu.memory_space<vmem>>) target_semaphore(%run_scoped3A : memref<!tpu.dma_semaphore, #tpu.memory_space<semaphore_mem>>)
      %dma_wait3A_449 = arith.constant 0 : i32
      %dma_wait3A_450 = tpu.memref_slice %arg7[%add3A_392, %dma_wait3A_449] : memref<10240x128xf32, #tpu.memory_space<vmem_shared>> -> memref<40x128xf32, #tpu.memory_space<vmem_shared>>
      %dma_wait3A_451 = arith.constant 0 : i32
      %dma_wait3A_452 = tpu.memref_slice %arg7[%add3A_392, %dma_wait3A_451] : memref<10240x128xf32, #tpu.memory_space<vmem_shared>> -> memref<40x128xf32, #tpu.memory_space<vmem_shared>>
      tpu.wait_dma2 semaphore(%run_scoped3A : memref<!tpu.dma_semaphore, #tpu.memory_space<semaphore_mem>>) src(%dma_wait3A_452 : memref<40x128xf32, #tpu.memory_space<vmem_shared>>) dst(%arg17 : memref<40x128xf32, #tpu.memory_space<vmem>>)
      tpu.yield
    }) : () -> ()
    %dma_start3A_399 = arith.constant 0 : i32
    %dma_start3A_400 = tpu.memref_slice %arg6[%arg0, %add3A_392, %dma_start3A_399] : memref<2x10240x128xf32, #tpu.memory_space<hbm>> -> memref<1x40x128xf32, #tpu.memory_space<hbm>>
    %dma_start3A_401 = tpu.memref_squeeze %dma_start3A_400 : memref<1x40x128xf32, #tpu.memory_space<hbm>> -> memref<40x128xf32, #tpu.memory_space<hbm>>
    %dma_start3A_402 = arith.constant 0 : i32
    %dma_start3A_403 = tpu.memref_slice %arg6[%arg0, %add3A_392, %dma_start3A_402] : memref<2x10240x128xf32, #tpu.memory_space<hbm>> -> memref<1x40x128xf32, #tpu.memory_space<hbm>>
    %dma_start3A_404 = tpu.memref_squeeze %dma_start3A_403 : memref<1x40x128xf32, #tpu.memory_space<hbm>> -> memref<40x128xf32, #tpu.memory_space<hbm>>
    tpu.enqueue_dma source(%arg17 : memref<40x128xf32, #tpu.memory_space<vmem>>) target(%dma_start3A_404 : memref<40x128xf32, #tpu.memory_space<hbm>>) target_semaphore(%arg41 : memref<!tpu.dma_semaphore, #tpu.memory_space<semaphore_mem>>)
    %add3A_405 = arith.constant 560 : i32
    %add3A_406 = arith.addi %mul3A_10, %add3A_405 : i32
    %dma_wait3A_407 = arith.constant 0 : i32
    %dma_wait3A_408 = tpu.memref_slice %arg6[%arg0, %mul3A_10, %dma_wait3A_407] : memref<2x10240x128xf32, #tpu.memory_space<hbm>> -> memref<1x40x128xf32, #tpu.memory_space<hbm>>
    %dma_wait3A_409 = tpu.memref_squeeze %dma_wait3A_408 : memref<1x40x128xf32, #tpu.memory_space<hbm>> -> memref<40x128xf32, #tpu.memory_space<hbm>>
    %dma_wait3A_410 = arith.constant 0 : i32
    %dma_wait3A_411 = tpu.memref_slice %arg6[%arg0, %mul3A_10, %dma_wait3A_410] : memref<2x10240x128xf32, #tpu.memory_space<hbm>> -> memref<1x40x128xf32, #tpu.memory_space<hbm>>
    %dma_wait3A_412 = tpu.memref_squeeze %dma_wait3A_411 : memref<1x40x128xf32, #tpu.memory_space<hbm>> -> memref<40x128xf32, #tpu.memory_space<hbm>>
    tpu.wait_dma2 semaphore(%arg40 : memref<!tpu.dma_semaphore, #tpu.memory_space<semaphore_mem>>) src(%arg16 : memref<40x128xf32, #tpu.memory_space<vmem>>) dst(%dma_wait3A_412 : memref<40x128xf32, #tpu.memory_space<hbm>>)
    "tpu.region"() ({
      %run_scoped3A = tpu.sem_alloc : memref<!tpu.dma_semaphore, #tpu.memory_space<semaphore_mem>>
      %dma_start3A_445 = arith.constant 0 : i32
      %dma_start3A_446 = tpu.memref_slice %arg7[%add3A_406, %dma_start3A_445] : memref<10240x128xf32, #tpu.memory_space<vmem_shared>> -> memref<40x128xf32, #tpu.memory_space<vmem_shared>>
      %dma_start3A_447 = arith.constant 0 : i32
      %dma_start3A_448 = tpu.memref_slice %arg7[%add3A_406, %dma_start3A_447] : memref<10240x128xf32, #tpu.memory_space<vmem_shared>> -> memref<40x128xf32, #tpu.memory_space<vmem_shared>>
      tpu.enqueue_dma source(%dma_start3A_448 : memref<40x128xf32, #tpu.memory_space<vmem_shared>>) target(%arg16 : memref<40x128xf32, #tpu.memory_space<vmem>>) target_semaphore(%run_scoped3A : memref<!tpu.dma_semaphore, #tpu.memory_space<semaphore_mem>>)
      %dma_wait3A_449 = arith.constant 0 : i32
      %dma_wait3A_450 = tpu.memref_slice %arg7[%add3A_406, %dma_wait3A_449] : memref<10240x128xf32, #tpu.memory_space<vmem_shared>> -> memref<40x128xf32, #tpu.memory_space<vmem_shared>>
      %dma_wait3A_451 = arith.constant 0 : i32
      %dma_wait3A_452 = tpu.memref_slice %arg7[%add3A_406, %dma_wait3A_451] : memref<10240x128xf32, #tpu.memory_space<vmem_shared>> -> memref<40x128xf32, #tpu.memory_space<vmem_shared>>
      tpu.wait_dma2 semaphore(%run_scoped3A : memref<!tpu.dma_semaphore, #tpu.memory_space<semaphore_mem>>) src(%dma_wait3A_452 : memref<40x128xf32, #tpu.memory_space<vmem_shared>>) dst(%arg16 : memref<40x128xf32, #tpu.memory_space<vmem>>)
      tpu.yield
    }) : () -> ()
    %dma_start3A_413 = arith.constant 0 : i32
    %dma_start3A_414 = tpu.memref_slice %arg6[%arg0, %add3A_406, %dma_start3A_413] : memref<2x10240x128xf32, #tpu.memory_space<hbm>> -> memref<1x40x128xf32, #tpu.memory_space<hbm>>
    %dma_start3A_415 = tpu.memref_squeeze %dma_start3A_414 : memref<1x40x128xf32, #tpu.memory_space<hbm>> -> memref<40x128xf32, #tpu.memory_space<hbm>>
    %dma_start3A_416 = arith.constant 0 : i32
    %dma_start3A_417 = tpu.memref_slice %arg6[%arg0, %add3A_406, %dma_start3A_416] : memref<2x10240x128xf32, #tpu.memory_space<hbm>> -> memref<1x40x128xf32, #tpu.memory_space<hbm>>
    %dma_start3A_418 = tpu.memref_squeeze %dma_start3A_417 : memref<1x40x128xf32, #tpu.memory_space<hbm>> -> memref<40x128xf32, #tpu.memory_space<hbm>>
    tpu.enqueue_dma source(%arg16 : memref<40x128xf32, #tpu.memory_space<vmem>>) target(%dma_start3A_418 : memref<40x128xf32, #tpu.memory_space<hbm>>) target_semaphore(%arg40 : memref<!tpu.dma_semaphore, #tpu.memory_space<semaphore_mem>>)
    %add3A_419 = arith.constant 600 : i32
    %add3A_420 = arith.addi %mul3A_10, %add3A_419 : i32
    %dma_wait3A_421 = arith.constant 0 : i32
    %dma_wait3A_422 = tpu.memref_slice %arg6[%arg0, %mul3A_10, %dma_wait3A_421] : memref<2x10240x128xf32, #tpu.memory_space<hbm>> -> memref<1x40x128xf32, #tpu.memory_space<hbm>>
    %dma_wait3A_423 = tpu.memref_squeeze %dma_wait3A_422 : memref<1x40x128xf32, #tpu.memory_space<hbm>> -> memref<40x128xf32, #tpu.memory_space<hbm>>
    %dma_wait3A_424 = arith.constant 0 : i32
    %dma_wait3A_425 = tpu.memref_slice %arg6[%arg0, %mul3A_10, %dma_wait3A_424] : memref<2x10240x128xf32, #tpu.memory_space<hbm>> -> memref<1x40x128xf32, #tpu.memory_space<hbm>>
    %dma_wait3A_426 = tpu.memref_squeeze %dma_wait3A_425 : memref<1x40x128xf32, #tpu.memory_space<hbm>> -> memref<40x128xf32, #tpu.memory_space<hbm>>
    tpu.wait_dma2 semaphore(%arg41 : memref<!tpu.dma_semaphore, #tpu.memory_space<semaphore_mem>>) src(%arg17 : memref<40x128xf32, #tpu.memory_space<vmem>>) dst(%dma_wait3A_426 : memref<40x128xf32, #tpu.memory_space<hbm>>)
    "tpu.region"() ({
      %run_scoped3A = tpu.sem_alloc : memref<!tpu.dma_semaphore, #tpu.memory_space<semaphore_mem>>
      %dma_start3A_445 = arith.constant 0 : i32
      %dma_start3A_446 = tpu.memref_slice %arg7[%add3A_420, %dma_start3A_445] : memref<10240x128xf32, #tpu.memory_space<vmem_shared>> -> memref<40x128xf32, #tpu.memory_space<vmem_shared>>
      %dma_start3A_447 = arith.constant 0 : i32
      %dma_start3A_448 = tpu.memref_slice %arg7[%add3A_420, %dma_start3A_447] : memref<10240x128xf32, #tpu.memory_space<vmem_shared>> -> memref<40x128xf32, #tpu.memory_space<vmem_shared>>
      tpu.enqueue_dma source(%dma_start3A_448 : memref<40x128xf32, #tpu.memory_space<vmem_shared>>) target(%arg17 : memref<40x128xf32, #tpu.memory_space<vmem>>) target_semaphore(%run_scoped3A : memref<!tpu.dma_semaphore, #tpu.memory_space<semaphore_mem>>)
      %dma_wait3A_449 = arith.constant 0 : i32
      %dma_wait3A_450 = tpu.memref_slice %arg7[%add3A_420, %dma_wait3A_449] : memref<10240x128xf32, #tpu.memory_space<vmem_shared>> -> memref<40x128xf32, #tpu.memory_space<vmem_shared>>
      %dma_wait3A_451 = arith.constant 0 : i32
      %dma_wait3A_452 = tpu.memref_slice %arg7[%add3A_420, %dma_wait3A_451] : memref<10240x128xf32, #tpu.memory_space<vmem_shared>> -> memref<40x128xf32, #tpu.memory_space<vmem_shared>>
      tpu.wait_dma2 semaphore(%run_scoped3A : memref<!tpu.dma_semaphore, #tpu.memory_space<semaphore_mem>>) src(%dma_wait3A_452 : memref<40x128xf32, #tpu.memory_space<vmem_shared>>) dst(%arg17 : memref<40x128xf32, #tpu.memory_space<vmem>>)
      tpu.yield
    }) : () -> ()
    %dma_start3A_427 = arith.constant 0 : i32
    %dma_start3A_428 = tpu.memref_slice %arg6[%arg0, %add3A_420, %dma_start3A_427] : memref<2x10240x128xf32, #tpu.memory_space<hbm>> -> memref<1x40x128xf32, #tpu.memory_space<hbm>>
    %dma_start3A_429 = tpu.memref_squeeze %dma_start3A_428 : memref<1x40x128xf32, #tpu.memory_space<hbm>> -> memref<40x128xf32, #tpu.memory_space<hbm>>
    %dma_start3A_430 = arith.constant 0 : i32
    %dma_start3A_431 = tpu.memref_slice %arg6[%arg0, %add3A_420, %dma_start3A_430] : memref<2x10240x128xf32, #tpu.memory_space<hbm>> -> memref<1x40x128xf32, #tpu.memory_space<hbm>>
    %dma_start3A_432 = tpu.memref_squeeze %dma_start3A_431 : memref<1x40x128xf32, #tpu.memory_space<hbm>> -> memref<40x128xf32, #tpu.memory_space<hbm>>
    tpu.enqueue_dma source(%arg17 : memref<40x128xf32, #tpu.memory_space<vmem>>) target(%dma_start3A_432 : memref<40x128xf32, #tpu.memory_space<hbm>>) target_semaphore(%arg41 : memref<!tpu.dma_semaphore, #tpu.memory_space<semaphore_mem>>)
    %dma_wait3A_433 = arith.constant 0 : i32
    %dma_wait3A_434 = tpu.memref_slice %arg6[%arg0, %mul3A_10, %dma_wait3A_433] : memref<2x10240x128xf32, #tpu.memory_space<hbm>> -> memref<1x40x128xf32, #tpu.memory_space<hbm>>
    %dma_wait3A_435 = tpu.memref_squeeze %dma_wait3A_434 : memref<1x40x128xf32, #tpu.memory_space<hbm>> -> memref<40x128xf32, #tpu.memory_space<hbm>>
    %dma_wait3A_436 = arith.constant 0 : i32
    %dma_wait3A_437 = tpu.memref_slice %arg6[%arg0, %mul3A_10, %dma_wait3A_436] : memref<2x10240x128xf32, #tpu.memory_space<hbm>> -> memref<1x40x128xf32, #tpu.memory_space<hbm>>
    %dma_wait3A_438 = tpu.memref_squeeze %dma_wait3A_437 : memref<1x40x128xf32, #tpu.memory_space<hbm>> -> memref<40x128xf32, #tpu.memory_space<hbm>>
    tpu.wait_dma2 semaphore(%arg40 : memref<!tpu.dma_semaphore, #tpu.memory_space<semaphore_mem>>) src(%arg16 : memref<40x128xf32, #tpu.memory_space<vmem>>) dst(%dma_wait3A_438 : memref<40x128xf32, #tpu.memory_space<hbm>>)
    %dma_wait3A_439 = arith.constant 0 : i32
    %dma_wait3A_440 = tpu.memref_slice %arg6[%arg0, %mul3A_10, %dma_wait3A_439] : memref<2x10240x128xf32, #tpu.memory_space<hbm>> -> memref<1x40x128xf32, #tpu.memory_space<hbm>>
    %dma_wait3A_441 = tpu.memref_squeeze %dma_wait3A_440 : memref<1x40x128xf32, #tpu.memory_space<hbm>> -> memref<40x128xf32, #tpu.memory_space<hbm>>
    %dma_wait3A_442 = arith.constant 0 : i32
    %dma_wait3A_443 = tpu.memref_slice %arg6[%arg0, %mul3A_10, %dma_wait3A_442] : memref<2x10240x128xf32, #tpu.memory_space<hbm>> -> memref<1x40x128xf32, #tpu.memory_space<hbm>>
    %dma_wait3A_444 = tpu.memref_squeeze %dma_wait3A_443 : memref<1x40x128xf32, #tpu.memory_space<hbm>> -> memref<40x128xf32, #tpu.memory_space<hbm>>
    tpu.wait_dma2 semaphore(%arg41 : memref<!tpu.dma_semaphore, #tpu.memory_space<semaphore_mem>>) src(%arg17 : memref<40x128xf32, #tpu.memory_space<vmem>>) dst(%dma_wait3A_444 : memref<40x128xf32, #tpu.memory_space<hbm>>)
    return
  }
}

module attributes {stable_mosaic.version = 14 : i64} {
  func.func @_edge_body(%arg0: i32, %arg1: memref<16x6400xf32, #tpu.memory_space<vmem>>, %arg2: memref<8x6400xf32, #tpu.memory_space<vmem>>, %arg3: memref<8x64xf32, #tpu.memory_space<vmem>>, %arg4: memref<64x16xf32, #tpu.memory_space<vmem>>, %arg5: memref<16x128xf32, #tpu.memory_space<vmem>>, %arg6: memref<6400x64xi32, #tpu.memory_space<vmem>>) attributes {dimension_semantics = [#tpu.dimension_semantics<arbitrary>], iteration_bounds = array<i64: 15>, scalar_prefetch = 0 : i64, scratch_operands = 0 : i64, tpu.core_type = #tpu.core_type<tc>, window_params = [{transform_indices = @transform_0, window_bounds = array<i64: 16, 6400>}, {transform_indices = @transform_1, window_bounds = array<i64: 8, 6400>}, {pipeline_mode = #tpu.pipeline_mode<synchronous>, transform_indices = @transform_2, window_bounds = array<i64: 8, 64>}, {pipeline_mode = #tpu.pipeline_mode<synchronous>, transform_indices = @transform_3, window_bounds = array<i64: 64, 16>}, {pipeline_mode = #tpu.pipeline_mode<synchronous>, transform_indices = @transform_4, window_bounds = array<i64: 16, 128>}, {transform_indices = @transform_5, window_bounds = array<i64: 6400, 64>}]} {
    %get3A = arith.constant 0 : index
    %get3A_0 = arith.constant 0 : index
    %get3A_1 = vector.load %arg3[%get3A, %get3A_0] : memref<8x64xf32, #tpu.memory_space<vmem>>, vector<8x64xf32>
    %get3A_2 = arith.constant 0 : index
    %get3A_3 = arith.constant 0 : index
    %get3A_4 = vector.load %arg2[%get3A_2, %get3A_3] : memref<8x6400xf32, #tpu.memory_space<vmem>>, vector<8x6400xf32>
    %dot_general3A = arith.constant dense<0.000000e+00> : vector<64x6400xf32>
    %dot_general3A_5 = tpu.matmul %get3A_1, %get3A_4, %dot_general3A {dimension_numbers = #tpu.dot_dimension_numbers<[0], [0], [1], [1], [0, 1, 1, 1], [], []>, transpose_lhs_hint = false} : vector<8x64xf32>, vector<8x6400xf32>, vector<64x6400xf32> -> vector<64x6400xf32>
    %logistic3A = arith.negf %dot_general3A_5 : vector<64x6400xf32>
    %logistic3A_6 = math.exp %logistic3A : vector<64x6400xf32>
    %logistic3A_7 = arith.constant 1.000000e+00 : f32
    %logistic3A_8 = vector.broadcast %logistic3A_7 : f32 to vector<64x6400xf32>
    %logistic3A_9 = arith.addf %logistic3A_8, %logistic3A_6 : vector<64x6400xf32>
    %logistic3A_10 = arith.divf %logistic3A_8, %logistic3A_9 : vector<64x6400xf32>
    %mul3A = arith.mulf %dot_general3A_5, %logistic3A_10 : vector<64x6400xf32>
    %get3A_11 = arith.constant 0 : index
    %get3A_12 = arith.constant 0 : index
    %get3A_13 = vector.load %arg4[%get3A_11, %get3A_12] : memref<64x16xf32, #tpu.memory_space<vmem>>, vector<64x16xf32>
    %dot_general3A_14 = arith.constant dense<0.000000e+00> : vector<16x6400xf32>
    %dot_general3A_15 = tpu.matmul %get3A_13, %mul3A, %dot_general3A_14 {dimension_numbers = #tpu.dot_dimension_numbers<[0], [0], [1], [1], [0, 1, 1, 1], [], []>, transpose_lhs_hint = false} : vector<64x16xf32>, vector<64x6400xf32>, vector<16x6400xf32> -> vector<16x6400xf32>
    %get3A_16 = arith.constant 0 : index
    %get3A_17 = arith.constant 0 : index
    %get3A_18 = vector.load %arg1[%get3A_16, %get3A_17] : memref<16x6400xf32, #tpu.memory_space<vmem>>, vector<16x6400xf32>
    %mul3A_19 = arith.mulf %get3A_18, %dot_general3A_15 : vector<16x6400xf32>
    %get3A_20 = arith.constant 0 : index
    %get3A_21 = arith.constant 0 : index
    %get3A_22 = vector.load %arg5[%get3A_20, %get3A_21] : memref<16x128xf32, #tpu.memory_space<vmem>>, vector<16x128xf32>
    %dot_general3A_23 = arith.constant dense<0.000000e+00> : vector<6400x128xf32>
    %dot_general3A_24 = tpu.matmul %mul3A_19, %get3A_22, %dot_general3A_23 {dimension_numbers = #tpu.dot_dimension_numbers<[0], [0], [1], [1], [0, 1, 1, 1], [], []>, transpose_lhs_hint = false} : vector<16x6400xf32>, vector<16x128xf32>, vector<6400x128xf32> -> vector<6400x128xf32>
    %slice3A = vector.extract_strided_slice %dot_general3A_24 {offsets = [0, 0], sizes = [6400, 64], strides = [1, 1]} : vector<6400x128xf32> to vector<6400x64xf32>
    %slice3A_25 = vector.extract_strided_slice %dot_general3A_24 {offsets = [0, 64], sizes = [6400, 64], strides = [1, 1]} : vector<6400x128xf32> to vector<6400x64xf32>
    %bitcast_convert_type3A = tpu.bitcast %slice3A : vector<6400x64xf32> -> vector<6400x64xi32>
    %add3A = arith.constant 32768 : i32
    %add3A_26 = vector.broadcast %add3A : i32 to vector<6400x64xi32>
    %add3A_27 = arith.addi %bitcast_convert_type3A, %add3A_26 : vector<6400x64xi32>
    %bitcast_convert_type3A_28 = tpu.bitcast %slice3A_25 : vector<6400x64xf32> -> vector<6400x64xi32>
    %add3A_29 = arith.constant 32768 : i32
    %add3A_30 = vector.broadcast %add3A_29 : i32 to vector<6400x64xi32>
    %add3A_31 = arith.addi %bitcast_convert_type3A_28, %add3A_30 : vector<6400x64xi32>
    %shift_right_logical3A = arith.constant 16 : i32
    %shift_right_logical3A_32 = vector.broadcast %shift_right_logical3A : i32 to vector<6400x64xi32>
    %shift_right_logical3A_33 = arith.shrui %add3A_27, %shift_right_logical3A_32 : vector<6400x64xi32>
    %and3A = arith.constant -65536 : i32
    %and3A_34 = vector.broadcast %and3A : i32 to vector<6400x64xi32>
    %and3A_35 = arith.andi %add3A_31, %and3A_34 : vector<6400x64xi32>
    %or3A = arith.ori %shift_right_logical3A_33, %and3A_35 : vector<6400x64xi32>
    %swap3A = arith.constant 0 : index
    %swap3A_36 = arith.constant 0 : index
    %swap3A_37 = vector.load %arg6[%swap3A, %swap3A_36] : memref<6400x64xi32, #tpu.memory_space<vmem>>, vector<6400x64xi32>
    tpu.vector_store %arg6[%swap3A, %swap3A_36], %or3A {strides = array<i32>} : memref<6400x64xi32, #tpu.memory_space<vmem>>, vector<6400x64xi32>,
    return
  }
  func.func @transform_0(%arg0: i32) -> (i32, i32) {
    %add3A = arith.constant 0 : i32
    %add3A_0 = arith.addi %arg0, %add3A : i32
    %c0_i32 = arith.constant 0 : i32
    %c0_i32_1 = arith.constant 0 : i32
    return %c0_i32, %add3A_0 : i32, i32
  }
  func.func @transform_1(%arg0: i32) -> (i32, i32) {
    %add3A = arith.constant 0 : i32
    %add3A_0 = arith.addi %arg0, %add3A : i32
    %c0_i32 = arith.constant 0 : i32
    %c0_i32_1 = arith.constant 0 : i32
    return %c0_i32, %add3A_0 : i32, i32
  }
  func.func @transform_2(%arg0: i32) -> (i32, i32) {
    %c0_i32 = arith.constant 0 : i32
    %c0_i32_0 = arith.constant 0 : i32
    %c0_i32_1 = arith.constant 0 : i32
    return %c0_i32, %c0_i32_0 : i32, i32
  }
  func.func @transform_3(%arg0: i32) -> (i32, i32) {
    %c0_i32 = arith.constant 0 : i32
    %c0_i32_0 = arith.constant 0 : i32
    %c0_i32_1 = arith.constant 0 : i32
    return %c0_i32, %c0_i32_0 : i32, i32
  }
  func.func @transform_4(%arg0: i32) -> (i32, i32) {
    %c0_i32 = arith.constant 0 : i32
    %c0_i32_0 = arith.constant 0 : i32
    %c0_i32_1 = arith.constant 0 : i32
    return %c0_i32, %c0_i32_0 : i32, i32
  }
  func.func @transform_5(%arg0: i32) -> (i32, i32) {
    %c0_i32 = arith.constant 0 : i32
    %c0_i32_0 = arith.constant 0 : i32
    return %arg0, %c0_i32 : i32, i32
  }
}

module attributes {stable_mosaic.version = 14 : i64} {
  func.func @_xup_body(%arg0: i32, %arg1: memref<1000x128xf32, #tpu.memory_space<vmem>>, %arg2: memref<128x128xf32, #tpu.memory_space<vmem>>, %arg3: memref<1000x128xf32, #tpu.memory_space<vmem>>) attributes {dimension_semantics = [#tpu.dimension_semantics<arbitrary>], iteration_bounds = array<i64: 10>, scalar_prefetch = 0 : i64, scratch_operands = 0 : i64, tpu.core_type = #tpu.core_type<tc>, window_params = [{transform_indices = @transform_0, window_bounds = array<i64: 1000, 128>}, {pipeline_mode = #tpu.pipeline_mode<synchronous>, transform_indices = @transform_1, window_bounds = array<i64: 128, 128>}, {transform_indices = @transform_2, window_bounds = array<i64: 1000, 128>}]} {
    %get3A = arith.constant 0 : index
    %get3A_0 = arith.constant 0 : index
    %get3A_1 = vector.load %arg1[%get3A, %get3A_0] : memref<1000x128xf32, #tpu.memory_space<vmem>>, vector<1000x128xf32>
    %get3A_2 = arith.constant 0 : index
    %get3A_3 = arith.constant 0 : index
    %get3A_4 = vector.load %arg2[%get3A_2, %get3A_3] : memref<128x128xf32, #tpu.memory_space<vmem>>, vector<128x128xf32>
    %dot_general3A = arith.constant dense<0.000000e+00> : vector<1000x128xf32>
    %dot_general3A_5 = tpu.matmul %get3A_1, %get3A_4, %dot_general3A {dimension_numbers = #tpu.dot_dimension_numbers<[1], [0], [0], [1], [0, 0, 1, 1], [], []>, transpose_lhs_hint = false} : vector<1000x128xf32>, vector<128x128xf32>, vector<1000x128xf32> -> vector<1000x128xf32>
    %swap3A = arith.constant 0 : index
    %swap3A_6 = arith.constant 0 : index
    %swap3A_7 = vector.load %arg3[%swap3A, %swap3A_6] : memref<1000x128xf32, #tpu.memory_space<vmem>>, vector<1000x128xf32>
    tpu.vector_store %arg3[%swap3A, %swap3A_6], %dot_general3A_5 {strides = array<i32>} : memref<1000x128xf32, #tpu.memory_space<vmem>>, vector<1000x128xf32>,
    return
  }
  func.func @transform_0(%arg0: i32) -> (i32, i32) {
    %c0_i32 = arith.constant 0 : i32
    %c0_i32_0 = arith.constant 0 : i32
    return %arg0, %c0_i32 : i32, i32
  }
  func.func @transform_1(%arg0: i32) -> (i32, i32) {
    %c0_i32 = arith.constant 0 : i32
    %c0_i32_0 = arith.constant 0 : i32
    %c0_i32_1 = arith.constant 0 : i32
    return %c0_i32, %c0_i32_0 : i32, i32
  }
  func.func @transform_2(%arg0: i32) -> (i32, i32) {
    %c0_i32 = arith.constant 0 : i32
    %c0_i32_0 = arith.constant 0 : i32
    return %arg0, %c0_i32 : i32, i32
  }
}

module attributes {stable_mosaic.version = 14 : i64} {
  func.func @_edge_body(%arg0: i32, %arg1: memref<16x6400xf32, #tpu.memory_space<vmem>>, %arg2: memref<8x6400xf32, #tpu.memory_space<vmem>>, %arg3: memref<8x64xf32, #tpu.memory_space<vmem>>, %arg4: memref<64x16xf32, #tpu.memory_space<vmem>>, %arg5: memref<16x128xf32, #tpu.memory_space<vmem>>, %arg6: memref<6400x64xi32, #tpu.memory_space<vmem>>) attributes {dimension_semantics = [#tpu.dimension_semantics<arbitrary>], iteration_bounds = array<i64: 35>, scalar_prefetch = 0 : i64, scratch_operands = 0 : i64, tpu.core_type = #tpu.core_type<tc>, window_params = [{transform_indices = @transform_0, window_bounds = array<i64: 16, 6400>}, {transform_indices = @transform_1, window_bounds = array<i64: 8, 6400>}, {pipeline_mode = #tpu.pipeline_mode<synchronous>, transform_indices = @transform_2, window_bounds = array<i64: 8, 64>}, {pipeline_mode = #tpu.pipeline_mode<synchronous>, transform_indices = @transform_3, window_bounds = array<i64: 64, 16>}, {pipeline_mode = #tpu.pipeline_mode<synchronous>, transform_indices = @transform_4, window_bounds = array<i64: 16, 128>}, {transform_indices = @transform_5, window_bounds = array<i64: 6400, 64>}]} {
    %get3A = arith.constant 0 : index
    %get3A_0 = arith.constant 0 : index
    %get3A_1 = vector.load %arg3[%get3A, %get3A_0] : memref<8x64xf32, #tpu.memory_space<vmem>>, vector<8x64xf32>
    %get3A_2 = arith.constant 0 : index
    %get3A_3 = arith.constant 0 : index
    %get3A_4 = vector.load %arg2[%get3A_2, %get3A_3] : memref<8x6400xf32, #tpu.memory_space<vmem>>, vector<8x6400xf32>
    %dot_general3A = arith.constant dense<0.000000e+00> : vector<64x6400xf32>
    %dot_general3A_5 = tpu.matmul %get3A_1, %get3A_4, %dot_general3A {dimension_numbers = #tpu.dot_dimension_numbers<[0], [0], [1], [1], [0, 1, 1, 1], [], []>, transpose_lhs_hint = false} : vector<8x64xf32>, vector<8x6400xf32>, vector<64x6400xf32> -> vector<64x6400xf32>
    %logistic3A = arith.negf %dot_general3A_5 : vector<64x6400xf32>
    %logistic3A_6 = math.exp %logistic3A : vector<64x6400xf32>
    %logistic3A_7 = arith.constant 1.000000e+00 : f32
    %logistic3A_8 = vector.broadcast %logistic3A_7 : f32 to vector<64x6400xf32>
    %logistic3A_9 = arith.addf %logistic3A_8, %logistic3A_6 : vector<64x6400xf32>
    %logistic3A_10 = arith.divf %logistic3A_8, %logistic3A_9 : vector<64x6400xf32>
    %mul3A = arith.mulf %dot_general3A_5, %logistic3A_10 : vector<64x6400xf32>
    %get3A_11 = arith.constant 0 : index
    %get3A_12 = arith.constant 0 : index
    %get3A_13 = vector.load %arg4[%get3A_11, %get3A_12] : memref<64x16xf32, #tpu.memory_space<vmem>>, vector<64x16xf32>
    %dot_general3A_14 = arith.constant dense<0.000000e+00> : vector<16x6400xf32>
    %dot_general3A_15 = tpu.matmul %get3A_13, %mul3A, %dot_general3A_14 {dimension_numbers = #tpu.dot_dimension_numbers<[0], [0], [1], [1], [0, 1, 1, 1], [], []>, transpose_lhs_hint = false} : vector<64x16xf32>, vector<64x6400xf32>, vector<16x6400xf32> -> vector<16x6400xf32>
    %get3A_16 = arith.constant 0 : index
    %get3A_17 = arith.constant 0 : index
    %get3A_18 = vector.load %arg1[%get3A_16, %get3A_17] : memref<16x6400xf32, #tpu.memory_space<vmem>>, vector<16x6400xf32>
    %mul3A_19 = arith.mulf %get3A_18, %dot_general3A_15 : vector<16x6400xf32>
    %get3A_20 = arith.constant 0 : index
    %get3A_21 = arith.constant 0 : index
    %get3A_22 = vector.load %arg5[%get3A_20, %get3A_21] : memref<16x128xf32, #tpu.memory_space<vmem>>, vector<16x128xf32>
    %dot_general3A_23 = arith.constant dense<0.000000e+00> : vector<6400x128xf32>
    %dot_general3A_24 = tpu.matmul %mul3A_19, %get3A_22, %dot_general3A_23 {dimension_numbers = #tpu.dot_dimension_numbers<[0], [0], [1], [1], [0, 1, 1, 1], [], []>, transpose_lhs_hint = false} : vector<16x6400xf32>, vector<16x128xf32>, vector<6400x128xf32> -> vector<6400x128xf32>
    %slice3A = vector.extract_strided_slice %dot_general3A_24 {offsets = [0, 0], sizes = [6400, 64], strides = [1, 1]} : vector<6400x128xf32> to vector<6400x64xf32>
    %slice3A_25 = vector.extract_strided_slice %dot_general3A_24 {offsets = [0, 64], sizes = [6400, 64], strides = [1, 1]} : vector<6400x128xf32> to vector<6400x64xf32>
    %bitcast_convert_type3A = tpu.bitcast %slice3A : vector<6400x64xf32> -> vector<6400x64xi32>
    %add3A = arith.constant 32768 : i32
    %add3A_26 = vector.broadcast %add3A : i32 to vector<6400x64xi32>
    %add3A_27 = arith.addi %bitcast_convert_type3A, %add3A_26 : vector<6400x64xi32>
    %bitcast_convert_type3A_28 = tpu.bitcast %slice3A_25 : vector<6400x64xf32> -> vector<6400x64xi32>
    %add3A_29 = arith.constant 32768 : i32
    %add3A_30 = vector.broadcast %add3A_29 : i32 to vector<6400x64xi32>
    %add3A_31 = arith.addi %bitcast_convert_type3A_28, %add3A_30 : vector<6400x64xi32>
    %shift_right_logical3A = arith.constant 16 : i32
    %shift_right_logical3A_32 = vector.broadcast %shift_right_logical3A : i32 to vector<6400x64xi32>
    %shift_right_logical3A_33 = arith.shrui %add3A_27, %shift_right_logical3A_32 : vector<6400x64xi32>
    %and3A = arith.constant -65536 : i32
    %and3A_34 = vector.broadcast %and3A : i32 to vector<6400x64xi32>
    %and3A_35 = arith.andi %add3A_31, %and3A_34 : vector<6400x64xi32>
    %or3A = arith.ori %shift_right_logical3A_33, %and3A_35 : vector<6400x64xi32>
    %swap3A = arith.constant 0 : index
    %swap3A_36 = arith.constant 0 : index
    %swap3A_37 = vector.load %arg6[%swap3A, %swap3A_36] : memref<6400x64xi32, #tpu.memory_space<vmem>>, vector<6400x64xi32>
    tpu.vector_store %arg6[%swap3A, %swap3A_36], %or3A {strides = array<i32>} : memref<6400x64xi32, #tpu.memory_space<vmem>>, vector<6400x64xi32>,
    return
  }
  func.func @transform_0(%arg0: i32) -> (i32, i32) {
    %add3A = arith.constant 15 : i32
    %add3A_0 = arith.addi %arg0, %add3A : i32
    %c0_i32 = arith.constant 0 : i32
    %c0_i32_1 = arith.constant 0 : i32
    return %c0_i32, %add3A_0 : i32, i32
  }
  func.func @transform_1(%arg0: i32) -> (i32, i32) {
    %add3A = arith.constant 15 : i32
    %add3A_0 = arith.addi %arg0, %add3A : i32
    %c0_i32 = arith.constant 0 : i32
    %c0_i32_1 = arith.constant 0 : i32
    return %c0_i32, %add3A_0 : i32, i32
  }
  func.func @transform_2(%arg0: i32) -> (i32, i32) {
    %c0_i32 = arith.constant 0 : i32
    %c0_i32_0 = arith.constant 0 : i32
    %c0_i32_1 = arith.constant 0 : i32
    return %c0_i32, %c0_i32_0 : i32, i32
  }
  func.func @transform_3(%arg0: i32) -> (i32, i32) {
    %c0_i32 = arith.constant 0 : i32
    %c0_i32_0 = arith.constant 0 : i32
    %c0_i32_1 = arith.constant 0 : i32
    return %c0_i32, %c0_i32_0 : i32, i32
  }
  func.func @transform_4(%arg0: i32) -> (i32, i32) {
    %c0_i32 = arith.constant 0 : i32
    %c0_i32_0 = arith.constant 0 : i32
    %c0_i32_1 = arith.constant 0 : i32
    return %c0_i32, %c0_i32_0 : i32, i32
  }
  func.func @transform_5(%arg0: i32) -> (i32, i32) {
    %c0_i32 = arith.constant 0 : i32
    %c0_i32_0 = arith.constant 0 : i32
    return %arg0, %c0_i32 : i32, i32
  }
}

module attributes {stable_mosaic.version = 14 : i64} {
  func.func @_down_body(%arg0: i32, %arg1: memref<2x1000x128xf32, #tpu.memory_space<vmem>>, %arg2: memref<2x1000x128xf32, #tpu.memory_space<vmem>>, %arg3: memref<128x128xf32, #tpu.memory_space<vmem>>, %arg4: memref<1000x128xf32, #tpu.memory_space<vmem>>) attributes {dimension_semantics = [#tpu.dimension_semantics<arbitrary>], iteration_bounds = array<i64: 10>, scalar_prefetch = 0 : i64, scratch_operands = 0 : i64, tpu.core_type = #tpu.core_type<tc>, window_params = [{transform_indices = @transform_0, window_bounds = array<i64: 2, 1000, 128>}, {transform_indices = @transform_1, window_bounds = array<i64: 2, 1000, 128>}, {pipeline_mode = #tpu.pipeline_mode<synchronous>, transform_indices = @transform_2, window_bounds = array<i64: 128, 128>}, {transform_indices = @transform_3, window_bounds = array<i64: 1000, 128>}]} {
    %get3A = arith.constant 0 : index
    %get3A_0 = arith.constant 0 : index
    %get3A_1 = arith.constant 0 : index
    %get3A_2 = vector.load %arg1[%get3A, %get3A_0, %get3A_1] : memref<2x1000x128xf32, #tpu.memory_space<vmem>>, vector<2x1000x128xf32>
    %get3A_3 = arith.constant 0 : index
    %get3A_4 = arith.constant 0 : index
    %get3A_5 = arith.constant 0 : index
    %get3A_6 = vector.load %arg2[%get3A_3, %get3A_4, %get3A_5] : memref<2x1000x128xf32, #tpu.memory_space<vmem>>, vector<2x1000x128xf32>
    %slice3A = vector.extract_strided_slice %get3A_2 {offsets = [0, 0, 0], sizes = [1, 1000, 128], strides = [1, 1, 1]} : vector<2x1000x128xf32> to vector<1x1000x128xf32>
    %squeeze3A = vector.shape_cast %slice3A : vector<1x1000x128xf32> to vector<1000x128xf32>
    %slice3A_7 = vector.extract_strided_slice %get3A_2 {offsets = [1, 0, 0], sizes = [1, 1000, 128], strides = [1, 1, 1]} : vector<2x1000x128xf32> to vector<1x1000x128xf32>
    %squeeze3A_8 = vector.shape_cast %slice3A_7 : vector<1x1000x128xf32> to vector<1000x128xf32>
    %add3A = arith.addf %squeeze3A, %squeeze3A_8 : vector<1000x128xf32>
    %slice3A_9 = vector.extract_strided_slice %get3A_6 {offsets = [0, 0, 0], sizes = [1, 1000, 128], strides = [1, 1, 1]} : vector<2x1000x128xf32> to vector<1x1000x128xf32>
    %squeeze3A_10 = vector.shape_cast %slice3A_9 : vector<1x1000x128xf32> to vector<1000x128xf32>
    %slice3A_11 = vector.extract_strided_slice %get3A_6 {offsets = [1, 0, 0], sizes = [1, 1000, 128], strides = [1, 1, 1]} : vector<2x1000x128xf32> to vector<1x1000x128xf32>
    %squeeze3A_12 = vector.shape_cast %slice3A_11 : vector<1x1000x128xf32> to vector<1000x128xf32>
    %add3A_13 = arith.addf %squeeze3A_10, %squeeze3A_12 : vector<1000x128xf32>
    %add3A_14 = arith.addf %add3A, %add3A_13 : vector<1000x128xf32>
    %mul3A = arith.constant 3.125000e-02 : f32
    %mul3A_15 = vector.broadcast %mul3A : f32 to vector<1000x128xf32>
    %mul3A_16 = arith.mulf %add3A_14, %mul3A_15 : vector<1000x128xf32>
    %get3A_17 = arith.constant 0 : index
    %get3A_18 = arith.constant 0 : index
    %get3A_19 = vector.load %arg3[%get3A_17, %get3A_18] : memref<128x128xf32, #tpu.memory_space<vmem>>, vector<128x128xf32>
    %dot_general3A = arith.constant dense<0.000000e+00> : vector<1000x128xf32>
    %dot_general3A_20 = tpu.matmul %mul3A_16, %get3A_19, %dot_general3A {dimension_numbers = #tpu.dot_dimension_numbers<[1], [0], [0], [1], [0, 0, 1, 1], [], []>, transpose_lhs_hint = false} : vector<1000x128xf32>, vector<128x128xf32>, vector<1000x128xf32> -> vector<1000x128xf32>
    %swap3A = arith.constant 0 : index
    %swap3A_21 = arith.constant 0 : index
    %swap3A_22 = vector.load %arg4[%swap3A, %swap3A_21] : memref<1000x128xf32, #tpu.memory_space<vmem>>, vector<1000x128xf32>
    tpu.vector_store %arg4[%swap3A, %swap3A_21], %dot_general3A_20 {strides = array<i32>} : memref<1000x128xf32, #tpu.memory_space<vmem>>, vector<1000x128xf32>,
    return
  }
  func.func @transform_0(%arg0: i32) -> (i32, i32, i32) {
    %c0_i32 = arith.constant 0 : i32
    %c0_i32_0 = arith.constant 0 : i32
    %c0_i32_1 = arith.constant 0 : i32
    return %c0_i32, %arg0, %c0_i32_0 : i32, i32, i32
  }
  func.func @transform_1(%arg0: i32) -> (i32, i32, i32) {
    %c0_i32 = arith.constant 0 : i32
    %c0_i32_0 = arith.constant 0 : i32
    %c0_i32_1 = arith.constant 0 : i32
    return %c0_i32, %arg0, %c0_i32_0 : i32, i32, i32
  }
  func.func @transform_2(%arg0: i32) -> (i32, i32) {
    %c0_i32 = arith.constant 0 : i32
    %c0_i32_0 = arith.constant 0 : i32
    %c0_i32_1 = arith.constant 0 : i32
    return %c0_i32, %c0_i32_0 : i32, i32
  }
  func.func @transform_3(%arg0: i32) -> (i32, i32) {
    %c0_i32 = arith.constant 0 : i32
    %c0_i32_0 = arith.constant 0 : i32
    return %arg0, %c0_i32 : i32, i32
  }
}

</mosaic_0001>

<sc_bundles>
// kernel: kernel.11.cloned.1.call-start
scs
__scs_entry_jumppad:
0x0: {  	(pc) =	sbr.rel $0x88, $3  }
0x1: {  	(tag) =	ssettag $0x0;
	lr =	simm.s32 $0x1  }
0x2: {  	[smem:$0x3F97] =	sst lr;
	_ =	strace $0xD0000000  }
0x3: {  	_ = 	snop  }
0x4: {  	_ = 	snop  }
0x5: {  	_ = 	snop  }
0x6: {  	_ = 	snop  }
0x7: {  	_ = 	snop  }
__scs_overlays_trampoline_lowered:
0x8: {  	[smem:$0x3FA6] =	sst s0  }
0x9: {  	[smem:$0x3FA7] =	sst s1  }
0xa: {  	[smem:$0x3FA8] =	sst s2  }
0xb: {  	[smem:$0x3FA9] =	sst s3  }
0xc: {  	[smem:$0x3FAA] =	sst s4  }
0xd: {  	[smem:$0x3FAB] =	sst s5  }
0xe: {  	[smem:$0x3FAC] =	sst s6  }
0xf: {  	[smem:$0x3FAD] =	sst s7  }
0x10: {  	[smem:$0x3FAE] =	sst s8  }
0x11: {  	[smem:$0x3FAF] =	sst s9;
	s0 =	simm.s32 @!p0 $0x0  }
0x12: {  	s1 =	sld [smem:$0x3F95];
	s0 =	simm.s32 @p0 $0x1  }
0x13: {  	[smem:$0x3FB0] =	sst s0;
	s0 =	simm.s32 @!p1 $0x0  }
0x14: {  	s2 =	sld [smem:$0x3F94];
	s0 =	simm.s32 @p1 $0x1  }
0x15: {  	[smem:$0x3FB1] =	sst s0;
	s0 =	simm.s32 @!p2 $0x0  }
0x16: {  	s3 =	sld [smem:$0x3FDB];
	s0 =	simm.s32 @p2 $0x1  }
0x17: {  	s4 =	simm.s32 $0x1BF5;
	[smem:$0x3FB3] =	sst s0  }
0x18: {  	s0 =	sld [smem:$0x3F96];
	_ =	swait.ge [sflag:s4], $0x0  }
0x19: {  	s7 =	sld [smem:$0x3F97]  }
0x1a: {  	s8 =	sadd.s32 $0xFFFFE003, lr  }
0x1b: {  	s9 =	sadd.s32 $0xFFFFFEF7, lr;
	s5 =	simm.s32 $0xFFFFFFFF;
	p2 =	slt.u32 s8, $0xFFFFF086  }
0x1c: {  	p1 =	slt.u32 s9, $0xF7A;
	s5 =	simm.s32 @!p2 $0x0  }
0x1d: {  	s5 =	simm.s32 @p1 $0x1;
	p0 =	seq.s32 s7, s2  }
0x1e: {  	s7 =	smul.u32 @!p0 $0xF7A, s2;
	p2 =	seq.s32 @!p0 s5, $0x0  }
0x1f: {  	s9 =	smul.u32 $0xF7A, s1;
	s8 =	simm.s32 @!p0 $0x1BF5;
	p2 =	por !p2, p0  }
0x20: {  	[sflag:s8] =	ssyncset.s32 @!p0 $0xFFFFF086;
	s6 =	sadd.s32 @!p0 s3, s7;
	s7 =	simm.s32 @!p0 $0x108  }
0x21: {  	s3 =	sadd.s32 s3, s9;
	s6 =	sadd.s32 @!p0 $0x88, s6;
	s7 =	simm.s32 @p2 $0x1082  }
0x22: {  	[simem:s7], [sflag:s8] =	dma.local @!p0 [hbm:s6], $0xF7A  }
0x23: {  	s9 =	sor.u32 $0xD0000000, s2;
	s6 =	simm.s32 $0x108;
	_ =	swait.ge @!p0 [sflag:s8], $0x0  }
0x24: {  	s3 =	sadd.s32 $0x88, s3;
	s6 =	simm.s32 @!p1 $0x1082;
	[sflag:s4] =	ssyncset.s32 $0xFFFFF086  }
0x25: {  	[simem:s6], [sflag:s4] =	dma.local [hbm:s3], $0xF7A  }
0x26: {  	[smem:$0x3F97] =	sst s1;
	(tag) =	ssettag s2;
	_ =	strace s9  }
0x27: {  	s1 =	sld [smem:$0x3FA7]  }
0x28: {  	s2 =	sld [smem:$0x3FA8]  }
0x29: {  	s4 =	sld [smem:$0x3FAA]  }
0x2a: {  	p0 =	seq.s32 s5, $0x0;
	s5 =	sld [smem:$0x3FAB]  }
0x2b: {  	s6 =	sld [smem:$0x3FAC]  }
0x2c: {  	s7 =	sld [smem:$0x3FAD]  }
0x2d: {  	s3 =	simm.s32 $0x108;
	s8 =	sld [smem:$0x3FAE]  }
0x2e: {  	s3 =	simm.s32 @!p0 $0x1082;
	s9 =	sld [smem:$0x3FAF]  }
0x2f: {  	lr =	sadd.s32 s0, s3;
	s0 =	sld [smem:$0x3FA6]  }
0x30: {  	s3 =	sld [smem:$0x3FA9]  }
0x31: {  	[smem:$0x3FB2] =	sst s10  }
0x32: {  	s10 =	sld [smem:$0x3FB0];
	_ =	sdelay $0x3  }
0x33: {  	p0 =	seq.s32 s10, $0x1;
	s10 =	sld [smem:$0x3FB2];
	_ =	sdelay $0x3  }
0x34: {  	[smem:$0x3FB2] =	sst s10  }
0x35: {  	s10 =	sld [smem:$0x3FB1];
	_ =	sdelay $0x3  }
0x36: {  	p1 =	seq.s32 s10, $0x1;
	s10 =	sld [smem:$0x3FB2];
	_ =	sdelay $0x3  }
0x37: {  	[smem:$0x3FB2] =	sst s10  }
0x38: {  	s10 =	sld [smem:$0x3FB3]  }
0x39: {  	_ = 	snop;
	(pc) =	sbr.ind lr, $3  }
0x3a: {  	_ = 	snop  }
0x3b: {  	_ = 	snop  }
0x3c: {  	p2 =	seq.s32 s10, $0x1;
	s10 =	sld [smem:$0x3FB2]  }
0x3d: {  	_ =	shalt  }
0x3e: {  	_ =	shalt  }
0x3f: {  	_ =	shalt  }
0x40: {  	_ =	shalt  }
0x41: {  	_ =	shalt  }
0x42: {  	_ =	shalt  }
0x43: {  	_ =	shalt  }
0x44: {  	_ =	shalt  }
0x45: {  	_ =	shalt  }
0x46: {  	_ =	shalt  }
0x47: {  	_ =	shalt  }
0x48: {  	_ =	shalt  }
0x49: {  	_ =	shalt  }
0x4a: {  	_ =	shalt  }
0x4b: {  	_ =	shalt  }
0x4c: {  	_ =	shalt  }
0x4d: {  	_ =	shalt  }
0x4e: {  	_ =	shalt  }
0x4f: {  	_ =	shalt  }
0x50: {  	_ =	shalt  }
0x51: {  	_ =	shalt  }
0x52: {  	_ =	shalt  }
0x53: {  	_ =	shalt  }
0x54: {  	_ =	shalt  }
0x55: {  	_ =	shalt  }
0x56: {  	_ =	shalt  }
0x57: {  	_ =	shalt  }
0x58: {  	_ =	shalt  }
0x59: {  	_ =	shalt  }
0x5a: {  	_ =	shalt  }
0x5b: {  	_ =	shalt  }
0x5c: {  	_ =	shalt  }
0x5d: {  	_ =	shalt  }
0x5e: {  	_ =	shalt  }
0x5f: {  	_ =	shalt  }
0x60: {  	_ =	shalt  }
0x61: {  	_ =	shalt  }
0x62: {  	_ =	shalt  }
0x63: {  	_ =	shalt  }
0x64: {  	_ =	shalt  }
0x65: {  	_ =	shalt  }
0x66: {  	_ =	shalt  }
0x67: {  	_ =	shalt  }
0x68: {  	_ =	shalt  }
0x69: {  	_ =	shalt  }
0x6a: {  	_ =	shalt  }
0x6b: {  	_ =	shalt  }
0x6c: {  	_ =	shalt  }
0x6d: {  	_ =	shalt  }
0x6e: {  	_ =	shalt  }
0x6f: {  	_ =	shalt  }
0x70: {  	_ =	shalt  }
0x71: {  	_ =	shalt  }
0x72: {  	_ =	shalt  }
0x73: {  	_ =	shalt  }
0x74: {  	_ =	shalt  }
0x75: {  	_ =	shalt  }
0x76: {  	_ =	shalt  }
0x77: {  	_ =	shalt  }
0x78: {  	_ =	shalt  }
0x79: {  	_ =	shalt  }
0x7a: {  	_ =	shalt  }
0x7b: {  	_ =	shalt  }
0x7c: {  	_ =	shalt  }
0x7d: {  	_ =	shalt  }
0x7e: {  	_ =	shalt  }
0x7f: {  	_ =	shalt  }
0x80: {  	_ =	shalt  }
0x81: {  	_ =	shalt  }
0x82: {  	_ =	shalt  }
0x83: {  	_ =	shalt  }
0x84: {  	_ =	shalt  }
0x85: {  	_ =	shalt  }
0x86: {  	_ =	shalt  }
0x87: {  	_ =	shalt  }
.Lfunc_end0:
.L_simem_size_0:
called_computation.1_lowered:
.L_overlay_start_0:
0x88: {  	s2 =	sld [smem:$0x3FD9]  }
0x89: {  	s3 =	sld [smem:$0x3FFE];
	_ =	sdelay $0x1  }
0x8a: {  	s1 =	srdreg.scid  }
0x8b: {  	s0 =	sand.u32 $0x1, s1  }
0x8c: {  	s17 =	sshll.u32 s0, $0xA;
	s2 =	sadd.s32 s3, s2  }
0x8d: {  	s2 =	sadd.s32 s2, s17  }
0x8e: {  	[smem:$0x3FBE] =	sst s2  }
0x8f: {  	_ = 	snop  }
0x90: {  	s18 =	sld [smem:$0x3FC6]  }
0x91: {  	s4 =	sld [smem:$0x3FC5]  }
0x92: {  	s5 =	sld [smem:$0x3FD0];
	(tm) =	ssettm $0x1  }
0x93: {  	s19 =	sld [smem:$0x3FFB];
	_ =	sdelay $0x3  }
0x94: {  	_ =	strace s19  }
0x95: {  	s2 =	sld [smem:$0x3FFC];
	_ =	sdelay $0x3  }
0x96: {  	_ =	strace s2  }
0x97: {  	s2 =	sld [smem:$0x3FFD];
	_ =	sdelay $0x3  }
0x98: {  	_ =	strace s2  }
0x99: {  	_ =	strace $0x8FFFFFFF  }
0x9a: {  	s20 =	sld [smem:$0x3FDB];
	_ =	sdelay $0x1  }
0x9b: {  	s6 =	simm.s32 $_scs_section_size  }
0x9c: {  	s7 =	simm.s32 $_size__tile_overlayer_lowered;
	s8 =	simm.s32 $_tile_overlayer_lowered  }
0x9d: {  	s9 =	simm.s32 $0x1BFF;
	s21 =	sshll.u32 s8, $0x1;
	s6 =	sadd.s32 s6, s20  }
0x9e: {  	s22 =	simm.s32 $0x0;
	s7 =	sshll.u32 s7, $0x1;
	s8 =	sadd.s32 s21, s6  }
0x9f: {  	[timem:s22], [sflag:s9] =	dma.local [hbm:s8], s7  }
0xa0: {  	_ =	swait.ge [sflag:s9], s7  }
0xa1: {  	s7 =	ssub.s32 $0x0, s7;
	[sflag:s9] =	ssyncset.done $0x0  }
0xa2: {  	[sflag:s9] =	ssyncadd.s32 s7;
	_ =	sdelay $0x1  }
0xa3: {  	s23 =	simm.s32 $0x1B8B  }
0xa4: {  	_ =	swait.ge [sflag:s23], $0x1  }
0xa5: {  	[sflag:s23] =	ssyncset.done $0x0  }
0xa6: {  	[sflag:s23] =	ssyncadd.s32 $0xFFFFFFFF  }
0xa7: {  	s7 =	sld [smem:$0x0]  }
0xa8: {  	s8 =	sand.u32 $0xFFFFFFFE, s1  }
0xa9: {  	p0 =	sne.s32 s1, s8  }
0xaa: {  	s8 =	sshll.u32 @p0 s8, $0xE  }
0xab: {  	s8 =	sadd.s32 @p0 $0x11B8D, s8;
	s9 =	sshll.u32 @p0 s7, $0x11  }
0xac: {  	s8 =	sor.u32 @p0 s9, s8  }
0xad: {  	[sflag:s8] =	ssyncadd.remote.s32 @p0 $0x1;
	_ =	sdelay $0x1  }
0xae: {  	s8 =	simm.s32 @p0 $0x1B8D  }
0xaf: {  	_ =	swait.eq @p0 [sflag:s8], $0x1  }
0xb0: {  	[sflag:s8] =	ssyncadd.s32 @p0 $0xFFFFFFFF  }
0xb1: {  	s9 =	sshll.u32 @!p0 s1, $0xE  }
0xb2: {  	s9 =	sor.u32 @!p0 $0x4000, s9;
	s8 =	simm.s32 @!p0 $0x1B8D  }
0xb3: {  	s7 =	sshll.u32 @!p0 s7, $0x11;
	s9 =	sadd.s32 @!p0 $0x11B8D, s9;
	_ =	swait.eq @!p0 [sflag:s8], $0x1  }
0xb4: {  	s7 =	sor.u32 @!p0 s7, s9;
	[sflag:s8] =	ssyncadd.s32 @!p0 $0xFFFFFFFF  }
0xb5: {  	s25 =	simm.s32 $0x1B8E;
	s24 =	sld [smem:$0x3FFE];
	[sflag:s7] =	ssyncadd.remote.s32 @!p0 $0x1  }
0xb6: {  	s26 =	simm.s32 $execute0_lowered;
	[smem:$0x3FD2] =	sst s25  }
0xb7: {  	s8 =	sshll.u32 s26, $0x1;
	_ =	strace $0x80000049;
	[dreg:$0x1] =	wrdreg $0xFFFFFFFF  }
0xb8: {  	s28 =	simm.s32 $_size_execute0_lowered;
	s6 =	sadd.s32 s6, s8;
	[dreg:$0x0] =	wrdreg $0x0  }
0xb9: {  	s8 =	sshll.u32 s28, $0x1;
	[dreg:$0x2] =	wrdreg s6  }
0xba: {  	[dreg:$0x3] =	wrdreg s8  }
0xbb: {  	[dreg:$0x4] =	wrdreg $0xC0  }
0xbc: {  	_ =	task [dreg:s22], $0x5FFFF  }
0xbd: {  	[dreg:$0x1] =	wrdreg $0xFFFFFFFF  }
0xbe: {  	[dreg:$0x0] =	wrdreg $0x60  }
0xbf: {  	[dreg:$0x2] =	wrdreg s5  }
0xc0: {  	[dreg:$0x3] =	wrdreg s24  }
0xc1: {  	[dreg:$0x4] =	wrdreg s18  }
0xc2: {  	[dreg:$0x5] =	wrdreg s4  }
0xc3: {  	[dreg:$0x6] =	wrdreg $0x0  }
0xc4: {  	[dreg:$0x7] =	wrdreg $0xA  }
0xc5: {  	_ =	task.clear_ibuf [dreg:s22], $0x8FFFF;
	_ =	strace $0x90000049  }
0xc6: {  	s29 =	simm.s32 $0xA;
	_ =	strace $0x8000004B  }
0xc7: {  	_ =	swait.ge [sflag:s29], $0x1  }
0xc8: {  	[sflag:s29] =	ssyncadd.s32 $0xFFFFFFFF  }
0xc9: {  	_ =	strace $0x9000004B  }
0xca: {  	_ =	sfence  }
0xcb: {  	s30 =	sld [smem:$0x0];
	_ =	sdelay $0x2  }
0xcc: {  	s31 =	sshll.u32 s1, $0xD;
	s1 =	sshrl.u32 s1, $0x2  }
0xcd: {  	s4 =	sand.u32 $0x4000, s31;
	s1 =	sadd.s32 s1, s30  }
0xce: {  	s0 =	sor.u32 s4, s0;
	s1 =	sshll.u32 s1, $0x11  }
0xcf: {  	s0 =	sor.u32 s1, s0  }
0xd0: {  	s0 =	sadd.s32 $0x8F2B, s0  }
0xd1: {  	[sflag:s0] =	ssyncadd.remote.s32 $0x1  }
0xd2: {  	_ =	sfence.sel $0xFFFF  }
0xd3: {  	[dreg:$0x0] =	wrdreg $0xFFFFFFFF;
	(pc) =	sbr.abs _section_cstart, $3  }
0xd4: {  	[dreg:$0x1] =	wrdreg $0xFFFFFFFF  }
0xd5: {  	_ =	task.clear_ibuf [dreg:s22], $0x2FFFF;
	_ =	strace $0x9FFFFFFF  }
0xd6: {  	(tm) =	ssettm $0x7FFFFFFF  }
0xd7: {  	_ =	shalt  }
tec
execute0_lowered:
.L_overlay_start_1:
0x0: {  	(tag) =	ssettag $0x1  }
0x1: {  	s0 =	srdreg.scid  }
0x2: {  	s1 =	rddreg [dreg:$0x1];
	s26 =	stileid.u32  }
0x3: {  	s3 =	simm.s32 $0x0;
	s2 =	sand.u32 $0x1, s0;
	s14 =	smul.u32 $0x14000, s26  }
0x4: {  	[smem:$0x7FF] =	sst s3;
	s22 =	sadd.s32 $0x533A00, s1;
	s0 =	ssub.s32 $0x2, s2  }
0x5: {  	s20 =	smul.u32 $0x140000, s2;
	s23 =	sshrl.u32 s0, $0x1;
	s3 =	sor.u32 $0x1400, s14  }
0x6: {  	s6 =	sor.u32 $0x2800, s14;
	s7 =	sor.u32 $0x3C00, s14;
	s8 =	sadd.s32 $0x5000, s14  }
0x7: {  	s9 =	sadd.s32 $0x6400, s14;
	s10 =	sadd.s32 $0x7800, s14;
	s11 =	sadd.s32 $0x8C00, s14  }
0x8: {  	s12 =	sadd.s32 $0xA000, s14;
	s13 =	sadd.s32 $0xB400, s14;
	s4 =	sadd.s32 $0xC800, s14  }
0x9: {  	s15 =	sadd.s32 $0xDC00, s14;
	s17 =	sadd.s32 $0xF000, s14;
	s18 =	sadd.s32 $0x10400, s14  }
0xa: {  	s21 =	sadd.s32 $0x11800, s14;
	s5 =	sadd.s32 $0x12C00, s14;
	s0 =	ssub.s32 s0, s23  }
0xb: {  	s14 =	sadd.s32 s14, s20;
	s16 =	sadd.s32 s20, s3;
	s19 =	sadd.s32 s20, s6  }
0xc: {  	s23 =	sadd.s32 s20, s7;
	s14 =	sshrl.u32 s14, $0x3;
	s24 =	sshrl.u32 s16, $0x3  }
0xd: {  	s25 =	sshrl.u32 s19, $0x3;
	s16 =	sadd.s32 s20, s10;
	s14 =	sadd.s32 s22, s14  }
0xe: {  	s19 =	sadd.s32 s22, s25;
	s25 =	sadd.s32 s20, s9;
	[dreg:$0x6] =	wrdreg s14  }
0xf: {  	s14 =	sadd.s32 s22, s24;
	[dreg:$0x8] =	wrdreg s19;
	s24 =	sadd.s32 s20, s8  }
0x10: {  	s19 =	sadd.s32 s20, s11;
	[dreg:$0x7] =	wrdreg s14;
	s14 =	sshrl.u32 s23, $0x3  }
0x11: {  	s23 =	sshrl.u32 s24, $0x3;
	s24 =	sshrl.u32 s25, $0x3;
	s14 =	sadd.s32 s22, s14  }
0x12: {  	s25 =	sadd.s32 s22, s24;
	s24 =	sshrl.u32 s19, $0x3;
	[dreg:$0x9] =	wrdreg s14  }
0x13: {  	s14 =	sadd.s32 s22, s23;
	[dreg:$0xb] =	wrdreg s25;
	s23 =	sadd.s32 s20, s12  }
0x14: {  	[dreg:$0xa] =	wrdreg s14;
	s14 =	sshrl.u32 s16, $0x3;
	s25 =	sshrl.u32 s23, $0x3  }
0x15: {  	s23 =	sadd.s32 s20, s13;
	s16 =	sadd.s32 s20, s17;
	s14 =	sadd.s32 s22, s14  }
0x16: {  	s19 =	sadd.s32 s22, s25;
	s25 =	sadd.s32 s20, s15;
	[dreg:$0xc] =	wrdreg s14  }
0x17: {  	s14 =	sadd.s32 s22, s24;
	[dreg:$0xe] =	wrdreg s19;
	s19 =	sshrl.u32 s16, $0x3  }
0x18: {  	s24 =	sadd.s32 s20, s4;
	[dreg:$0xd] =	wrdreg s14;
	s16 =	sadd.s32 s22, s19  }
0x19: {  	s14 =	sshrl.u32 s23, $0x3;
	s23 =	sshrl.u32 s24, $0x3;
	[dreg:$0x12] =	wrdreg s16  }
0x1a: {  	s24 =	sshrl.u32 s25, $0x3;
	s14 =	sadd.s32 s22, s14;
	s16 =	rddreg [dreg:$0x2]  }
0x1b: {  	s25 =	sadd.s32 s22, s24;
	[dreg:$0xf] =	wrdreg s14  }
0x1c: {  	s14 =	sadd.s32 s22, s23;
	[dreg:$0x11] =	wrdreg s25  }
0x1d: {  	s23 =	sadd.s32 s20, s18;
	[dreg:$0x10] =	wrdreg s14  }
0x1e: {  	s24 =	sadd.s32 s20, s5;
	s14 =	rddreg [dreg:$0x0];
	s19 =	sshrl.u32 s23, $0x3  }
0x1f: {  	s23 =	sadd.s32 s20, s21;
	s20 =	rddreg [dreg:$0x4];
	s19 =	sadd.s32 s22, s19  }
0x20: {  	s25 =	smul.u32 $0x50000, s26;
	s23 =	sshrl.u32 s23, $0x3;
	[dreg:$0x13] =	wrdreg s19  }
0x21: {  	s24 =	sshrl.u32 s24, $0x3;
	s19 =	rddreg [dreg:$0x3];
	s23 =	sadd.s32 s22, s23  }
0x22: {  	s25 =	sshrl.u32 s25, $0x2;
	s22 =	sadd.s32 s22, s24;
	[dreg:$0x14] =	wrdreg s23  }
0x23: {  	s24 =	sshll.u32 s2, $0x4;
	s2 =	sadd.s32 s25, s20;
	[dreg:$0x15] =	wrdreg s22  }
0x24: {  	s3 =	sadd.s32 s3, s20;
	_ =	strace $0x8000004A;
	[dreg:$0x16] =	wrdreg s2  }
0x25: {  	s23 =	sadd.s32 $0x1C8A00, s1;
	s22 =	sadd.s32 s6, s20;
	[dreg:$0x17] =	wrdreg s3  }
0x26: {  	s1 =	sor.u32 s26, s24;
	s24 =	sadd.s32 s7, s20;
	[dreg:$0x18] =	wrdreg s22  }
0x27: {  	s25 =	sadd.s32 s8, s20;
	[dreg:$0x19] =	wrdreg s24  }
0x28: {  	s26 =	sadd.s32 s9, s20;
	[dreg:$0x1a] =	wrdreg s25  }
0x29: {  	s6 =	sadd.s32 s12, s20;
	[dreg:$0x1b] =	wrdreg s26  }
0x2a: {  	s28 =	simm.s32 $0x15800;
	s7 =	sadd.s32 s4, s20;
	[dreg:$0x1e] =	wrdreg s6  }
0x2b: {  	s29 =	simm.s32 $0x9;
	s8 =	sadd.s32 s17, s20;
	[smem:$0x7F1] =	sst s7  }
0x2c: {  	s30 =	simm.s32 $0x5;
	s9 =	sadd.s32 s18, s20;
	[smem:$0x7F2] =	sst s8  }
0x2d: {  	s31 =	simm.s32 $0x3;
	s12 =	sadd.s32 s5, s20;
	[smem:$0x7F3] =	sst s9  }
0x2e: {  	s0 =	smax.u32 s0, $0x1;
	s10 =	sadd.s32 s10, s20;
	[smem:$0x7F5] =	sst s12  }
0x2f: {  	s13 =	sadd.s32 s13, s20;
	s15 =	sadd.s32 s15, s20;
	[smem:$0x7FC] =	sst s0  }
0x30: {  	s5 =	simm.s32 $0xB;
	s3 =	sadd.s32 s11, s20;
	[dreg:$0x1c] =	wrdreg s10  }
0x31: {  	s11 =	sadd.s32 s21, s20;
	s18 =	smul.u32 $0xDAC00, s1;
	[dreg:$0x1f] =	wrdreg s13  }
0x32: {  	s12 =	simm.s32 $0xD;
	s0 =	simm.s32 $0xA;
	[smem:$0x7FD] =	sst s15  }
0x33: {  	s6 =	simm.s32 $0xF;
	s7 =	simm.s32 $0x7;
	[dreg:$0x1d] =	wrdreg s3  }
0x34: {  	s8 =	simm.s32 $0x0;
	s3 =	smul.u32 $0x1B58, s1;
	[smem:$0x7F4] =	sst s11  }
0x35: {  	s1 =	smul.u32 $0x1B580, s1;
	s11 =	simm.s32 $0x14400;
	s4 =	sshrl.u32 s18, $0x3  }
0x36: {  	s18 =	simm.s32 $0x16C00;
	s9 =	sadd.s32 $0x17700, s3;
	s22 =	sadd.s32 $0x17728, s3  }
0x37: {  	s1 =	sadd.s32 s23, s1;
	s25 =	sadd.s32 s23, s4;
	s4 =	simm.s32 $0x6  }
0x38: {  	s17 =	sshrl.u32 s9, $0x3;
	[smem:$0x7F8] =	sst s1;
	s1 =	sadd.s32 $0x280, s25  }
.Ltmp0:
0x39: {  	s21 =	sadd.s32 s16, s17;
	[smem:$0x7FB] =	sst s1;
	(pc) =	sbr.rel .LBB2_1-.Ltmp0, $4  }
0x3a: {  	s24 =	sshrl.u32 s22, $0x3;
	s2 =	sadd.s32 s19, s17;
	[smem:$0x7F6] =	sst s21  }
0x3b: {  	s22 =	simm.s32 $0x28;
	s26 =	sadd.s32 s16, s24;
	[smem:$0x7F7] =	sst s2  }
0x3c: {  	[smem:$0x7F9] =	sst s26;
	s2 =	sadd.s32 s19, s24;
	s24 =	simm.s32 $0x14300  }
0x3d: {  	v0 =	vimm.f32 $0.0e+00;
	s26 =	simm.s32 $0x2;
	[smem:$0x7FA] =	sst s2;
	s2 =	simm.s32 $0xE  }
.LBB2_15:
0x3e: {  	s17 =	simm.s32 $0x11  }
0x3f: {  	_ =	swait.ge [sflag:s17], $0x1400  }
0x40: {  	[sflag:s17] =	ssyncset.done $0x0  }
0x41: {  	s21 =	simm.s32 $0x12;
	[sflag:s17] =	ssyncadd.s32 $0xFFFFEC00  }
0x42: {  	_ =	swait.ge [sflag:s21], $0x1400  }
0x43: {  	[sflag:s21] =	ssyncset.done $0x0  }
0x44: {  	s1 =	simm.s32 $0x13;
	[sflag:s21] =	ssyncadd.s32 $0xFFFFEC00  }
0x45: {  	_ =	swait.ge [sflag:s1], $0x1400  }
0x46: {  	[sflag:s1] =	ssyncset.done $0x0  }
0x47: {  	s25 =	simm.s32 $0x14;
	[sflag:s1] =	ssyncadd.s32 $0xFFFFEC00  }
0x48: {  	_ =	swait.ge [sflag:s25], $0x1400  }
0x49: {  	[sflag:s25] =	ssyncset.done $0x0  }
0x4a: {  	[sflag:s25] =	ssyncadd.s32 $0xFFFFEC00  }
0x4b: {  	[bflag:$0x0] =	sbarrier.arrive $0xFFFF  }
0x4c: {  	s25 =	simm.s32 $0x15;
	s8 =	rddreg [dreg:$0x16]  }
0x4d: {  	[tilespmem:s11], [sflag:$0x15] =	stream.linear.gather [spmem:s8], $0x1400, $0x38;
	[tilespmem:$0x1E400] =	vst v63  }
0x4e: {  	_ =	swait.ge [sflag:s25], $0x1400  }
0x4f: {  	[sflag:s25] =	ssyncset.done $0x0  }
0x50: {  	s1 =	simm.s32 $0x0;
	s8 =	rddreg [dreg:$0x6];
	[sflag:s25] =	ssyncadd.s32 $0xFFFFEC00  }
0x51: {  	[hbm4b:s8+s1] =	stream.linear.scatter [tilespmem:s11], [sflag:$0x11], $0x1400, $0x38;
	[tilespmem:$0x1E400] =	vst v63  }
0x52: {  	s10 =	rddreg [dreg:$0x17]  }
0x53: {  	[tilespmem:s28], [sflag:$0x15] =	stream.linear.gather [spmem:s10], $0x1400, $0x38;
	[tilespmem:$0x1E400] =	vst v63  }
0x54: {  	_ =	swait.ge [sflag:s25], $0x1400  }
0x55: {  	[sflag:s25] =	ssyncset.done $0x0  }
0x56: {  	s13 =	rddreg [dreg:$0x7];
	[sflag:s25] =	ssyncadd.s32 $0xFFFFEC00  }
0x57: {  	[hbm4b:s13+s1] =	stream.linear.scatter [tilespmem:s28], [sflag:$0x12], $0x1400, $0x38;
	[tilespmem:$0x1E400] =	vst v63  }
0x58: {  	_ =	swait.ge [sflag:s17], $0x1400  }
0x59: {  	[sflag:s17] =	ssyncset.done $0x0  }
0x5a: {  	s15 =	rddreg [dreg:$0x18];
	[sflag:s17] =	ssyncadd.s32 $0xFFFFEC00  }
0x5b: {  	[tilespmem:s11], [sflag:$0x15] =	stream.linear.gather [spmem:s15], $0x1400, $0x38;
	[tilespmem:$0x1E400] =	vst v63  }
0x5c: {  	_ =	swait.ge [sflag:s25], $0x1400  }
0x5d: {  	[sflag:s25] =	ssyncset.done $0x0  }
0x5e: {  	s10 =	rddreg [dreg:$0x8];
	[sflag:s25] =	ssyncadd.s32 $0xFFFFEC00  }
0x5f: {  	[hbm4b:s10+s1] =	stream.linear.scatter [tilespmem:s11], [sflag:$0x11], $0x1400, $0x38;
	[tilespmem:$0x1E400] =	vst v63  }
0x60: {  	_ =	swait.ge [sflag:s21], $0x1400  }
0x61: {  	[sflag:s21] =	ssyncset.done $0x0  }
0x62: {  	s13 =	rddreg [dreg:$0x19];
	[sflag:s21] =	ssyncadd.s32 $0xFFFFEC00  }
0x63: {  	[tilespmem:s28], [sflag:$0x15] =	stream.linear.gather [spmem:s13], $0x1400, $0x38;
	[tilespmem:$0x1E400] =	vst v63  }
0x64: {  	_ =	swait.ge [sflag:s25], $0x1400  }
0x65: {  	[sflag:s25] =	ssyncset.done $0x0  }
0x66: {  	s15 =	rddreg [dreg:$0x9];
	[sflag:s25] =	ssyncadd.s32 $0xFFFFEC00  }
0x67: {  	[hbm4b:s15+s1] =	stream.linear.scatter [tilespmem:s28], [sflag:$0x12], $0x1400, $0x38;
	[tilespmem:$0x1E400] =	vst v63  }
0x68: {  	_ =	swait.ge [sflag:s17], $0x1400  }
0x69: {  	[sflag:s17] =	ssyncset.done $0x0  }
0x6a: {  	s10 =	rddreg [dreg:$0x1a];
	[sflag:s17] =	ssyncadd.s32 $0xFFFFEC00  }
0x6b: {  	[tilespmem:s11], [sflag:$0x15] =	stream.linear.gather [spmem:s10], $0x1400, $0x38;
	[tilespmem:$0x1E400] =	vst v63  }
0x6c: {  	_ =	swait.ge [sflag:s25], $0x1400  }
0x6d: {  	[sflag:s25] =	ssyncset.done $0x0  }
0x6e: {  	s13 =	rddreg [dreg:$0xa];
	[sflag:s25] =	ssyncadd.s32 $0xFFFFEC00  }
0x6f: {  	[hbm4b:s13+s1] =	stream.linear.scatter [tilespmem:s11], [sflag:$0x11], $0x1400, $0x38;
	[tilespmem:$0x1E400] =	vst v63  }
0x70: {  	_ =	swait.ge [sflag:s21], $0x1400  }
0x71: {  	[sflag:s21] =	ssyncset.done $0x0  }
0x72: {  	s15 =	rddreg [dreg:$0x1b];
	[sflag:s21] =	ssyncadd.s32 $0xFFFFEC00  }
0x73: {  	[tilespmem:s28], [sflag:$0x15] =	stream.linear.gather [spmem:s15], $0x1400, $0x38;
	[tilespmem:$0x1E400] =	vst v63  }
0x74: {  	_ =	swait.ge [sflag:s25], $0x1400  }
0x75: {  	[sflag:s25] =	ssyncset.done $0x0  }
0x76: {  	s10 =	rddreg [dreg:$0xb];
	[sflag:s25] =	ssyncadd.s32 $0xFFFFEC00  }
0x77: {  	[hbm4b:s10+s1] =	stream.linear.scatter [tilespmem:s28], [sflag:$0x12], $0x1400, $0x38;
	[tilespmem:$0x1E400] =	vst v63  }
0x78: {  	_ =	swait.ge [sflag:s17], $0x1400  }
0x79: {  	[sflag:s17] =	ssyncset.done $0x0  }
0x7a: {  	s10 =	rddreg [dreg:$0x1c];
	[sflag:s17] =	ssyncadd.s32 $0xFFFFEC00  }
0x7b: {  	[tilespmem:s11], [sflag:$0x15] =	stream.linear.gather [spmem:s10], $0x1400, $0x38;
	[tilespmem:$0x1E400] =	vst v63  }
0x7c: {  	_ =	swait.ge [sflag:s25], $0x1400  }
0x7d: {  	[sflag:s25] =	ssyncset.done $0x0  }
0x7e: {  	s13 =	rddreg [dreg:$0xc];
	[sflag:s25] =	ssyncadd.s32 $0xFFFFEC00  }
0x7f: {  	[hbm4b:s13+s1] =	stream.linear.scatter [tilespmem:s11], [sflag:$0x11], $0x1400, $0x38;
	[tilespmem:$0x1E400] =	vst v63  }
0x80: {  	_ =	swait.ge [sflag:s21], $0x1400  }
0x81: {  	[sflag:s21] =	ssyncset.done $0x0  }
0x82: {  	s15 =	rddreg [dreg:$0x1d];
	[sflag:s21] =	ssyncadd.s32 $0xFFFFEC00  }
0x83: {  	[tilespmem:s28], [sflag:$0x15] =	stream.linear.gather [spmem:s15], $0x1400, $0x38;
	[tilespmem:$0x1E400] =	vst v63  }
0x84: {  	_ =	swait.ge [sflag:s25], $0x1400  }
0x85: {  	[sflag:s25] =	ssyncset.done $0x0  }
0x86: {  	s13 =	rddreg [dreg:$0xd];
	[sflag:s25] =	ssyncadd.s32 $0xFFFFEC00  }
0x87: {  	[hbm4b:s13+s1] =	stream.linear.scatter [tilespmem:s28], [sflag:$0x12], $0x1400, $0x38;
	[tilespmem:$0x1E400] =	vst v63  }
0x88: {  	_ =	swait.ge [sflag:s17], $0x1400  }
0x89: {  	[sflag:s17] =	ssyncset.done $0x0  }
0x8a: {  	s15 =	rddreg [dreg:$0x1e];
	[sflag:s17] =	ssyncadd.s32 $0xFFFFEC00  }
0x8b: {  	[tilespmem:s11], [sflag:$0x15] =	stream.linear.gather [spmem:s15], $0x1400, $0x38;
	[tilespmem:$0x1E400] =	vst v63  }
0x8c: {  	_ =	swait.ge [sflag:s25], $0x1400  }
0x8d: {  	[sflag:s25] =	ssyncset.done $0x0  }
0x8e: {  	s13 =	rddreg [dreg:$0xe];
	[sflag:s25] =	ssyncadd.s32 $0xFFFFEC00  }
0x8f: {  	[hbm4b:s13+s1] =	stream.linear.scatter [tilespmem:s11], [sflag:$0x11], $0x1400, $0x38;
	[tilespmem:$0x1E400] =	vst v63  }
0x90: {  	_ =	swait.ge [sflag:s21], $0x1400  }
0x91: {  	[sflag:s21] =	ssyncset.done $0x0  }
0x92: {  	s13 =	rddreg [dreg:$0x1f];
	[sflag:s21] =	ssyncadd.s32 $0xFFFFEC00  }
0x93: {  	[tilespmem:s28], [sflag:$0x15] =	stream.linear.gather [spmem:s13], $0x1400, $0x38;
	[tilespmem:$0x1E400] =	vst v63  }
0x94: {  	_ =	swait.ge [sflag:s25], $0x1400  }
0x95: {  	[sflag:s25] =	ssyncset.done $0x0  }
0x96: {  	s15 =	rddreg [dreg:$0xf];
	[sflag:s25] =	ssyncadd.s32 $0xFFFFEC00  }
0x97: {  	[hbm4b:s15+s1] =	stream.linear.scatter [tilespmem:s28], [sflag:$0x12], $0x1400, $0x38;
	[tilespmem:$0x1E400] =	vst v63  }
0x98: {  	_ =	swait.ge [sflag:s17], $0x1400  }
0x99: {  	s15 =	sld [smem:$0x7F1]  }
0x9a: {  	[sflag:s17] =	ssyncset.done $0x0  }
0x9b: {  	[sflag:s17] =	ssyncadd.s32 $0xFFFFEC00  }
0x9c: {  	[tilespmem:s11], [sflag:$0x15] =	stream.linear.gather [spmem:s15], $0x1400, $0x38;
	[tilespmem:$0x1E400] =	vst v63  }
0x9d: {  	_ =	swait.ge [sflag:s25], $0x1400  }
0x9e: {  	[sflag:s25] =	ssyncset.done $0x0  }
0x9f: {  	s15 =	rddreg [dreg:$0x10];
	[sflag:s25] =	ssyncadd.s32 $0xFFFFEC00  }
0xa0: {  	[hbm4b:s15+s1] =	stream.linear.scatter [tilespmem:s11], [sflag:$0x11], $0x1400, $0x38;
	[tilespmem:$0x1E400] =	vst v63  }
0xa1: {  	_ =	swait.ge [sflag:s21], $0x1400  }
0xa2: {  	s15 =	sld [smem:$0x7FD]  }
0xa3: {  	[sflag:s21] =	ssyncset.done $0x0  }
0xa4: {  	[sflag:s21] =	ssyncadd.s32 $0xFFFFEC00  }
0xa5: {  	[tilespmem:s28], [sflag:$0x15] =	stream.linear.gather [spmem:s15], $0x1400, $0x38;
	[tilespmem:$0x1E400] =	vst v63  }
0xa6: {  	_ =	swait.ge [sflag:s25], $0x1400  }
0xa7: {  	[sflag:s25] =	ssyncset.done $0x0  }
0xa8: {  	s8 =	rddreg [dreg:$0x11];
	[sflag:s25] =	ssyncadd.s32 $0xFFFFEC00  }
0xa9: {  	[hbm4b:s8+s1] =	stream.linear.scatter [tilespmem:s28], [sflag:$0x12], $0x1400, $0x38;
	[tilespmem:$0x1E400] =	vst v63  }
0xaa: {  	_ =	swait.ge [sflag:s17], $0x1400  }
0xab: {  	s8 =	sld [smem:$0x7F2]  }
0xac: {  	[sflag:s17] =	ssyncset.done $0x0  }
0xad: {  	[sflag:s17] =	ssyncadd.s32 $0xFFFFEC00  }
0xae: {  	[tilespmem:s11], [sflag:$0x15] =	stream.linear.gather [spmem:s8], $0x1400, $0x38;
	[tilespmem:$0x1E400] =	vst v63  }
0xaf: {  	_ =	swait.ge [sflag:s25], $0x1400  }
0xb0: {  	[sflag:s25] =	ssyncset.done $0x0  }
0xb1: {  	s8 =	rddreg [dreg:$0x12];
	[sflag:s25] =	ssyncadd.s32 $0xFFFFEC00  }
0xb2: {  	[hbm4b:s8+s1] =	stream.linear.scatter [tilespmem:s11], [sflag:$0x11], $0x1400, $0x38;
	[tilespmem:$0x1E400] =	vst v63  }
0xb3: {  	_ =	swait.ge [sflag:s21], $0x1400  }
0xb4: {  	s8 =	sld [smem:$0x7F3]  }
0xb5: {  	[sflag:s21] =	ssyncset.done $0x0  }
0xb6: {  	[sflag:s21] =	ssyncadd.s32 $0xFFFFEC00  }
0xb7: {  	[tilespmem:s28], [sflag:$0x15] =	stream.linear.gather [spmem:s8], $0x1400, $0x38;
	[tilespmem:$0x1E400] =	vst v63  }
0xb8: {  	_ =	swait.ge [sflag:s25], $0x1400  }
0xb9: {  	[sflag:s25] =	ssyncset.done $0x0  }
0xba: {  	s8 =	rddreg [dreg:$0x13];
	[sflag:s25] =	ssyncadd.s32 $0xFFFFEC00  }
0xbb: {  	[hbm4b:s8+s1] =	stream.linear.scatter [tilespmem:s28], [sflag:$0x12], $0x1400, $0x38;
	[tilespmem:$0x1E400] =	vst v63  }
0xbc: {  	_ =	swait.ge [sflag:s17], $0x1400  }
0xbd: {  	s8 =	sld [smem:$0x7F4]  }
0xbe: {  	[sflag:s17] =	ssyncset.done $0x0  }
0xbf: {  	[sflag:s17] =	ssyncadd.s32 $0xFFFFEC00  }
0xc0: {  	[tilespmem:s11], [sflag:$0x15] =	stream.linear.gather [spmem:s8], $0x1400, $0x38;
	[tilespmem:$0x1E400] =	vst v63  }
0xc1: {  	_ =	swait.ge [sflag:s25], $0x1400  }
0xc2: {  	[sflag:s25] =	ssyncset.done $0x0  }
0xc3: {  	s8 =	rddreg [dreg:$0x14];
	[sflag:s25] =	ssyncadd.s32 $0xFFFFEC00  }
0xc4: {  	[hbm4b:s8+s1] =	stream.linear.scatter [tilespmem:s11], [sflag:$0x11], $0x1400, $0x38;
	[tilespmem:$0x1E400] =	vst v63  }
0xc5: {  	_ =	swait.ge [sflag:s21], $0x1400  }
0xc6: {  	s8 =	sld [smem:$0x7F5]  }
0xc7: {  	[sflag:s21] =	ssyncset.done $0x0  }
0xc8: {  	[sflag:s21] =	ssyncadd.s32 $0xFFFFEC00  }
0xc9: {  	[tilespmem:s28], [sflag:$0x15] =	stream.linear.gather [spmem:s8], $0x1400, $0x38;
	[tilespmem:$0x1E400] =	vst v63  }
0xca: {  	_ =	swait.ge [sflag:s25], $0x1400  }
0xcb: {  	[sflag:s25] =	ssyncset.done $0x0  }
0xcc: {  	[sflag:s25] =	ssyncadd.s32 $0xFFFFEC00;
	s25 =	rddreg [dreg:$0x15]  }
0xcd: {  	[hbm4b:s25+s1] =	stream.linear.scatter [tilespmem:s28], [sflag:$0x12], $0x1400, $0x38;
	[tilespmem:$0x1E400] =	vst v63  }
0xce: {  	_ =	swait.ge [sflag:s17], $0x1400  }
0xcf: {  	[sflag:s17] =	ssyncset.done $0x0  }
0xd0: {  	[sflag:s17] =	ssyncadd.s32 $0xFFFFEC00  }
0xd1: {  	_ =	swait.ge [sflag:s21], $0x1400  }
0xd2: {  	s17 =	sld [smem:$0x7F0]  }
0xd3: {  	s25 =	sld [smem:$0x7FC];
	_ =	sdelay $0x1  }
0xd4: {  	s8 =	sadd.s32 $0x1, s17  }
0xd5: {  	p0 =	sne.s32 s8, s25  }
.Ltmp1:
0xd6: {  	_ = 	snop;
	(pc) =	sbr.rel @!p0 .LBB2_16-.Ltmp1, $3  }
0xd7: {  	_ =	sdelay $0x1  }
0xd8: {  	[sflag:s21] =	ssyncset.done $0x0  }
0xd9: {  	[sflag:s21] =	ssyncadd.s32 $0xFFFFEC00  }
.LBB2_1:
0xda: {  	[smem:$0x7F0] =	sst s8;
	s1 =	simm.s32 $0x0;
	s8 =	simm.s32 $0x200  }
.LBB2_2:
0xdb: {  	p0 =	sne.s32 s8, $0x4E00;
	[tilespmem:s1+$0x14470] =	vst v0  }
0xdc: {  	[tilespmem:s1+$0x14400] =	vst v0  }
0xdd: {  	[tilespmem:s1+$0x14410] =	vst v0  }
.Ltmp2:
0xde: {  	[tilespmem:s1+$0x14420] =	vst v0;
	(pc) =	sbr.rel @p0 .LBB2_2-.Ltmp2, $4  }
0xdf: {  	[tilespmem:s1+$0x14430] =	vst v0  }
0xe0: {  	[tilespmem:s1+$0x14440] =	vst v0  }
0xe1: {  	[tilespmem:s1+$0x14450] =	vst v0  }
0xe2: {  	[tilespmem:s1+$0x14460] =	vst v0;
	s1 =	sshra.s32 s8, $0x2;
	s8 =	sadd.s32 $0x200, s8  }
0xe3: {  	[tilespmem:s1+$0x14470] =	vst v0  }
0xe4: {  	[tilespmem:s1+$0x14400] =	vst v0  }
0xe5: {  	[tilespmem:s1+$0x14410] =	vst v0  }
0xe6: {  	[tilespmem:s1+$0x14420] =	vst v0  }
0xe7: {  	[tilespmem:s1+$0x14430] =	vst v0  }
0xe8: {  	[tilespmem:s1+$0x14440] =	vst v0  }
0xe9: {  	[tilespmem:s1+$0x14450] =	vst v0  }
0xea: {  	[tilespmem:s1+$0x14460] =	vst v0;
	s25 =	rddreg [dreg:$0x16]  }
0xeb: {  	[spmem:s25] =	stream.linear.scatter [tilespmem:s11], [sflag:$0xD], $0x1400, $0x38;
	[tilespmem:$0x1E400] =	vst v63  }
0xec: {  	s8 =	rddreg [dreg:$0x17]  }
0xed: {  	[spmem:s8] =	stream.linear.scatter [tilespmem:s11], [sflag:$0xD], $0x1400, $0x38;
	[tilespmem:$0x1E400] =	vst v63  }
0xee: {  	s17 =	rddreg [dreg:$0x18]  }
0xef: {  	[spmem:s17] =	stream.linear.scatter [tilespmem:s11], [sflag:$0xD], $0x1400, $0x38;
	[tilespmem:$0x1E400] =	vst v63  }
0xf0: {  	s21 =	rddreg [dreg:$0x19]  }
0xf1: {  	[spmem:s21] =	stream.linear.scatter [tilespmem:s11], [sflag:$0xD], $0x1400, $0x38;
	[tilespmem:$0x1E400] =	vst v63  }
0xf2: {  	s25 =	rddreg [dreg:$0x1a]  }
0xf3: {  	[spmem:s25] =	stream.linear.scatter [tilespmem:s11], [sflag:$0xD], $0x1400, $0x38;
	[tilespmem:$0x1E400] =	vst v63  }
0xf4: {  	s8 =	rddreg [dreg:$0x1b]  }
0xf5: {  	[spmem:s8] =	stream.linear.scatter [tilespmem:s11], [sflag:$0xD], $0x1400, $0x38;
	[tilespmem:$0x1E400] =	vst v63  }
0xf6: {  	_ = 	snop  }
0xf7: {  	[spmem:s10] =	stream.linear.scatter [tilespmem:s11], [sflag:$0xD], $0x1400, $0x38;
	[tilespmem:$0x1E400] =	vst v63  }
0xf8: {  	s17 =	rddreg [dreg:$0x1d]  }
0xf9: {  	[spmem:s17] =	stream.linear.scatter [tilespmem:s11], [sflag:$0xD], $0x1400, $0x38;
	[tilespmem:$0x1E400] =	vst v63  }
0xfa: {  	s21 =	rddreg [dreg:$0x1e]  }
0xfb: {  	[spmem:s21] =	stream.linear.scatter [tilespmem:s11], [sflag:$0xD], $0x1400, $0x38;
	[tilespmem:$0x1E400] =	vst v63  }
0xfc: {  	s25 =	sld [smem:$0x7F1]  }
0xfd: {  	[spmem:s13] =	stream.linear.scatter [tilespmem:s11], [sflag:$0xD], $0x1400, $0x38;
	[tilespmem:$0x1E400] =	vst v63  }
0xfe: {  	_ = 	snop  }
0xff: {  	[spmem:s25] =	stream.linear.scatter [tilespmem:s11], [sflag:$0xD], $0x1400, $0x38;
	[tilespmem:$0x1E400] =	vst v63  }
0x100: {  	s8 =	sld [smem:$0x7F2]  }
0x101: {  	[spmem:s15] =	stream.linear.scatter [tilespmem:s11], [sflag:$0xD], $0x1400, $0x38;
	[tilespmem:$0x1E400] =	vst v63  }
0x102: {  	s10 =	sld [smem:$0x7F3]  }
0x103: {  	[spmem:s8] =	stream.linear.scatter [tilespmem:s11], [sflag:$0xD], $0x1400, $0x38;
	[tilespmem:$0x1E400] =	vst v63  }
0x104: {  	s13 =	sld [smem:$0x7F4]  }
0x105: {  	[spmem:s10] =	stream.linear.scatter [tilespmem:s11], [sflag:$0xD], $0x1400, $0x38;
	[tilespmem:$0x1E400] =	vst v63  }
0x106: {  	s15 =	sld [smem:$0x7F5]  }
0x107: {  	[spmem:s13] =	stream.linear.scatter [tilespmem:s11], [sflag:$0xD], $0x1400, $0x38;
	[tilespmem:$0x1E400] =	vst v63  }
0x108: {  	_ = 	snop  }
0x109: {  	[spmem:s15] =	stream.linear.scatter [tilespmem:s11], [sflag:$0xD], $0x1400, $0x38;
	[tilespmem:$0x1E400] =	vst v63  }
0x10a: {  	_ =	swait.ge [sflag:s12], $0x1400  }
0x10b: {  	[sflag:s12] =	ssyncset.done $0x0  }
0x10c: {  	[sflag:s12] =	ssyncadd.s32 $0xFFFFEC00  }
0x10d: {  	_ =	swait.ge [sflag:s12], $0x1400  }
0x10e: {  	[sflag:s12] =	ssyncset.done $0x0  }
0x10f: {  	[sflag:s12] =	ssyncadd.s32 $0xFFFFEC00  }
0x110: {  	_ =	swait.ge [sflag:s12], $0x1400  }
0x111: {  	[sflag:s12] =	ssyncset.done $0x0  }
0x112: {  	[sflag:s12] =	ssyncadd.s32 $0xFFFFEC00  }
0x113: {  	_ =	swait.ge [sflag:s12], $0x1400  }
0x114: {  	[sflag:s12] =	ssyncset.done $0x0  }
0x115: {  	[sflag:s12] =	ssyncadd.s32 $0xFFFFEC00  }
0x116: {  	_ =	swait.ge [sflag:s12], $0x1400  }
0x117: {  	[sflag:s12] =	ssyncset.done $0x0  }
0x118: {  	[sflag:s12] =	ssyncadd.s32 $0xFFFFEC00  }
0x119: {  	_ =	swait.ge [sflag:s12], $0x1400  }
0x11a: {  	[sflag:s12] =	ssyncset.done $0x0  }
0x11b: {  	[sflag:s12] =	ssyncadd.s32 $0xFFFFEC00  }
0x11c: {  	_ =	swait.ge [sflag:s12], $0x1400  }
0x11d: {  	[sflag:s12] =	ssyncset.done $0x0  }
0x11e: {  	[sflag:s12] =	ssyncadd.s32 $0xFFFFEC00  }
0x11f: {  	_ =	swait.ge [sflag:s12], $0x1400  }
0x120: {  	[sflag:s12] =	ssyncset.done $0x0  }
0x121: {  	[sflag:s12] =	ssyncadd.s32 $0xFFFFEC00  }
0x122: {  	_ =	swait.ge [sflag:s12], $0x1400  }
0x123: {  	[sflag:s12] =	ssyncset.done $0x0  }
0x124: {  	[sflag:s12] =	ssyncadd.s32 $0xFFFFEC00  }
0x125: {  	_ =	swait.ge [sflag:s12], $0x1400  }
0x126: {  	[sflag:s12] =	ssyncset.done $0x0  }
0x127: {  	[sflag:s12] =	ssyncadd.s32 $0xFFFFEC00  }
0x128: {  	_ =	swait.ge [sflag:s12], $0x1400  }
0x129: {  	[sflag:s12] =	ssyncset.done $0x0  }
0x12a: {  	[sflag:s12] =	ssyncadd.s32 $0xFFFFEC00  }
0x12b: {  	_ =	swait.ge [sflag:s12], $0x1400  }
0x12c: {  	[sflag:s12] =	ssyncset.done $0x0  }
0x12d: {  	[sflag:s12] =	ssyncadd.s32 $0xFFFFEC00  }
0x12e: {  	_ =	swait.ge [sflag:s12], $0x1400  }
0x12f: {  	[sflag:s12] =	ssyncset.done $0x0  }
0x130: {  	[sflag:s12] =	ssyncadd.s32 $0xFFFFEC00  }
0x131: {  	_ =	swait.ge [sflag:s12], $0x1400  }
0x132: {  	[sflag:s12] =	ssyncset.done $0x0  }
0x133: {  	[sflag:s12] =	ssyncadd.s32 $0xFFFFEC00  }
0x134: {  	_ =	swait.ge [sflag:s12], $0x1400  }
0x135: {  	[sflag:s12] =	ssyncset.done $0x0  }
0x136: {  	[sflag:s12] =	ssyncadd.s32 $0xFFFFEC00  }
0x137: {  	_ =	swait.ge [sflag:s12], $0x1400  }
0x138: {  	[sflag:s12] =	ssyncset.done $0x0  }
0x139: {  	[sflag:s12] =	ssyncadd.s32 $0xFFFFEC00  }
0x13a: {  	[bflag:$0x0] =	sbarrier.arrive $0xFFFF  }
0x13b: {  	s17 =	sld [smem:$0x7F6];
	_ =	sdelay $0x1  }
0x13c: {  	s8 =	simm.s32 $0x14000;
	s13 =	simm.s32 $0x0;
	s21 =	sld [smem:$0x7F7]  }
0x13d: {  	[tilespmem:s8], [sflag:$0x1] =	stream.linear.gather [hbm4b:s17+s13], $0x28, $0x38;
	[tilespmem:$0x1E400] =	vst v63  }
0x13e: {  	s25 =	simm.s32 $0x14200;
	s15 =	sld [smem:$0x7F8]  }
0x13f: {  	[tilespmem:s25], [sflag:$0x5] =	stream.linear.gather [hbm4b:s21+s13], $0x28, $0x38;
	[tilespmem:$0x1E400] =	vst v63  }
0x140: {  	s17 =	simm.s32 $0x19400;
	s21 =	sld [smem:$0x7F9]  }
0x141: {  	[tilespmem:s17], [sflag:$0x9] =	stream.linear.gather [hbm4b:s15+s13], $0x1400, $0x38;
	[tilespmem:$0x1E400] =	vst v63  }
0x142: {  	s10 =	sld [smem:$0x7FA];
	s25 =	simm.s32 $0x14080  }
0x143: {  	[tilespmem:s25], [sflag:$0x2] =	stream.linear.gather [hbm4b:s21+s13], $0x28, $0x38;
	[tilespmem:$0x1E400] =	vst v63  }
0x144: {  	s15 =	simm.s32 $0x14280;
	s17 =	sld [smem:$0x7FB]  }
0x145: {  	[tilespmem:s15], [sflag:$0x6] =	stream.linear.gather [hbm4b:s10+s13], $0x28, $0x38;
	[tilespmem:$0x1E400] =	vst v63  }
0x146: {  	s21 =	simm.s32 $0x1A800  }
0x147: {  	[tilespmem:s21], [sflag:$0xA] =	stream.linear.gather [hbm4b:s17+s13], $0x1400, $0x38;
	[tilespmem:$0x1E400] =	vst v63  }
.Ltmp3:
0x148: {  	s25 =	simm.s32 $0x1;
	(pc) =	sbr.rel .LBB2_4-.Ltmp3, $4  }
0x149: {  	_ =	swait.ge [sflag:s25], $0x28  }
0x14a: {  	[sflag:s25] =	ssyncset.done $0x0  }
0x14b: {  	s15 =	simm.s32 $0x0;
	[sflag:s25] =	ssyncadd.s32 $0xFFFFFFD8  }
0x14c: {  	[tilespmem:s11], [sflag:$0xD] =	stream.indirect.gather [hbm4b:s14+s22], $0x80, s8, s22, $0xb8;
	[tilespmem:$0x1E400] =	vst v63  }
.LBB2_14:
0x14d: {  	s15 =	sadd.s32 $0x1, s15  }
0x14e: {  	p0 =	sne.s32 s15, $0x2C  }
.Ltmp4:
0x14f: {  	_ = 	snop;
	(pc) =	sbr.rel @!p0 .LBB2_15-.Ltmp4, $1  }
0x150: {  	_ =	sdelay $0x3  }
.LBB2_4:
0x151: {  	s17 =	smul.u32 $0xA0, s15  }
0x152: {  	p0 =	seq.s32 s15, $0x0  }
0x153: {  	s1 =	simm.s32 @!p0 $0x13;
	s8 =	sadd.s32 $0x50, s17  }
0x154: {  	_ =	swait.ge @!p0 [sflag:s1], $0x1400;
	s10 =	sadd.s32 s9, s8  }
0x155: {  	[sflag:s1] =	ssyncset.done @!p0 $0x0;
	s10 =	sshrl.u32 s10, $0x3  }
0x156: {  	s21 =	simm.s32 $0x14100;
	[sflag:s1] =	ssyncadd.s32 @!p0 $0xFFFFEC00;
	s25 =	sadd.s32 s16, s10  }
0x157: {  	[tilespmem:s21], [sflag:$0x3] =	stream.linear.gather [hbm4b:s25+s13], $0x28, $0x38;
	[tilespmem:$0x1E400] =	vst v63  }
0x158: {  	s25 =	sadd.s32 s3, s8  }
0x159: {  	s10 =	sadd.s32 s19, s10;
	s1 =	sshll.u32 s25, $0x4  }
0x15a: {  	[tilespmem:s24], [sflag:$0x7] =	stream.linear.gather [hbm4b:s10+s13], $0x28, $0x38;
	[tilespmem:$0x1E400] =	vst v63  }
0x15b: {  	s21 =	simm.s32 $0x1BC00;
	s1 =	sadd.s32 s23, s1  }
0x15c: {  	[tilespmem:s21], [sflag:$0xB] =	stream.linear.gather [hbm4b:s1+s13], $0x1400, $0x38;
	[tilespmem:$0x1E400] =	vst v63  }
0x15d: {  	_ =	swait.ge [sflag:s26], $0x28  }
0x15e: {  	[sflag:s26] =	ssyncset.done $0x0  }
0x15f: {  	s25 =	simm.s32 $0x14080;
	[sflag:s26] =	ssyncadd.s32 $0xFFFFFFD8  }
0x160: {  	[tilespmem:s28], [sflag:$0xE] =	stream.indirect.gather [hbm4b:s14+s22], $0x80, s25, s22, $0xb8;
	[tilespmem:$0x1E400] =	vst v63  }
0x161: {  	_ =	swait.ge [sflag:s29], $0x1400  }
0x162: {  	[sflag:s29] =	ssyncset.done $0x0  }
0x163: {  	[sflag:s29] =	ssyncadd.s32 $0xFFFFEC00  }
0x164: {  	_ =	swait.ge [sflag:s12], $0x1400  }
0x165: {  	[sflag:s12] =	ssyncset.done $0x0  }
0x166: {  	s8 =	simm.s32 $0x0;
	[sflag:s12] =	ssyncadd.s32 $0xFFFFEC00  }
0x167: {  	v5 =	vld [tilespmem:s8+$0x19400]  }
0x168: {  	v3 =	vld [tilespmem:s8+$0x19410]  }
0x169: {  	v2 =	vld [tilespmem:s8+$0x19420]  }
0x16a: {  	v1 =	vld [tilespmem:s8+$0x19430]  }
0x16b: {  	v9 =	vld [tilespmem:s8+$0x14400]  }
0x16c: {  	v8 =	vld [tilespmem:s8+$0x14440]  }
0x16d: {  	v7 =	vld [tilespmem:s8+$0x14410]  }
0x16e: {  	v6 =	vld [tilespmem:s8+$0x14450]  }
0x16f: {  	v4 =	vld [tilespmem:s8+$0x14420];
	v11 =	vshll.u32 v5, $0x10  }
0x170: {  	s10 =	sshll.u32 s15, $0x2;
	s1 =	simm.s32 $0x200;
	v10 =	vand.u32 $0xFFFF0000, v5;
	v5 =	vld [tilespmem:s8+$0x14460];
	v9 =	vmul.f32 v11, v9  }
.LBB2_5:
0x171: {  	p0 =	sne.s32 s1, $0x4E00;
	v8 =	vmul.f32 v10, v8;
	v10 =	vshll.u32 v3, $0x10;
	v11 =	vld [tilespmem:s8+$0x14430]  }
0x172: {  	s25 =	sshra.s32 s1, $0x2;
	v3 =	vand.u32 $0xFFFF0000, v3;
	[tilespmem:s8+$0x14400] =	vst v9;
	v7 =	vmul.f32 v10, v7;
	v9 =	vld [tilespmem:s8+$0x14470]  }
0x173: {  	v10 =	vld [tilespmem:s25+$0x19400];
	[tilespmem:s8+$0x14440] =	vst v8;
	v6 =	vmul.f32 v3, v6;
	v8 =	vshll.u32 v2, $0x10  }
0x174: {  	v3 =	vld [tilespmem:s25+$0x19410];
	[tilespmem:s8+$0x14410] =	vst v7;
	v7 =	vand.u32 $0xFFFF0000, v2;
	v4 =	vmul.f32 v8, v4  }
0x175: {  	v2 =	vld [tilespmem:s25+$0x19420];
	[tilespmem:s8+$0x14450] =	vst v6;
	v5 =	vmul.f32 v7, v5;
	v6 =	vshll.u32 v1, $0x10  }
0x176: {  	[tilespmem:s8+$0x14420] =	vst v4;
	v4 =	vand.u32 $0xFFFF0000, v1;
	v1 =	vld [tilespmem:s25+$0x19430];
	v6 =	vmul.f32 v6, v11  }
0x177: {  	v11 =	vld [tilespmem:s25+$0x14400];
	[tilespmem:s8+$0x14460] =	vst v5;
	v4 =	vmul.f32 v4, v9  }
.Ltmp5:
0x178: {  	v8 =	vld [tilespmem:s25+$0x14440];
	[tilespmem:s8+$0x14430] =	vst v6;
	(pc) =	sbr.rel @p0 .LBB2_5-.Ltmp5, $4  }
0x179: {  	v7 =	vld [tilespmem:s25+$0x14410];
	[tilespmem:s8+$0x14470] =	vst v4;
	s8 =	smov.u32 s25  }
0x17a: {  	v6 =	vld [tilespmem:s8+$0x14450]  }
0x17b: {  	v5 =	vshll.u32 v10, $0x10;
	v4 =	vld [tilespmem:s8+$0x14420]  }
0x17c: {  	s1 =	sadd.s32 $0x200, s1;
	v10 =	vand.u32 $0xFFFF0000, v10;
	v9 =	vmul.f32 v5, v11;
	v5 =	vld [tilespmem:s8+$0x14460]  }
0x17d: {  	v11 =	vld [tilespmem:s8+$0x14430];
	v8 =	vmul.f32 v10, v8;
	v10 =	vshll.u32 v3, $0x10  }
0x17e: {  	v3 =	vand.u32 $0xFFFF0000, v3;
	[tilespmem:s8+$0x14400] =	vst v9;
	v7 =	vmul.f32 v10, v7;
	v9 =	vld [tilespmem:s8+$0x14470]  }
0x17f: {  	[tilespmem:s8+$0x14440] =	vst v8;
	v3 =	vmul.f32 v3, v6;
	v6 =	vshll.u32 v2, $0x10  }
0x180: {  	v2 =	vand.u32 $0xFFFF0000, v2;
	[tilespmem:s8+$0x14410] =	vst v7;
	v4 =	vmul.f32 v6, v4  }
0x181: {  	[tilespmem:s8+$0x14450] =	vst v3;
	v2 =	vmul.f32 v2, v5;
	v3 =	vshll.u32 v1, $0x10  }
0x182: {  	v1 =	vand.u32 $0xFFFF0000, v1;
	[tilespmem:s8+$0x14420] =	vst v4;
	v3 =	vmul.f32 v3, v11  }
0x183: {  	[tilespmem:s8+$0x14460] =	vst v2;
	v1 =	vmul.f32 v1, v9  }
0x184: {  	[tilespmem:s8+$0x14430] =	vst v3  }
0x185: {  	[tilespmem:s8+$0x14470] =	vst v1  }
0x186: {  	_ =	swait.ge [sflag:s30], $0x28  }
0x187: {  	[sflag:s30] =	ssyncset.done $0x0  }
0x188: {  	s1 =	simm.s32 $0x14200;
	[sflag:s30] =	ssyncadd.s32 $0xFFFFFFD8  }
0x189: {  	[spmem:s20] =	stream.indirect.scatter.add.f32 [tilespmem:s11], [sflag:$0x11], $0x80, s1, s22, $0xb8;
	[tilespmem:$0x1E400] =	vst v63  }
0x18a: {  	s1 =	sor.u32 $0x3, s10  }
0x18b: {  	p0 =	sgt.u32 s1, $0xAE  }
0x18c: {  	p1 =	seq.s32 @!p0 s15, $0x0  }
0x18d: {  	p1 =	por p1, p0  }
0x18e: {  	s1 =	smul.u32 @!p0 $0x28, s1;
	s8 =	simm.s32 @!p1 $0x14  }
0x18f: {  	_ =	swait.ge @!p1 [sflag:s8], $0x1400  }
0x190: {  	s10 =	sadd.s32 @!p0 s9, s1;
	[sflag:s8] =	ssyncset.done @!p1 $0x0  }
0x191: {  	s25 =	simm.s32 @!p0 $0x0;
	[sflag:s8] =	ssyncadd.s32 @!p1 $0xFFFFEC00;
	s8 =	sshrl.u32 @!p0 s10, $0x3  }
0x192: {  	s21 =	simm.s32 @!p0 $0x14180;
	s1 =	sadd.s32 @!p0 s3, s1;
	s10 =	sadd.s32 @!p0 s16, s8  }
0x193: {  	[tilespmem:s21], [sflag:$0x4] =	stream.linear.gather @!p0 [hbm4b:s10+s25], $0x28, $0x38;
	[tilespmem:$0x1E400] =	vst v63  }
0x194: {  	s1 =	sshll.u32 @!p0 s1, $0x4;
	s8 =	sadd.s32 @!p0 s19, s8;
	s10 =	simm.s32 @!p0 $0x14380  }
0x195: {  	[tilespmem:s10], [sflag:$0x8] =	stream.linear.gather @!p0 [hbm4b:s8+s25], $0x28, $0x38;
	[tilespmem:$0x1E400] =	vst v63  }
0x196: {  	s1 =	sadd.s32 @!p0 s23, s1;
	s8 =	simm.s32 @!p0 $0x1D000  }
0x197: {  	[tilespmem:s8], [sflag:$0xC] =	stream.linear.gather @!p0 [hbm4b:s1+s25], $0x1400, $0x38;
	[tilespmem:$0x1E400] =	vst v63  }
0x198: {  	_ =	swait.ge [sflag:s31], $0x28  }
0x199: {  	[sflag:s31] =	ssyncset.done $0x0  }
0x19a: {  	s25 =	simm.s32 $0x14100;
	[sflag:s31] =	ssyncadd.s32 $0xFFFFFFD8  }
0x19b: {  	[tilespmem:s18], [sflag:$0xF] =	stream.indirect.gather [hbm4b:s14+s22], $0x80, s25, s22, $0xb8;
	[tilespmem:$0x1E400] =	vst v63  }
0x19c: {  	_ =	swait.ge [sflag:s0], $0x1400  }
0x19d: {  	[sflag:s0] =	ssyncset.done $0x0  }
0x19e: {  	[sflag:s0] =	ssyncadd.s32 $0xFFFFEC00  }
0x19f: {  	_ =	swait.ge [sflag:s2], $0x1400  }
0x1a0: {  	[sflag:s2] =	ssyncset.done $0x0  }
0x1a1: {  	s8 =	simm.s32 $0x0;
	[sflag:s2] =	ssyncadd.s32 $0xFFFFEC00  }
0x1a2: {  	v5 =	vld [tilespmem:s8+$0x1A800]  }
0x1a3: {  	v3 =	vld [tilespmem:s8+$0x1A810]  }
0x1a4: {  	v2 =	vld [tilespmem:s8+$0x1A820]  }
0x1a5: {  	v1 =	vld [tilespmem:s8+$0x1A830]  }
0x1a6: {  	v9 =	vld [tilespmem:s8+$0x15800]  }
0x1a7: {  	v8 =	vld [tilespmem:s8+$0x15840]  }
0x1a8: {  	v7 =	vld [tilespmem:s8+$0x15810]  }
0x1a9: {  	v6 =	vld [tilespmem:s8+$0x15850]  }
0x1aa: {  	v4 =	vld [tilespmem:s8+$0x15820];
	v11 =	vshll.u32 v5, $0x10  }
0x1ab: {  	s1 =	simm.s32 $0x200;
	v10 =	vand.u32 $0xFFFF0000, v5;
	v5 =	vld [tilespmem:s8+$0x15860];
	v9 =	vmul.f32 v11, v9  }
.LBB2_7:
0x1ac: {  	p1 =	sne.s32 s1, $0x4E00;
	v8 =	vmul.f32 v10, v8;
	v10 =	vshll.u32 v3, $0x10;
	v11 =	vld [tilespmem:s8+$0x15830]  }
0x1ad: {  	s10 =	sshra.s32 s1, $0x2;
	v3 =	vand.u32 $0xFFFF0000, v3;
	[tilespmem:s8+$0x15800] =	vst v9;
	v7 =	vmul.f32 v10, v7;
	v9 =	vld [tilespmem:s8+$0x15870]  }
0x1ae: {  	v10 =	vld [tilespmem:s10+$0x1A800];
	[tilespmem:s8+$0x15840] =	vst v8;
	v6 =	vmul.f32 v3, v6;
	v8 =	vshll.u32 v2, $0x10  }
0x1af: {  	v3 =	vld [tilespmem:s10+$0x1A810];
	[tilespmem:s8+$0x15810] =	vst v7;
	v7 =	vand.u32 $0xFFFF0000, v2;
	v4 =	vmul.f32 v8, v4  }
0x1b0: {  	v2 =	vld [tilespmem:s10+$0x1A820];
	[tilespmem:s8+$0x15850] =	vst v6;
	v5 =	vmul.f32 v7, v5;
	v6 =	vshll.u32 v1, $0x10  }
0x1b1: {  	[tilespmem:s8+$0x15820] =	vst v4;
	v4 =	vand.u32 $0xFFFF0000, v1;
	v1 =	vld [tilespmem:s10+$0x1A830];
	v6 =	vmul.f32 v6, v11  }
0x1b2: {  	v11 =	vld [tilespmem:s10+$0x15800];
	[tilespmem:s8+$0x15860] =	vst v5;
	v4 =	vmul.f32 v4, v9  }
.Ltmp6:
0x1b3: {  	v8 =	vld [tilespmem:s10+$0x15840];
	[tilespmem:s8+$0x15830] =	vst v6;
	(pc) =	sbr.rel @p1 .LBB2_7-.Ltmp6, $4  }
0x1b4: {  	v7 =	vld [tilespmem:s10+$0x15810];
	[tilespmem:s8+$0x15870] =	vst v4;
	s8 =	smov.u32 s10  }
0x1b5: {  	v6 =	vld [tilespmem:s8+$0x15850]  }
0x1b6: {  	v5 =	vshll.u32 v10, $0x10;
	v4 =	vld [tilespmem:s8+$0x15820]  }
0x1b7: {  	s1 =	sadd.s32 $0x200, s1;
	v10 =	vand.u32 $0xFFFF0000, v10;
	v9 =	vmul.f32 v5, v11;
	v5 =	vld [tilespmem:s8+$0x15860]  }
0x1b8: {  	v11 =	vld [tilespmem:s8+$0x15830];
	v8 =	vmul.f32 v10, v8;
	v10 =	vshll.u32 v3, $0x10  }
0x1b9: {  	v3 =	vand.u32 $0xFFFF0000, v3;
	[tilespmem:s8+$0x15800] =	vst v9;
	v7 =	vmul.f32 v10, v7;
	v9 =	vld [tilespmem:s8+$0x15870]  }
0x1ba: {  	[tilespmem:s8+$0x15840] =	vst v8;
	v3 =	vmul.f32 v3, v6;
	v6 =	vshll.u32 v2, $0x10  }
0x1bb: {  	v2 =	vand.u32 $0xFFFF0000, v2;
	[tilespmem:s8+$0x15810] =	vst v7;
	v4 =	vmul.f32 v6, v4  }
0x1bc: {  	[tilespmem:s8+$0x15850] =	vst v3;
	v2 =	vmul.f32 v2, v5;
	v3 =	vshll.u32 v1, $0x10  }
0x1bd: {  	v1 =	vand.u32 $0xFFFF0000, v1;
	[tilespmem:s8+$0x15820] =	vst v4;
	v3 =	vmul.f32 v3, v11  }
0x1be: {  	[tilespmem:s8+$0x15860] =	vst v2;
	v1 =	vmul.f32 v1, v9  }
0x1bf: {  	[tilespmem:s8+$0x15830] =	vst v3  }
0x1c0: {  	[tilespmem:s8+$0x15870] =	vst v1  }
0x1c1: {  	_ =	swait.ge [sflag:s4], $0x28  }
0x1c2: {  	[sflag:s4] =	ssyncset.done $0x0  }
0x1c3: {  	s1 =	simm.s32 $0x14280;
	p1 =	seq.s32 s15, $0x2B;
	[sflag:s4] =	ssyncadd.s32 $0xFFFFFFD8  }
0x1c4: {  	[spmem:s20] =	stream.indirect.scatter.add.f32 [tilespmem:s28], [sflag:$0x12], $0x80, s1, s22, $0xb8;
	[tilespmem:$0x1E400] =	vst v63  }
0x1c5: {  	s1 =	simm.s32 @!p1 $0x11  }
0x1c6: {  	s8 =	sadd.s32 @!p1 $0xA0, s17;
	_ =	swait.ge @!p1 [sflag:s1], $0x1400  }
0x1c7: {  	s10 =	sadd.s32 @!p1 s9, s8;
	[sflag:s1] =	ssyncset.done @!p1 $0x0  }
0x1c8: {  	[sflag:s1] =	ssyncadd.s32 @!p1 $0xFFFFEC00;
	s1 =	sshrl.u32 @!p1 s10, $0x3  }
0x1c9: {  	s21 =	simm.s32 @!p1 $0x0;
	s25 =	simm.s32 @!p1 $0x14000;
	s10 =	sadd.s32 @!p1 s16, s1  }
0x1ca: {  	[tilespmem:s25], [sflag:$0x1] =	stream.linear.gather @!p1 [hbm4b:s10+s21], $0x28, $0x38;
	[tilespmem:$0x1E400] =	vst v63  }
0x1cb: {  	s8 =	sadd.s32 @!p1 s3, s8;
	s1 =	sadd.s32 @!p1 s19, s1;
	s10 =	simm.s32 @!p1 $0x14200  }
0x1cc: {  	[tilespmem:s10], [sflag:$0x5] =	stream.linear.gather @!p1 [hbm4b:s1+s21], $0x28, $0x38;
	[tilespmem:$0x1E400] =	vst v63  }
0x1cd: {  	s1 =	sshll.u32 @!p1 s8, $0x4  }
0x1ce: {  	s8 =	simm.s32 @!p1 $0x19400;
	s1 =	sadd.s32 @!p1 s23, s1  }
0x1cf: {  	[tilespmem:s8], [sflag:$0x9] =	stream.linear.gather @!p1 [hbm4b:s1+s21], $0x1400, $0x38;
	[tilespmem:$0x1E400] =	vst v63  }
0x1d0: {  	s1 =	simm.s32 @!p0 $0x4  }
0x1d1: {  	_ =	swait.ge @!p0 [sflag:s1], $0x28  }
0x1d2: {  	s10 =	simm.s32 @!p0 $0x18000;
	[sflag:s1] =	ssyncset.done @!p0 $0x0  }
0x1d3: {  	s8 =	simm.s32 @!p0 $0x14180;
	[sflag:s1] =	ssyncadd.s32 @!p0 $0xFFFFFFD8;
	s1 =	simm.s32 @!p0 $0x28  }
0x1d4: {  	[tilespmem:s10], [sflag:$0x10] =	stream.indirect.gather @!p0 [hbm4b:s14+s1], $0x80, s8, s1, $0xb8;
	[tilespmem:$0x1E400] =	vst v63  }
0x1d5: {  	_ =	swait.ge [sflag:s5], $0x1400  }
0x1d6: {  	[sflag:s5] =	ssyncset.done $0x0  }
0x1d7: {  	[sflag:s5] =	ssyncadd.s32 $0xFFFFEC00  }
0x1d8: {  	_ =	swait.ge [sflag:s6], $0x1400  }
0x1d9: {  	[sflag:s6] =	ssyncset.done $0x0  }
0x1da: {  	s8 =	simm.s32 $0x0;
	[sflag:s6] =	ssyncadd.s32 $0xFFFFEC00  }
0x1db: {  	v5 =	vld [tilespmem:s8+$0x1BC00]  }
0x1dc: {  	v3 =	vld [tilespmem:s8+$0x1BC10]  }
0x1dd: {  	v2 =	vld [tilespmem:s8+$0x1BC20]  }
0x1de: {  	v1 =	vld [tilespmem:s8+$0x1BC30]  }
0x1df: {  	v9 =	vld [tilespmem:s8+$0x16C00]  }
0x1e0: {  	v8 =	vld [tilespmem:s8+$0x16C40]  }
0x1e1: {  	v7 =	vld [tilespmem:s8+$0x16C10]  }
0x1e2: {  	v6 =	vld [tilespmem:s8+$0x16C50]  }
0x1e3: {  	v4 =	vld [tilespmem:s8+$0x16C20];
	v11 =	vshll.u32 v5, $0x10  }
0x1e4: {  	s1 =	simm.s32 $0x200;
	v10 =	vand.u32 $0xFFFF0000, v5;
	v5 =	vld [tilespmem:s8+$0x16C60];
	v9 =	vmul.f32 v11, v9  }
.LBB2_9:
0x1e5: {  	p2 =	sne.s32 s1, $0x4E00;
	v8 =	vmul.f32 v10, v8;
	v10 =	vshll.u32 v3, $0x10;
	v11 =	vld [tilespmem:s8+$0x16C30]  }
0x1e6: {  	s10 =	sshra.s32 s1, $0x2;
	v3 =	vand.u32 $0xFFFF0000, v3;
	[tilespmem:s8+$0x16C00] =	vst v9;
	v7 =	vmul.f32 v10, v7;
	v9 =	vld [tilespmem:s8+$0x16C70]  }
0x1e7: {  	v10 =	vld [tilespmem:s10+$0x1BC00];
	[tilespmem:s8+$0x16C40] =	vst v8;
	v6 =	vmul.f32 v3, v6;
	v8 =	vshll.u32 v2, $0x10  }
0x1e8: {  	v3 =	vld [tilespmem:s10+$0x1BC10];
	[tilespmem:s8+$0x16C10] =	vst v7;
	v7 =	vand.u32 $0xFFFF0000, v2;
	v4 =	vmul.f32 v8, v4  }
0x1e9: {  	v2 =	vld [tilespmem:s10+$0x1BC20];
	[tilespmem:s8+$0x16C50] =	vst v6;
	v5 =	vmul.f32 v7, v5;
	v6 =	vshll.u32 v1, $0x10  }
0x1ea: {  	[tilespmem:s8+$0x16C20] =	vst v4;
	v4 =	vand.u32 $0xFFFF0000, v1;
	v1 =	vld [tilespmem:s10+$0x1BC30];
	v6 =	vmul.f32 v6, v11  }
0x1eb: {  	v11 =	vld [tilespmem:s10+$0x16C00];
	[tilespmem:s8+$0x16C60] =	vst v5;
	v4 =	vmul.f32 v4, v9  }
.Ltmp7:
0x1ec: {  	v8 =	vld [tilespmem:s10+$0x16C40];
	[tilespmem:s8+$0x16C30] =	vst v6;
	(pc) =	sbr.rel @p2 .LBB2_9-.Ltmp7, $4  }
0x1ed: {  	v7 =	vld [tilespmem:s10+$0x16C10];
	[tilespmem:s8+$0x16C70] =	vst v4;
	s8 =	smov.u32 s10  }
0x1ee: {  	v6 =	vld [tilespmem:s8+$0x16C50]  }
0x1ef: {  	v5 =	vshll.u32 v10, $0x10;
	v4 =	vld [tilespmem:s8+$0x16C20]  }
0x1f0: {  	s1 =	sadd.s32 $0x200, s1;
	v10 =	vand.u32 $0xFFFF0000, v10;
	v9 =	vmul.f32 v5, v11;
	v5 =	vld [tilespmem:s8+$0x16C60]  }
0x1f1: {  	v11 =	vld [tilespmem:s8+$0x16C30];
	v8 =	vmul.f32 v10, v8;
	v61 =	vshll.u32 v3, $0x10  }
0x1f2: {  	v3 =	vand.u32 $0xFFFF0000, v3;
	v62 =	vld [tilespmem:s8+$0x16C70];
	[tilespmem:s8+$0x16C00] =	vst v9;
	v7 =	vmul.f32 v61, v7  }
0x1f3: {  	v63 =	vshll.u32 v2, $0x10;
	[tilespmem:s8+$0x16C40] =	vst v8;
	v3 =	vmul.f32 v3, v6  }
0x1f4: {  	v2 =	vand.u32 $0xFFFF0000, v2;
	[tilespmem:s8+$0x16C10] =	vst v7;
	v4 =	vmul.f32 v63, v4  }
0x1f5: {  	[tilespmem:s8+$0x16C50] =	vst v3;
	v2 =	vmul.f32 v2, v5;
	v3 =	vshll.u32 v1, $0x10  }
0x1f6: {  	v1 =	vand.u32 $0xFFFF0000, v1;
	[tilespmem:s8+$0x16C20] =	vst v4;
	v3 =	vmul.f32 v3, v11  }
0x1f7: {  	v1 =	vmul.f32 v1, v62;
	[tilespmem:s8+$0x16C60] =	vst v2  }
0x1f8: {  	[tilespmem:s8+$0x16C30] =	vst v3  }
0x1f9: {  	[tilespmem:s8+$0x16C70] =	vst v1  }
0x1fa: {  	_ =	swait.ge [sflag:s7], $0x28  }
0x1fb: {  	[sflag:s7] =	ssyncset.done $0x0  }
0x1fc: {  	s1 =	simm.s32 @!p1 $0x12;
	[sflag:s7] =	ssyncadd.s32 $0xFFFFFFD8  }
0x1fd: {  	[spmem:s20] =	stream.indirect.scatter.add.f32 [tilespmem:s18], [sflag:$0x13], $0x80, s24, s22, $0xb8;
	[tilespmem:$0x1E400] =	vst v63  }
0x1fe: {  	s8 =	sadd.s32 @!p1 $0xC8, s17;
	_ =	swait.ge @!p1 [sflag:s1], $0x1400  }
0x1ff: {  	s10 =	sadd.s32 @!p1 s9, s8;
	[sflag:s1] =	ssyncset.done @!p1 $0x0  }
0x200: {  	[sflag:s1] =	ssyncadd.s32 @!p1 $0xFFFFEC00;
	s1 =	sshrl.u32 @!p1 s10, $0x3  }
0x201: {  	s21 =	simm.s32 @!p1 $0x14080;
	s17 =	simm.s32 @!p1 $0x0;
	s10 =	sadd.s32 @!p1 s16, s1  }
0x202: {  	[tilespmem:s21], [sflag:$0x2] =	stream.linear.gather @!p1 [hbm4b:s10+s17], $0x28, $0x38;
	[tilespmem:$0x1E400] =	vst v63  }
0x203: {  	s8 =	sadd.s32 @!p1 s3, s8;
	s1 =	sadd.s32 @!p1 s19, s1;
	s10 =	simm.s32 @!p1 $0x14280  }
0x204: {  	[tilespmem:s10], [sflag:$0x6] =	stream.linear.gather @!p1 [hbm4b:s1+s17], $0x28, $0x38;
	[tilespmem:$0x1E400] =	vst v63  }
0x205: {  	s1 =	sshll.u32 @!p1 s8, $0x4  }
0x206: {  	s8 =	simm.s32 @!p1 $0x1A800;
	s1 =	sadd.s32 @!p1 s23, s1  }
0x207: {  	[tilespmem:s8], [sflag:$0xA] =	stream.linear.gather @!p1 [hbm4b:s1+s17], $0x1400, $0x38;
	[tilespmem:$0x1E400] =	vst v63  }
.Ltmp8:
0x208: {  	s1 =	simm.s32 @!p1 $0x1;
	(pc) =	sbr.rel @p0 .LBB2_14-.Ltmp8, $4  }
0x209: {  	_ =	swait.ge @!p1 [sflag:s1], $0x28  }
0x20a: {  	s10 =	simm.s32 @!p1 $0x14400;
	[sflag:s1] =	ssyncset.done @!p1 $0x0  }
0x20b: {  	s8 =	simm.s32 @!p1 $0x14000;
	[sflag:s1] =	ssyncadd.s32 @!p1 $0xFFFFFFD8;
	s1 =	simm.s32 @!p1 $0x28  }
0x20c: {  	[tilespmem:s10], [sflag:$0xD] =	stream.indirect.gather @!p1 [hbm4b:s14+s1], $0x80, s8, s1, $0xb8;
	[tilespmem:$0x1E400] =	vst v63  }
0x20d: {  	s1 =	simm.s32 $0xC  }
0x20e: {  	_ =	swait.ge [sflag:s1], $0x1400  }
0x20f: {  	[sflag:s1] =	ssyncset.done $0x0  }
0x210: {  	s25 =	simm.s32 $0x10;
	[sflag:s1] =	ssyncadd.s32 $0xFFFFEC00  }
0x211: {  	_ =	swait.ge [sflag:s25], $0x1400  }
0x212: {  	[sflag:s25] =	ssyncset.done $0x0  }
0x213: {  	s8 =	simm.s32 $0x0;
	[sflag:s25] =	ssyncadd.s32 $0xFFFFEC00  }
0x214: {  	v5 =	vld [tilespmem:s8+$0x1D000]  }
0x215: {  	v3 =	vld [tilespmem:s8+$0x1D010]  }
0x216: {  	v2 =	vld [tilespmem:s8+$0x1D020]  }
0x217: {  	v1 =	vld [tilespmem:s8+$0x1D030]  }
0x218: {  	v9 =	vld [tilespmem:s8+$0x18000]  }
0x219: {  	v8 =	vld [tilespmem:s8+$0x18040]  }
0x21a: {  	v7 =	vld [tilespmem:s8+$0x18010]  }
0x21b: {  	v6 =	vld [tilespmem:s8+$0x18050]  }
0x21c: {  	v4 =	vld [tilespmem:s8+$0x18020];
	v11 =	vshll.u32 v5, $0x10  }
0x21d: {  	s1 =	simm.s32 $0x200;
	v10 =	vand.u32 $0xFFFF0000, v5;
	v5 =	vld [tilespmem:s8+$0x18060];
	v9 =	vmul.f32 v11, v9  }
.LBB2_12:
0x21e: {  	p0 =	sne.s32 s1, $0x4E00;
	v8 =	vmul.f32 v10, v8;
	v10 =	vshll.u32 v3, $0x10;
	v11 =	vld [tilespmem:s8+$0x18030]  }
0x21f: {  	s10 =	sshra.s32 s1, $0x2;
	v3 =	vand.u32 $0xFFFF0000, v3;
	[tilespmem:s8+$0x18000] =	vst v9;
	v7 =	vmul.f32 v10, v7;
	v9 =	vld [tilespmem:s8+$0x18070]  }
0x220: {  	v10 =	vld [tilespmem:s10+$0x1D000];
	[tilespmem:s8+$0x18040] =	vst v8;
	v6 =	vmul.f32 v3, v6;
	v8 =	vshll.u32 v2, $0x10  }
0x221: {  	v3 =	vld [tilespmem:s10+$0x1D010];
	[tilespmem:s8+$0x18010] =	vst v7;
	v7 =	vand.u32 $0xFFFF0000, v2;
	v4 =	vmul.f32 v8, v4  }
0x222: {  	v2 =	vld [tilespmem:s10+$0x1D020];
	[tilespmem:s8+$0x18050] =	vst v6;
	v5 =	vmul.f32 v7, v5;
	v6 =	vshll.u32 v1, $0x10  }
0x223: {  	[tilespmem:s8+$0x18020] =	vst v4;
	v4 =	vand.u32 $0xFFFF0000, v1;
	v1 =	vld [tilespmem:s10+$0x1D030];
	v6 =	vmul.f32 v6, v11  }
0x224: {  	v11 =	vld [tilespmem:s10+$0x18000];
	[tilespmem:s8+$0x18060] =	vst v5;
	v4 =	vmul.f32 v4, v9  }
.Ltmp9:
0x225: {  	v8 =	vld [tilespmem:s10+$0x18040];
	[tilespmem:s8+$0x18030] =	vst v6;
	(pc) =	sbr.rel @p0 .LBB2_12-.Ltmp9, $4  }
0x226: {  	v7 =	vld [tilespmem:s10+$0x18010];
	[tilespmem:s8+$0x18070] =	vst v4;
	s8 =	smov.u32 s10  }
0x227: {  	v6 =	vld [tilespmem:s8+$0x18050]  }
0x228: {  	v5 =	vshll.u32 v10, $0x10;
	v4 =	vld [tilespmem:s8+$0x18020]  }
0x229: {  	s1 =	sadd.s32 $0x200, s1;
	v10 =	vand.u32 $0xFFFF0000, v10;
	v9 =	vmul.f32 v5, v11;
	v5 =	vld [tilespmem:s8+$0x18060]  }
0x22a: {  	v11 =	vld [tilespmem:s8+$0x18030];
	v8 =	vmul.f32 v10, v8;
	v61 =	vshll.u32 v3, $0x10  }
0x22b: {  	v3 =	vand.u32 $0xFFFF0000, v3;
	v62 =	vld [tilespmem:s8+$0x18070];
	[tilespmem:s8+$0x18000] =	vst v9;
	v7 =	vmul.f32 v61, v7  }
0x22c: {  	v63 =	vshll.u32 v2, $0x10;
	[tilespmem:s8+$0x18040] =	vst v8;
	v3 =	vmul.f32 v3, v6  }
0x22d: {  	v2 =	vand.u32 $0xFFFF0000, v2;
	[tilespmem:s8+$0x18010] =	vst v7;
	v4 =	vmul.f32 v63, v4  }
0x22e: {  	[tilespmem:s8+$0x18050] =	vst v3;
	v2 =	vmul.f32 v2, v5;
	v3 =	vshll.u32 v1, $0x10  }
0x22f: {  	v1 =	vand.u32 $0xFFFF0000, v1;
	[tilespmem:s8+$0x18020] =	vst v4;
	v3 =	vmul.f32 v3, v11  }
0x230: {  	v1 =	vmul.f32 v1, v62;
	[tilespmem:s8+$0x18060] =	vst v2  }
0x231: {  	[tilespmem:s8+$0x18030] =	vst v3  }
.Ltmp10:
0x232: {  	s1 =	simm.s32 $0x8;
	[tilespmem:s8+$0x18070] =	vst v1;
	(pc) =	sbr.rel .LBB2_14-.Ltmp10, $4  }
0x233: {  	_ =	swait.ge [sflag:s1], $0x28  }
0x234: {  	[sflag:s1] =	ssyncset.done $0x0  }
0x235: {  	s21 =	simm.s32 $0x14380;
	s25 =	simm.s32 $0x18000;
	[sflag:s1] =	ssyncadd.s32 $0xFFFFFFD8  }
0x236: {  	[spmem:s20] =	stream.indirect.scatter.add.f32 [tilespmem:s25], [sflag:$0x14], $0x80, s21, s22, $0xb8;
	[tilespmem:$0x1E400] =	vst v63  }
.LBB2_16:
0x237: {  	_ =	sfence.sel $0x180000  }
0x238: {  	[bflag:$0x0] =	sbarrier.arrive $0xFFFF  }
0x239: {  	_ =	strace $0x9000004A  }
0x23a: {  	s0 =	stileid.u32;
	[bflag:$0x2] =	sbarrier.arrive $0xFFFF  }
0x23b: {  	p0 =	sne.s32 s0, $0x0;
	s0 =	rddreg [dreg:$0x5]  }
0x23c: {  	s0 =	sadd.s32 @!p0 $0x100000, s0  }
0x23d: {  	[sflag:s0] =	ssyncadd.tile.s32 @!p0 $0x1;
	_ =	shalt  }
.Lfunc_end2:
_tile_overlayer_lowered:
.L_overlay_start_2:
0x23e: {  	(tag) =	ssettag $0x2  }
0x23f: {  	s0 =	rddreg [dreg:$0x0];
	s2 =	stileid.u32  }
0x240: {  	s1 =	rddreg [dreg:$0x1];
	p0 =	sne.s32 s2, $0x0  }
0x241: {  	s3 =	rddreg [dreg:$0x2];
	[bflag:$0x3] =	sbarrier.arrive $0xFFFF;
	s2 =	simm.s32 @!p0 $0x1C15  }
0x242: {  	[timem:s3], [sflag:s2] =	dma.local @!p0 [hbm:s0], s1  }
0x243: {  	s0 =	simm.s32 @!p0 $0x15  }
0x244: {  	_ =	swait.ge @!p0 [sflag:s0], s1  }
0x245: {  	s1 =	ssub.s32 @!p0 $0x0, s1;
	[sflag:s0] =	ssyncset.done @!p0 $0x0  }
0x246: {  	[sflag:s0] =	ssyncadd.s32 @!p0 s1  }
0x247: {  	[bflag:$0x3] =	sbarrier.arrive $0xFFFF  }
0x248: {  	_ =	shalt  }

// kernel: kernel.8.cloned.1.call-start
scs
__scs_entry_jumppad:
0x0: {  	(pc) =	sbr.rel $0x88, $3  }
0x1: {  	(tag) =	ssettag $0x0;
	lr =	simm.s32 $0x1  }
0x2: {  	[smem:$0x3F97] =	sst lr;
	_ =	strace $0xD0000000  }
0x3: {  	_ = 	snop  }
0x4: {  	_ = 	snop  }
0x5: {  	_ = 	snop  }
0x6: {  	_ = 	snop  }
0x7: {  	_ = 	snop  }
__scs_overlays_trampoline_lowered:
0x8: {  	[smem:$0x3FA6] =	sst s0  }
0x9: {  	[smem:$0x3FA7] =	sst s1  }
0xa: {  	[smem:$0x3FA8] =	sst s2  }
0xb: {  	[smem:$0x3FA9] =	sst s3  }
0xc: {  	[smem:$0x3FAA] =	sst s4  }
0xd: {  	[smem:$0x3FAB] =	sst s5  }
0xe: {  	[smem:$0x3FAC] =	sst s6  }
0xf: {  	[smem:$0x3FAD] =	sst s7  }
0x10: {  	[smem:$0x3FAE] =	sst s8  }
0x11: {  	[smem:$0x3FAF] =	sst s9;
	s0 =	simm.s32 @!p0 $0x0  }
0x12: {  	s1 =	sld [smem:$0x3F95];
	s0 =	simm.s32 @p0 $0x1  }
0x13: {  	[smem:$0x3FB0] =	sst s0;
	s0 =	simm.s32 @!p1 $0x0  }
0x14: {  	s2 =	sld [smem:$0x3F94];
	s0 =	simm.s32 @p1 $0x1  }
0x15: {  	[smem:$0x3FB1] =	sst s0;
	s0 =	simm.s32 @!p2 $0x0  }
0x16: {  	s3 =	sld [smem:$0x3FDB];
	s0 =	simm.s32 @p2 $0x1  }
0x17: {  	s4 =	simm.s32 $0x1BF5;
	[smem:$0x3FB3] =	sst s0  }
0x18: {  	s0 =	sld [smem:$0x3F96];
	_ =	swait.ge [sflag:s4], $0x0  }
0x19: {  	s7 =	sld [smem:$0x3F97]  }
0x1a: {  	s8 =	sadd.s32 $0xFFFFE003, lr  }
0x1b: {  	s9 =	sadd.s32 $0xFFFFFEF7, lr;
	s5 =	simm.s32 $0xFFFFFFFF;
	p2 =	slt.u32 s8, $0xFFFFF086  }
0x1c: {  	p1 =	slt.u32 s9, $0xF7A;
	s5 =	simm.s32 @!p2 $0x0  }
0x1d: {  	s5 =	simm.s32 @p1 $0x1;
	p0 =	seq.s32 s7, s2  }
0x1e: {  	s7 =	smul.u32 @!p0 $0xF7A, s2;
	p2 =	seq.s32 @!p0 s5, $0x0  }
0x1f: {  	s9 =	smul.u32 $0xF7A, s1;
	s8 =	simm.s32 @!p0 $0x1BF5;
	p2 =	por !p2, p0  }
0x20: {  	[sflag:s8] =	ssyncset.s32 @!p0 $0xFFFFF086;
	s6 =	sadd.s32 @!p0 s3, s7;
	s7 =	simm.s32 @!p0 $0x108  }
0x21: {  	s3 =	sadd.s32 s3, s9;
	s6 =	sadd.s32 @!p0 $0x88, s6;
	s7 =	simm.s32 @p2 $0x1082  }
0x22: {  	[simem:s7], [sflag:s8] =	dma.local @!p0 [hbm:s6], $0xF7A  }
0x23: {  	s9 =	sor.u32 $0xD0000000, s2;
	s6 =	simm.s32 $0x108;
	_ =	swait.ge @!p0 [sflag:s8], $0x0  }
0x24: {  	s3 =	sadd.s32 $0x88, s3;
	s6 =	simm.s32 @!p1 $0x1082;
	[sflag:s4] =	ssyncset.s32 $0xFFFFF086  }
0x25: {  	[simem:s6], [sflag:s4] =	dma.local [hbm:s3], $0xF7A  }
0x26: {  	[smem:$0x3F97] =	sst s1;
	(tag) =	ssettag s2;
	_ =	strace s9  }
0x27: {  	s1 =	sld [smem:$0x3FA7]  }
0x28: {  	s2 =	sld [smem:$0x3FA8]  }
0x29: {  	s4 =	sld [smem:$0x3FAA]  }
0x2a: {  	p0 =	seq.s32 s5, $0x0;
	s5 =	sld [smem:$0x3FAB]  }
0x2b: {  	s6 =	sld [smem:$0x3FAC]  }
0x2c: {  	s7 =	sld [smem:$0x3FAD]  }
0x2d: {  	s3 =	simm.s32 $0x108;
	s8 =	sld [smem:$0x3FAE]  }
0x2e: {  	s3 =	simm.s32 @!p0 $0x1082;
	s9 =	sld [smem:$0x3FAF]  }
0x2f: {  	lr =	sadd.s32 s0, s3;
	s0 =	sld [smem:$0x3FA6]  }
0x30: {  	s3 =	sld [smem:$0x3FA9]  }
0x31: {  	[smem:$0x3FB2] =	sst s10  }
0x32: {  	s10 =	sld [smem:$0x3FB0];
	_ =	sdelay $0x3  }
0x33: {  	p0 =	seq.s32 s10, $0x1;
	s10 =	sld [smem:$0x3FB2];
	_ =	sdelay $0x3  }
0x34: {  	[smem:$0x3FB2] =	sst s10  }
0x35: {  	s10 =	sld [smem:$0x3FB1];
	_ =	sdelay $0x3  }
0x36: {  	p1 =	seq.s32 s10, $0x1;
	s10 =	sld [smem:$0x3FB2];
	_ =	sdelay $0x3  }
0x37: {  	[smem:$0x3FB2] =	sst s10  }
0x38: {  	s10 =	sld [smem:$0x3FB3]  }
0x39: {  	_ = 	snop;
	(pc) =	sbr.ind lr, $3  }
0x3a: {  	_ = 	snop  }
0x3b: {  	_ = 	snop  }
0x3c: {  	p2 =	seq.s32 s10, $0x1;
	s10 =	sld [smem:$0x3FB2]  }
0x3d: {  	_ =	shalt  }
0x3e: {  	_ =	shalt  }
0x3f: {  	_ =	shalt  }
0x40: {  	_ =	shalt  }
0x41: {  	_ =	shalt  }
0x42: {  	_ =	shalt  }
0x43: {  	_ =	shalt  }
0x44: {  	_ =	shalt  }
0x45: {  	_ =	shalt  }
0x46: {  	_ =	shalt  }
0x47: {  	_ =	shalt  }
0x48: {  	_ =	shalt  }
0x49: {  	_ =	shalt  }
0x4a: {  	_ =	shalt  }
0x4b: {  	_ =	shalt  }
0x4c: {  	_ =	shalt  }
0x4d: {  	_ =	shalt  }
0x4e: {  	_ =	shalt  }
0x4f: {  	_ =	shalt  }
0x50: {  	_ =	shalt  }
0x51: {  	_ =	shalt  }
0x52: {  	_ =	shalt  }
0x53: {  	_ =	shalt  }
0x54: {  	_ =	shalt  }
0x55: {  	_ =	shalt  }
0x56: {  	_ =	shalt  }
0x57: {  	_ =	shalt  }
0x58: {  	_ =	shalt  }
0x59: {  	_ =	shalt  }
0x5a: {  	_ =	shalt  }
0x5b: {  	_ =	shalt  }
0x5c: {  	_ =	shalt  }
0x5d: {  	_ =	shalt  }
0x5e: {  	_ =	shalt  }
0x5f: {  	_ =	shalt  }
0x60: {  	_ =	shalt  }
0x61: {  	_ =	shalt  }
0x62: {  	_ =	shalt  }
0x63: {  	_ =	shalt  }
0x64: {  	_ =	shalt  }
0x65: {  	_ =	shalt  }
0x66: {  	_ =	shalt  }
0x67: {  	_ =	shalt  }
0x68: {  	_ =	shalt  }
0x69: {  	_ =	shalt  }
0x6a: {  	_ =	shalt  }
0x6b: {  	_ =	shalt  }
0x6c: {  	_ =	shalt  }
0x6d: {  	_ =	shalt  }
0x6e: {  	_ =	shalt  }
0x6f: {  	_ =	shalt  }
0x70: {  	_ =	shalt  }
0x71: {  	_ =	shalt  }
0x72: {  	_ =	shalt  }
0x73: {  	_ =	shalt  }
0x74: {  	_ =	shalt  }
0x75: {  	_ =	shalt  }
0x76: {  	_ =	shalt  }
0x77: {  	_ =	shalt  }
0x78: {  	_ =	shalt  }
0x79: {  	_ =	shalt  }
0x7a: {  	_ =	shalt  }
0x7b: {  	_ =	shalt  }
0x7c: {  	_ =	shalt  }
0x7d: {  	_ =	shalt  }
0x7e: {  	_ =	shalt  }
0x7f: {  	_ =	shalt  }
0x80: {  	_ =	shalt  }
0x81: {  	_ =	shalt  }
0x82: {  	_ =	shalt  }
0x83: {  	_ =	shalt  }
0x84: {  	_ =	shalt  }
0x85: {  	_ =	shalt  }
0x86: {  	_ =	shalt  }
0x87: {  	_ =	shalt  }
.Lfunc_end0:
.L_simem_size_0:
called_computation_lowered:
.L_overlay_start_0:
0x88: {  	s2 =	sld [smem:$0x3FD9]  }
0x89: {  	s3 =	sld [smem:$0x3FFE];
	_ =	sdelay $0x1  }
0x8a: {  	s1 =	srdreg.scid  }
0x8b: {  	s0 =	sand.u32 $0x1, s1  }
0x8c: {  	s17 =	sshll.u32 s0, $0xA;
	s2 =	sadd.s32 s3, s2  }
0x8d: {  	s2 =	sadd.s32 s2, s17  }
0x8e: {  	[smem:$0x3FBE] =	sst s2  }
0x8f: {  	_ = 	snop  }
0x90: {  	s2 =	sld [smem:$0x3FC6]  }
0x91: {  	s18 =	sld [smem:$0x3FC5]  }
0x92: {  	s4 =	sld [smem:$0x3FD0];
	(tm) =	ssettm $0x1  }
0x93: {  	s5 =	sld [smem:$0x3FFB];
	_ =	sdelay $0x3  }
0x94: {  	_ =	strace s5  }
0x95: {  	s5 =	sld [smem:$0x3FFC];
	_ =	sdelay $0x3  }
0x96: {  	_ =	strace s5  }
0x97: {  	s5 =	sld [smem:$0x3FFD];
	_ =	sdelay $0x3  }
0x98: {  	_ =	strace s5  }
0x99: {  	_ =	strace $0x8FFFFFFF  }
0x9a: {  	s19 =	sld [smem:$0x3FDB];
	_ =	sdelay $0x1  }
0x9b: {  	s6 =	simm.s32 $_scs_section_size  }
0x9c: {  	s7 =	simm.s32 $_size__tile_overlayer_lowered;
	s8 =	simm.s32 $_tile_overlayer_lowered  }
0x9d: {  	s22 =	simm.s32 $0x1BFF;
	s21 =	sshll.u32 s8, $0x1;
	s5 =	sadd.s32 s6, s19  }
0x9e: {  	s9 =	simm.s32 $0x0;
	s20 =	sshll.u32 s7, $0x1;
	s7 =	sadd.s32 s21, s5  }
0x9f: {  	[timem:s9], [sflag:s22] =	dma.local [hbm:s7], s20  }
0xa0: {  	_ =	swait.ge [sflag:s22], s20  }
0xa1: {  	s6 =	ssub.s32 $0x0, s20;
	[sflag:s22] =	ssyncset.done $0x0  }
0xa2: {  	[sflag:s22] =	ssyncadd.s32 s6;
	_ =	sdelay $0x1  }
0xa3: {  	s23 =	simm.s32 $0x1B8B  }
0xa4: {  	_ =	swait.ge [sflag:s23], $0x1  }
0xa5: {  	[sflag:s23] =	ssyncset.done $0x0  }
0xa6: {  	s25 =	simm.s32 $0x1B8E;
	s24 =	sld [smem:$0x3FFE];
	[sflag:s23] =	ssyncadd.s32 $0xFFFFFFFF  }
0xa7: {  	s26 =	simm.s32 $execute0_lowered;
	[smem:$0x3FD2] =	sst s25  }
0xa8: {  	s7 =	sshll.u32 s26, $0x1;
	_ =	strace $0x80000046;
	[dreg:$0x1] =	wrdreg $0xFFFFFFFF  }
0xa9: {  	s28 =	simm.s32 $_size_execute0_lowered;
	s5 =	sadd.s32 s5, s7;
	[dreg:$0x0] =	wrdreg $0x0  }
0xaa: {  	s7 =	sshll.u32 s28, $0x1;
	[dreg:$0x2] =	wrdreg s5  }
0xab: {  	[dreg:$0x3] =	wrdreg s7  }
0xac: {  	[dreg:$0x4] =	wrdreg $0xC0  }
0xad: {  	_ =	task [dreg:s9], $0x5FFFF  }
0xae: {  	[dreg:$0x1] =	wrdreg $0xFFFFFFFF  }
0xaf: {  	[dreg:$0x0] =	wrdreg $0x60  }
0xb0: {  	[dreg:$0x2] =	wrdreg s4  }
0xb1: {  	[dreg:$0x3] =	wrdreg s24  }
0xb2: {  	[dreg:$0x4] =	wrdreg s2  }
0xb3: {  	[dreg:$0x5] =	wrdreg s18  }
0xb4: {  	[dreg:$0x6] =	wrdreg $0x0  }
0xb5: {  	[dreg:$0x7] =	wrdreg $0x9  }
0xb6: {  	_ =	task.clear_ibuf [dreg:s9], $0x8FFFF;
	_ =	strace $0x90000046  }
0xb7: {  	s29 =	simm.s32 $0x9;
	_ =	strace $0x80000048  }
0xb8: {  	_ =	swait.ge [sflag:s29], $0x1  }
0xb9: {  	[sflag:s29] =	ssyncadd.s32 $0xFFFFFFFF  }
0xba: {  	_ =	strace $0x90000048  }
0xbb: {  	_ =	sfence  }
0xbc: {  	s30 =	sld [smem:$0x0];
	_ =	sdelay $0x2  }
0xbd: {  	s31 =	sshll.u32 s1, $0xD;
	s1 =	sshrl.u32 s1, $0x2  }
0xbe: {  	s3 =	sand.u32 $0x4000, s31;
	s1 =	sadd.s32 s1, s30  }
0xbf: {  	s0 =	sor.u32 s3, s0;
	s1 =	sshll.u32 s1, $0x11  }
0xc0: {  	s0 =	sor.u32 s1, s0  }
0xc1: {  	s0 =	sadd.s32 $0x8F2B, s0  }
0xc2: {  	[sflag:s0] =	ssyncadd.remote.s32 $0x1  }
0xc3: {  	_ =	sfence.sel $0xFFFF  }
0xc4: {  	[dreg:$0x0] =	wrdreg $0xFFFFFFFF;
	(pc) =	sbr.abs _section_cstart, $3  }
0xc5: {  	[dreg:$0x1] =	wrdreg $0xFFFFFFFF  }
0xc6: {  	_ =	task.clear_ibuf [dreg:s9], $0x2FFFF;
	_ =	strace $0x9FFFFFFF  }
0xc7: {  	(tm) =	ssettm $0x7FFFFFFF  }
tec
execute0_lowered:
.L_overlay_start_1:
0x0: {  	(tag) =	ssettag $0x1  }
0x1: {  	s0 =	srdreg.scid  }
0x2: {  	s1 =	rddreg [dreg:$0x1];
	s26 =	stileid.u32;
	s3 =	simm.s32 $0x0  }
0x3: {  	s2 =	sand.u32 $0x1, s0;
	s14 =	smul.u32 $0x14000, s26;
	[smem:$0x7FF] =	sst s3  }
0x4: {  	s22 =	sadd.s32 $0x178A00, s1;
	s0 =	ssub.s32 $0x2, s2;
	s20 =	smul.u32 $0x140000, s2  }
0x5: {  	s23 =	sshrl.u32 s0, $0x1;
	s3 =	sor.u32 $0x1400, s14;
	s4 =	sor.u32 $0x2800, s14  }
0x6: {  	s5 =	sor.u32 $0x3C00, s14;
	s6 =	sadd.s32 $0x5000, s14;
	s7 =	sadd.s32 $0x6400, s14  }
0x7: {  	s8 =	sadd.s32 $0x7800, s14;
	s9 =	sadd.s32 $0x8C00, s14;
	s10 =	sadd.s32 $0xA000, s14  }
0x8: {  	s11 =	sadd.s32 $0xB400, s14;
	s12 =	sadd.s32 $0xC800, s14;
	s18 =	sadd.s32 $0xDC00, s14  }
0x9: {  	s21 =	sadd.s32 $0xF000, s14;
	s13 =	sadd.s32 $0x10400, s14;
	s15 =	sadd.s32 $0x11800, s14  }
0xa: {  	s17 =	sadd.s32 $0x12C00, s14;
	s0 =	ssub.s32 s0, s23;
	s14 =	sadd.s32 s14, s20  }
0xb: {  	s16 =	sadd.s32 s20, s3;
	s19 =	sadd.s32 s20, s4;
	s23 =	sadd.s32 s20, s7  }
0xc: {  	s14 =	sshrl.u32 s14, $0x3;
	s24 =	sshrl.u32 s16, $0x3;
	s25 =	sshrl.u32 s19, $0x3  }
0xd: {  	s16 =	sadd.s32 s20, s5;
	s19 =	sadd.s32 s20, s6;
	s14 =	sadd.s32 s22, s14  }
0xe: {  	s28 =	sadd.s32 s22, s25;
	s25 =	sshrl.u32 s23, $0x3;
	[dreg:$0x6] =	wrdreg s14  }
0xf: {  	s23 =	sadd.s32 s20, s10;
	s14 =	sadd.s32 s22, s24;
	[dreg:$0x8] =	wrdreg s28  }
0x10: {  	s24 =	sshrl.u32 s19, $0x3;
	s28 =	sadd.s32 s22, s25;
	s19 =	sadd.s32 s20, s9  }
0x11: {  	s25 =	sshrl.u32 s23, $0x3;
	s23 =	sadd.s32 s20, s18;
	[dreg:$0x7] =	wrdreg s14  }
0x12: {  	s14 =	sshrl.u32 s16, $0x3;
	[dreg:$0xb] =	wrdreg s28;
	s28 =	sadd.s32 s22, s25  }
0x13: {  	s16 =	sadd.s32 s20, s8;
	s14 =	sadd.s32 s22, s14;
	[dreg:$0xe] =	wrdreg s28  }
0x14: {  	s25 =	sshrl.u32 s23, $0x3;
	[dreg:$0x9] =	wrdreg s14;
	s14 =	sadd.s32 s22, s24  }
0x15: {  	s23 =	sadd.s32 s20, s13;
	[dreg:$0xa] =	wrdreg s14;
	s14 =	sshrl.u32 s16, $0x3  }
0x16: {  	s28 =	sadd.s32 s22, s25;
	s24 =	sshrl.u32 s19, $0x3;
	s14 =	sadd.s32 s22, s14  }
0x17: {  	s16 =	sadd.s32 s20, s11;
	[dreg:$0xc] =	wrdreg s14;
	s14 =	sadd.s32 s22, s24  }
0x18: {  	s19 =	sadd.s32 s20, s12;
	[dreg:$0xd] =	wrdreg s14;
	s14 =	sshrl.u32 s16, $0x3  }
0x19: {  	[dreg:$0x11] =	wrdreg s28;
	s16 =	sadd.s32 s20, s21;
	s14 =	sadd.s32 s22, s14  }
0x1a: {  	s24 =	sshrl.u32 s19, $0x3;
	s19 =	sshrl.u32 s16, $0x3;
	[dreg:$0xf] =	wrdreg s14  }
0x1b: {  	s14 =	sadd.s32 s22, s24;
	s16 =	sadd.s32 s22, s19;
	s19 =	sshrl.u32 s23, $0x3  }
0x1c: {  	s23 =	sadd.s32 s20, s15;
	s24 =	sadd.s32 s20, s17;
	s20 =	rddreg [dreg:$0x4]  }
0x1d: {  	[dreg:$0x10] =	wrdreg s14  }
0x1e: {  	s14 =	rddreg [dreg:$0x0]  }
0x1f: {  	s25 =	smul.u32 $0x50000, s26;
	[dreg:$0x12] =	wrdreg s16  }
0x20: {  	s16 =	rddreg [dreg:$0x2];
	s19 =	sadd.s32 s22, s19  }
0x21: {  	s28 =	sshrl.u32 s25, $0x2;
	s23 =	sshrl.u32 s23, $0x3;
	[dreg:$0x13] =	wrdreg s19  }
0x22: {  	s24 =	sshrl.u32 s24, $0x3;
	s19 =	rddreg [dreg:$0x3];
	s23 =	sadd.s32 s22, s23  }
0x23: {  	s22 =	sadd.s32 s22, s24;
	s24 =	sshll.u32 s2, $0x4;
	[dreg:$0x14] =	wrdreg s23  }
0x24: {  	s2 =	sadd.s32 s28, s20;
	[dreg:$0x15] =	wrdreg s22;
	s23 =	sadd.s32 $0x1A00, s1  }
0x25: {  	s22 =	sadd.s32 s3, s20;
	_ =	strace $0x80000047;
	[dreg:$0x16] =	wrdreg s2  }
0x26: {  	s1 =	sor.u32 s26, s24;
	s24 =	sadd.s32 s4, s20;
	[dreg:$0x17] =	wrdreg s22  }
0x27: {  	s25 =	sadd.s32 s5, s20;
	[dreg:$0x18] =	wrdreg s24  }
0x28: {  	s26 =	sadd.s32 s6, s20;
	[dreg:$0x19] =	wrdreg s25  }
0x29: {  	s28 =	sadd.s32 s7, s20;
	[dreg:$0x1a] =	wrdreg s26  }
0x2a: {  	s3 =	sadd.s32 s8, s20;
	[dreg:$0x1b] =	wrdreg s28  }
0x2b: {  	s4 =	sadd.s32 s9, s20;
	[dreg:$0x1c] =	wrdreg s3  }
0x2c: {  	s29 =	simm.s32 $0x2;
	s5 =	sadd.s32 s11, s20;
	[dreg:$0x1d] =	wrdreg s4  }
0x2d: {  	s30 =	simm.s32 $0x15800;
	s6 =	sadd.s32 s12, s20;
	[dreg:$0x1f] =	wrdreg s5  }
0x2e: {  	s31 =	simm.s32 $0x9;
	s7 =	sadd.s32 s18, s20;
	[smem:$0x7EE] =	sst s6  }
0x2f: {  	s0 =	smax.u32 s0, $0x1;
	s9 =	sadd.s32 s13, s20;
	[smem:$0x7EF] =	sst s7  }
0x30: {  	s10 =	sadd.s32 s10, s20;
	s11 =	sadd.s32 s17, s20;
	[smem:$0x7F0] =	sst s9  }
0x31: {  	s21 =	sadd.s32 s21, s20;
	s8 =	smul.u32 $0xBB8, s1;
	[smem:$0x7F1] =	sst s11  }
0x32: {  	s15 =	sadd.s32 s15, s20;
	s1 =	smul.u32 $0xBB80, s1;
	[smem:$0x7F8] =	sst s0  }
0x33: {  	s0 =	simm.s32 $0x3;
	s3 =	simm.s32 $0xA;
	s4 =	simm.s32 $0xE  }
0x34: {  	s5 =	simm.s32 $0x6;
	s7 =	simm.s32 $0xB;
	[dreg:$0x1e] =	wrdreg s10  }
0x35: {  	s9 =	simm.s32 $0x7;
	s6 =	simm.s32 $0x0;
	[smem:$0x7FC] =	sst s21  }
0x36: {  	[smem:$0x7FD] =	sst s15;
	s12 =	sshrl.u32 s8, $0x3;
	s13 =	sadd.s32 $0x28, s8  }
0x37: {  	s1 =	sadd.s32 s23, s1;
	s25 =	sadd.s32 $0xA0, s8;
	s26 =	sadd.s32 $0xC8, s8  }
0x38: {  	s11 =	smov.u32 s8;
	s28 =	sadd.s32 $0x50, s8;
	[smem:$0x7F4] =	sst s1  }
0x39: {  	s8 =	simm.s32 $0xF;
	s17 =	sadd.s32 s16, s12;
	[smem:$0x7F9] =	sst s25  }
0x3a: {  	s2 =	sadd.s32 s19, s12;
	s18 =	sshrl.u32 s13, $0x3;
	[smem:$0x7FA] =	sst s26  }
0x3b: {  	s22 =	sshll.u32 s13, $0x4;
	[smem:$0x7FB] =	sst s28;
	s12 =	simm.s32 $0x14400  }
.Ltmp0:
0x3c: {  	s13 =	simm.s32 $0xD;
	[smem:$0x7F2] =	sst s17;
	(pc) =	sbr.rel .LBB2_1-.Ltmp0, $4  }
0x3d: {  	s25 =	simm.s32 $0x14100;
	[smem:$0x7F3] =	sst s2;
	s24 =	sadd.s32 s16, s18  }
0x3e: {  	s26 =	simm.s32 $0x14300;
	s2 =	sadd.s32 s19, s18;
	[smem:$0x7F5] =	sst s24  }
0x3f: {  	s1 =	sadd.s32 s23, s22;
	s18 =	simm.s32 $0x5;
	[smem:$0x7F6] =	sst s2  }
0x40: {  	v0 =	vimm.f32 $0.0e+00;
	[smem:$0x7F7] =	sst s1;
	s24 =	simm.s32 $0x28;
	s2 =	simm.s32 $0x16C00  }
.LBB2_15:
0x41: {  	s17 =	simm.s32 $0x11  }
0x42: {  	_ =	swait.ge [sflag:s17], $0x1400  }
0x43: {  	[sflag:s17] =	ssyncset.done $0x0  }
0x44: {  	s22 =	simm.s32 $0x12;
	[sflag:s17] =	ssyncadd.s32 $0xFFFFEC00  }
0x45: {  	_ =	swait.ge [sflag:s22], $0x1400  }
0x46: {  	[sflag:s22] =	ssyncset.done $0x0  }
0x47: {  	s1 =	simm.s32 $0x13;
	[sflag:s22] =	ssyncadd.s32 $0xFFFFEC00  }
0x48: {  	_ =	swait.ge [sflag:s1], $0x1400  }
0x49: {  	[sflag:s1] =	ssyncset.done $0x0  }
0x4a: {  	s28 =	simm.s32 $0x14;
	[sflag:s1] =	ssyncadd.s32 $0xFFFFEC00  }
0x4b: {  	_ =	swait.ge [sflag:s28], $0x1400  }
0x4c: {  	[sflag:s28] =	ssyncset.done $0x0  }
0x4d: {  	[sflag:s28] =	ssyncadd.s32 $0xFFFFEC00  }
0x4e: {  	[bflag:$0x0] =	sbarrier.arrive $0xFFFF  }
0x4f: {  	s28 =	simm.s32 $0x15;
	s6 =	rddreg [dreg:$0x16]  }
0x50: {  	[tilespmem:s12], [sflag:$0x15] =	stream.linear.gather [spmem:s6], $0x1400, $0x38;
	[tilespmem:$0x1E400] =	vst v63  }
0x51: {  	_ =	swait.ge [sflag:s28], $0x1400  }
0x52: {  	[sflag:s28] =	ssyncset.done $0x0  }
0x53: {  	s1 =	simm.s32 $0x0;
	s6 =	rddreg [dreg:$0x6];
	[sflag:s28] =	ssyncadd.s32 $0xFFFFEC00  }
0x54: {  	[hbm4b:s6+s1] =	stream.linear.scatter [tilespmem:s12], [sflag:$0x11], $0x1400, $0x38;
	[tilespmem:$0x1E400] =	vst v63  }
0x55: {  	s10 =	rddreg [dreg:$0x17]  }
0x56: {  	[tilespmem:s30], [sflag:$0x15] =	stream.linear.gather [spmem:s10], $0x1400, $0x38;
	[tilespmem:$0x1E400] =	vst v63  }
0x57: {  	_ =	swait.ge [sflag:s28], $0x1400  }
0x58: {  	[sflag:s28] =	ssyncset.done $0x0  }
0x59: {  	s15 =	rddreg [dreg:$0x7];
	[sflag:s28] =	ssyncadd.s32 $0xFFFFEC00  }
0x5a: {  	[hbm4b:s15+s1] =	stream.linear.scatter [tilespmem:s30], [sflag:$0x12], $0x1400, $0x38;
	[tilespmem:$0x1E400] =	vst v63  }
0x5b: {  	_ =	swait.ge [sflag:s17], $0x1400  }
0x5c: {  	[sflag:s17] =	ssyncset.done $0x0  }
0x5d: {  	s21 =	rddreg [dreg:$0x18];
	[sflag:s17] =	ssyncadd.s32 $0xFFFFEC00  }
0x5e: {  	[tilespmem:s12], [sflag:$0x15] =	stream.linear.gather [spmem:s21], $0x1400, $0x38;
	[tilespmem:$0x1E400] =	vst v63  }
0x5f: {  	_ =	swait.ge [sflag:s28], $0x1400  }
0x60: {  	[sflag:s28] =	ssyncset.done $0x0  }
0x61: {  	s10 =	rddreg [dreg:$0x8];
	[sflag:s28] =	ssyncadd.s32 $0xFFFFEC00  }
0x62: {  	[hbm4b:s10+s1] =	stream.linear.scatter [tilespmem:s12], [sflag:$0x11], $0x1400, $0x38;
	[tilespmem:$0x1E400] =	vst v63  }
0x63: {  	_ =	swait.ge [sflag:s22], $0x1400  }
0x64: {  	[sflag:s22] =	ssyncset.done $0x0  }
0x65: {  	s15 =	rddreg [dreg:$0x19];
	[sflag:s22] =	ssyncadd.s32 $0xFFFFEC00  }
0x66: {  	[tilespmem:s30], [sflag:$0x15] =	stream.linear.gather [spmem:s15], $0x1400, $0x38;
	[tilespmem:$0x1E400] =	vst v63  }
0x67: {  	_ =	swait.ge [sflag:s28], $0x1400  }
0x68: {  	[sflag:s28] =	ssyncset.done $0x0  }
0x69: {  	s21 =	rddreg [dreg:$0x9];
	[sflag:s28] =	ssyncadd.s32 $0xFFFFEC00  }
0x6a: {  	[hbm4b:s21+s1] =	stream.linear.scatter [tilespmem:s30], [sflag:$0x12], $0x1400, $0x38;
	[tilespmem:$0x1E400] =	vst v63  }
0x6b: {  	_ =	swait.ge [sflag:s17], $0x1400  }
0x6c: {  	[sflag:s17] =	ssyncset.done $0x0  }
0x6d: {  	s10 =	rddreg [dreg:$0x1a];
	[sflag:s17] =	ssyncadd.s32 $0xFFFFEC00  }
0x6e: {  	[tilespmem:s12], [sflag:$0x15] =	stream.linear.gather [spmem:s10], $0x1400, $0x38;
	[tilespmem:$0x1E400] =	vst v63  }
0x6f: {  	_ =	swait.ge [sflag:s28], $0x1400  }
0x70: {  	[sflag:s28] =	ssyncset.done $0x0  }
0x71: {  	s15 =	rddreg [dreg:$0xa];
	[sflag:s28] =	ssyncadd.s32 $0xFFFFEC00  }
0x72: {  	[hbm4b:s15+s1] =	stream.linear.scatter [tilespmem:s12], [sflag:$0x11], $0x1400, $0x38;
	[tilespmem:$0x1E400] =	vst v63  }
0x73: {  	_ =	swait.ge [sflag:s22], $0x1400  }
0x74: {  	[sflag:s22] =	ssyncset.done $0x0  }
0x75: {  	s21 =	rddreg [dreg:$0x1b];
	[sflag:s22] =	ssyncadd.s32 $0xFFFFEC00  }
0x76: {  	[tilespmem:s30], [sflag:$0x15] =	stream.linear.gather [spmem:s21], $0x1400, $0x38;
	[tilespmem:$0x1E400] =	vst v63  }
0x77: {  	_ =	swait.ge [sflag:s28], $0x1400  }
0x78: {  	[sflag:s28] =	ssyncset.done $0x0  }
0x79: {  	s10 =	rddreg [dreg:$0xb];
	[sflag:s28] =	ssyncadd.s32 $0xFFFFEC00  }
0x7a: {  	[hbm4b:s10+s1] =	stream.linear.scatter [tilespmem:s30], [sflag:$0x12], $0x1400, $0x38;
	[tilespmem:$0x1E400] =	vst v63  }
0x7b: {  	_ =	swait.ge [sflag:s17], $0x1400  }
0x7c: {  	[sflag:s17] =	ssyncset.done $0x0  }
0x7d: {  	s15 =	rddreg [dreg:$0x1c];
	[sflag:s17] =	ssyncadd.s32 $0xFFFFEC00  }
0x7e: {  	[tilespmem:s12], [sflag:$0x15] =	stream.linear.gather [spmem:s15], $0x1400, $0x38;
	[tilespmem:$0x1E400] =	vst v63  }
0x7f: {  	_ =	swait.ge [sflag:s28], $0x1400  }
0x80: {  	[sflag:s28] =	ssyncset.done $0x0  }
0x81: {  	s21 =	rddreg [dreg:$0xc];
	[sflag:s28] =	ssyncadd.s32 $0xFFFFEC00  }
0x82: {  	[hbm4b:s21+s1] =	stream.linear.scatter [tilespmem:s12], [sflag:$0x11], $0x1400, $0x38;
	[tilespmem:$0x1E400] =	vst v63  }
0x83: {  	_ =	swait.ge [sflag:s22], $0x1400  }
0x84: {  	[sflag:s22] =	ssyncset.done $0x0  }
0x85: {  	s10 =	rddreg [dreg:$0x1d];
	[sflag:s22] =	ssyncadd.s32 $0xFFFFEC00  }
0x86: {  	[tilespmem:s30], [sflag:$0x15] =	stream.linear.gather [spmem:s10], $0x1400, $0x38;
	[tilespmem:$0x1E400] =	vst v63  }
0x87: {  	_ =	swait.ge [sflag:s28], $0x1400  }
0x88: {  	[sflag:s28] =	ssyncset.done $0x0  }
0x89: {  	s15 =	rddreg [dreg:$0xd];
	[sflag:s28] =	ssyncadd.s32 $0xFFFFEC00  }
0x8a: {  	[hbm4b:s15+s1] =	stream.linear.scatter [tilespmem:s30], [sflag:$0x12], $0x1400, $0x38;
	[tilespmem:$0x1E400] =	vst v63  }
0x8b: {  	_ =	swait.ge [sflag:s17], $0x1400  }
0x8c: {  	[sflag:s17] =	ssyncset.done $0x0  }
0x8d: {  	s10 =	rddreg [dreg:$0x1e];
	[sflag:s17] =	ssyncadd.s32 $0xFFFFEC00  }
0x8e: {  	[tilespmem:s12], [sflag:$0x15] =	stream.linear.gather [spmem:s10], $0x1400, $0x38;
	[tilespmem:$0x1E400] =	vst v63  }
0x8f: {  	_ =	swait.ge [sflag:s28], $0x1400  }
0x90: {  	[sflag:s28] =	ssyncset.done $0x0  }
0x91: {  	s21 =	rddreg [dreg:$0xe];
	[sflag:s28] =	ssyncadd.s32 $0xFFFFEC00  }
0x92: {  	[hbm4b:s21+s1] =	stream.linear.scatter [tilespmem:s12], [sflag:$0x11], $0x1400, $0x38;
	[tilespmem:$0x1E400] =	vst v63  }
0x93: {  	_ =	swait.ge [sflag:s22], $0x1400  }
0x94: {  	[sflag:s22] =	ssyncset.done $0x0  }
0x95: {  	s15 =	rddreg [dreg:$0x1f];
	[sflag:s22] =	ssyncadd.s32 $0xFFFFEC00  }
0x96: {  	[tilespmem:s30], [sflag:$0x15] =	stream.linear.gather [spmem:s15], $0x1400, $0x38;
	[tilespmem:$0x1E400] =	vst v63  }
0x97: {  	_ =	swait.ge [sflag:s28], $0x1400  }
0x98: {  	[sflag:s28] =	ssyncset.done $0x0  }
0x99: {  	s21 =	rddreg [dreg:$0xf];
	[sflag:s28] =	ssyncadd.s32 $0xFFFFEC00  }
0x9a: {  	[hbm4b:s21+s1] =	stream.linear.scatter [tilespmem:s30], [sflag:$0x12], $0x1400, $0x38;
	[tilespmem:$0x1E400] =	vst v63  }
0x9b: {  	_ =	swait.ge [sflag:s17], $0x1400  }
0x9c: {  	s15 =	sld [smem:$0x7EE]  }
0x9d: {  	[sflag:s17] =	ssyncset.done $0x0  }
0x9e: {  	[sflag:s17] =	ssyncadd.s32 $0xFFFFEC00  }
0x9f: {  	[tilespmem:s12], [sflag:$0x15] =	stream.linear.gather [spmem:s15], $0x1400, $0x38;
	[tilespmem:$0x1E400] =	vst v63  }
0xa0: {  	_ =	swait.ge [sflag:s28], $0x1400  }
0xa1: {  	[sflag:s28] =	ssyncset.done $0x0  }
0xa2: {  	s21 =	rddreg [dreg:$0x10];
	[sflag:s28] =	ssyncadd.s32 $0xFFFFEC00  }
0xa3: {  	[hbm4b:s21+s1] =	stream.linear.scatter [tilespmem:s12], [sflag:$0x11], $0x1400, $0x38;
	[tilespmem:$0x1E400] =	vst v63  }
0xa4: {  	_ =	swait.ge [sflag:s22], $0x1400  }
0xa5: {  	s15 =	sld [smem:$0x7EF]  }
0xa6: {  	[sflag:s22] =	ssyncset.done $0x0  }
0xa7: {  	[sflag:s22] =	ssyncadd.s32 $0xFFFFEC00  }
0xa8: {  	[tilespmem:s30], [sflag:$0x15] =	stream.linear.gather [spmem:s15], $0x1400, $0x38;
	[tilespmem:$0x1E400] =	vst v63  }
0xa9: {  	_ =	swait.ge [sflag:s28], $0x1400  }
0xaa: {  	[sflag:s28] =	ssyncset.done $0x0  }
0xab: {  	s21 =	rddreg [dreg:$0x11];
	[sflag:s28] =	ssyncadd.s32 $0xFFFFEC00  }
0xac: {  	[hbm4b:s21+s1] =	stream.linear.scatter [tilespmem:s30], [sflag:$0x12], $0x1400, $0x38;
	[tilespmem:$0x1E400] =	vst v63  }
0xad: {  	_ =	swait.ge [sflag:s17], $0x1400  }
0xae: {  	s21 =	sld [smem:$0x7FC]  }
0xaf: {  	[sflag:s17] =	ssyncset.done $0x0  }
0xb0: {  	[sflag:s17] =	ssyncadd.s32 $0xFFFFEC00  }
0xb1: {  	[tilespmem:s12], [sflag:$0x15] =	stream.linear.gather [spmem:s21], $0x1400, $0x38;
	[tilespmem:$0x1E400] =	vst v63  }
0xb2: {  	_ =	swait.ge [sflag:s28], $0x1400  }
0xb3: {  	[sflag:s28] =	ssyncset.done $0x0  }
0xb4: {  	s15 =	rddreg [dreg:$0x12];
	[sflag:s28] =	ssyncadd.s32 $0xFFFFEC00  }
0xb5: {  	[hbm4b:s15+s1] =	stream.linear.scatter [tilespmem:s12], [sflag:$0x11], $0x1400, $0x38;
	[tilespmem:$0x1E400] =	vst v63  }
0xb6: {  	_ =	swait.ge [sflag:s22], $0x1400  }
0xb7: {  	s15 =	sld [smem:$0x7F0]  }
0xb8: {  	[sflag:s22] =	ssyncset.done $0x0  }
0xb9: {  	[sflag:s22] =	ssyncadd.s32 $0xFFFFEC00  }
0xba: {  	[tilespmem:s30], [sflag:$0x15] =	stream.linear.gather [spmem:s15], $0x1400, $0x38;
	[tilespmem:$0x1E400] =	vst v63  }
0xbb: {  	_ =	swait.ge [sflag:s28], $0x1400  }
0xbc: {  	[sflag:s28] =	ssyncset.done $0x0  }
0xbd: {  	s15 =	rddreg [dreg:$0x13];
	[sflag:s28] =	ssyncadd.s32 $0xFFFFEC00  }
0xbe: {  	[hbm4b:s15+s1] =	stream.linear.scatter [tilespmem:s30], [sflag:$0x12], $0x1400, $0x38;
	[tilespmem:$0x1E400] =	vst v63  }
0xbf: {  	_ =	swait.ge [sflag:s17], $0x1400  }
0xc0: {  	s15 =	sld [smem:$0x7FD]  }
0xc1: {  	[sflag:s17] =	ssyncset.done $0x0  }
0xc2: {  	[sflag:s17] =	ssyncadd.s32 $0xFFFFEC00  }
0xc3: {  	[tilespmem:s12], [sflag:$0x15] =	stream.linear.gather [spmem:s15], $0x1400, $0x38;
	[tilespmem:$0x1E400] =	vst v63  }
0xc4: {  	_ =	swait.ge [sflag:s28], $0x1400  }
0xc5: {  	[sflag:s28] =	ssyncset.done $0x0  }
0xc6: {  	s6 =	rddreg [dreg:$0x14];
	[sflag:s28] =	ssyncadd.s32 $0xFFFFEC00  }
0xc7: {  	[hbm4b:s6+s1] =	stream.linear.scatter [tilespmem:s12], [sflag:$0x11], $0x1400, $0x38;
	[tilespmem:$0x1E400] =	vst v63  }
0xc8: {  	_ =	swait.ge [sflag:s22], $0x1400  }
0xc9: {  	s6 =	sld [smem:$0x7F1]  }
0xca: {  	[sflag:s22] =	ssyncset.done $0x0  }
0xcb: {  	[sflag:s22] =	ssyncadd.s32 $0xFFFFEC00  }
0xcc: {  	[tilespmem:s30], [sflag:$0x15] =	stream.linear.gather [spmem:s6], $0x1400, $0x38;
	[tilespmem:$0x1E400] =	vst v63  }
0xcd: {  	_ =	swait.ge [sflag:s28], $0x1400  }
0xce: {  	[sflag:s28] =	ssyncset.done $0x0  }
0xcf: {  	[sflag:s28] =	ssyncadd.s32 $0xFFFFEC00;
	s28 =	rddreg [dreg:$0x15]  }
0xd0: {  	[hbm4b:s28+s1] =	stream.linear.scatter [tilespmem:s30], [sflag:$0x12], $0x1400, $0x38;
	[tilespmem:$0x1E400] =	vst v63  }
0xd1: {  	_ =	swait.ge [sflag:s17], $0x1400  }
0xd2: {  	[sflag:s17] =	ssyncset.done $0x0  }
0xd3: {  	[sflag:s17] =	ssyncadd.s32 $0xFFFFEC00  }
0xd4: {  	_ =	swait.ge [sflag:s22], $0x1400  }
0xd5: {  	s17 =	sld [smem:$0x7ED]  }
0xd6: {  	s28 =	sld [smem:$0x7F8];
	_ =	sdelay $0x1  }
0xd7: {  	s6 =	sadd.s32 $0x1, s17  }
0xd8: {  	p0 =	sne.s32 s6, s28  }
.Ltmp1:
0xd9: {  	_ = 	snop;
	(pc) =	sbr.rel @!p0 .LBB2_16-.Ltmp1, $3  }
0xda: {  	_ =	sdelay $0x1  }
0xdb: {  	[sflag:s22] =	ssyncset.done $0x0  }
0xdc: {  	[sflag:s22] =	ssyncadd.s32 $0xFFFFEC00  }
.LBB2_1:
0xdd: {  	[smem:$0x7ED] =	sst s6;
	s1 =	simm.s32 $0x0;
	s6 =	simm.s32 $0x200  }
.LBB2_2:
0xde: {  	p0 =	sne.s32 s6, $0x4E00;
	[tilespmem:s1+$0x14470] =	vst v0  }
0xdf: {  	[tilespmem:s1+$0x14400] =	vst v0  }
0xe0: {  	[tilespmem:s1+$0x14410] =	vst v0  }
.Ltmp2:
0xe1: {  	[tilespmem:s1+$0x14420] =	vst v0;
	(pc) =	sbr.rel @p0 .LBB2_2-.Ltmp2, $4  }
0xe2: {  	[tilespmem:s1+$0x14430] =	vst v0  }
0xe3: {  	[tilespmem:s1+$0x14440] =	vst v0  }
0xe4: {  	[tilespmem:s1+$0x14450] =	vst v0  }
0xe5: {  	[tilespmem:s1+$0x14460] =	vst v0;
	s1 =	sshra.s32 s6, $0x2;
	s6 =	sadd.s32 $0x200, s6  }
0xe6: {  	[tilespmem:s1+$0x14470] =	vst v0  }
0xe7: {  	[tilespmem:s1+$0x14400] =	vst v0  }
0xe8: {  	[tilespmem:s1+$0x14410] =	vst v0  }
0xe9: {  	[tilespmem:s1+$0x14420] =	vst v0  }
0xea: {  	[tilespmem:s1+$0x14430] =	vst v0  }
0xeb: {  	[tilespmem:s1+$0x14440] =	vst v0  }
0xec: {  	[tilespmem:s1+$0x14450] =	vst v0  }
0xed: {  	[tilespmem:s1+$0x14460] =	vst v0;
	s22 =	rddreg [dreg:$0x16]  }
0xee: {  	[spmem:s22] =	stream.linear.scatter [tilespmem:s12], [sflag:$0xD], $0x1400, $0x38;
	[tilespmem:$0x1E400] =	vst v63  }
0xef: {  	s28 =	rddreg [dreg:$0x17]  }
0xf0: {  	[spmem:s28] =	stream.linear.scatter [tilespmem:s12], [sflag:$0xD], $0x1400, $0x38;
	[tilespmem:$0x1E400] =	vst v63  }
0xf1: {  	s6 =	rddreg [dreg:$0x18]  }
0xf2: {  	[spmem:s6] =	stream.linear.scatter [tilespmem:s12], [sflag:$0xD], $0x1400, $0x38;
	[tilespmem:$0x1E400] =	vst v63  }
0xf3: {  	s17 =	rddreg [dreg:$0x19]  }
0xf4: {  	[spmem:s17] =	stream.linear.scatter [tilespmem:s12], [sflag:$0xD], $0x1400, $0x38;
	[tilespmem:$0x1E400] =	vst v63  }
0xf5: {  	s22 =	rddreg [dreg:$0x1a]  }
0xf6: {  	[spmem:s22] =	stream.linear.scatter [tilespmem:s12], [sflag:$0xD], $0x1400, $0x38;
	[tilespmem:$0x1E400] =	vst v63  }
0xf7: {  	s28 =	rddreg [dreg:$0x1b]  }
0xf8: {  	[spmem:s28] =	stream.linear.scatter [tilespmem:s12], [sflag:$0xD], $0x1400, $0x38;
	[tilespmem:$0x1E400] =	vst v63  }
0xf9: {  	s6 =	rddreg [dreg:$0x1c]  }
0xfa: {  	[spmem:s6] =	stream.linear.scatter [tilespmem:s12], [sflag:$0xD], $0x1400, $0x38;
	[tilespmem:$0x1E400] =	vst v63  }
0xfb: {  	s17 =	rddreg [dreg:$0x1d]  }
0xfc: {  	[spmem:s17] =	stream.linear.scatter [tilespmem:s12], [sflag:$0xD], $0x1400, $0x38;
	[tilespmem:$0x1E400] =	vst v63  }
0xfd: {  	s22 =	rddreg [dreg:$0x1f]  }
0xfe: {  	[spmem:s10] =	stream.linear.scatter [tilespmem:s12], [sflag:$0xD], $0x1400, $0x38;
	[tilespmem:$0x1E400] =	vst v63  }
0xff: {  	s28 =	sld [smem:$0x7EE]  }
0x100: {  	[spmem:s22] =	stream.linear.scatter [tilespmem:s12], [sflag:$0xD], $0x1400, $0x38;
	[tilespmem:$0x1E400] =	vst v63  }
0x101: {  	s6 =	sld [smem:$0x7EF]  }
0x102: {  	[spmem:s28] =	stream.linear.scatter [tilespmem:s12], [sflag:$0xD], $0x1400, $0x38;
	[tilespmem:$0x1E400] =	vst v63  }
0x103: {  	_ = 	snop  }
0x104: {  	[spmem:s6] =	stream.linear.scatter [tilespmem:s12], [sflag:$0xD], $0x1400, $0x38;
	[tilespmem:$0x1E400] =	vst v63  }
0x105: {  	s10 =	sld [smem:$0x7F0]  }
0x106: {  	[spmem:s21] =	stream.linear.scatter [tilespmem:s12], [sflag:$0xD], $0x1400, $0x38;
	[tilespmem:$0x1E400] =	vst v63  }
0x107: {  	_ = 	snop  }
0x108: {  	[spmem:s10] =	stream.linear.scatter [tilespmem:s12], [sflag:$0xD], $0x1400, $0x38;
	[tilespmem:$0x1E400] =	vst v63  }
0x109: {  	_ = 	snop  }
0x10a: {  	[spmem:s15] =	stream.linear.scatter [tilespmem:s12], [sflag:$0xD], $0x1400, $0x38;
	[tilespmem:$0x1E400] =	vst v63  }
0x10b: {  	s15 =	sld [smem:$0x7F1];
	_ =	sdelay $0x2  }
0x10c: {  	[spmem:s15] =	stream.linear.scatter [tilespmem:s12], [sflag:$0xD], $0x1400, $0x38;
	[tilespmem:$0x1E400] =	vst v63  }
0x10d: {  	_ =	swait.ge [sflag:s13], $0x1400  }
0x10e: {  	[sflag:s13] =	ssyncset.done $0x0  }
0x10f: {  	[sflag:s13] =	ssyncadd.s32 $0xFFFFEC00  }
0x110: {  	_ =	swait.ge [sflag:s13], $0x1400  }
0x111: {  	[sflag:s13] =	ssyncset.done $0x0  }
0x112: {  	[sflag:s13] =	ssyncadd.s32 $0xFFFFEC00  }
0x113: {  	_ =	swait.ge [sflag:s13], $0x1400  }
0x114: {  	[sflag:s13] =	ssyncset.done $0x0  }
0x115: {  	[sflag:s13] =	ssyncadd.s32 $0xFFFFEC00  }
0x116: {  	_ =	swait.ge [sflag:s13], $0x1400  }
0x117: {  	[sflag:s13] =	ssyncset.done $0x0  }
0x118: {  	[sflag:s13] =	ssyncadd.s32 $0xFFFFEC00  }
0x119: {  	_ =	swait.ge [sflag:s13], $0x1400  }
0x11a: {  	[sflag:s13] =	ssyncset.done $0x0  }
0x11b: {  	[sflag:s13] =	ssyncadd.s32 $0xFFFFEC00  }
0x11c: {  	_ =	swait.ge [sflag:s13], $0x1400  }
0x11d: {  	[sflag:s13] =	ssyncset.done $0x0  }
0x11e: {  	[sflag:s13] =	ssyncadd.s32 $0xFFFFEC00  }
0x11f: {  	_ =	swait.ge [sflag:s13], $0x1400  }
0x120: {  	[sflag:s13] =	ssyncset.done $0x0  }
0x121: {  	[sflag:s13] =	ssyncadd.s32 $0xFFFFEC00  }
0x122: {  	_ =	swait.ge [sflag:s13], $0x1400  }
0x123: {  	[sflag:s13] =	ssyncset.done $0x0  }
0x124: {  	[sflag:s13] =	ssyncadd.s32 $0xFFFFEC00  }
0x125: {  	_ =	swait.ge [sflag:s13], $0x1400  }
0x126: {  	[sflag:s13] =	ssyncset.done $0x0  }
0x127: {  	[sflag:s13] =	ssyncadd.s32 $0xFFFFEC00  }
0x128: {  	_ =	swait.ge [sflag:s13], $0x1400  }
0x129: {  	[sflag:s13] =	ssyncset.done $0x0  }
0x12a: {  	[sflag:s13] =	ssyncadd.s32 $0xFFFFEC00  }
0x12b: {  	_ =	swait.ge [sflag:s13], $0x1400  }
0x12c: {  	[sflag:s13] =	ssyncset.done $0x0  }
0x12d: {  	[sflag:s13] =	ssyncadd.s32 $0xFFFFEC00  }
0x12e: {  	_ =	swait.ge [sflag:s13], $0x1400  }
0x12f: {  	[sflag:s13] =	ssyncset.done $0x0  }
0x130: {  	[sflag:s13] =	ssyncadd.s32 $0xFFFFEC00  }
0x131: {  	_ =	swait.ge [sflag:s13], $0x1400  }
0x132: {  	[sflag:s13] =	ssyncset.done $0x0  }
0x133: {  	[sflag:s13] =	ssyncadd.s32 $0xFFFFEC00  }
0x134: {  	_ =	swait.ge [sflag:s13], $0x1400  }
0x135: {  	[sflag:s13] =	ssyncset.done $0x0  }
0x136: {  	[sflag:s13] =	ssyncadd.s32 $0xFFFFEC00  }
0x137: {  	_ =	swait.ge [sflag:s13], $0x1400  }
0x138: {  	[sflag:s13] =	ssyncset.done $0x0  }
0x139: {  	[sflag:s13] =	ssyncadd.s32 $0xFFFFEC00  }
0x13a: {  	_ =	swait.ge [sflag:s13], $0x1400  }
0x13b: {  	[sflag:s13] =	ssyncset.done $0x0  }
0x13c: {  	[sflag:s13] =	ssyncadd.s32 $0xFFFFEC00  }
0x13d: {  	[bflag:$0x0] =	sbarrier.arrive $0xFFFF  }
0x13e: {  	s17 =	sld [smem:$0x7F2];
	_ =	sdelay $0x1  }
0x13f: {  	s6 =	simm.s32 $0x14000;
	s21 =	simm.s32 $0x0;
	s22 =	sld [smem:$0x7F3]  }
0x140: {  	[tilespmem:s6], [sflag:$0x1] =	stream.linear.gather [hbm4b:s17+s21], $0x28, $0x38;
	[tilespmem:$0x1E400] =	vst v63  }
0x141: {  	s28 =	simm.s32 $0x14200;
	s15 =	sld [smem:$0x7F4]  }
0x142: {  	[tilespmem:s28], [sflag:$0x5] =	stream.linear.gather [hbm4b:s22+s21], $0x28, $0x38;
	[tilespmem:$0x1E400] =	vst v63  }
0x143: {  	s17 =	simm.s32 $0x19400;
	s22 =	sld [smem:$0x7F5]  }
0x144: {  	[tilespmem:s17], [sflag:$0x9] =	stream.linear.gather [hbm4b:s15+s21], $0x1400, $0x38;
	[tilespmem:$0x1E400] =	vst v63  }
0x145: {  	s10 =	sld [smem:$0x7F6];
	s28 =	simm.s32 $0x14080  }
0x146: {  	[tilespmem:s28], [sflag:$0x2] =	stream.linear.gather [hbm4b:s22+s21], $0x28, $0x38;
	[tilespmem:$0x1E400] =	vst v63  }
0x147: {  	s15 =	simm.s32 $0x14280;
	s17 =	sld [smem:$0x7F7]  }
0x148: {  	[tilespmem:s15], [sflag:$0x6] =	stream.linear.gather [hbm4b:s10+s21], $0x28, $0x38;
	[tilespmem:$0x1E400] =	vst v63  }
0x149: {  	s22 =	simm.s32 $0x1A800  }
0x14a: {  	[tilespmem:s22], [sflag:$0xA] =	stream.linear.gather [hbm4b:s17+s21], $0x1400, $0x38;
	[tilespmem:$0x1E400] =	vst v63  }
.Ltmp3:
0x14b: {  	s28 =	simm.s32 $0x1;
	(pc) =	sbr.rel .LBB2_4-.Ltmp3, $4  }
0x14c: {  	_ =	swait.ge [sflag:s28], $0x28  }
0x14d: {  	[sflag:s28] =	ssyncset.done $0x0  }
0x14e: {  	s1 =	simm.s32 $0x0;
	[sflag:s28] =	ssyncadd.s32 $0xFFFFFFD8  }
0x14f: {  	[tilespmem:s12], [sflag:$0xD] =	stream.indirect.gather [hbm4b:s14+s24], $0x80, s6, s24, $0xb8;
	[tilespmem:$0x1E400] =	vst v63  }
.LBB2_14:
0x150: {  	s1 =	sadd.s32 $0x1, s1  }
0x151: {  	p0 =	sne.s32 s1, $0x13  }
.Ltmp4:
0x152: {  	_ = 	snop;
	(pc) =	sbr.rel @!p0 .LBB2_15-.Ltmp4, $1  }
0x153: {  	_ =	sdelay $0x3  }
.LBB2_4:
0x154: {  	p0 =	seq.s32 s1, $0x0  }
0x155: {  	s6 =	simm.s32 @!p0 $0x13  }
0x156: {  	_ =	swait.ge @!p0 [sflag:s6], $0x1400  }
0x157: {  	s10 =	sld [smem:$0x7FB]  }
0x158: {  	s28 =	smul.u32 $0xA0, s1;
	_ =	sdelay $0x1  }
0x159: {  	s15 =	sadd.s32 s10, s28  }
0x15a: {  	[sflag:s6] =	ssyncset.done @!p0 $0x0;
	s17 =	sshrl.u32 s15, $0x3  }
0x15b: {  	[sflag:s6] =	ssyncadd.s32 @!p0 $0xFFFFEC00;
	s22 =	sadd.s32 s16, s17  }
0x15c: {  	[tilespmem:s25], [sflag:$0x3] =	stream.linear.gather [hbm4b:s22+s21], $0x28, $0x38;
	[tilespmem:$0x1E400] =	vst v63  }
0x15d: {  	s15 =	sshll.u32 s15, $0x4;
	s10 =	sadd.s32 s19, s17  }
0x15e: {  	[tilespmem:s26], [sflag:$0x7] =	stream.linear.gather [hbm4b:s10+s21], $0x28, $0x38;
	[tilespmem:$0x1E400] =	vst v63  }
0x15f: {  	s6 =	sadd.s32 s23, s15;
	s17 =	simm.s32 $0x1BC00  }
0x160: {  	[tilespmem:s17], [sflag:$0xB] =	stream.linear.gather [hbm4b:s6+s21], $0x1400, $0x38;
	[tilespmem:$0x1E400] =	vst v63  }
0x161: {  	_ =	swait.ge [sflag:s29], $0x28  }
0x162: {  	[sflag:s29] =	ssyncset.done $0x0  }
0x163: {  	s22 =	simm.s32 $0x14080;
	[sflag:s29] =	ssyncadd.s32 $0xFFFFFFD8  }
0x164: {  	[tilespmem:s30], [sflag:$0xE] =	stream.indirect.gather [hbm4b:s14+s24], $0x80, s22, s24, $0xb8;
	[tilespmem:$0x1E400] =	vst v63  }
0x165: {  	_ =	swait.ge [sflag:s31], $0x1400  }
0x166: {  	[sflag:s31] =	ssyncset.done $0x0  }
0x167: {  	[sflag:s31] =	ssyncadd.s32 $0xFFFFEC00  }
0x168: {  	_ =	swait.ge [sflag:s13], $0x1400  }
0x169: {  	[sflag:s13] =	ssyncset.done $0x0  }
0x16a: {  	s15 =	simm.s32 $0x0;
	[sflag:s13] =	ssyncadd.s32 $0xFFFFEC00  }
0x16b: {  	v5 =	vld [tilespmem:s15+$0x19400]  }
0x16c: {  	v3 =	vld [tilespmem:s15+$0x19410]  }
0x16d: {  	v2 =	vld [tilespmem:s15+$0x19420]  }
0x16e: {  	v1 =	vld [tilespmem:s15+$0x19430]  }
0x16f: {  	v9 =	vld [tilespmem:s15+$0x14400]  }
0x170: {  	v8 =	vld [tilespmem:s15+$0x14440]  }
0x171: {  	v7 =	vld [tilespmem:s15+$0x14410]  }
0x172: {  	v6 =	vld [tilespmem:s15+$0x14450]  }
0x173: {  	v4 =	vld [tilespmem:s15+$0x14420];
	v11 =	vshll.u32 v5, $0x10  }
0x174: {  	s17 =	sshll.u32 s1, $0x2;
	s6 =	simm.s32 $0x200;
	v10 =	vand.u32 $0xFFFF0000, v5;
	v5 =	vld [tilespmem:s15+$0x14460];
	v9 =	vmul.f32 v11, v9  }
.LBB2_5:
0x175: {  	p0 =	sne.s32 s6, $0x4E00;
	v8 =	vmul.f32 v10, v8;
	v10 =	vshll.u32 v3, $0x10;
	v11 =	vld [tilespmem:s15+$0x14430]  }
0x176: {  	s22 =	sshra.s32 s6, $0x2;
	v3 =	vand.u32 $0xFFFF0000, v3;
	[tilespmem:s15+$0x14400] =	vst v9;
	v7 =	vmul.f32 v10, v7;
	v9 =	vld [tilespmem:s15+$0x14470]  }
0x177: {  	v10 =	vld [tilespmem:s22+$0x19400];
	[tilespmem:s15+$0x14440] =	vst v8;
	v6 =	vmul.f32 v3, v6;
	v8 =	vshll.u32 v2, $0x10  }
0x178: {  	v3 =	vld [tilespmem:s22+$0x19410];
	[tilespmem:s15+$0x14410] =	vst v7;
	v7 =	vand.u32 $0xFFFF0000, v2;
	v4 =	vmul.f32 v8, v4  }
0x179: {  	v2 =	vld [tilespmem:s22+$0x19420];
	[tilespmem:s15+$0x14450] =	vst v6;
	v5 =	vmul.f32 v7, v5;
	v6 =	vshll.u32 v1, $0x10  }
0x17a: {  	[tilespmem:s15+$0x14420] =	vst v4;
	v4 =	vand.u32 $0xFFFF0000, v1;
	v1 =	vld [tilespmem:s22+$0x19430];
	v6 =	vmul.f32 v6, v11  }
0x17b: {  	v11 =	vld [tilespmem:s22+$0x14400];
	[tilespmem:s15+$0x14460] =	vst v5;
	v4 =	vmul.f32 v4, v9  }
.Ltmp5:
0x17c: {  	v8 =	vld [tilespmem:s22+$0x14440];
	[tilespmem:s15+$0x14430] =	vst v6;
	(pc) =	sbr.rel @p0 .LBB2_5-.Ltmp5, $4  }
0x17d: {  	v7 =	vld [tilespmem:s22+$0x14410];
	[tilespmem:s15+$0x14470] =	vst v4;
	s15 =	smov.u32 s22  }
0x17e: {  	v6 =	vld [tilespmem:s15+$0x14450]  }
0x17f: {  	v5 =	vshll.u32 v10, $0x10;
	v4 =	vld [tilespmem:s15+$0x14420]  }
0x180: {  	s6 =	sadd.s32 $0x200, s6;
	v10 =	vand.u32 $0xFFFF0000, v10;
	v9 =	vmul.f32 v5, v11;
	v5 =	vld [tilespmem:s15+$0x14460]  }
0x181: {  	v11 =	vld [tilespmem:s15+$0x14430];
	v8 =	vmul.f32 v10, v8;
	v10 =	vshll.u32 v3, $0x10  }
0x182: {  	v3 =	vand.u32 $0xFFFF0000, v3;
	[tilespmem:s15+$0x14400] =	vst v9;
	v7 =	vmul.f32 v10, v7;
	v9 =	vld [tilespmem:s15+$0x14470]  }
0x183: {  	[tilespmem:s15+$0x14440] =	vst v8;
	v3 =	vmul.f32 v3, v6;
	v6 =	vshll.u32 v2, $0x10  }
0x184: {  	v2 =	vand.u32 $0xFFFF0000, v2;
	[tilespmem:s15+$0x14410] =	vst v7;
	v4 =	vmul.f32 v6, v4  }
0x185: {  	[tilespmem:s15+$0x14450] =	vst v3;
	v2 =	vmul.f32 v2, v5;
	v3 =	vshll.u32 v1, $0x10  }
0x186: {  	v1 =	vand.u32 $0xFFFF0000, v1;
	[tilespmem:s15+$0x14420] =	vst v4;
	v3 =	vmul.f32 v3, v11  }
0x187: {  	[tilespmem:s15+$0x14460] =	vst v2;
	v1 =	vmul.f32 v1, v9  }
0x188: {  	[tilespmem:s15+$0x14430] =	vst v3  }
0x189: {  	[tilespmem:s15+$0x14470] =	vst v1  }
0x18a: {  	_ =	swait.ge [sflag:s18], $0x28  }
0x18b: {  	[sflag:s18] =	ssyncset.done $0x0  }
0x18c: {  	s6 =	simm.s32 $0x14200;
	[sflag:s18] =	ssyncadd.s32 $0xFFFFFFD8  }
0x18d: {  	[spmem:s20] =	stream.indirect.scatter.add.f32 [tilespmem:s12], [sflag:$0x11], $0x80, s6, s24, $0xb8;
	[tilespmem:$0x1E400] =	vst v63  }
0x18e: {  	s6 =	sor.u32 $0x3, s17  }
0x18f: {  	p0 =	sgt.u32 s6, $0x4A  }
0x190: {  	p1 =	seq.s32 @!p0 s1, $0x0  }
0x191: {  	p1 =	por p1, p0  }
0x192: {  	s6 =	smul.u32 @!p0 $0x28, s6;
	s15 =	simm.s32 @!p1 $0x14  }
0x193: {  	_ =	swait.ge @!p1 [sflag:s15], $0x1400  }
0x194: {  	s6 =	sadd.s32 @!p0 s11, s6;
	[sflag:s15] =	ssyncset.done @!p1 $0x0  }
0x195: {  	[sflag:s15] =	ssyncadd.s32 @!p1 $0xFFFFEC00;
	s15 =	sshrl.u32 @!p0 s6, $0x3  }
0x196: {  	s22 =	simm.s32 @!p0 $0x0;
	s10 =	simm.s32 @!p0 $0x14180;
	s17 =	sadd.s32 @!p0 s16, s15  }
0x197: {  	[tilespmem:s10], [sflag:$0x4] =	stream.linear.gather @!p0 [hbm4b:s17+s22], $0x28, $0x38;
	[tilespmem:$0x1E400] =	vst v63  }
0x198: {  	s6 =	sshll.u32 @!p0 s6, $0x4;
	s10 =	sadd.s32 @!p0 s19, s15;
	s15 =	simm.s32 @!p0 $0x14380  }
0x199: {  	[tilespmem:s15], [sflag:$0x8] =	stream.linear.gather @!p0 [hbm4b:s10+s22], $0x28, $0x38;
	[tilespmem:$0x1E400] =	vst v63  }
0x19a: {  	s6 =	sadd.s32 @!p0 s23, s6;
	s10 =	simm.s32 @!p0 $0x1D000  }
0x19b: {  	[tilespmem:s10], [sflag:$0xC] =	stream.linear.gather @!p0 [hbm4b:s6+s22], $0x1400, $0x38;
	[tilespmem:$0x1E400] =	vst v63  }
0x19c: {  	_ =	swait.ge [sflag:s0], $0x28  }
0x19d: {  	[sflag:s0] =	ssyncset.done $0x0  }
0x19e: {  	[sflag:s0] =	ssyncadd.s32 $0xFFFFFFD8  }
0x19f: {  	[tilespmem:s2], [sflag:$0xF] =	stream.indirect.gather [hbm4b:s14+s24], $0x80, s25, s24, $0xb8;
	[tilespmem:$0x1E400] =	vst v63  }
0x1a0: {  	_ =	swait.ge [sflag:s3], $0x1400  }
0x1a1: {  	[sflag:s3] =	ssyncset.done $0x0  }
0x1a2: {  	[sflag:s3] =	ssyncadd.s32 $0xFFFFEC00  }
0x1a3: {  	_ =	swait.ge [sflag:s4], $0x1400  }
0x1a4: {  	[sflag:s4] =	ssyncset.done $0x0  }
0x1a5: {  	s15 =	simm.s32 $0x0;
	[sflag:s4] =	ssyncadd.s32 $0xFFFFEC00  }
0x1a6: {  	v5 =	vld [tilespmem:s15+$0x1A800]  }
0x1a7: {  	v3 =	vld [tilespmem:s15+$0x1A810]  }
0x1a8: {  	v2 =	vld [tilespmem:s15+$0x1A820]  }
0x1a9: {  	v1 =	vld [tilespmem:s15+$0x1A830]  }
0x1aa: {  	v9 =	vld [tilespmem:s15+$0x15800]  }
0x1ab: {  	v8 =	vld [tilespmem:s15+$0x15840]  }
0x1ac: {  	v7 =	vld [tilespmem:s15+$0x15810]  }
0x1ad: {  	v6 =	vld [tilespmem:s15+$0x15850]  }
0x1ae: {  	v4 =	vld [tilespmem:s15+$0x15820];
	v11 =	vshll.u32 v5, $0x10  }
0x1af: {  	s6 =	simm.s32 $0x200;
	v10 =	vand.u32 $0xFFFF0000, v5;
	v5 =	vld [tilespmem:s15+$0x15860];
	v9 =	vmul.f32 v11, v9  }
.LBB2_7:
0x1b0: {  	p1 =	sne.s32 s6, $0x4E00;
	v8 =	vmul.f32 v10, v8;
	v10 =	vshll.u32 v3, $0x10;
	v11 =	vld [tilespmem:s15+$0x15830]  }
0x1b1: {  	s10 =	sshra.s32 s6, $0x2;
	v3 =	vand.u32 $0xFFFF0000, v3;
	[tilespmem:s15+$0x15800] =	vst v9;
	v7 =	vmul.f32 v10, v7;
	v9 =	vld [tilespmem:s15+$0x15870]  }
0x1b2: {  	v10 =	vld [tilespmem:s10+$0x1A800];
	[tilespmem:s15+$0x15840] =	vst v8;
	v6 =	vmul.f32 v3, v6;
	v8 =	vshll.u32 v2, $0x10  }
0x1b3: {  	v3 =	vld [tilespmem:s10+$0x1A810];
	[tilespmem:s15+$0x15810] =	vst v7;
	v7 =	vand.u32 $0xFFFF0000, v2;
	v4 =	vmul.f32 v8, v4  }
0x1b4: {  	v2 =	vld [tilespmem:s10+$0x1A820];
	[tilespmem:s15+$0x15850] =	vst v6;
	v5 =	vmul.f32 v7, v5;
	v6 =	vshll.u32 v1, $0x10  }
0x1b5: {  	[tilespmem:s15+$0x15820] =	vst v4;
	v4 =	vand.u32 $0xFFFF0000, v1;
	v1 =	vld [tilespmem:s10+$0x1A830];
	v6 =	vmul.f32 v6, v11  }
0x1b6: {  	v11 =	vld [tilespmem:s10+$0x15800];
	[tilespmem:s15+$0x15860] =	vst v5;
	v4 =	vmul.f32 v4, v9  }
.Ltmp6:
0x1b7: {  	v8 =	vld [tilespmem:s10+$0x15840];
	[tilespmem:s15+$0x15830] =	vst v6;
	(pc) =	sbr.rel @p1 .LBB2_7-.Ltmp6, $4  }
0x1b8: {  	v7 =	vld [tilespmem:s10+$0x15810];
	[tilespmem:s15+$0x15870] =	vst v4;
	s15 =	smov.u32 s10  }
0x1b9: {  	v6 =	vld [tilespmem:s15+$0x15850]  }
0x1ba: {  	v5 =	vshll.u32 v10, $0x10;
	v4 =	vld [tilespmem:s15+$0x15820]  }
0x1bb: {  	s6 =	sadd.s32 $0x200, s6;
	v10 =	vand.u32 $0xFFFF0000, v10;
	v9 =	vmul.f32 v5, v11;
	v5 =	vld [tilespmem:s15+$0x15860]  }
0x1bc: {  	v11 =	vld [tilespmem:s15+$0x15830];
	v8 =	vmul.f32 v10, v8;
	v10 =	vshll.u32 v3, $0x10  }
0x1bd: {  	v3 =	vand.u32 $0xFFFF0000, v3;
	[tilespmem:s15+$0x15800] =	vst v9;
	v7 =	vmul.f32 v10, v7;
	v9 =	vld [tilespmem:s15+$0x15870]  }
0x1be: {  	[tilespmem:s15+$0x15840] =	vst v8;
	v3 =	vmul.f32 v3, v6;
	v6 =	vshll.u32 v2, $0x10  }
0x1bf: {  	v2 =	vand.u32 $0xFFFF0000, v2;
	[tilespmem:s15+$0x15810] =	vst v7;
	v4 =	vmul.f32 v6, v4  }
0x1c0: {  	[tilespmem:s15+$0x15850] =	vst v3;
	v2 =	vmul.f32 v2, v5;
	v3 =	vshll.u32 v1, $0x10  }
0x1c1: {  	v1 =	vand.u32 $0xFFFF0000, v1;
	[tilespmem:s15+$0x15820] =	vst v4;
	v3 =	vmul.f32 v3, v11  }
0x1c2: {  	[tilespmem:s15+$0x15860] =	vst v2;
	v1 =	vmul.f32 v1, v9  }
0x1c3: {  	[tilespmem:s15+$0x15830] =	vst v3  }
0x1c4: {  	[tilespmem:s15+$0x15870] =	vst v1  }
0x1c5: {  	_ =	swait.ge [sflag:s5], $0x28  }
0x1c6: {  	[sflag:s5] =	ssyncset.done $0x0  }
0x1c7: {  	s6 =	simm.s32 $0x14280;
	p1 =	seq.s32 s1, $0x12;
	[sflag:s5] =	ssyncadd.s32 $0xFFFFFFD8  }
0x1c8: {  	[spmem:s20] =	stream.indirect.scatter.add.f32 [tilespmem:s30], [sflag:$0x12], $0x80, s6, s24, $0xb8;
	[tilespmem:$0x1E400] =	vst v63  }
0x1c9: {  	s6 =	simm.s32 @!p1 $0x11  }
0x1ca: {  	_ =	swait.ge @!p1 [sflag:s6], $0x1400  }
0x1cb: {  	s10 =	sld [smem:$0x7F9];
	_ =	sdelay $0x2  }
0x1cc: {  	[sflag:s6] =	ssyncset.done @!p1 $0x0;
	s10 =	sadd.s32 @!p1 s28, s10  }
0x1cd: {  	[sflag:s6] =	ssyncadd.s32 @!p1 $0xFFFFEC00;
	s6 =	sshrl.u32 @!p1 s10, $0x3  }
0x1ce: {  	s17 =	simm.s32 @!p1 $0x0;
	s22 =	simm.s32 @!p1 $0x14000;
	s15 =	sadd.s32 @!p1 s16, s6  }
0x1cf: {  	[tilespmem:s22], [sflag:$0x1] =	stream.linear.gather @!p1 [hbm4b:s15+s17], $0x28, $0x38;
	[tilespmem:$0x1E400] =	vst v63  }
0x1d0: {  	s6 =	sadd.s32 @!p1 s19, s6;
	s15 =	simm.s32 @!p1 $0x14200  }
0x1d1: {  	[tilespmem:s15], [sflag:$0x5] =	stream.linear.gather @!p1 [hbm4b:s6+s17], $0x28, $0x38;
	[tilespmem:$0x1E400] =	vst v63  }
0x1d2: {  	s6 =	sshll.u32 @!p1 s10, $0x4  }
0x1d3: {  	s10 =	simm.s32 @!p1 $0x19400;
	s6 =	sadd.s32 @!p1 s23, s6  }
0x1d4: {  	[tilespmem:s10], [sflag:$0x9] =	stream.linear.gather @!p1 [hbm4b:s6+s17], $0x1400, $0x38;
	[tilespmem:$0x1E400] =	vst v63  }
0x1d5: {  	s6 =	simm.s32 @!p0 $0x4  }
0x1d6: {  	_ =	swait.ge @!p0 [sflag:s6], $0x28  }
0x1d7: {  	s15 =	simm.s32 @!p0 $0x18000;
	[sflag:s6] =	ssyncset.done @!p0 $0x0  }
0x1d8: {  	s10 =	simm.s32 @!p0 $0x14180;
	[sflag:s6] =	ssyncadd.s32 @!p0 $0xFFFFFFD8;
	s6 =	simm.s32 @!p0 $0x28  }
0x1d9: {  	[tilespmem:s15], [sflag:$0x10] =	stream.indirect.gather @!p0 [hbm4b:s14+s6], $0x80, s10, s6, $0xb8;
	[tilespmem:$0x1E400] =	vst v63  }
0x1da: {  	_ =	swait.ge [sflag:s7], $0x1400  }
0x1db: {  	[sflag:s7] =	ssyncset.done $0x0  }
0x1dc: {  	[sflag:s7] =	ssyncadd.s32 $0xFFFFEC00  }
0x1dd: {  	_ =	swait.ge [sflag:s8], $0x1400  }
0x1de: {  	[sflag:s8] =	ssyncset.done $0x0  }
0x1df: {  	s15 =	simm.s32 $0x0;
	[sflag:s8] =	ssyncadd.s32 $0xFFFFEC00  }
0x1e0: {  	v5 =	vld [tilespmem:s15+$0x1BC00]  }
0x1e1: {  	v3 =	vld [tilespmem:s15+$0x1BC10]  }
0x1e2: {  	v2 =	vld [tilespmem:s15+$0x1BC20]  }
0x1e3: {  	v1 =	vld [tilespmem:s15+$0x1BC30]  }
0x1e4: {  	v9 =	vld [tilespmem:s15+$0x16C00]  }
0x1e5: {  	v8 =	vld [tilespmem:s15+$0x16C40]  }
0x1e6: {  	v7 =	vld [tilespmem:s15+$0x16C10]  }
0x1e7: {  	v6 =	vld [tilespmem:s15+$0x16C50]  }
0x1e8: {  	v4 =	vld [tilespmem:s15+$0x16C20];
	v11 =	vshll.u32 v5, $0x10  }
0x1e9: {  	s6 =	simm.s32 $0x200;
	v10 =	vand.u32 $0xFFFF0000, v5;
	v5 =	vld [tilespmem:s15+$0x16C60];
	v9 =	vmul.f32 v11, v9  }
.LBB2_9:
0x1ea: {  	p2 =	sne.s32 s6, $0x4E00;
	v8 =	vmul.f32 v10, v8;
	v10 =	vshll.u32 v3, $0x10;
	v11 =	vld [tilespmem:s15+$0x16C30]  }
0x1eb: {  	s10 =	sshra.s32 s6, $0x2;
	v3 =	vand.u32 $0xFFFF0000, v3;
	[tilespmem:s15+$0x16C00] =	vst v9;
	v7 =	vmul.f32 v10, v7;
	v9 =	vld [tilespmem:s15+$0x16C70]  }
0x1ec: {  	v10 =	vld [tilespmem:s10+$0x1BC00];
	[tilespmem:s15+$0x16C40] =	vst v8;
	v6 =	vmul.f32 v3, v6;
	v8 =	vshll.u32 v2, $0x10  }
0x1ed: {  	v3 =	vld [tilespmem:s10+$0x1BC10];
	[tilespmem:s15+$0x16C10] =	vst v7;
	v7 =	vand.u32 $0xFFFF0000, v2;
	v4 =	vmul.f32 v8, v4  }
0x1ee: {  	v2 =	vld [tilespmem:s10+$0x1BC20];
	[tilespmem:s15+$0x16C50] =	vst v6;
	v5 =	vmul.f32 v7, v5;
	v6 =	vshll.u32 v1, $0x10  }
0x1ef: {  	[tilespmem:s15+$0x16C20] =	vst v4;
	v4 =	vand.u32 $0xFFFF0000, v1;
	v1 =	vld [tilespmem:s10+$0x1BC30];
	v6 =	vmul.f32 v6, v11  }
0x1f0: {  	v11 =	vld [tilespmem:s10+$0x16C00];
	[tilespmem:s15+$0x16C60] =	vst v5;
	v4 =	vmul.f32 v4, v9  }
.Ltmp7:
0x1f1: {  	v8 =	vld [tilespmem:s10+$0x16C40];
	[tilespmem:s15+$0x16C30] =	vst v6;
	(pc) =	sbr.rel @p2 .LBB2_9-.Ltmp7, $4  }
0x1f2: {  	v7 =	vld [tilespmem:s10+$0x16C10];
	[tilespmem:s15+$0x16C70] =	vst v4;
	s15 =	smov.u32 s10  }
0x1f3: {  	v6 =	vld [tilespmem:s15+$0x16C50]  }
0x1f4: {  	v5 =	vshll.u32 v10, $0x10;
	v4 =	vld [tilespmem:s15+$0x16C20]  }
0x1f5: {  	s6 =	sadd.s32 $0x200, s6;
	v10 =	vand.u32 $0xFFFF0000, v10;
	v9 =	vmul.f32 v5, v11;
	v5 =	vld [tilespmem:s15+$0x16C60]  }
0x1f6: {  	v11 =	vld [tilespmem:s15+$0x16C30];
	v8 =	vmul.f32 v10, v8;
	v61 =	vshll.u32 v3, $0x10  }
0x1f7: {  	v3 =	vand.u32 $0xFFFF0000, v3;
	v62 =	vld [tilespmem:s15+$0x16C70];
	[tilespmem:s15+$0x16C00] =	vst v9;
	v7 =	vmul.f32 v61, v7  }
0x1f8: {  	v63 =	vshll.u32 v2, $0x10;
	[tilespmem:s15+$0x16C40] =	vst v8;
	v3 =	vmul.f32 v3, v6  }
0x1f9: {  	v2 =	vand.u32 $0xFFFF0000, v2;
	[tilespmem:s15+$0x16C10] =	vst v7;
	v4 =	vmul.f32 v63, v4  }
0x1fa: {  	[tilespmem:s15+$0x16C50] =	vst v3;
	v2 =	vmul.f32 v2, v5;
	v3 =	vshll.u32 v1, $0x10  }
0x1fb: {  	v1 =	vand.u32 $0xFFFF0000, v1;
	[tilespmem:s15+$0x16C20] =	vst v4;
	v3 =	vmul.f32 v3, v11  }
0x1fc: {  	v1 =	vmul.f32 v1, v62;
	[tilespmem:s15+$0x16C60] =	vst v2  }
0x1fd: {  	[tilespmem:s15+$0x16C30] =	vst v3  }
0x1fe: {  	[tilespmem:s15+$0x16C70] =	vst v1  }
0x1ff: {  	_ =	swait.ge [sflag:s9], $0x28  }
0x200: {  	[sflag:s9] =	ssyncset.done $0x0  }
0x201: {  	s6 =	simm.s32 @!p1 $0x12;
	[sflag:s9] =	ssyncadd.s32 $0xFFFFFFD8  }
0x202: {  	[spmem:s20] =	stream.indirect.scatter.add.f32 [tilespmem:s2], [sflag:$0x13], $0x80, s26, s24, $0xb8;
	[tilespmem:$0x1E400] =	vst v63  }
0x203: {  	_ =	swait.ge @!p1 [sflag:s6], $0x1400  }
0x204: {  	s10 =	sld [smem:$0x7FA];
	_ =	sdelay $0x2  }
0x205: {  	[sflag:s6] =	ssyncset.done @!p1 $0x0;
	s10 =	sadd.s32 @!p1 s28, s10  }
0x206: {  	[sflag:s6] =	ssyncadd.s32 @!p1 $0xFFFFEC00;
	s6 =	sshrl.u32 @!p1 s10, $0x3  }
0x207: {  	s17 =	simm.s32 @!p1 $0x0;
	s22 =	simm.s32 @!p1 $0x14080;
	s15 =	sadd.s32 @!p1 s16, s6  }
0x208: {  	[tilespmem:s22], [sflag:$0x2] =	stream.linear.gather @!p1 [hbm4b:s15+s17], $0x28, $0x38;
	[tilespmem:$0x1E400] =	vst v63  }
0x209: {  	s6 =	sadd.s32 @!p1 s19, s6;
	s15 =	simm.s32 @!p1 $0x14280  }
0x20a: {  	[tilespmem:s15], [sflag:$0x6] =	stream.linear.gather @!p1 [hbm4b:s6+s17], $0x28, $0x38;
	[tilespmem:$0x1E400] =	vst v63  }
0x20b: {  	s6 =	sshll.u32 @!p1 s10, $0x4  }
0x20c: {  	s10 =	simm.s32 @!p1 $0x1A800;
	s6 =	sadd.s32 @!p1 s23, s6  }
0x20d: {  	[tilespmem:s10], [sflag:$0xA] =	stream.linear.gather @!p1 [hbm4b:s6+s17], $0x1400, $0x38;
	[tilespmem:$0x1E400] =	vst v63  }
.Ltmp8:
0x20e: {  	s6 =	simm.s32 @!p1 $0x1;
	(pc) =	sbr.rel @p0 .LBB2_14-.Ltmp8, $4  }
0x20f: {  	_ =	swait.ge @!p1 [sflag:s6], $0x28  }
0x210: {  	s15 =	simm.s32 @!p1 $0x14400;
	[sflag:s6] =	ssyncset.done @!p1 $0x0  }
0x211: {  	s10 =	simm.s32 @!p1 $0x14000;
	[sflag:s6] =	ssyncadd.s32 @!p1 $0xFFFFFFD8;
	s6 =	simm.s32 @!p1 $0x28  }
0x212: {  	[tilespmem:s15], [sflag:$0xD] =	stream.indirect.gather @!p1 [hbm4b:s14+s6], $0x80, s10, s6, $0xb8;
	[tilespmem:$0x1E400] =	vst v63  }
0x213: {  	s6 =	simm.s32 $0xC  }
0x214: {  	_ =	swait.ge [sflag:s6], $0x1400  }
0x215: {  	[sflag:s6] =	ssyncset.done $0x0  }
0x216: {  	s28 =	simm.s32 $0x10;
	[sflag:s6] =	ssyncadd.s32 $0xFFFFEC00  }
0x217: {  	_ =	swait.ge [sflag:s28], $0x1400  }
0x218: {  	[sflag:s28] =	ssyncset.done $0x0  }
0x219: {  	s15 =	simm.s32 $0x0;
	[sflag:s28] =	ssyncadd.s32 $0xFFFFEC00  }
0x21a: {  	v5 =	vld [tilespmem:s15+$0x1D000]  }
0x21b: {  	v3 =	vld [tilespmem:s15+$0x1D010]  }
0x21c: {  	v2 =	vld [tilespmem:s15+$0x1D020]  }
0x21d: {  	v1 =	vld [tilespmem:s15+$0x1D030]  }
0x21e: {  	v9 =	vld [tilespmem:s15+$0x18000]  }
0x21f: {  	v8 =	vld [tilespmem:s15+$0x18040]  }
0x220: {  	v7 =	vld [tilespmem:s15+$0x18010]  }
0x221: {  	v6 =	vld [tilespmem:s15+$0x18050]  }
0x222: {  	v4 =	vld [tilespmem:s15+$0x18020];
	v11 =	vshll.u32 v5, $0x10  }
0x223: {  	s6 =	simm.s32 $0x200;
	v10 =	vand.u32 $0xFFFF0000, v5;
	v5 =	vld [tilespmem:s15+$0x18060];
	v9 =	vmul.f32 v11, v9  }
.LBB2_12:
0x224: {  	p0 =	sne.s32 s6, $0x4E00;
	v8 =	vmul.f32 v10, v8;
	v10 =	vshll.u32 v3, $0x10;
	v11 =	vld [tilespmem:s15+$0x18030]  }
0x225: {  	s10 =	sshra.s32 s6, $0x2;
	v3 =	vand.u32 $0xFFFF0000, v3;
	[tilespmem:s15+$0x18000] =	vst v9;
	v7 =	vmul.f32 v10, v7;
	v9 =	vld [tilespmem:s15+$0x18070]  }
0x226: {  	v10 =	vld [tilespmem:s10+$0x1D000];
	[tilespmem:s15+$0x18040] =	vst v8;
	v6 =	vmul.f32 v3, v6;
	v8 =	vshll.u32 v2, $0x10  }
0x227: {  	v3 =	vld [tilespmem:s10+$0x1D010];
	[tilespmem:s15+$0x18010] =	vst v7;
	v7 =	vand.u32 $0xFFFF0000, v2;
	v4 =	vmul.f32 v8, v4  }
0x228: {  	v2 =	vld [tilespmem:s10+$0x1D020];
	[tilespmem:s15+$0x18050] =	vst v6;
	v5 =	vmul.f32 v7, v5;
	v6 =	vshll.u32 v1, $0x10  }
0x229: {  	[tilespmem:s15+$0x18020] =	vst v4;
	v4 =	vand.u32 $0xFFFF0000, v1;
	v1 =	vld [tilespmem:s10+$0x1D030];
	v6 =	vmul.f32 v6, v11  }
0x22a: {  	v11 =	vld [tilespmem:s10+$0x18000];
	[tilespmem:s15+$0x18060] =	vst v5;
	v4 =	vmul.f32 v4, v9  }
.Ltmp9:
0x22b: {  	v8 =	vld [tilespmem:s10+$0x18040];
	[tilespmem:s15+$0x18030] =	vst v6;
	(pc) =	sbr.rel @p0 .LBB2_12-.Ltmp9, $4  }
0x22c: {  	v7 =	vld [tilespmem:s10+$0x18010];
	[tilespmem:s15+$0x18070] =	vst v4;
	s15 =	smov.u32 s10  }
0x22d: {  	v6 =	vld [tilespmem:s15+$0x18050]  }
0x22e: {  	v5 =	vshll.u32 v10, $0x10;
	v4 =	vld [tilespmem:s15+$0x18020]  }
0x22f: {  	s6 =	sadd.s32 $0x200, s6;
	v10 =	vand.u32 $0xFFFF0000, v10;
	v9 =	vmul.f32 v5, v11;
	v5 =	vld [tilespmem:s15+$0x18060]  }
0x230: {  	v11 =	vld [tilespmem:s15+$0x18030];
	v8 =	vmul.f32 v10, v8;
	v61 =	vshll.u32 v3, $0x10  }
0x231: {  	v3 =	vand.u32 $0xFFFF0000, v3;
	v62 =	vld [tilespmem:s15+$0x18070];
	[tilespmem:s15+$0x18000] =	vst v9;
	v7 =	vmul.f32 v61, v7  }
0x232: {  	v63 =	vshll.u32 v2, $0x10;
	[tilespmem:s15+$0x18040] =	vst v8;
	v3 =	vmul.f32 v3, v6  }
0x233: {  	v2 =	vand.u32 $0xFFFF0000, v2;
	[tilespmem:s15+$0x18010] =	vst v7;
	v4 =	vmul.f32 v63, v4  }
0x234: {  	[tilespmem:s15+$0x18050] =	vst v3;
	v2 =	vmul.f32 v2, v5;
	v3 =	vshll.u32 v1, $0x10  }
0x235: {  	v1 =	vand.u32 $0xFFFF0000, v1;
	[tilespmem:s15+$0x18020] =	vst v4;
	v3 =	vmul.f32 v3, v11  }
0x236: {  	v1 =	vmul.f32 v1, v62;
	[tilespmem:s15+$0x18060] =	vst v2  }
0x237: {  	[tilespmem:s15+$0x18030] =	vst v3  }
.Ltmp10:
0x238: {  	s6 =	simm.s32 $0x8;
	[tilespmem:s15+$0x18070] =	vst v1;
	(pc) =	sbr.rel .LBB2_14-.Ltmp10, $4  }
0x239: {  	_ =	swait.ge [sflag:s6], $0x28  }
0x23a: {  	[sflag:s6] =	ssyncset.done $0x0  }
0x23b: {  	s28 =	simm.s32 $0x14380;
	s10 =	simm.s32 $0x18000;
	[sflag:s6] =	ssyncadd.s32 $0xFFFFFFD8  }
0x23c: {  	[spmem:s20] =	stream.indirect.scatter.add.f32 [tilespmem:s10], [sflag:$0x14], $0x80, s28, s24, $0xb8;
	[tilespmem:$0x1E400] =	vst v63  }
.LBB2_16:
0x23d: {  	_ =	sfence.sel $0x180000  }
0x23e: {  	[bflag:$0x0] =	sbarrier.arrive $0xFFFF  }
0x23f: {  	_ =	strace $0x90000047  }
0x240: {  	s0 =	stileid.u32;
	[bflag:$0x2] =	sbarrier.arrive $0xFFFF  }
0x241: {  	p0 =	sne.s32 s0, $0x0;
	s0 =	rddreg [dreg:$0x5]  }
0x242: {  	s0 =	sadd.s32 @!p0 $0x100000, s0  }
0x243: {  	[sflag:s0] =	ssyncadd.tile.s32 @!p0 $0x1;
	_ =	shalt  }
.Lfunc_end2:
_tile_overlayer_lowered:
.L_overlay_start_2:
0x244: {  	(tag) =	ssettag $0x2  }
0x245: {  	s0 =	rddreg [dreg:$0x0];
	s2 =	stileid.u32  }
0x246: {  	s1 =	rddreg [dreg:$0x1];
	p0 =	sne.s32 s2, $0x0  }
0x247: {  	s3 =	rddreg [dreg:$0x2];
	[bflag:$0x3] =	sbarrier.arrive $0xFFFF;
	s2 =	simm.s32 @!p0 $0x1C15  }
0x248: {  	[timem:s3], [sflag:s2] =	dma.local @!p0 [hbm:s0], s1  }
0x249: {  	s0 =	simm.s32 @!p0 $0x15  }
0x24a: {  	_ =	swait.ge @!p0 [sflag:s0], s1  }
0x24b: {  	s1 =	ssub.s32 @!p0 $0x0, s1;
	[sflag:s0] =	ssyncset.done @!p0 $0x0  }
0x24c: {  	[sflag:s0] =	ssyncadd.s32 @!p0 s1  }
0x24d: {  	[bflag:$0x3] =	sbarrier.arrive $0xFFFF  }
0x24e: {  	_ =	shalt  }

</sc_bundles>
